<compile_context>
chip_gen: v7x
topology: tpu7x:2x2x1
jax: 0.10.2.dev20260603
libtpu: 0.0.44.dev20260713+nightly
codegen_flags: <defaults>
</compile_context>

<pallas_src>
import functools

import jax
import jax.numpy as jnp
from jax import lax
from jax.experimental import pallas as pl
from jax.experimental.pallas import tpu as pltpu
from jax.experimental.pallas import tpu_sc as plsc

MARGIN_ = 0.2
NC = 2
NS = 16
NW = NC * NS
LANES = 16
CHUNK = 128


def _vsqrt(x):
    x = jnp.maximum(x, jnp.float32(1e-30))
    i = lax.bitcast_convert_type(x, jnp.int32)
    i = jnp.int32(0x1FBD1DF5) + lax.shift_right_logical(i, jnp.int32(1))
    y = lax.bitcast_convert_type(i, jnp.float32)
    for _ in range(3):
        y = jnp.float32(0.5) * (y + x / y)
    return y


def _make_sc_call(t_total, n_rows, d_model):
    tpw = t_total // NW
    nch = tpw // CHUNK
    mesh = plsc.VectorSubcoreMesh(core_axis_name="c", subcore_axis_name="s")

    @functools.partial(
        pl.kernel,
        mesh=mesh,
        out_type=jax.ShapeDtypeStruct((NW, 3, LANES), jnp.float32),
        scratch_types=[
            pltpu.VMEM((nch, CHUNK), jnp.int32),
            pltpu.VMEM((nch, CHUNK), jnp.int32),
            pltpu.VMEM((nch, CHUNK), jnp.int32),
            pltpu.VMEM((2, CHUNK, d_model), jnp.float32),
            pltpu.VMEM((2, CHUNK, d_model), jnp.float32),
            pltpu.VMEM((2, CHUNK, d_model), jnp.float32),
            pltpu.VMEM((3, LANES), jnp.float32),
            pltpu.SemaphoreType.DMA,
            pltpu.SemaphoreType.DMA,
        ],
        compiler_params=pltpu.CompilerParams(
            needs_layout_passes=False, use_tc_tiling_on_sc=False
        ),
    )
    def sc_fn(emb, tri3, out, idx_a, idx_p, idx_n,
              buf_a, buf_p, buf_n, res, sem0, sem1):
        sems = (sem0, sem1)
        wid = lax.axis_index("s") * NC + lax.axis_index("c")
        pltpu.sync_copy(tri3.at[0, wid], idx_a)
        pltpu.sync_copy(tri3.at[1, wid], idx_p)
        pltpu.sync_copy(tri3.at[2, wid], idx_n)

        lane = lax.iota(jnp.int32, LANES)

        def start(j, b):
            pltpu.async_copy(emb.at[idx_a.at[j]], buf_a.at[b], sems[b])
            pltpu.async_copy(emb.at[idx_p.at[j]], buf_p.at[b], sems[b])
            pltpu.async_copy(emb.at[idx_n.at[j]], buf_n.at[b], sems[b])

        def wait(j, b):
            pltpu.make_async_copy(emb.at[idx_a.at[j]], buf_a.at[b], sems[b]).wait()
            pltpu.make_async_copy(emb.at[idx_p.at[j]], buf_p.at[b], sems[b]).wait()
            pltpu.make_async_copy(emb.at[idx_n.at[j]], buf_n.at[b], sems[b]).wait()

        def compute(b, accs):
            def gbody(g, accs):
                acc_l, acc_p, acc_n = accs
                rid = g * LANES + lane
                s_ap = jnp.zeros((LANES,), jnp.float32)
                s_an = jnp.zeros((LANES,), jnp.float32)
                for d in range(d_model):
                    cid = (lane + d) & (d_model - 1)
                    av = plsc.load_gather(buf_a.at[b], [rid, cid])
                    pv = plsc.load_gather(buf_p.at[b], [rid, cid])
                    nv = plsc.load_gather(buf_n.at[b], [rid, cid])
                    dp = av - pv
                    dn = av - nv
                    s_ap = s_ap + dp * dp
                    s_an = s_an + dn * dn
                dap = _vsqrt(s_ap)
                dan = _vsqrt(s_an)
                loss = jnp.maximum(dap - dan + jnp.float32(MARGIN_), 0.0)
                return (acc_l + loss, acc_p + dap, acc_n + dan)

            return lax.fori_loop(0, CHUNK // LANES, gbody, accs)

        start(0, 0)
        start(1, 1)
        zero = jnp.zeros((LANES,), jnp.float32)

        def pair(i, accs):
            for b in range(2):
                j = 2 * i + b
                wait(j, b)
                accs = compute(b, accs)

                @pl.when(j + 2 < nch)
                def _():
                    start(j + 2, b)
            return accs

        acc_l, acc_p, acc_n = lax.fori_loop(0, nch // 2, pair,
                                            (zero, zero, zero))
        res[0] = acc_l
        res[1] = acc_p
        res[2] = acc_n
        pltpu.sync_copy(res, out.at[wid])

    return sc_fn


def kernel(embeddings, target, triplets):
    del target
    t_total = triplets.shape[0]
    n_rows, d_model = embeddings.shape
    tri3 = triplets.astype(jnp.int32).T.reshape(
        3, NW, t_total // NW // CHUNK, CHUNK)
    partials = _make_sc_call(t_total, n_rows, d_model)(embeddings, tri3)
    sums = jnp.sum(partials, axis=(0, 2))
    t = jnp.float32(t_total)
    return (sums[0] / t, t_total, sums[1] / t, sums[2] / t)

# --- scband reference (transcript-rebuilt; emitter-appended) ---
"""Pipeline reference for scband-online-triplet-loss-23648089932636 (READ-ONLY COPY).

The authoritative reference and input builder live on the scoring server;
editing this copy changes nothing except your own understanding.
"""

import jax, jax.numpy as jnp
import numpy as np

MARGIN = 0.2
B, D, T = 16384, 32, 65536


def setup_inputs(seed: int = 0) -> dict:
    key = jax.random.key(seed)
    k1, k2, k3, k4, k5 = jax.random.split(key, 5)
    embeddings = jax.random.normal(k1, (B, D), dtype=jnp.float32)
    target = jax.random.randint(k2, (B,), 0, 1000)
    # Stand-in for triplet_selector.get_triplets: precomputed (anchor, positive, negative)
    # index triples. Offsets in [1, B) guarantee anchor != positive and anchor != negative,
    # avoiding zero-distance sqrt singularities, matching typical mined-triplet structure.
    anchors = jax.random.randint(k3, (T,), 0, B)
    off_p = jax.random.randint(k4, (T,), 1, B)
    off_n = jax.random.randint(k5, (T,), 1, B)
    pos = (anchors + off_p) % B
    neg = (anchors + off_n) % B
    triplets = jnp.stack([anchors, pos, neg], axis=1)
    return {"embeddings": embeddings, "target": target, "triplets": triplets}


def reference(embeddings, target, triplets):
    a = jnp.take(embeddings, triplets[:, 0], axis=0)
    p = jnp.take(embeddings, triplets[:, 1], axis=0)
    n = jnp.take(embeddings, triplets[:, 2], axis=0)
    ap_distances = jnp.power(jnp.sum(jnp.power(a - p, 2), axis=1), 0.5)
    an_distances = jnp.power(jnp.sum(jnp.power(a - n, 2), axis=1), 0.5)
    losses = jax.nn.relu(ap_distances - an_distances + MARGIN)
    return (losses.mean(), triplets.shape[0], ap_distances.mean(), an_distances.mean())

if __name__ == "__main__":
    import jax
    _d = setup_inputs()
    print(jax.jit(kernel)(*tuple(_d.values())))

</pallas_src>

<mosaic_0001>
#map = affine_map<(d0, d1) -> (0, 0)>
#map1 = affine_map<(d0, d1) -> (0, 0, 0, 0)>
#map2 = affine_map<(d0, d1) -> (0, 0, 0)>
module attributes {stable_mosaic.version = 14 : i64} {
  func.func @sc_fn(%arg0: i32, %arg1: i32, %arg2: memref<16384x32xf32, #tpu.memory_space<hbm>>, %arg3: memref<3x32x16x128xi32, #tpu.memory_space<hbm>>, %arg4: memref<32x3x16xf32, #tpu.memory_space<hbm>>, %arg5: memref<16x128xi32, #tpu.memory_space<vmem>>, %arg6: memref<16x128xi32, #tpu.memory_space<vmem>>, %arg7: memref<16x128xi32, #tpu.memory_space<vmem>>, %arg8: memref<2x128x32xf32, #tpu.memory_space<vmem>>, %arg9: memref<2x128x32xf32, #tpu.memory_space<vmem>>, %arg10: memref<2x128x32xf32, #tpu.memory_space<vmem>>, %arg11: memref<3x16xf32, #tpu.memory_space<vmem>>, %arg12: memref<!tpu.dma_semaphore, #tpu.memory_space<semaphore_mem>>, %arg13: memref<!tpu.dma_semaphore, #tpu.memory_space<semaphore_mem>>) attributes {dimension_semantics = [#tpu.dimension_semantics<core_parallel>, #tpu.dimension_semantics<subcore_parallel>], iteration_bounds = array<i64: 2, 16>, scalar_prefetch = 0 : i64, scratch_operands = 9 : i64, tpu.core_type = #tpu.core_type<sc_vector_subcore>, window_params = [{transform_indices = #map}, {transform_indices = #map1}, {transform_indices = #map2}]} {
    %mul3A = arith.constant 2 : i32
    %mul3A_0 = arith.muli %arg1, %mul3A : i32
    %add3A = arith.addi %mul3A_0, %arg0 : i32
    %run_scoped3A = arith.constant 0 : i32
    "tpu.region"() ({
      %run_scoped3A_91 = tpu.sem_alloc : memref<!tpu.dma_semaphore, #tpu.memory_space<semaphore_mem>>
      %dma_start3A_92 = arith.constant 0 : i32
      %dma_start3A_93 = arith.constant 0 : i32
      %dma_start3A_94 = tpu.memref_slice %arg3[%run_scoped3A, %add3A, %dma_start3A_92, %dma_start3A_93] : memref<3x32x16x128xi32, #tpu.memory_space<hbm>> -> memref<1x1x16x128xi32, #tpu.memory_space<hbm>>
      %dma_start3A_95 = tpu.memref_squeeze %dma_start3A_94 : memref<1x1x16x128xi32, #tpu.memory_space<hbm>> -> memref<16x128xi32, #tpu.memory_space<hbm>>
      %dma_start3A_96 = arith.constant 0 : i32
      %dma_start3A_97 = arith.constant 0 : i32
      %dma_start3A_98 = tpu.memref_slice %arg3[%run_scoped3A, %add3A, %dma_start3A_96, %dma_start3A_97] : memref<3x32x16x128xi32, #tpu.memory_space<hbm>> -> memref<1x1x16x128xi32, #tpu.memory_space<hbm>>
      %dma_start3A_99 = tpu.memref_squeeze %dma_start3A_98 : memref<1x1x16x128xi32, #tpu.memory_space<hbm>> -> memref<16x128xi32, #tpu.memory_space<hbm>>
      tpu.enqueue_dma source(%dma_start3A_99 : memref<16x128xi32, #tpu.memory_space<hbm>>) target(%arg5 : memref<16x128xi32, #tpu.memory_space<vmem>>) target_semaphore(%run_scoped3A_91 : memref<!tpu.dma_semaphore, #tpu.memory_space<semaphore_mem>>)
      %dma_wait3A = arith.constant 0 : i32
      %dma_wait3A_100 = arith.constant 0 : i32
      %dma_wait3A_101 = tpu.memref_slice %arg3[%run_scoped3A, %add3A, %dma_wait3A, %dma_wait3A_100] : memref<3x32x16x128xi32, #tpu.memory_space<hbm>> -> memref<1x1x16x128xi32, #tpu.memory_space<hbm>>
      %dma_wait3A_102 = tpu.memref_squeeze %dma_wait3A_101 : memref<1x1x16x128xi32, #tpu.memory_space<hbm>> -> memref<16x128xi32, #tpu.memory_space<hbm>>
      %dma_wait3A_103 = arith.constant 0 : i32
      %dma_wait3A_104 = arith.constant 0 : i32
      %dma_wait3A_105 = tpu.memref_slice %arg3[%run_scoped3A, %add3A, %dma_wait3A_103, %dma_wait3A_104] : memref<3x32x16x128xi32, #tpu.memory_space<hbm>> -> memref<1x1x16x128xi32, #tpu.memory_space<hbm>>
      %dma_wait3A_106 = tpu.memref_squeeze %dma_wait3A_105 : memref<1x1x16x128xi32, #tpu.memory_space<hbm>> -> memref<16x128xi32, #tpu.memory_space<hbm>>
      tpu.wait_dma2 semaphore(%run_scoped3A_91 : memref<!tpu.dma_semaphore, #tpu.memory_space<semaphore_mem>>) src(%dma_wait3A_106 : memref<16x128xi32, #tpu.memory_space<hbm>>) dst(%arg5 : memref<16x128xi32, #tpu.memory_space<vmem>>)
      tpu.yield
    }) : () -> ()
    %run_scoped3A_1 = arith.constant 1 : i32
    "tpu.region"() ({
      %run_scoped3A_91 = tpu.sem_alloc : memref<!tpu.dma_semaphore, #tpu.memory_space<semaphore_mem>>
      %dma_start3A_92 = arith.constant 0 : i32
      %dma_start3A_93 = arith.constant 0 : i32
      %dma_start3A_94 = tpu.memref_slice %arg3[%run_scoped3A_1, %add3A, %dma_start3A_92, %dma_start3A_93] : memref<3x32x16x128xi32, #tpu.memory_space<hbm>> -> memref<1x1x16x128xi32, #tpu.memory_space<hbm>>
      %dma_start3A_95 = tpu.memref_squeeze %dma_start3A_94 : memref<1x1x16x128xi32, #tpu.memory_space<hbm>> -> memref<16x128xi32, #tpu.memory_space<hbm>>
      %dma_start3A_96 = arith.constant 0 : i32
      %dma_start3A_97 = arith.constant 0 : i32
      %dma_start3A_98 = tpu.memref_slice %arg3[%run_scoped3A_1, %add3A, %dma_start3A_96, %dma_start3A_97] : memref<3x32x16x128xi32, #tpu.memory_space<hbm>> -> memref<1x1x16x128xi32, #tpu.memory_space<hbm>>
      %dma_start3A_99 = tpu.memref_squeeze %dma_start3A_98 : memref<1x1x16x128xi32, #tpu.memory_space<hbm>> -> memref<16x128xi32, #tpu.memory_space<hbm>>
      tpu.enqueue_dma source(%dma_start3A_99 : memref<16x128xi32, #tpu.memory_space<hbm>>) target(%arg6 : memref<16x128xi32, #tpu.memory_space<vmem>>) target_semaphore(%run_scoped3A_91 : memref<!tpu.dma_semaphore, #tpu.memory_space<semaphore_mem>>)
      %dma_wait3A = arith.constant 0 : i32
      %dma_wait3A_100 = arith.constant 0 : i32
      %dma_wait3A_101 = tpu.memref_slice %arg3[%run_scoped3A_1, %add3A, %dma_wait3A, %dma_wait3A_100] : memref<3x32x16x128xi32, #tpu.memory_space<hbm>> -> memref<1x1x16x128xi32, #tpu.memory_space<hbm>>
      %dma_wait3A_102 = tpu.memref_squeeze %dma_wait3A_101 : memref<1x1x16x128xi32, #tpu.memory_space<hbm>> -> memref<16x128xi32, #tpu.memory_space<hbm>>
      %dma_wait3A_103 = arith.constant 0 : i32
      %dma_wait3A_104 = arith.constant 0 : i32
      %dma_wait3A_105 = tpu.memref_slice %arg3[%run_scoped3A_1, %add3A, %dma_wait3A_103, %dma_wait3A_104] : memref<3x32x16x128xi32, #tpu.memory_space<hbm>> -> memref<1x1x16x128xi32, #tpu.memory_space<hbm>>
      %dma_wait3A_106 = tpu.memref_squeeze %dma_wait3A_105 : memref<1x1x16x128xi32, #tpu.memory_space<hbm>> -> memref<16x128xi32, #tpu.memory_space<hbm>>
      tpu.wait_dma2 semaphore(%run_scoped3A_91 : memref<!tpu.dma_semaphore, #tpu.memory_space<semaphore_mem>>) src(%dma_wait3A_106 : memref<16x128xi32, #tpu.memory_space<hbm>>) dst(%arg6 : memref<16x128xi32, #tpu.memory_space<vmem>>)
      tpu.yield
    }) : () -> ()
    %run_scoped3A_2 = arith.constant 2 : i32
    "tpu.region"() ({
      %run_scoped3A_91 = tpu.sem_alloc : memref<!tpu.dma_semaphore, #tpu.memory_space<semaphore_mem>>
      %dma_start3A_92 = arith.constant 0 : i32
      %dma_start3A_93 = arith.constant 0 : i32
      %dma_start3A_94 = tpu.memref_slice %arg3[%run_scoped3A_2, %add3A, %dma_start3A_92, %dma_start3A_93] : memref<3x32x16x128xi32, #tpu.memory_space<hbm>> -> memref<1x1x16x128xi32, #tpu.memory_space<hbm>>
      %dma_start3A_95 = tpu.memref_squeeze %dma_start3A_94 : memref<1x1x16x128xi32, #tpu.memory_space<hbm>> -> memref<16x128xi32, #tpu.memory_space<hbm>>
      %dma_start3A_96 = arith.constant 0 : i32
      %dma_start3A_97 = arith.constant 0 : i32
      %dma_start3A_98 = tpu.memref_slice %arg3[%run_scoped3A_2, %add3A, %dma_start3A_96, %dma_start3A_97] : memref<3x32x16x128xi32, #tpu.memory_space<hbm>> -> memref<1x1x16x128xi32, #tpu.memory_space<hbm>>
      %dma_start3A_99 = tpu.memref_squeeze %dma_start3A_98 : memref<1x1x16x128xi32, #tpu.memory_space<hbm>> -> memref<16x128xi32, #tpu.memory_space<hbm>>
      tpu.enqueue_dma source(%dma_start3A_99 : memref<16x128xi32, #tpu.memory_space<hbm>>) target(%arg7 : memref<16x128xi32, #tpu.memory_space<vmem>>) target_semaphore(%run_scoped3A_91 : memref<!tpu.dma_semaphore, #tpu.memory_space<semaphore_mem>>)
      %dma_wait3A = arith.constant 0 : i32
      %dma_wait3A_100 = arith.constant 0 : i32
      %dma_wait3A_101 = tpu.memref_slice %arg3[%run_scoped3A_2, %add3A, %dma_wait3A, %dma_wait3A_100] : memref<3x32x16x128xi32, #tpu.memory_space<hbm>> -> memref<1x1x16x128xi32, #tpu.memory_space<hbm>>
      %dma_wait3A_102 = tpu.memref_squeeze %dma_wait3A_101 : memref<1x1x16x128xi32, #tpu.memory_space<hbm>> -> memref<16x128xi32, #tpu.memory_space<hbm>>
      %dma_wait3A_103 = arith.constant 0 : i32
      %dma_wait3A_104 = arith.constant 0 : i32
      %dma_wait3A_105 = tpu.memref_slice %arg3[%run_scoped3A_2, %add3A, %dma_wait3A_103, %dma_wait3A_104] : memref<3x32x16x128xi32, #tpu.memory_space<hbm>> -> memref<1x1x16x128xi32, #tpu.memory_space<hbm>>
      %dma_wait3A_106 = tpu.memref_squeeze %dma_wait3A_105 : memref<1x1x16x128xi32, #tpu.memory_space<hbm>> -> memref<16x128xi32, #tpu.memory_space<hbm>>
      tpu.wait_dma2 semaphore(%run_scoped3A_91 : memref<!tpu.dma_semaphore, #tpu.memory_space<semaphore_mem>>) src(%dma_wait3A_106 : memref<16x128xi32, #tpu.memory_space<hbm>>) dst(%arg7 : memref<16x128xi32, #tpu.memory_space<vmem>>)
      tpu.yield
    }) : () -> ()
    %iota3A = tpu.iota {dimensions = array<i32: 0>} : vector<16xi32>
    %dma_start3A = arith.constant 0 : i32
    %dma_start3A_3 = arith.constant 0 : i32
    %dma_start3A_4 = arith.constant 0 : i32
    %dma_start3A_5 = arith.constant 0 : i32
    %dma_start3A_6 = tpu.memref_slice %arg8[%dma_start3A_3, %dma_start3A_4, %dma_start3A_5] : memref<2x128x32xf32, #tpu.memory_space<vmem>> -> memref<1x128x32xf32, #tpu.memory_space<vmem>>
    %dma_start3A_7 = tpu.memref_squeeze %dma_start3A_6 : memref<1x128x32xf32, #tpu.memory_space<vmem>> -> memref<128x32xf32, #tpu.memory_space<vmem>>
    %dma_start3A_8 = arith.constant 0 : i32
    %dma_start3A_9 = tpu.memref_slice %arg5[%dma_start3A, %dma_start3A_8] : memref<16x128xi32, #tpu.memory_space<vmem>> -> memref<1x128xi32, #tpu.memory_space<vmem>>
    %dma_start3A_10 = tpu.memref_squeeze %dma_start3A_9 : memref<1x128xi32, #tpu.memory_space<vmem>> -> memref<128xi32, #tpu.memory_space<vmem>>
    %dma_start3A_11 = arith.constant 0 : i32
    %dma_start3A_12 = arith.constant 0 : i32
    %dma_start3A_13 = tpu.memref_slice %arg2[%dma_start3A_11, %dma_start3A_12] : memref<16384x32xf32, #tpu.memory_space<hbm>> -> memref<16384x32xf32, #tpu.memory_space<hbm>>
    tpu.enqueue_indirect_dma source(%dma_start3A_13 : memref<16384x32xf32, #tpu.memory_space<hbm>>) target(%dma_start3A_7 : memref<128x32xf32, #tpu.memory_space<vmem>>) offsets(%dma_start3A_10 : memref<128xi32, #tpu.memory_space<vmem>>) semaphore(%arg12 : memref<!tpu.dma_semaphore, #tpu.memory_space<semaphore_mem>>)
    %dma_start3A_14 = arith.constant 0 : i32
    %dma_start3A_15 = arith.constant 0 : i32
    %dma_start3A_16 = arith.constant 0 : i32
    %dma_start3A_17 = arith.constant 0 : i32
    %dma_start3A_18 = tpu.memref_slice %arg9[%dma_start3A_15, %dma_start3A_16, %dma_start3A_17] : memref<2x128x32xf32, #tpu.memory_space<vmem>> -> memref<1x128x32xf32, #tpu.memory_space<vmem>>
    %dma_start3A_19 = tpu.memref_squeeze %dma_start3A_18 : memref<1x128x32xf32, #tpu.memory_space<vmem>> -> memref<128x32xf32, #tpu.memory_space<vmem>>
    %dma_start3A_20 = arith.constant 0 : i32
    %dma_start3A_21 = tpu.memref_slice %arg6[%dma_start3A_14, %dma_start3A_20] : memref<16x128xi32, #tpu.memory_space<vmem>> -> memref<1x128xi32, #tpu.memory_space<vmem>>
    %dma_start3A_22 = tpu.memref_squeeze %dma_start3A_21 : memref<1x128xi32, #tpu.memory_space<vmem>> -> memref<128xi32, #tpu.memory_space<vmem>>
    %dma_start3A_23 = arith.constant 0 : i32
    %dma_start3A_24 = arith.constant 0 : i32
    %dma_start3A_25 = tpu.memref_slice %arg2[%dma_start3A_23, %dma_start3A_24] : memref<16384x32xf32, #tpu.memory_space<hbm>> -> memref<16384x32xf32, #tpu.memory_space<hbm>>
    tpu.enqueue_indirect_dma source(%dma_start3A_25 : memref<16384x32xf32, #tpu.memory_space<hbm>>) target(%dma_start3A_19 : memref<128x32xf32, #tpu.memory_space<vmem>>) offsets(%dma_start3A_22 : memref<128xi32, #tpu.memory_space<vmem>>) semaphore(%arg12 : memref<!tpu.dma_semaphore, #tpu.memory_space<semaphore_mem>>)
    %dma_start3A_26 = arith.constant 0 : i32
    %dma_start3A_27 = arith.constant 0 : i32
    %dma_start3A_28 = arith.constant 0 : i32
    %dma_start3A_29 = arith.constant 0 : i32
    %dma_start3A_30 = tpu.memref_slice %arg10[%dma_start3A_27, %dma_start3A_28, %dma_start3A_29] : memref<2x128x32xf32, #tpu.memory_space<vmem>> -> memref<1x128x32xf32, #tpu.memory_space<vmem>>
    %dma_start3A_31 = tpu.memref_squeeze %dma_start3A_30 : memref<1x128x32xf32, #tpu.memory_space<vmem>> -> memref<128x32xf32, #tpu.memory_space<vmem>>
    %dma_start3A_32 = arith.constant 0 : i32
    %dma_start3A_33 = tpu.memref_slice %arg7[%dma_start3A_26, %dma_start3A_32] : memref<16x128xi32, #tpu.memory_space<vmem>> -> memref<1x128xi32, #tpu.memory_space<vmem>>
    %dma_start3A_34 = tpu.memref_squeeze %dma_start3A_33 : memref<1x128xi32, #tpu.memory_space<vmem>> -> memref<128xi32, #tpu.memory_space<vmem>>
    %dma_start3A_35 = arith.constant 0 : i32
    %dma_start3A_36 = arith.constant 0 : i32
    %dma_start3A_37 = tpu.memref_slice %arg2[%dma_start3A_35, %dma_start3A_36] : memref<16384x32xf32, #tpu.memory_space<hbm>> -> memref<16384x32xf32, #tpu.memory_space<hbm>>
    tpu.enqueue_indirect_dma source(%dma_start3A_37 : memref<16384x32xf32, #tpu.memory_space<hbm>>) target(%dma_start3A_31 : memref<128x32xf32, #tpu.memory_space<vmem>>) offsets(%dma_start3A_34 : memref<128xi32, #tpu.memory_space<vmem>>) semaphore(%arg12 : memref<!tpu.dma_semaphore, #tpu.memory_space<semaphore_mem>>)
    %dma_start3A_38 = arith.constant 1 : i32
    %dma_start3A_39 = arith.constant 1 : i32
    %dma_start3A_40 = arith.constant 0 : i32
    %dma_start3A_41 = arith.constant 0 : i32
    %dma_start3A_42 = tpu.memref_slice %arg8[%dma_start3A_39, %dma_start3A_40, %dma_start3A_41] : memref<2x128x32xf32, #tpu.memory_space<vmem>> -> memref<1x128x32xf32, #tpu.memory_space<vmem>>
    %dma_start3A_43 = tpu.memref_squeeze %dma_start3A_42 : memref<1x128x32xf32, #tpu.memory_space<vmem>> -> memref<128x32xf32, #tpu.memory_space<vmem>>
    %dma_start3A_44 = arith.constant 0 : i32
    %dma_start3A_45 = tpu.memref_slice %arg5[%dma_start3A_38, %dma_start3A_44] : memref<16x128xi32, #tpu.memory_space<vmem>> -> memref<1x128xi32, #tpu.memory_space<vmem>>
    %dma_start3A_46 = tpu.memref_squeeze %dma_start3A_45 : memref<1x128xi32, #tpu.memory_space<vmem>> -> memref<128xi32, #tpu.memory_space<vmem>>
    %dma_start3A_47 = arith.constant 0 : i32
    %dma_start3A_48 = arith.constant 0 : i32
    %dma_start3A_49 = tpu.memref_slice %arg2[%dma_start3A_47, %dma_start3A_48] : memref<16384x32xf32, #tpu.memory_space<hbm>> -> memref<16384x32xf32, #tpu.memory_space<hbm>>
    tpu.enqueue_indirect_dma source(%dma_start3A_49 : memref<16384x32xf32, #tpu.memory_space<hbm>>) target(%dma_start3A_43 : memref<128x32xf32, #tpu.memory_space<vmem>>) offsets(%dma_start3A_46 : memref<128xi32, #tpu.memory_space<vmem>>) semaphore(%arg13 : memref<!tpu.dma_semaphore, #tpu.memory_space<semaphore_mem>>)
    %dma_start3A_50 = arith.constant 1 : i32
    %dma_start3A_51 = arith.constant 1 : i32
    %dma_start3A_52 = arith.constant 0 : i32
    %dma_start3A_53 = arith.constant 0 : i32
    %dma_start3A_54 = tpu.memref_slice %arg9[%dma_start3A_51, %dma_start3A_52, %dma_start3A_53] : memref<2x128x32xf32, #tpu.memory_space<vmem>> -> memref<1x128x32xf32, #tpu.memory_space<vmem>>
    %dma_start3A_55 = tpu.memref_squeeze %dma_start3A_54 : memref<1x128x32xf32, #tpu.memory_space<vmem>> -> memref<128x32xf32, #tpu.memory_space<vmem>>
    %dma_start3A_56 = arith.constant 0 : i32
    %dma_start3A_57 = tpu.memref_slice %arg6[%dma_start3A_50, %dma_start3A_56] : memref<16x128xi32, #tpu.memory_space<vmem>> -> memref<1x128xi32, #tpu.memory_space<vmem>>
    %dma_start3A_58 = tpu.memref_squeeze %dma_start3A_57 : memref<1x128xi32, #tpu.memory_space<vmem>> -> memref<128xi32, #tpu.memory_space<vmem>>
    %dma_start3A_59 = arith.constant 0 : i32
    %dma_start3A_60 = arith.constant 0 : i32
    %dma_start3A_61 = tpu.memref_slice %arg2[%dma_start3A_59, %dma_start3A_60] : memref<16384x32xf32, #tpu.memory_space<hbm>> -> memref<16384x32xf32, #tpu.memory_space<hbm>>
    tpu.enqueue_indirect_dma source(%dma_start3A_61 : memref<16384x32xf32, #tpu.memory_space<hbm>>) target(%dma_start3A_55 : memref<128x32xf32, #tpu.memory_space<vmem>>) offsets(%dma_start3A_58 : memref<128xi32, #tpu.memory_space<vmem>>) semaphore(%arg13 : memref<!tpu.dma_semaphore, #tpu.memory_space<semaphore_mem>>)
    %dma_start3A_62 = arith.constant 1 : i32
    %dma_start3A_63 = arith.constant 1 : i32
    %dma_start3A_64 = arith.constant 0 : i32
    %dma_start3A_65 = arith.constant 0 : i32
    %dma_start3A_66 = tpu.memref_slice %arg10[%dma_start3A_63, %dma_start3A_64, %dma_start3A_65] : memref<2x128x32xf32, #tpu.memory_space<vmem>> -> memref<1x128x32xf32, #tpu.memory_space<vmem>>
    %dma_start3A_67 = tpu.memref_squeeze %dma_start3A_66 : memref<1x128x32xf32, #tpu.memory_space<vmem>> -> memref<128x32xf32, #tpu.memory_space<vmem>>
    %dma_start3A_68 = arith.constant 0 : i32
    %dma_start3A_69 = tpu.memref_slice %arg7[%dma_start3A_62, %dma_start3A_68] : memref<16x128xi32, #tpu.memory_space<vmem>> -> memref<1x128xi32, #tpu.memory_space<vmem>>
    %dma_start3A_70 = tpu.memref_squeeze %dma_start3A_69 : memref<1x128xi32, #tpu.memory_space<vmem>> -> memref<128xi32, #tpu.memory_space<vmem>>
    %dma_start3A_71 = arith.constant 0 : i32
    %dma_start3A_72 = arith.constant 0 : i32
    %dma_start3A_73 = tpu.memref_slice %arg2[%dma_start3A_71, %dma_start3A_72] : memref<16384x32xf32, #tpu.memory_space<hbm>> -> memref<16384x32xf32, #tpu.memory_space<hbm>>
    tpu.enqueue_indirect_dma source(%dma_start3A_73 : memref<16384x32xf32, #tpu.memory_space<hbm>>) target(%dma_start3A_67 : memref<128x32xf32, #tpu.memory_space<vmem>>) offsets(%dma_start3A_70 : memref<128xi32, #tpu.memory_space<vmem>>) semaphore(%arg13 : memref<!tpu.dma_semaphore, #tpu.memory_space<semaphore_mem>>)
    %broadcast_in_dim3A = arith.constant 0.000000e+00 : f32
    %broadcast_in_dim3A_74 = vector.broadcast %broadcast_in_dim3A : f32 to vector<16xf32>
    %scan3A = arith.constant 0 : i32
    %scan3A_75 = arith.constant 8 : i32
    %scan3A_76 = arith.addi %scan3A, %scan3A_75 : i32
    %scan3A_77 = arith.constant 1 : i32
    %scan3A_78:3 = scf.for %scan3A_91 = %scan3A to %scan3A_76 step %scan3A_77 iter_args(%scan3A_92 = %broadcast_in_dim3A_74, %scan3A_93 = %broadcast_in_dim3A_74, %scan3A_94 = %broadcast_in_dim3A_74) -> (vector<16xf32>, vector<16xf32>, vector<16xf32>)  : i32 {
      %mul3A_95 = arith.constant 2 : i32
      %mul3A_96 = arith.muli %mul3A_95, %scan3A_91 : i32
      %add3A_97 = arith.constant 0 : i32
      %add3A_98 = arith.addi %mul3A_96, %add3A_97 : i32
      %dma_wait3A = arith.constant 0 : i32
      %dma_wait3A_99 = arith.constant 0 : i32
      %dma_wait3A_100 = arith.constant 0 : i32
      %dma_wait3A_101 = tpu.memref_slice %arg8[%dma_wait3A, %dma_wait3A_99, %dma_wait3A_100] : memref<2x128x32xf32, #tpu.memory_space<vmem>> -> memref<1x128x32xf32, #tpu.memory_space<vmem>>
      %dma_wait3A_102 = tpu.memref_squeeze %dma_wait3A_101 : memref<1x128x32xf32, #tpu.memory_space<vmem>> -> memref<128x32xf32, #tpu.memory_space<vmem>>
      %dma_wait3A_103 = arith.constant 0 : i32
      %dma_wait3A_104 = tpu.memref_slice %arg5[%add3A_98, %dma_wait3A_103] : memref<16x128xi32, #tpu.memory_space<vmem>> -> memref<1x128xi32, #tpu.memory_space<vmem>>
      %dma_wait3A_105 = tpu.memref_squeeze %dma_wait3A_104 : memref<1x128xi32, #tpu.memory_space<vmem>> -> memref<128xi32, #tpu.memory_space<vmem>>
      %dma_wait3A_106 = arith.constant 0 : i32
      %dma_wait3A_107 = arith.constant 0 : i32
      %dma_wait3A_108 = tpu.memref_slice %arg2[%dma_wait3A_106, %dma_wait3A_107] : memref<16384x32xf32, #tpu.memory_space<hbm>> -> memref<16384x32xf32, #tpu.memory_space<hbm>>
      tpu.wait_indirect_dma semaphore(%arg12 : memref<!tpu.dma_semaphore, #tpu.memory_space<semaphore_mem>>) src(%dma_wait3A_108 : memref<16384x32xf32, #tpu.memory_space<hbm>>) dst(%dma_wait3A_102 : memref<128x32xf32, #tpu.memory_space<vmem>>)
      %dma_wait3A_109 = arith.constant 0 : i32
      %dma_wait3A_110 = arith.constant 0 : i32
      %dma_wait3A_111 = arith.constant 0 : i32
      %dma_wait3A_112 = tpu.memref_slice %arg9[%dma_wait3A_109, %dma_wait3A_110, %dma_wait3A_111] : memref<2x128x32xf32, #tpu.memory_space<vmem>> -> memref<1x128x32xf32, #tpu.memory_space<vmem>>
      %dma_wait3A_113 = tpu.memref_squeeze %dma_wait3A_112 : memref<1x128x32xf32, #tpu.memory_space<vmem>> -> memref<128x32xf32, #tpu.memory_space<vmem>>
      %dma_wait3A_114 = arith.constant 0 : i32
      %dma_wait3A_115 = tpu.memref_slice %arg6[%add3A_98, %dma_wait3A_114] : memref<16x128xi32, #tpu.memory_space<vmem>> -> memref<1x128xi32, #tpu.memory_space<vmem>>
      %dma_wait3A_116 = tpu.memref_squeeze %dma_wait3A_115 : memref<1x128xi32, #tpu.memory_space<vmem>> -> memref<128xi32, #tpu.memory_space<vmem>>
      %dma_wait3A_117 = arith.constant 0 : i32
      %dma_wait3A_118 = arith.constant 0 : i32
      %dma_wait3A_119 = tpu.memref_slice %arg2[%dma_wait3A_117, %dma_wait3A_118] : memref<16384x32xf32, #tpu.memory_space<hbm>> -> memref<16384x32xf32, #tpu.memory_space<hbm>>
      tpu.wait_indirect_dma semaphore(%arg12 : memref<!tpu.dma_semaphore, #tpu.memory_space<semaphore_mem>>) src(%dma_wait3A_119 : memref<16384x32xf32, #tpu.memory_space<hbm>>) dst(%dma_wait3A_113 : memref<128x32xf32, #tpu.memory_space<vmem>>)
      %dma_wait3A_120 = arith.constant 0 : i32
      %dma_wait3A_121 = arith.constant 0 : i32
      %dma_wait3A_122 = arith.constant 0 : i32
      %dma_wait3A_123 = tpu.memref_slice %arg10[%dma_wait3A_120, %dma_wait3A_121, %dma_wait3A_122] : memref<2x128x32xf32, #tpu.memory_space<vmem>> -> memref<1x128x32xf32, #tpu.memory_space<vmem>>
      %dma_wait3A_124 = tpu.memref_squeeze %dma_wait3A_123 : memref<1x128x32xf32, #tpu.memory_space<vmem>> -> memref<128x32xf32, #tpu.memory_space<vmem>>
      %dma_wait3A_125 = arith.constant 0 : i32
      %dma_wait3A_126 = tpu.memref_slice %arg7[%add3A_98, %dma_wait3A_125] : memref<16x128xi32, #tpu.memory_space<vmem>> -> memref<1x128xi32, #tpu.memory_space<vmem>>
      %dma_wait3A_127 = tpu.memref_squeeze %dma_wait3A_126 : memref<1x128xi32, #tpu.memory_space<vmem>> -> memref<128xi32, #tpu.memory_space<vmem>>
      %dma_wait3A_128 = arith.constant 0 : i32
      %dma_wait3A_129 = arith.constant 0 : i32
      %dma_wait3A_130 = tpu.memref_slice %arg2[%dma_wait3A_128, %dma_wait3A_129] : memref<16384x32xf32, #tpu.memory_space<hbm>> -> memref<16384x32xf32, #tpu.memory_space<hbm>>
      tpu.wait_indirect_dma semaphore(%arg12 : memref<!tpu.dma_semaphore, #tpu.memory_space<semaphore_mem>>) src(%dma_wait3A_130 : memref<16384x32xf32, #tpu.memory_space<hbm>>) dst(%dma_wait3A_124 : memref<128x32xf32, #tpu.memory_space<vmem>>)
      %scan3A_131 = arith.constant 0 : i32
      %scan3A_132 = arith.constant 8 : i32
      %scan3A_133 = arith.addi %scan3A_131, %scan3A_132 : i32
      %scan3A_134 = arith.constant 1 : i32
      %scan3A_135:3 = scf.for %scan3A_191 = %scan3A_131 to %scan3A_133 step %scan3A_134 iter_args(%scan3A_192 = %scan3A_92, %scan3A_193 = %scan3A_93, %scan3A_194 = %scan3A_94) -> (vector<16xf32>, vector<16xf32>, vector<16xf32>)  : i32 {
        %mul3A_195 = arith.constant 16 : i32
        %mul3A_196 = arith.muli %scan3A_191, %mul3A_195 : i32
        %add3A_197 = vector.broadcast %mul3A_196 : i32 to vector<16xi32>
        %add3A_198 = arith.addi %add3A_197, %iota3A : vector<16xi32>
        %broadcast_in_dim3A_199 = arith.constant 0.000000e+00 : f32
        %broadcast_in_dim3A_200 = vector.broadcast %broadcast_in_dim3A_199 : f32 to vector<16xf32>
        %broadcast_in_dim3A_201 = arith.constant 0.000000e+00 : f32
        %broadcast_in_dim3A_202 = vector.broadcast %broadcast_in_dim3A_201 : f32 to vector<16xf32>
        %add3A_203 = arith.constant 0 : i32
        %add3A_204 = vector.broadcast %add3A_203 : i32 to vector<16xi32>
        %add3A_205 = arith.addi %iota3A, %add3A_204 : vector<16xi32>
        %and3A = arith.constant 31 : i32
        %and3A_206 = vector.broadcast %and3A : i32 to vector<16xi32>
        %and3A_207 = arith.andi %add3A_205, %and3A_206 : vector<16xi32>
        %gather3A = arith.constant 0 : i32
        %gather3A_208 = arith.constant 0 : i32
        %gather3A_209 = arith.constant 0 : i32
        %gather3A_210 = tpu.memref_slice %arg8[%gather3A, %gather3A_208, %gather3A_209] : memref<2x128x32xf32, #tpu.memory_space<vmem>> -> memref<1x128x32xf32, #tpu.memory_space<vmem>>
        %gather3A_211 = tpu.memref_squeeze %gather3A_210 : memref<1x128x32xf32, #tpu.memory_space<vmem>> -> memref<128x32xf32, #tpu.memory_space<vmem>>
        %gather3A_212 = tpu.vector_load_idx %gather3A_211[%add3A_198, %and3A_207] : memref<128x32xf32, #tpu.memory_space<vmem>>[vector<16xi32>, vector<16xi32>], vector<16xf32>,
        %gather3A_213 = arith.constant 0 : i32
        %gather3A_214 = arith.constant 0 : i32
        %gather3A_215 = arith.constant 0 : i32
        %gather3A_216 = tpu.memref_slice %arg9[%gather3A_213, %gather3A_214, %gather3A_215] : memref<2x128x32xf32, #tpu.memory_space<vmem>> -> memref<1x128x32xf32, #tpu.memory_space<vmem>>
        %gather3A_217 = tpu.memref_squeeze %gather3A_216 : memref<1x128x32xf32, #tpu.memory_space<vmem>> -> memref<128x32xf32, #tpu.memory_space<vmem>>
        %gather3A_218 = tpu.vector_load_idx %gather3A_217[%add3A_198, %and3A_207] : memref<128x32xf32, #tpu.memory_space<vmem>>[vector<16xi32>, vector<16xi32>], vector<16xf32>,
        %gather3A_219 = arith.constant 0 : i32
        %gather3A_220 = arith.constant 0 : i32
        %gather3A_221 = arith.constant 0 : i32
        %gather3A_222 = tpu.memref_slice %arg10[%gather3A_219, %gather3A_220, %gather3A_221] : memref<2x128x32xf32, #tpu.memory_space<vmem>> -> memref<1x128x32xf32, #tpu.memory_space<vmem>>
        %gather3A_223 = tpu.memref_squeeze %gather3A_222 : memref<1x128x32xf32, #tpu.memory_space<vmem>> -> memref<128x32xf32, #tpu.memory_space<vmem>>
        %gather3A_224 = tpu.vector_load_idx %gather3A_223[%add3A_198, %and3A_207] : memref<128x32xf32, #tpu.memory_space<vmem>>[vector<16xi32>, vector<16xi32>], vector<16xf32>,
        %sub3A = arith.subf %gather3A_212, %gather3A_218 : vector<16xf32>
        %sub3A_225 = arith.subf %gather3A_212, %gather3A_224 : vector<16xf32>
        %mul3A_226 = arith.mulf %sub3A, %sub3A : vector<16xf32>
        %add3A_227 = arith.addf %broadcast_in_dim3A_200, %mul3A_226 : vector<16xf32>
        %mul3A_228 = arith.mulf %sub3A_225, %sub3A_225 : vector<16xf32>
        %add3A_229 = arith.addf %broadcast_in_dim3A_202, %mul3A_228 : vector<16xf32>
        %add3A_230 = arith.constant 1 : i32
        %add3A_231 = vector.broadcast %add3A_230 : i32 to vector<16xi32>
        %add3A_232 = arith.addi %iota3A, %add3A_231 : vector<16xi32>
        %and3A_233 = arith.constant 31 : i32
        %and3A_234 = vector.broadcast %and3A_233 : i32 to vector<16xi32>
        %and3A_235 = arith.andi %add3A_232, %and3A_234 : vector<16xi32>
        %gather3A_236 = arith.constant 0 : i32
        %gather3A_237 = arith.constant 0 : i32
        %gather3A_238 = arith.constant 0 : i32
        %gather3A_239 = tpu.memref_slice %arg8[%gather3A_236, %gather3A_237, %gather3A_238] : memref<2x128x32xf32, #tpu.memory_space<vmem>> -> memref<1x128x32xf32, #tpu.memory_space<vmem>>
        %gather3A_240 = tpu.memref_squeeze %gather3A_239 : memref<1x128x32xf32, #tpu.memory_space<vmem>> -> memref<128x32xf32, #tpu.memory_space<vmem>>
        %gather3A_241 = tpu.vector_load_idx %gather3A_240[%add3A_198, %and3A_235] : memref<128x32xf32, #tpu.memory_space<vmem>>[vector<16xi32>, vector<16xi32>], vector<16xf32>,
        %gather3A_242 = arith.constant 0 : i32
        %gather3A_243 = arith.constant 0 : i32
        %gather3A_244 = arith.constant 0 : i32
        %gather3A_245 = tpu.memref_slice %arg9[%gather3A_242, %gather3A_243, %gather3A_244] : memref<2x128x32xf32, #tpu.memory_space<vmem>> -> memref<1x128x32xf32, #tpu.memory_space<vmem>>
        %gather3A_246 = tpu.memref_squeeze %gather3A_245 : memref<1x128x32xf32, #tpu.memory_space<vmem>> -> memref<128x32xf32, #tpu.memory_space<vmem>>
        %gather3A_247 = tpu.vector_load_idx %gather3A_246[%add3A_198, %and3A_235] : memref<128x32xf32, #tpu.memory_space<vmem>>[vector<16xi32>, vector<16xi32>], vector<16xf32>,
        %gather3A_248 = arith.constant 0 : i32
        %gather3A_249 = arith.constant 0 : i32
        %gather3A_250 = arith.constant 0 : i32
        %gather3A_251 = tpu.memref_slice %arg10[%gather3A_248, %gather3A_249, %gather3A_250] : memref<2x128x32xf32, #tpu.memory_space<vmem>> -> memref<1x128x32xf32, #tpu.memory_space<vmem>>
        %gather3A_252 = tpu.memref_squeeze %gather3A_251 : memref<1x128x32xf32, #tpu.memory_space<vmem>> -> memref<128x32xf32, #tpu.memory_space<vmem>>
        %gather3A_253 = tpu.vector_load_idx %gather3A_252[%add3A_198, %and3A_235] : memref<128x32xf32, #tpu.memory_space<vmem>>[vector<16xi32>, vector<16xi32>], vector<16xf32>,
        %sub3A_254 = arith.subf %gather3A_241, %gather3A_247 : vector<16xf32>
        %sub3A_255 = arith.subf %gather3A_241, %gather3A_253 : vector<16xf32>
        %mul3A_256 = arith.mulf %sub3A_254, %sub3A_254 : vector<16xf32>
        %add3A_257 = arith.addf %add3A_227, %mul3A_256 : vector<16xf32>
        %mul3A_258 = arith.mulf %sub3A_255, %sub3A_255 : vector<16xf32>
        %add3A_259 = arith.addf %add3A_229, %mul3A_258 : vector<16xf32>
        %add3A_260 = arith.constant 2 : i32
        %add3A_261 = vector.broadcast %add3A_260 : i32 to vector<16xi32>
        %add3A_262 = arith.addi %iota3A, %add3A_261 : vector<16xi32>
        %and3A_263 = arith.constant 31 : i32
        %and3A_264 = vector.broadcast %and3A_263 : i32 to vector<16xi32>
        %and3A_265 = arith.andi %add3A_262, %and3A_264 : vector<16xi32>
        %gather3A_266 = arith.constant 0 : i32
        %gather3A_267 = arith.constant 0 : i32
        %gather3A_268 = arith.constant 0 : i32
        %gather3A_269 = tpu.memref_slice %arg8[%gather3A_266, %gather3A_267, %gather3A_268] : memref<2x128x32xf32, #tpu.memory_space<vmem>> -> memref<1x128x32xf32, #tpu.memory_space<vmem>>
        %gather3A_270 = tpu.memref_squeeze %gather3A_269 : memref<1x128x32xf32, #tpu.memory_space<vmem>> -> memref<128x32xf32, #tpu.memory_space<vmem>>
        %gather3A_271 = tpu.vector_load_idx %gather3A_270[%add3A_198, %and3A_265] : memref<128x32xf32, #tpu.memory_space<vmem>>[vector<16xi32>, vector<16xi32>], vector<16xf32>,
        %gather3A_272 = arith.constant 0 : i32
        %gather3A_273 = arith.constant 0 : i32
        %gather3A_274 = arith.constant 0 : i32
        %gather3A_275 = tpu.memref_slice %arg9[%gather3A_272, %gather3A_273, %gather3A_274] : memref<2x128x32xf32, #tpu.memory_space<vmem>> -> memref<1x128x32xf32, #tpu.memory_space<vmem>>
        %gather3A_276 = tpu.memref_squeeze %gather3A_275 : memref<1x128x32xf32, #tpu.memory_space<vmem>> -> memref<128x32xf32, #tpu.memory_space<vmem>>
        %gather3A_277 = tpu.vector_load_idx %gather3A_276[%add3A_198, %and3A_265] : memref<128x32xf32, #tpu.memory_space<vmem>>[vector<16xi32>, vector<16xi32>], vector<16xf32>,
        %gather3A_278 = arith.constant 0 : i32
        %gather3A_279 = arith.constant 0 : i32
        %gather3A_280 = arith.constant 0 : i32
        %gather3A_281 = tpu.memref_slice %arg10[%gather3A_278, %gather3A_279, %gather3A_280] : memref<2x128x32xf32, #tpu.memory_space<vmem>> -> memref<1x128x32xf32, #tpu.memory_space<vmem>>
        %gather3A_282 = tpu.memref_squeeze %gather3A_281 : memref<1x128x32xf32, #tpu.memory_space<vmem>> -> memref<128x32xf32, #tpu.memory_space<vmem>>
        %gather3A_283 = tpu.vector_load_idx %gather3A_282[%add3A_198, %and3A_265] : memref<128x32xf32, #tpu.memory_space<vmem>>[vector<16xi32>, vector<16xi32>], vector<16xf32>,
        %sub3A_284 = arith.subf %gather3A_271, %gather3A_277 : vector<16xf32>
        %sub3A_285 = arith.subf %gather3A_271, %gather3A_283 : vector<16xf32>
        %mul3A_286 = arith.mulf %sub3A_284, %sub3A_284 : vector<16xf32>
        %add3A_287 = arith.addf %add3A_257, %mul3A_286 : vector<16xf32>
        %mul3A_288 = arith.mulf %sub3A_285, %sub3A_285 : vector<16xf32>
        %add3A_289 = arith.addf %add3A_259, %mul3A_288 : vector<16xf32>
        %add3A_290 = arith.constant 3 : i32
        %add3A_291 = vector.broadcast %add3A_290 : i32 to vector<16xi32>
        %add3A_292 = arith.addi %iota3A, %add3A_291 : vector<16xi32>
        %and3A_293 = arith.constant 31 : i32
        %and3A_294 = vector.broadcast %and3A_293 : i32 to vector<16xi32>
        %and3A_295 = arith.andi %add3A_292, %and3A_294 : vector<16xi32>
        %gather3A_296 = arith.constant 0 : i32
        %gather3A_297 = arith.constant 0 : i32
        %gather3A_298 = arith.constant 0 : i32
        %gather3A_299 = tpu.memref_slice %arg8[%gather3A_296, %gather3A_297, %gather3A_298] : memref<2x128x32xf32, #tpu.memory_space<vmem>> -> memref<1x128x32xf32, #tpu.memory_space<vmem>>
        %gather3A_300 = tpu.memref_squeeze %gather3A_299 : memref<1x128x32xf32, #tpu.memory_space<vmem>> -> memref<128x32xf32, #tpu.memory_space<vmem>>
        %gather3A_301 = tpu.vector_load_idx %gather3A_300[%add3A_198, %and3A_295] : memref<128x32xf32, #tpu.memory_space<vmem>>[vector<16xi32>, vector<16xi32>], vector<16xf32>,
        %gather3A_302 = arith.constant 0 : i32
        %gather3A_303 = arith.constant 0 : i32
        %gather3A_304 = arith.constant 0 : i32
        %gather3A_305 = tpu.memref_slice %arg9[%gather3A_302, %gather3A_303, %gather3A_304] : memref<2x128x32xf32, #tpu.memory_space<vmem>> -> memref<1x128x32xf32, #tpu.memory_space<vmem>>
        %gather3A_306 = tpu.memref_squeeze %gather3A_305 : memref<1x128x32xf32, #tpu.memory_space<vmem>> -> memref<128x32xf32, #tpu.memory_space<vmem>>
        %gather3A_307 = tpu.vector_load_idx %gather3A_306[%add3A_198, %and3A_295] : memref<128x32xf32, #tpu.memory_space<vmem>>[vector<16xi32>, vector<16xi32>], vector<16xf32>,
        %gather3A_308 = arith.constant 0 : i32
        %gather3A_309 = arith.constant 0 : i32
        %gather3A_310 = arith.constant 0 : i32
        %gather3A_311 = tpu.memref_slice %arg10[%gather3A_308, %gather3A_309, %gather3A_310] : memref<2x128x32xf32, #tpu.memory_space<vmem>> -> memref<1x128x32xf32, #tpu.memory_space<vmem>>
        %gather3A_312 = tpu.memref_squeeze %gather3A_311 : memref<1x128x32xf32, #tpu.memory_space<vmem>> -> memref<128x32xf32, #tpu.memory_space<vmem>>
        %gather3A_313 = tpu.vector_load_idx %gather3A_312[%add3A_198, %and3A_295] : memref<128x32xf32, #tpu.memory_space<vmem>>[vector<16xi32>, vector<16xi32>], vector<16xf32>,
        %sub3A_314 = arith.subf %gather3A_301, %gather3A_307 : vector<16xf32>
        %sub3A_315 = arith.subf %gather3A_301, %gather3A_313 : vector<16xf32>
        %mul3A_316 = arith.mulf %sub3A_314, %sub3A_314 : vector<16xf32>
        %add3A_317 = arith.addf %add3A_287, %mul3A_316 : vector<16xf32>
        %mul3A_318 = arith.mulf %sub3A_315, %sub3A_315 : vector<16xf32>
        %add3A_319 = arith.addf %add3A_289, %mul3A_318 : vector<16xf32>
        %add3A_320 = arith.constant 4 : i32
        %add3A_321 = vector.broadcast %add3A_320 : i32 to vector<16xi32>
        %add3A_322 = arith.addi %iota3A, %add3A_321 : vector<16xi32>
        %and3A_323 = arith.constant 31 : i32
        %and3A_324 = vector.broadcast %and3A_323 : i32 to vector<16xi32>
        %and3A_325 = arith.andi %add3A_322, %and3A_324 : vector<16xi32>
        %gather3A_326 = arith.constant 0 : i32
        %gather3A_327 = arith.constant 0 : i32
        %gather3A_328 = arith.constant 0 : i32
        %gather3A_329 = tpu.memref_slice %arg8[%gather3A_326, %gather3A_327, %gather3A_328] : memref<2x128x32xf32, #tpu.memory_space<vmem>> -> memref<1x128x32xf32, #tpu.memory_space<vmem>>
        %gather3A_330 = tpu.memref_squeeze %gather3A_329 : memref<1x128x32xf32, #tpu.memory_space<vmem>> -> memref<128x32xf32, #tpu.memory_space<vmem>>
        %gather3A_331 = tpu.vector_load_idx %gather3A_330[%add3A_198, %and3A_325] : memref<128x32xf32, #tpu.memory_space<vmem>>[vector<16xi32>, vector<16xi32>], vector<16xf32>,
        %gather3A_332 = arith.constant 0 : i32
        %gather3A_333 = arith.constant 0 : i32
        %gather3A_334 = arith.constant 0 : i32
        %gather3A_335 = tpu.memref_slice %arg9[%gather3A_332, %gather3A_333, %gather3A_334] : memref<2x128x32xf32, #tpu.memory_space<vmem>> -> memref<1x128x32xf32, #tpu.memory_space<vmem>>
        %gather3A_336 = tpu.memref_squeeze %gather3A_335 : memref<1x128x32xf32, #tpu.memory_space<vmem>> -> memref<128x32xf32, #tpu.memory_space<vmem>>
        %gather3A_337 = tpu.vector_load_idx %gather3A_336[%add3A_198, %and3A_325] : memref<128x32xf32, #tpu.memory_space<vmem>>[vector<16xi32>, vector<16xi32>], vector<16xf32>,
        %gather3A_338 = arith.constant 0 : i32
        %gather3A_339 = arith.constant 0 : i32
        %gather3A_340 = arith.constant 0 : i32
        %gather3A_341 = tpu.memref_slice %arg10[%gather3A_338, %gather3A_339, %gather3A_340] : memref<2x128x32xf32, #tpu.memory_space<vmem>> -> memref<1x128x32xf32, #tpu.memory_space<vmem>>
        %gather3A_342 = tpu.memref_squeeze %gather3A_341 : memref<1x128x32xf32, #tpu.memory_space<vmem>> -> memref<128x32xf32, #tpu.memory_space<vmem>>
        %gather3A_343 = tpu.vector_load_idx %gather3A_342[%add3A_198, %and3A_325] : memref<128x32xf32, #tpu.memory_space<vmem>>[vector<16xi32>, vector<16xi32>], vector<16xf32>,
        %sub3A_344 = arith.subf %gather3A_331, %gather3A_337 : vector<16xf32>
        %sub3A_345 = arith.subf %gather3A_331, %gather3A_343 : vector<16xf32>
        %mul3A_346 = arith.mulf %sub3A_344, %sub3A_344 : vector<16xf32>
        %add3A_347 = arith.addf %add3A_317, %mul3A_346 : vector<16xf32>
        %mul3A_348 = arith.mulf %sub3A_345, %sub3A_345 : vector<16xf32>
        %add3A_349 = arith.addf %add3A_319, %mul3A_348 : vector<16xf32>
        %add3A_350 = arith.constant 5 : i32
        %add3A_351 = vector.broadcast %add3A_350 : i32 to vector<16xi32>
        %add3A_352 = arith.addi %iota3A, %add3A_351 : vector<16xi32>
        %and3A_353 = arith.constant 31 : i32
        %and3A_354 = vector.broadcast %and3A_353 : i32 to vector<16xi32>
        %and3A_355 = arith.andi %add3A_352, %and3A_354 : vector<16xi32>
        %gather3A_356 = arith.constant 0 : i32
        %gather3A_357 = arith.constant 0 : i32
        %gather3A_358 = arith.constant 0 : i32
        %gather3A_359 = tpu.memref_slice %arg8[%gather3A_356, %gather3A_357, %gather3A_358] : memref<2x128x32xf32, #tpu.memory_space<vmem>> -> memref<1x128x32xf32, #tpu.memory_space<vmem>>
        %gather3A_360 = tpu.memref_squeeze %gather3A_359 : memref<1x128x32xf32, #tpu.memory_space<vmem>> -> memref<128x32xf32, #tpu.memory_space<vmem>>
        %gather3A_361 = tpu.vector_load_idx %gather3A_360[%add3A_198, %and3A_355] : memref<128x32xf32, #tpu.memory_space<vmem>>[vector<16xi32>, vector<16xi32>], vector<16xf32>,
        %gather3A_362 = arith.constant 0 : i32
        %gather3A_363 = arith.constant 0 : i32
        %gather3A_364 = arith.constant 0 : i32
        %gather3A_365 = tpu.memref_slice %arg9[%gather3A_362, %gather3A_363, %gather3A_364] : memref<2x128x32xf32, #tpu.memory_space<vmem>> -> memref<1x128x32xf32, #tpu.memory_space<vmem>>
        %gather3A_366 = tpu.memref_squeeze %gather3A_365 : memref<1x128x32xf32, #tpu.memory_space<vmem>> -> memref<128x32xf32, #tpu.memory_space<vmem>>
        %gather3A_367 = tpu.vector_load_idx %gather3A_366[%add3A_198, %and3A_355] : memref<128x32xf32, #tpu.memory_space<vmem>>[vector<16xi32>, vector<16xi32>], vector<16xf32>,
        %gather3A_368 = arith.constant 0 : i32
        %gather3A_369 = arith.constant 0 : i32
        %gather3A_370 = arith.constant 0 : i32
        %gather3A_371 = tpu.memref_slice %arg10[%gather3A_368, %gather3A_369, %gather3A_370] : memref<2x128x32xf32, #tpu.memory_space<vmem>> -> memref<1x128x32xf32, #tpu.memory_space<vmem>>
        %gather3A_372 = tpu.memref_squeeze %gather3A_371 : memref<1x128x32xf32, #tpu.memory_space<vmem>> -> memref<128x32xf32, #tpu.memory_space<vmem>>
        %gather3A_373 = tpu.vector_load_idx %gather3A_372[%add3A_198, %and3A_355] : memref<128x32xf32, #tpu.memory_space<vmem>>[vector<16xi32>, vector<16xi32>], vector<16xf32>,
        %sub3A_374 = arith.subf %gather3A_361, %gather3A_367 : vector<16xf32>
        %sub3A_375 = arith.subf %gather3A_361, %gather3A_373 : vector<16xf32>
        %mul3A_376 = arith.mulf %sub3A_374, %sub3A_374 : vector<16xf32>
        %add3A_377 = arith.addf %add3A_347, %mul3A_376 : vector<16xf32>
        %mul3A_378 = arith.mulf %sub3A_375, %sub3A_375 : vector<16xf32>
        %add3A_379 = arith.addf %add3A_349, %mul3A_378 : vector<16xf32>
        %add3A_380 = arith.constant 6 : i32
        %add3A_381 = vector.broadcast %add3A_380 : i32 to vector<16xi32>
        %add3A_382 = arith.addi %iota3A, %add3A_381 : vector<16xi32>
        %and3A_383 = arith.constant 31 : i32
        %and3A_384 = vector.broadcast %and3A_383 : i32 to vector<16xi32>
        %and3A_385 = arith.andi %add3A_382, %and3A_384 : vector<16xi32>
        %gather3A_386 = arith.constant 0 : i32
        %gather3A_387 = arith.constant 0 : i32
        %gather3A_388 = arith.constant 0 : i32
        %gather3A_389 = tpu.memref_slice %arg8[%gather3A_386, %gather3A_387, %gather3A_388] : memref<2x128x32xf32, #tpu.memory_space<vmem>> -> memref<1x128x32xf32, #tpu.memory_space<vmem>>
        %gather3A_390 = tpu.memref_squeeze %gather3A_389 : memref<1x128x32xf32, #tpu.memory_space<vmem>> -> memref<128x32xf32, #tpu.memory_space<vmem>>
        %gather3A_391 = tpu.vector_load_idx %gather3A_390[%add3A_198, %and3A_385] : memref<128x32xf32, #tpu.memory_space<vmem>>[vector<16xi32>, vector<16xi32>], vector<16xf32>,
        %gather3A_392 = arith.constant 0 : i32
        %gather3A_393 = arith.constant 0 : i32
        %gather3A_394 = arith.constant 0 : i32
        %gather3A_395 = tpu.memref_slice %arg9[%gather3A_392, %gather3A_393, %gather3A_394] : memref<2x128x32xf32, #tpu.memory_space<vmem>> -> memref<1x128x32xf32, #tpu.memory_space<vmem>>
        %gather3A_396 = tpu.memref_squeeze %gather3A_395 : memref<1x128x32xf32, #tpu.memory_space<vmem>> -> memref<128x32xf32, #tpu.memory_space<vmem>>
        %gather3A_397 = tpu.vector_load_idx %gather3A_396[%add3A_198, %and3A_385] : memref<128x32xf32, #tpu.memory_space<vmem>>[vector<16xi32>, vector<16xi32>], vector<16xf32>,
        %gather3A_398 = arith.constant 0 : i32
        %gather3A_399 = arith.constant 0 : i32
        %gather3A_400 = arith.constant 0 : i32
        %gather3A_401 = tpu.memref_slice %arg10[%gather3A_398, %gather3A_399, %gather3A_400] : memref<2x128x32xf32, #tpu.memory_space<vmem>> -> memref<1x128x32xf32, #tpu.memory_space<vmem>>
        %gather3A_402 = tpu.memref_squeeze %gather3A_401 : memref<1x128x32xf32, #tpu.memory_space<vmem>> -> memref<128x32xf32, #tpu.memory_space<vmem>>
        %gather3A_403 = tpu.vector_load_idx %gather3A_402[%add3A_198, %and3A_385] : memref<128x32xf32, #tpu.memory_space<vmem>>[vector<16xi32>, vector<16xi32>], vector<16xf32>,
        %sub3A_404 = arith.subf %gather3A_391, %gather3A_397 : vector<16xf32>
        %sub3A_405 = arith.subf %gather3A_391, %gather3A_403 : vector<16xf32>
        %mul3A_406 = arith.mulf %sub3A_404, %sub3A_404 : vector<16xf32>
        %add3A_407 = arith.addf %add3A_377, %mul3A_406 : vector<16xf32>
        %mul3A_408 = arith.mulf %sub3A_405, %sub3A_405 : vector<16xf32>
        %add3A_409 = arith.addf %add3A_379, %mul3A_408 : vector<16xf32>
        %add3A_410 = arith.constant 7 : i32
        %add3A_411 = vector.broadcast %add3A_410 : i32 to vector<16xi32>
        %add3A_412 = arith.addi %iota3A, %add3A_411 : vector<16xi32>
        %and3A_413 = arith.constant 31 : i32
        %and3A_414 = vector.broadcast %and3A_413 : i32 to vector<16xi32>
        %and3A_415 = arith.andi %add3A_412, %and3A_414 : vector<16xi32>
        %gather3A_416 = arith.constant 0 : i32
        %gather3A_417 = arith.constant 0 : i32
        %gather3A_418 = arith.constant 0 : i32
        %gather3A_419 = tpu.memref_slice %arg8[%gather3A_416, %gather3A_417, %gather3A_418] : memref<2x128x32xf32, #tpu.memory_space<vmem>> -> memref<1x128x32xf32, #tpu.memory_space<vmem>>
        %gather3A_420 = tpu.memref_squeeze %gather3A_419 : memref<1x128x32xf32, #tpu.memory_space<vmem>> -> memref<128x32xf32, #tpu.memory_space<vmem>>
        %gather3A_421 = tpu.vector_load_idx %gather3A_420[%add3A_198, %and3A_415] : memref<128x32xf32, #tpu.memory_space<vmem>>[vector<16xi32>, vector<16xi32>], vector<16xf32>,
        %gather3A_422 = arith.constant 0 : i32
        %gather3A_423 = arith.constant 0 : i32
        %gather3A_424 = arith.constant 0 : i32
        %gather3A_425 = tpu.memref_slice %arg9[%gather3A_422, %gather3A_423, %gather3A_424] : memref<2x128x32xf32, #tpu.memory_space<vmem>> -> memref<1x128x32xf32, #tpu.memory_space<vmem>>
        %gather3A_426 = tpu.memref_squeeze %gather3A_425 : memref<1x128x32xf32, #tpu.memory_space<vmem>> -> memref<128x32xf32, #tpu.memory_space<vmem>>
        %gather3A_427 = tpu.vector_load_idx %gather3A_426[%add3A_198, %and3A_415] : memref<128x32xf32, #tpu.memory_space<vmem>>[vector<16xi32>, vector<16xi32>], vector<16xf32>,
        %gather3A_428 = arith.constant 0 : i32
        %gather3A_429 = arith.constant 0 : i32
        %gather3A_430 = arith.constant 0 : i32
        %gather3A_431 = tpu.memref_slice %arg10[%gather3A_428, %gather3A_429, %gather3A_430] : memref<2x128x32xf32, #tpu.memory_space<vmem>> -> memref<1x128x32xf32, #tpu.memory_space<vmem>>
        %gather3A_432 = tpu.memref_squeeze %gather3A_431 : memref<1x128x32xf32, #tpu.memory_space<vmem>> -> memref<128x32xf32, #tpu.memory_space<vmem>>
        %gather3A_433 = tpu.vector_load_idx %gather3A_432[%add3A_198, %and3A_415] : memref<128x32xf32, #tpu.memory_space<vmem>>[vector<16xi32>, vector<16xi32>], vector<16xf32>,
        %sub3A_434 = arith.subf %gather3A_421, %gather3A_427 : vector<16xf32>
        %sub3A_435 = arith.subf %gather3A_421, %gather3A_433 : vector<16xf32>
        %mul3A_436 = arith.mulf %sub3A_434, %sub3A_434 : vector<16xf32>
        %add3A_437 = arith.addf %add3A_407, %mul3A_436 : vector<16xf32>
        %mul3A_438 = arith.mulf %sub3A_435, %sub3A_435 : vector<16xf32>
        %add3A_439 = arith.addf %add3A_409, %mul3A_438 : vector<16xf32>
        %add3A_440 = arith.constant 8 : i32
        %add3A_441 = vector.broadcast %add3A_440 : i32 to vector<16xi32>
        %add3A_442 = arith.addi %iota3A, %add3A_441 : vector<16xi32>
        %and3A_443 = arith.constant 31 : i32
        %and3A_444 = vector.broadcast %and3A_443 : i32 to vector<16xi32>
        %and3A_445 = arith.andi %add3A_442, %and3A_444 : vector<16xi32>
        %gather3A_446 = arith.constant 0 : i32
        %gather3A_447 = arith.constant 0 : i32
        %gather3A_448 = arith.constant 0 : i32
        %gather3A_449 = tpu.memref_slice %arg8[%gather3A_446, %gather3A_447, %gather3A_448] : memref<2x128x32xf32, #tpu.memory_space<vmem>> -> memref<1x128x32xf32, #tpu.memory_space<vmem>>
        %gather3A_450 = tpu.memref_squeeze %gather3A_449 : memref<1x128x32xf32, #tpu.memory_space<vmem>> -> memref<128x32xf32, #tpu.memory_space<vmem>>
        %gather3A_451 = tpu.vector_load_idx %gather3A_450[%add3A_198, %and3A_445] : memref<128x32xf32, #tpu.memory_space<vmem>>[vector<16xi32>, vector<16xi32>], vector<16xf32>,
        %gather3A_452 = arith.constant 0 : i32
        %gather3A_453 = arith.constant 0 : i32
        %gather3A_454 = arith.constant 0 : i32
        %gather3A_455 = tpu.memref_slice %arg9[%gather3A_452, %gather3A_453, %gather3A_454] : memref<2x128x32xf32, #tpu.memory_space<vmem>> -> memref<1x128x32xf32, #tpu.memory_space<vmem>>
        %gather3A_456 = tpu.memref_squeeze %gather3A_455 : memref<1x128x32xf32, #tpu.memory_space<vmem>> -> memref<128x32xf32, #tpu.memory_space<vmem>>
        %gather3A_457 = tpu.vector_load_idx %gather3A_456[%add3A_198, %and3A_445] : memref<128x32xf32, #tpu.memory_space<vmem>>[vector<16xi32>, vector<16xi32>], vector<16xf32>,
        %gather3A_458 = arith.constant 0 : i32
        %gather3A_459 = arith.constant 0 : i32
        %gather3A_460 = arith.constant 0 : i32
        %gather3A_461 = tpu.memref_slice %arg10[%gather3A_458, %gather3A_459, %gather3A_460] : memref<2x128x32xf32, #tpu.memory_space<vmem>> -> memref<1x128x32xf32, #tpu.memory_space<vmem>>
        %gather3A_462 = tpu.memref_squeeze %gather3A_461 : memref<1x128x32xf32, #tpu.memory_space<vmem>> -> memref<128x32xf32, #tpu.memory_space<vmem>>
        %gather3A_463 = tpu.vector_load_idx %gather3A_462[%add3A_198, %and3A_445] : memref<128x32xf32, #tpu.memory_space<vmem>>[vector<16xi32>, vector<16xi32>], vector<16xf32>,
        %sub3A_464 = arith.subf %gather3A_451, %gather3A_457 : vector<16xf32>
        %sub3A_465 = arith.subf %gather3A_451, %gather3A_463 : vector<16xf32>
        %mul3A_466 = arith.mulf %sub3A_464, %sub3A_464 : vector<16xf32>
        %add3A_467 = arith.addf %add3A_437, %mul3A_466 : vector<16xf32>
        %mul3A_468 = arith.mulf %sub3A_465, %sub3A_465 : vector<16xf32>
        %add3A_469 = arith.addf %add3A_439, %mul3A_468 : vector<16xf32>
        %add3A_470 = arith.constant 9 : i32
        %add3A_471 = vector.broadcast %add3A_470 : i32 to vector<16xi32>
        %add3A_472 = arith.addi %iota3A, %add3A_471 : vector<16xi32>
        %and3A_473 = arith.constant 31 : i32
        %and3A_474 = vector.broadcast %and3A_473 : i32 to vector<16xi32>
        %and3A_475 = arith.andi %add3A_472, %and3A_474 : vector<16xi32>
        %gather3A_476 = arith.constant 0 : i32
        %gather3A_477 = arith.constant 0 : i32
        %gather3A_478 = arith.constant 0 : i32
        %gather3A_479 = tpu.memref_slice %arg8[%gather3A_476, %gather3A_477, %gather3A_478] : memref<2x128x32xf32, #tpu.memory_space<vmem>> -> memref<1x128x32xf32, #tpu.memory_space<vmem>>
        %gather3A_480 = tpu.memref_squeeze %gather3A_479 : memref<1x128x32xf32, #tpu.memory_space<vmem>> -> memref<128x32xf32, #tpu.memory_space<vmem>>
        %gather3A_481 = tpu.vector_load_idx %gather3A_480[%add3A_198, %and3A_475] : memref<128x32xf32, #tpu.memory_space<vmem>>[vector<16xi32>, vector<16xi32>], vector<16xf32>,
        %gather3A_482 = arith.constant 0 : i32
        %gather3A_483 = arith.constant 0 : i32
        %gather3A_484 = arith.constant 0 : i32
        %gather3A_485 = tpu.memref_slice %arg9[%gather3A_482, %gather3A_483, %gather3A_484] : memref<2x128x32xf32, #tpu.memory_space<vmem>> -> memref<1x128x32xf32, #tpu.memory_space<vmem>>
        %gather3A_486 = tpu.memref_squeeze %gather3A_485 : memref<1x128x32xf32, #tpu.memory_space<vmem>> -> memref<128x32xf32, #tpu.memory_space<vmem>>
        %gather3A_487 = tpu.vector_load_idx %gather3A_486[%add3A_198, %and3A_475] : memref<128x32xf32, #tpu.memory_space<vmem>>[vector<16xi32>, vector<16xi32>], vector<16xf32>,
        %gather3A_488 = arith.constant 0 : i32
        %gather3A_489 = arith.constant 0 : i32
        %gather3A_490 = arith.constant 0 : i32
        %gather3A_491 = tpu.memref_slice %arg10[%gather3A_488, %gather3A_489, %gather3A_490] : memref<2x128x32xf32, #tpu.memory_space<vmem>> -> memref<1x128x32xf32, #tpu.memory_space<vmem>>
        %gather3A_492 = tpu.memref_squeeze %gather3A_491 : memref<1x128x32xf32, #tpu.memory_space<vmem>> -> memref<128x32xf32, #tpu.memory_space<vmem>>
        %gather3A_493 = tpu.vector_load_idx %gather3A_492[%add3A_198, %and3A_475] : memref<128x32xf32, #tpu.memory_space<vmem>>[vector<16xi32>, vector<16xi32>], vector<16xf32>,
        %sub3A_494 = arith.subf %gather3A_481, %gather3A_487 : vector<16xf32>
        %sub3A_495 = arith.subf %gather3A_481, %gather3A_493 : vector<16xf32>
        %mul3A_496 = arith.mulf %sub3A_494, %sub3A_494 : vector<16xf32>
        %add3A_497 = arith.addf %add3A_467, %mul3A_496 : vector<16xf32>
        %mul3A_498 = arith.mulf %sub3A_495, %sub3A_495 : vector<16xf32>
        %add3A_499 = arith.addf %add3A_469, %mul3A_498 : vector<16xf32>
        %add3A_500 = arith.constant 10 : i32
        %add3A_501 = vector.broadcast %add3A_500 : i32 to vector<16xi32>
        %add3A_502 = arith.addi %iota3A, %add3A_501 : vector<16xi32>
        %and3A_503 = arith.constant 31 : i32
        %and3A_504 = vector.broadcast %and3A_503 : i32 to vector<16xi32>
        %and3A_505 = arith.andi %add3A_502, %and3A_504 : vector<16xi32>
        %gather3A_506 = arith.constant 0 : i32
        %gather3A_507 = arith.constant 0 : i32
        %gather3A_508 = arith.constant 0 : i32
        %gather3A_509 = tpu.memref_slice %arg8[%gather3A_506, %gather3A_507, %gather3A_508] : memref<2x128x32xf32, #tpu.memory_space<vmem>> -> memref<1x128x32xf32, #tpu.memory_space<vmem>>
        %gather3A_510 = tpu.memref_squeeze %gather3A_509 : memref<1x128x32xf32, #tpu.memory_space<vmem>> -> memref<128x32xf32, #tpu.memory_space<vmem>>
        %gather3A_511 = tpu.vector_load_idx %gather3A_510[%add3A_198, %and3A_505] : memref<128x32xf32, #tpu.memory_space<vmem>>[vector<16xi32>, vector<16xi32>], vector<16xf32>,
        %gather3A_512 = arith.constant 0 : i32
        %gather3A_513 = arith.constant 0 : i32
        %gather3A_514 = arith.constant 0 : i32
        %gather3A_515 = tpu.memref_slice %arg9[%gather3A_512, %gather3A_513, %gather3A_514] : memref<2x128x32xf32, #tpu.memory_space<vmem>> -> memref<1x128x32xf32, #tpu.memory_space<vmem>>
        %gather3A_516 = tpu.memref_squeeze %gather3A_515 : memref<1x128x32xf32, #tpu.memory_space<vmem>> -> memref<128x32xf32, #tpu.memory_space<vmem>>
        %gather3A_517 = tpu.vector_load_idx %gather3A_516[%add3A_198, %and3A_505] : memref<128x32xf32, #tpu.memory_space<vmem>>[vector<16xi32>, vector<16xi32>], vector<16xf32>,
        %gather3A_518 = arith.constant 0 : i32
        %gather3A_519 = arith.constant 0 : i32
        %gather3A_520 = arith.constant 0 : i32
        %gather3A_521 = tpu.memref_slice %arg10[%gather3A_518, %gather3A_519, %gather3A_520] : memref<2x128x32xf32, #tpu.memory_space<vmem>> -> memref<1x128x32xf32, #tpu.memory_space<vmem>>
        %gather3A_522 = tpu.memref_squeeze %gather3A_521 : memref<1x128x32xf32, #tpu.memory_space<vmem>> -> memref<128x32xf32, #tpu.memory_space<vmem>>
        %gather3A_523 = tpu.vector_load_idx %gather3A_522[%add3A_198, %and3A_505] : memref<128x32xf32, #tpu.memory_space<vmem>>[vector<16xi32>, vector<16xi32>], vector<16xf32>,
        %sub3A_524 = arith.subf %gather3A_511, %gather3A_517 : vector<16xf32>
        %sub3A_525 = arith.subf %gather3A_511, %gather3A_523 : vector<16xf32>
        %mul3A_526 = arith.mulf %sub3A_524, %sub3A_524 : vector<16xf32>
        %add3A_527 = arith.addf %add3A_497, %mul3A_526 : vector<16xf32>
        %mul3A_528 = arith.mulf %sub3A_525, %sub3A_525 : vector<16xf32>
        %add3A_529 = arith.addf %add3A_499, %mul3A_528 : vector<16xf32>
        %add3A_530 = arith.constant 11 : i32
        %add3A_531 = vector.broadcast %add3A_530 : i32 to vector<16xi32>
        %add3A_532 = arith.addi %iota3A, %add3A_531 : vector<16xi32>
        %and3A_533 = arith.constant 31 : i32
        %and3A_534 = vector.broadcast %and3A_533 : i32 to vector<16xi32>
        %and3A_535 = arith.andi %add3A_532, %and3A_534 : vector<16xi32>
        %gather3A_536 = arith.constant 0 : i32
        %gather3A_537 = arith.constant 0 : i32
        %gather3A_538 = arith.constant 0 : i32
        %gather3A_539 = tpu.memref_slice %arg8[%gather3A_536, %gather3A_537, %gather3A_538] : memref<2x128x32xf32, #tpu.memory_space<vmem>> -> memref<1x128x32xf32, #tpu.memory_space<vmem>>
        %gather3A_540 = tpu.memref_squeeze %gather3A_539 : memref<1x128x32xf32, #tpu.memory_space<vmem>> -> memref<128x32xf32, #tpu.memory_space<vmem>>
        %gather3A_541 = tpu.vector_load_idx %gather3A_540[%add3A_198, %and3A_535] : memref<128x32xf32, #tpu.memory_space<vmem>>[vector<16xi32>, vector<16xi32>], vector<16xf32>,
        %gather3A_542 = arith.constant 0 : i32
        %gather3A_543 = arith.constant 0 : i32
        %gather3A_544 = arith.constant 0 : i32
        %gather3A_545 = tpu.memref_slice %arg9[%gather3A_542, %gather3A_543, %gather3A_544] : memref<2x128x32xf32, #tpu.memory_space<vmem>> -> memref<1x128x32xf32, #tpu.memory_space<vmem>>
        %gather3A_546 = tpu.memref_squeeze %gather3A_545 : memref<1x128x32xf32, #tpu.memory_space<vmem>> -> memref<128x32xf32, #tpu.memory_space<vmem>>
        %gather3A_547 = tpu.vector_load_idx %gather3A_546[%add3A_198, %and3A_535] : memref<128x32xf32, #tpu.memory_space<vmem>>[vector<16xi32>, vector<16xi32>], vector<16xf32>,
        %gather3A_548 = arith.constant 0 : i32
        %gather3A_549 = arith.constant 0 : i32
        %gather3A_550 = arith.constant 0 : i32
        %gather3A_551 = tpu.memref_slice %arg10[%gather3A_548, %gather3A_549, %gather3A_550] : memref<2x128x32xf32, #tpu.memory_space<vmem>> -> memref<1x128x32xf32, #tpu.memory_space<vmem>>
        %gather3A_552 = tpu.memref_squeeze %gather3A_551 : memref<1x128x32xf32, #tpu.memory_space<vmem>> -> memref<128x32xf32, #tpu.memory_space<vmem>>
        %gather3A_553 = tpu.vector_load_idx %gather3A_552[%add3A_198, %and3A_535] : memref<128x32xf32, #tpu.memory_space<vmem>>[vector<16xi32>, vector<16xi32>], vector<16xf32>,
        %sub3A_554 = arith.subf %gather3A_541, %gather3A_547 : vector<16xf32>
        %sub3A_555 = arith.subf %gather3A_541, %gather3A_553 : vector<16xf32>
        %mul3A_556 = arith.mulf %sub3A_554, %sub3A_554 : vector<16xf32>
        %add3A_557 = arith.addf %add3A_527, %mul3A_556 : vector<16xf32>
        %mul3A_558 = arith.mulf %sub3A_555, %sub3A_555 : vector<16xf32>
        %add3A_559 = arith.addf %add3A_529, %mul3A_558 : vector<16xf32>
        %add3A_560 = arith.constant 12 : i32
        %add3A_561 = vector.broadcast %add3A_560 : i32 to vector<16xi32>
        %add3A_562 = arith.addi %iota3A, %add3A_561 : vector<16xi32>
        %and3A_563 = arith.constant 31 : i32
        %and3A_564 = vector.broadcast %and3A_563 : i32 to vector<16xi32>
        %and3A_565 = arith.andi %add3A_562, %and3A_564 : vector<16xi32>
        %gather3A_566 = arith.constant 0 : i32
        %gather3A_567 = arith.constant 0 : i32
        %gather3A_568 = arith.constant 0 : i32
        %gather3A_569 = tpu.memref_slice %arg8[%gather3A_566, %gather3A_567, %gather3A_568] : memref<2x128x32xf32, #tpu.memory_space<vmem>> -> memref<1x128x32xf32, #tpu.memory_space<vmem>>
        %gather3A_570 = tpu.memref_squeeze %gather3A_569 : memref<1x128x32xf32, #tpu.memory_space<vmem>> -> memref<128x32xf32, #tpu.memory_space<vmem>>
        %gather3A_571 = tpu.vector_load_idx %gather3A_570[%add3A_198, %and3A_565] : memref<128x32xf32, #tpu.memory_space<vmem>>[vector<16xi32>, vector<16xi32>], vector<16xf32>,
        %gather3A_572 = arith.constant 0 : i32
        %gather3A_573 = arith.constant 0 : i32
        %gather3A_574 = arith.constant 0 : i32
        %gather3A_575 = tpu.memref_slice %arg9[%gather3A_572, %gather3A_573, %gather3A_574] : memref<2x128x32xf32, #tpu.memory_space<vmem>> -> memref<1x128x32xf32, #tpu.memory_space<vmem>>
        %gather3A_576 = tpu.memref_squeeze %gather3A_575 : memref<1x128x32xf32, #tpu.memory_space<vmem>> -> memref<128x32xf32, #tpu.memory_space<vmem>>
        %gather3A_577 = tpu.vector_load_idx %gather3A_576[%add3A_198, %and3A_565] : memref<128x32xf32, #tpu.memory_space<vmem>>[vector<16xi32>, vector<16xi32>], vector<16xf32>,
        %gather3A_578 = arith.constant 0 : i32
        %gather3A_579 = arith.constant 0 : i32
        %gather3A_580 = arith.constant 0 : i32
        %gather3A_581 = tpu.memref_slice %arg10[%gather3A_578, %gather3A_579, %gather3A_580] : memref<2x128x32xf32, #tpu.memory_space<vmem>> -> memref<1x128x32xf32, #tpu.memory_space<vmem>>
        %gather3A_582 = tpu.memref_squeeze %gather3A_581 : memref<1x128x32xf32, #tpu.memory_space<vmem>> -> memref<128x32xf32, #tpu.memory_space<vmem>>
        %gather3A_583 = tpu.vector_load_idx %gather3A_582[%add3A_198, %and3A_565] : memref<128x32xf32, #tpu.memory_space<vmem>>[vector<16xi32>, vector<16xi32>], vector<16xf32>,
        %sub3A_584 = arith.subf %gather3A_571, %gather3A_577 : vector<16xf32>
        %sub3A_585 = arith.subf %gather3A_571, %gather3A_583 : vector<16xf32>
        %mul3A_586 = arith.mulf %sub3A_584, %sub3A_584 : vector<16xf32>
        %add3A_587 = arith.addf %add3A_557, %mul3A_586 : vector<16xf32>
        %mul3A_588 = arith.mulf %sub3A_585, %sub3A_585 : vector<16xf32>
        %add3A_589 = arith.addf %add3A_559, %mul3A_588 : vector<16xf32>
        %add3A_590 = arith.constant 13 : i32
        %add3A_591 = vector.broadcast %add3A_590 : i32 to vector<16xi32>
        %add3A_592 = arith.addi %iota3A, %add3A_591 : vector<16xi32>
        %and3A_593 = arith.constant 31 : i32
        %and3A_594 = vector.broadcast %and3A_593 : i32 to vector<16xi32>
        %and3A_595 = arith.andi %add3A_592, %and3A_594 : vector<16xi32>
        %gather3A_596 = arith.constant 0 : i32
        %gather3A_597 = arith.constant 0 : i32
        %gather3A_598 = arith.constant 0 : i32
        %gather3A_599 = tpu.memref_slice %arg8[%gather3A_596, %gather3A_597, %gather3A_598] : memref<2x128x32xf32, #tpu.memory_space<vmem>> -> memref<1x128x32xf32, #tpu.memory_space<vmem>>
        %gather3A_600 = tpu.memref_squeeze %gather3A_599 : memref<1x128x32xf32, #tpu.memory_space<vmem>> -> memref<128x32xf32, #tpu.memory_space<vmem>>
        %gather3A_601 = tpu.vector_load_idx %gather3A_600[%add3A_198, %and3A_595] : memref<128x32xf32, #tpu.memory_space<vmem>>[vector<16xi32>, vector<16xi32>], vector<16xf32>,
        %gather3A_602 = arith.constant 0 : i32
        %gather3A_603 = arith.constant 0 : i32
        %gather3A_604 = arith.constant 0 : i32
        %gather3A_605 = tpu.memref_slice %arg9[%gather3A_602, %gather3A_603, %gather3A_604] : memref<2x128x32xf32, #tpu.memory_space<vmem>> -> memref<1x128x32xf32, #tpu.memory_space<vmem>>
        %gather3A_606 = tpu.memref_squeeze %gather3A_605 : memref<1x128x32xf32, #tpu.memory_space<vmem>> -> memref<128x32xf32, #tpu.memory_space<vmem>>
        %gather3A_607 = tpu.vector_load_idx %gather3A_606[%add3A_198, %and3A_595] : memref<128x32xf32, #tpu.memory_space<vmem>>[vector<16xi32>, vector<16xi32>], vector<16xf32>,
        %gather3A_608 = arith.constant 0 : i32
        %gather3A_609 = arith.constant 0 : i32
        %gather3A_610 = arith.constant 0 : i32
        %gather3A_611 = tpu.memref_slice %arg10[%gather3A_608, %gather3A_609, %gather3A_610] : memref<2x128x32xf32, #tpu.memory_space<vmem>> -> memref<1x128x32xf32, #tpu.memory_space<vmem>>
        %gather3A_612 = tpu.memref_squeeze %gather3A_611 : memref<1x128x32xf32, #tpu.memory_space<vmem>> -> memref<128x32xf32, #tpu.memory_space<vmem>>
        %gather3A_613 = tpu.vector_load_idx %gather3A_612[%add3A_198, %and3A_595] : memref<128x32xf32, #tpu.memory_space<vmem>>[vector<16xi32>, vector<16xi32>], vector<16xf32>,
        %sub3A_614 = arith.subf %gather3A_601, %gather3A_607 : vector<16xf32>
        %sub3A_615 = arith.subf %gather3A_601, %gather3A_613 : vector<16xf32>
        %mul3A_616 = arith.mulf %sub3A_614, %sub3A_614 : vector<16xf32>
        %add3A_617 = arith.addf %add3A_587, %mul3A_616 : vector<16xf32>
        %mul3A_618 = arith.mulf %sub3A_615, %sub3A_615 : vector<16xf32>
        %add3A_619 = arith.addf %add3A_589, %mul3A_618 : vector<16xf32>
        %add3A_620 = arith.constant 14 : i32
        %add3A_621 = vector.broadcast %add3A_620 : i32 to vector<16xi32>
        %add3A_622 = arith.addi %iota3A, %add3A_621 : vector<16xi32>
        %and3A_623 = arith.constant 31 : i32
        %and3A_624 = vector.broadcast %and3A_623 : i32 to vector<16xi32>
        %and3A_625 = arith.andi %add3A_622, %and3A_624 : vector<16xi32>
        %gather3A_626 = arith.constant 0 : i32
        %gather3A_627 = arith.constant 0 : i32
        %gather3A_628 = arith.constant 0 : i32
        %gather3A_629 = tpu.memref_slice %arg8[%gather3A_626, %gather3A_627, %gather3A_628] : memref<2x128x32xf32, #tpu.memory_space<vmem>> -> memref<1x128x32xf32, #tpu.memory_space<vmem>>
        %gather3A_630 = tpu.memref_squeeze %gather3A_629 : memref<1x128x32xf32, #tpu.memory_space<vmem>> -> memref<128x32xf32, #tpu.memory_space<vmem>>
        %gather3A_631 = tpu.vector_load_idx %gather3A_630[%add3A_198, %and3A_625] : memref<128x32xf32, #tpu.memory_space<vmem>>[vector<16xi32>, vector<16xi32>], vector<16xf32>,
        %gather3A_632 = arith.constant 0 : i32
        %gather3A_633 = arith.constant 0 : i32
        %gather3A_634 = arith.constant 0 : i32
        %gather3A_635 = tpu.memref_slice %arg9[%gather3A_632, %gather3A_633, %gather3A_634] : memref<2x128x32xf32, #tpu.memory_space<vmem>> -> memref<1x128x32xf32, #tpu.memory_space<vmem>>
        %gather3A_636 = tpu.memref_squeeze %gather3A_635 : memref<1x128x32xf32, #tpu.memory_space<vmem>> -> memref<128x32xf32, #tpu.memory_space<vmem>>
        %gather3A_637 = tpu.vector_load_idx %gather3A_636[%add3A_198, %and3A_625] : memref<128x32xf32, #tpu.memory_space<vmem>>[vector<16xi32>, vector<16xi32>], vector<16xf32>,
        %gather3A_638 = arith.constant 0 : i32
        %gather3A_639 = arith.constant 0 : i32
        %gather3A_640 = arith.constant 0 : i32
        %gather3A_641 = tpu.memref_slice %arg10[%gather3A_638, %gather3A_639, %gather3A_640] : memref<2x128x32xf32, #tpu.memory_space<vmem>> -> memref<1x128x32xf32, #tpu.memory_space<vmem>>
        %gather3A_642 = tpu.memref_squeeze %gather3A_641 : memref<1x128x32xf32, #tpu.memory_space<vmem>> -> memref<128x32xf32, #tpu.memory_space<vmem>>
        %gather3A_643 = tpu.vector_load_idx %gather3A_642[%add3A_198, %and3A_625] : memref<128x32xf32, #tpu.memory_space<vmem>>[vector<16xi32>, vector<16xi32>], vector<16xf32>,
        %sub3A_644 = arith.subf %gather3A_631, %gather3A_637 : vector<16xf32>
        %sub3A_645 = arith.subf %gather3A_631, %gather3A_643 : vector<16xf32>
        %mul3A_646 = arith.mulf %sub3A_644, %sub3A_644 : vector<16xf32>
        %add3A_647 = arith.addf %add3A_617, %mul3A_646 : vector<16xf32>
        %mul3A_648 = arith.mulf %sub3A_645, %sub3A_645 : vector<16xf32>
        %add3A_649 = arith.addf %add3A_619, %mul3A_648 : vector<16xf32>
        %add3A_650 = arith.constant 15 : i32
        %add3A_651 = vector.broadcast %add3A_650 : i32 to vector<16xi32>
        %add3A_652 = arith.addi %iota3A, %add3A_651 : vector<16xi32>
        %and3A_653 = arith.constant 31 : i32
        %and3A_654 = vector.broadcast %and3A_653 : i32 to vector<16xi32>
        %and3A_655 = arith.andi %add3A_652, %and3A_654 : vector<16xi32>
        %gather3A_656 = arith.constant 0 : i32
        %gather3A_657 = arith.constant 0 : i32
        %gather3A_658 = arith.constant 0 : i32
        %gather3A_659 = tpu.memref_slice %arg8[%gather3A_656, %gather3A_657, %gather3A_658] : memref<2x128x32xf32, #tpu.memory_space<vmem>> -> memref<1x128x32xf32, #tpu.memory_space<vmem>>
        %gather3A_660 = tpu.memref_squeeze %gather3A_659 : memref<1x128x32xf32, #tpu.memory_space<vmem>> -> memref<128x32xf32, #tpu.memory_space<vmem>>
        %gather3A_661 = tpu.vector_load_idx %gather3A_660[%add3A_198, %and3A_655] : memref<128x32xf32, #tpu.memory_space<vmem>>[vector<16xi32>, vector<16xi32>], vector<16xf32>,
        %gather3A_662 = arith.constant 0 : i32
        %gather3A_663 = arith.constant 0 : i32
        %gather3A_664 = arith.constant 0 : i32
        %gather3A_665 = tpu.memref_slice %arg9[%gather3A_662, %gather3A_663, %gather3A_664] : memref<2x128x32xf32, #tpu.memory_space<vmem>> -> memref<1x128x32xf32, #tpu.memory_space<vmem>>
        %gather3A_666 = tpu.memref_squeeze %gather3A_665 : memref<1x128x32xf32, #tpu.memory_space<vmem>> -> memref<128x32xf32, #tpu.memory_space<vmem>>
        %gather3A_667 = tpu.vector_load_idx %gather3A_666[%add3A_198, %and3A_655] : memref<128x32xf32, #tpu.memory_space<vmem>>[vector<16xi32>, vector<16xi32>], vector<16xf32>,
        %gather3A_668 = arith.constant 0 : i32
        %gather3A_669 = arith.constant 0 : i32
        %gather3A_670 = arith.constant 0 : i32
        %gather3A_671 = tpu.memref_slice %arg10[%gather3A_668, %gather3A_669, %gather3A_670] : memref<2x128x32xf32, #tpu.memory_space<vmem>> -> memref<1x128x32xf32, #tpu.memory_space<vmem>>
        %gather3A_672 = tpu.memref_squeeze %gather3A_671 : memref<1x128x32xf32, #tpu.memory_space<vmem>> -> memref<128x32xf32, #tpu.memory_space<vmem>>
        %gather3A_673 = tpu.vector_load_idx %gather3A_672[%add3A_198, %and3A_655] : memref<128x32xf32, #tpu.memory_space<vmem>>[vector<16xi32>, vector<16xi32>], vector<16xf32>,
        %sub3A_674 = arith.subf %gather3A_661, %gather3A_667 : vector<16xf32>
        %sub3A_675 = arith.subf %gather3A_661, %gather3A_673 : vector<16xf32>
        %mul3A_676 = arith.mulf %sub3A_674, %sub3A_674 : vector<16xf32>
        %add3A_677 = arith.addf %add3A_647, %mul3A_676 : vector<16xf32>
        %mul3A_678 = arith.mulf %sub3A_675, %sub3A_675 : vector<16xf32>
        %add3A_679 = arith.addf %add3A_649, %mul3A_678 : vector<16xf32>
        %add3A_680 = arith.constant 16 : i32
        %add3A_681 = vector.broadcast %add3A_680 : i32 to vector<16xi32>
        %add3A_682 = arith.addi %iota3A, %add3A_681 : vector<16xi32>
        %and3A_683 = arith.constant 31 : i32
        %and3A_684 = vector.broadcast %and3A_683 : i32 to vector<16xi32>
        %and3A_685 = arith.andi %add3A_682, %and3A_684 : vector<16xi32>
        %gather3A_686 = arith.constant 0 : i32
        %gather3A_687 = arith.constant 0 : i32
        %gather3A_688 = arith.constant 0 : i32
        %gather3A_689 = tpu.memref_slice %arg8[%gather3A_686, %gather3A_687, %gather3A_688] : memref<2x128x32xf32, #tpu.memory_space<vmem>> -> memref<1x128x32xf32, #tpu.memory_space<vmem>>
        %gather3A_690 = tpu.memref_squeeze %gather3A_689 : memref<1x128x32xf32, #tpu.memory_space<vmem>> -> memref<128x32xf32, #tpu.memory_space<vmem>>
        %gather3A_691 = tpu.vector_load_idx %gather3A_690[%add3A_198, %and3A_685] : memref<128x32xf32, #tpu.memory_space<vmem>>[vector<16xi32>, vector<16xi32>], vector<16xf32>,
        %gather3A_692 = arith.constant 0 : i32
        %gather3A_693 = arith.constant 0 : i32
        %gather3A_694 = arith.constant 0 : i32
        %gather3A_695 = tpu.memref_slice %arg9[%gather3A_692, %gather3A_693, %gather3A_694] : memref<2x128x32xf32, #tpu.memory_space<vmem>> -> memref<1x128x32xf32, #tpu.memory_space<vmem>>
        %gather3A_696 = tpu.memref_squeeze %gather3A_695 : memref<1x128x32xf32, #tpu.memory_space<vmem>> -> memref<128x32xf32, #tpu.memory_space<vmem>>
        %gather3A_697 = tpu.vector_load_idx %gather3A_696[%add3A_198, %and3A_685] : memref<128x32xf32, #tpu.memory_space<vmem>>[vector<16xi32>, vector<16xi32>], vector<16xf32>,
        %gather3A_698 = arith.constant 0 : i32
        %gather3A_699 = arith.constant 0 : i32
        %gather3A_700 = arith.constant 0 : i32
        %gather3A_701 = tpu.memref_slice %arg10[%gather3A_698, %gather3A_699, %gather3A_700] : memref<2x128x32xf32, #tpu.memory_space<vmem>> -> memref<1x128x32xf32, #tpu.memory_space<vmem>>
        %gather3A_702 = tpu.memref_squeeze %gather3A_701 : memref<1x128x32xf32, #tpu.memory_space<vmem>> -> memref<128x32xf32, #tpu.memory_space<vmem>>
        %gather3A_703 = tpu.vector_load_idx %gather3A_702[%add3A_198, %and3A_685] : memref<128x32xf32, #tpu.memory_space<vmem>>[vector<16xi32>, vector<16xi32>], vector<16xf32>,
        %sub3A_704 = arith.subf %gather3A_691, %gather3A_697 : vector<16xf32>
        %sub3A_705 = arith.subf %gather3A_691, %gather3A_703 : vector<16xf32>
        %mul3A_706 = arith.mulf %sub3A_704, %sub3A_704 : vector<16xf32>
        %add3A_707 = arith.addf %add3A_677, %mul3A_706 : vector<16xf32>
        %mul3A_708 = arith.mulf %sub3A_705, %sub3A_705 : vector<16xf32>
        %add3A_709 = arith.addf %add3A_679, %mul3A_708 : vector<16xf32>
        %add3A_710 = arith.constant 17 : i32
        %add3A_711 = vector.broadcast %add3A_710 : i32 to vector<16xi32>
        %add3A_712 = arith.addi %iota3A, %add3A_711 : vector<16xi32>
        %and3A_713 = arith.constant 31 : i32
        %and3A_714 = vector.broadcast %and3A_713 : i32 to vector<16xi32>
        %and3A_715 = arith.andi %add3A_712, %and3A_714 : vector<16xi32>
        %gather3A_716 = arith.constant 0 : i32
        %gather3A_717 = arith.constant 0 : i32
        %gather3A_718 = arith.constant 0 : i32
        %gather3A_719 = tpu.memref_slice %arg8[%gather3A_716, %gather3A_717, %gather3A_718] : memref<2x128x32xf32, #tpu.memory_space<vmem>> -> memref<1x128x32xf32, #tpu.memory_space<vmem>>
        %gather3A_720 = tpu.memref_squeeze %gather3A_719 : memref<1x128x32xf32, #tpu.memory_space<vmem>> -> memref<128x32xf32, #tpu.memory_space<vmem>>
        %gather3A_721 = tpu.vector_load_idx %gather3A_720[%add3A_198, %and3A_715] : memref<128x32xf32, #tpu.memory_space<vmem>>[vector<16xi32>, vector<16xi32>], vector<16xf32>,
        %gather3A_722 = arith.constant 0 : i32
        %gather3A_723 = arith.constant 0 : i32
        %gather3A_724 = arith.constant 0 : i32
        %gather3A_725 = tpu.memref_slice %arg9[%gather3A_722, %gather3A_723, %gather3A_724] : memref<2x128x32xf32, #tpu.memory_space<vmem>> -> memref<1x128x32xf32, #tpu.memory_space<vmem>>
        %gather3A_726 = tpu.memref_squeeze %gather3A_725 : memref<1x128x32xf32, #tpu.memory_space<vmem>> -> memref<128x32xf32, #tpu.memory_space<vmem>>
        %gather3A_727 = tpu.vector_load_idx %gather3A_726[%add3A_198, %and3A_715] : memref<128x32xf32, #tpu.memory_space<vmem>>[vector<16xi32>, vector<16xi32>], vector<16xf32>,
        %gather3A_728 = arith.constant 0 : i32
        %gather3A_729 = arith.constant 0 : i32
        %gather3A_730 = arith.constant 0 : i32
        %gather3A_731 = tpu.memref_slice %arg10[%gather3A_728, %gather3A_729, %gather3A_730] : memref<2x128x32xf32, #tpu.memory_space<vmem>> -> memref<1x128x32xf32, #tpu.memory_space<vmem>>
        %gather3A_732 = tpu.memref_squeeze %gather3A_731 : memref<1x128x32xf32, #tpu.memory_space<vmem>> -> memref<128x32xf32, #tpu.memory_space<vmem>>
        %gather3A_733 = tpu.vector_load_idx %gather3A_732[%add3A_198, %and3A_715] : memref<128x32xf32, #tpu.memory_space<vmem>>[vector<16xi32>, vector<16xi32>], vector<16xf32>,
        %sub3A_734 = arith.subf %gather3A_721, %gather3A_727 : vector<16xf32>
        %sub3A_735 = arith.subf %gather3A_721, %gather3A_733 : vector<16xf32>
        %mul3A_736 = arith.mulf %sub3A_734, %sub3A_734 : vector<16xf32>
        %add3A_737 = arith.addf %add3A_707, %mul3A_736 : vector<16xf32>
        %mul3A_738 = arith.mulf %sub3A_735, %sub3A_735 : vector<16xf32>
        %add3A_739 = arith.addf %add3A_709, %mul3A_738 : vector<16xf32>
        %add3A_740 = arith.constant 18 : i32
        %add3A_741 = vector.broadcast %add3A_740 : i32 to vector<16xi32>
        %add3A_742 = arith.addi %iota3A, %add3A_741 : vector<16xi32>
        %and3A_743 = arith.constant 31 : i32
        %and3A_744 = vector.broadcast %and3A_743 : i32 to vector<16xi32>
        %and3A_745 = arith.andi %add3A_742, %and3A_744 : vector<16xi32>
        %gather3A_746 = arith.constant 0 : i32
        %gather3A_747 = arith.constant 0 : i32
        %gather3A_748 = arith.constant 0 : i32
        %gather3A_749 = tpu.memref_slice %arg8[%gather3A_746, %gather3A_747, %gather3A_748] : memref<2x128x32xf32, #tpu.memory_space<vmem>> -> memref<1x128x32xf32, #tpu.memory_space<vmem>>
        %gather3A_750 = tpu.memref_squeeze %gather3A_749 : memref<1x128x32xf32, #tpu.memory_space<vmem>> -> memref<128x32xf32, #tpu.memory_space<vmem>>
        %gather3A_751 = tpu.vector_load_idx %gather3A_750[%add3A_198, %and3A_745] : memref<128x32xf32, #tpu.memory_space<vmem>>[vector<16xi32>, vector<16xi32>], vector<16xf32>,
        %gather3A_752 = arith.constant 0 : i32
        %gather3A_753 = arith.constant 0 : i32
        %gather3A_754 = arith.constant 0 : i32
        %gather3A_755 = tpu.memref_slice %arg9[%gather3A_752, %gather3A_753, %gather3A_754] : memref<2x128x32xf32, #tpu.memory_space<vmem>> -> memref<1x128x32xf32, #tpu.memory_space<vmem>>
        %gather3A_756 = tpu.memref_squeeze %gather3A_755 : memref<1x128x32xf32, #tpu.memory_space<vmem>> -> memref<128x32xf32, #tpu.memory_space<vmem>>
        %gather3A_757 = tpu.vector_load_idx %gather3A_756[%add3A_198, %and3A_745] : memref<128x32xf32, #tpu.memory_space<vmem>>[vector<16xi32>, vector<16xi32>], vector<16xf32>,
        %gather3A_758 = arith.constant 0 : i32
        %gather3A_759 = arith.constant 0 : i32
        %gather3A_760 = arith.constant 0 : i32
        %gather3A_761 = tpu.memref_slice %arg10[%gather3A_758, %gather3A_759, %gather3A_760] : memref<2x128x32xf32, #tpu.memory_space<vmem>> -> memref<1x128x32xf32, #tpu.memory_space<vmem>>
        %gather3A_762 = tpu.memref_squeeze %gather3A_761 : memref<1x128x32xf32, #tpu.memory_space<vmem>> -> memref<128x32xf32, #tpu.memory_space<vmem>>
        %gather3A_763 = tpu.vector_load_idx %gather3A_762[%add3A_198, %and3A_745] : memref<128x32xf32, #tpu.memory_space<vmem>>[vector<16xi32>, vector<16xi32>], vector<16xf32>,
        %sub3A_764 = arith.subf %gather3A_751, %gather3A_757 : vector<16xf32>
        %sub3A_765 = arith.subf %gather3A_751, %gather3A_763 : vector<16xf32>
        %mul3A_766 = arith.mulf %sub3A_764, %sub3A_764 : vector<16xf32>
        %add3A_767 = arith.addf %add3A_737, %mul3A_766 : vector<16xf32>
        %mul3A_768 = arith.mulf %sub3A_765, %sub3A_765 : vector<16xf32>
        %add3A_769 = arith.addf %add3A_739, %mul3A_768 : vector<16xf32>
        %add3A_770 = arith.constant 19 : i32
        %add3A_771 = vector.broadcast %add3A_770 : i32 to vector<16xi32>
        %add3A_772 = arith.addi %iota3A, %add3A_771 : vector<16xi32>
        %and3A_773 = arith.constant 31 : i32
        %and3A_774 = vector.broadcast %and3A_773 : i32 to vector<16xi32>
        %and3A_775 = arith.andi %add3A_772, %and3A_774 : vector<16xi32>
        %gather3A_776 = arith.constant 0 : i32
        %gather3A_777 = arith.constant 0 : i32
        %gather3A_778 = arith.constant 0 : i32
        %gather3A_779 = tpu.memref_slice %arg8[%gather3A_776, %gather3A_777, %gather3A_778] : memref<2x128x32xf32, #tpu.memory_space<vmem>> -> memref<1x128x32xf32, #tpu.memory_space<vmem>>
        %gather3A_780 = tpu.memref_squeeze %gather3A_779 : memref<1x128x32xf32, #tpu.memory_space<vmem>> -> memref<128x32xf32, #tpu.memory_space<vmem>>
        %gather3A_781 = tpu.vector_load_idx %gather3A_780[%add3A_198, %and3A_775] : memref<128x32xf32, #tpu.memory_space<vmem>>[vector<16xi32>, vector<16xi32>], vector<16xf32>,
        %gather3A_782 = arith.constant 0 : i32
        %gather3A_783 = arith.constant 0 : i32
        %gather3A_784 = arith.constant 0 : i32
        %gather3A_785 = tpu.memref_slice %arg9[%gather3A_782, %gather3A_783, %gather3A_784] : memref<2x128x32xf32, #tpu.memory_space<vmem>> -> memref<1x128x32xf32, #tpu.memory_space<vmem>>
        %gather3A_786 = tpu.memref_squeeze %gather3A_785 : memref<1x128x32xf32, #tpu.memory_space<vmem>> -> memref<128x32xf32, #tpu.memory_space<vmem>>
        %gather3A_787 = tpu.vector_load_idx %gather3A_786[%add3A_198, %and3A_775] : memref<128x32xf32, #tpu.memory_space<vmem>>[vector<16xi32>, vector<16xi32>], vector<16xf32>,
        %gather3A_788 = arith.constant 0 : i32
        %gather3A_789 = arith.constant 0 : i32
        %gather3A_790 = arith.constant 0 : i32
        %gather3A_791 = tpu.memref_slice %arg10[%gather3A_788, %gather3A_789, %gather3A_790] : memref<2x128x32xf32, #tpu.memory_space<vmem>> -> memref<1x128x32xf32, #tpu.memory_space<vmem>>
        %gather3A_792 = tpu.memref_squeeze %gather3A_791 : memref<1x128x32xf32, #tpu.memory_space<vmem>> -> memref<128x32xf32, #tpu.memory_space<vmem>>
        %gather3A_793 = tpu.vector_load_idx %gather3A_792[%add3A_198, %and3A_775] : memref<128x32xf32, #tpu.memory_space<vmem>>[vector<16xi32>, vector<16xi32>], vector<16xf32>,
        %sub3A_794 = arith.subf %gather3A_781, %gather3A_787 : vector<16xf32>
        %sub3A_795 = arith.subf %gather3A_781, %gather3A_793 : vector<16xf32>
        %mul3A_796 = arith.mulf %sub3A_794, %sub3A_794 : vector<16xf32>
        %add3A_797 = arith.addf %add3A_767, %mul3A_796 : vector<16xf32>
        %mul3A_798 = arith.mulf %sub3A_795, %sub3A_795 : vector<16xf32>
        %add3A_799 = arith.addf %add3A_769, %mul3A_798 : vector<16xf32>
        %add3A_800 = arith.constant 20 : i32
        %add3A_801 = vector.broadcast %add3A_800 : i32 to vector<16xi32>
        %add3A_802 = arith.addi %iota3A, %add3A_801 : vector<16xi32>
        %and3A_803 = arith.constant 31 : i32
        %and3A_804 = vector.broadcast %and3A_803 : i32 to vector<16xi32>
        %and3A_805 = arith.andi %add3A_802, %and3A_804 : vector<16xi32>
        %gather3A_806 = arith.constant 0 : i32
        %gather3A_807 = arith.constant 0 : i32
        %gather3A_808 = arith.constant 0 : i32
        %gather3A_809 = tpu.memref_slice %arg8[%gather3A_806, %gather3A_807, %gather3A_808] : memref<2x128x32xf32, #tpu.memory_space<vmem>> -> memref<1x128x32xf32, #tpu.memory_space<vmem>>
        %gather3A_810 = tpu.memref_squeeze %gather3A_809 : memref<1x128x32xf32, #tpu.memory_space<vmem>> -> memref<128x32xf32, #tpu.memory_space<vmem>>
        %gather3A_811 = tpu.vector_load_idx %gather3A_810[%add3A_198, %and3A_805] : memref<128x32xf32, #tpu.memory_space<vmem>>[vector<16xi32>, vector<16xi32>], vector<16xf32>,
        %gather3A_812 = arith.constant 0 : i32
        %gather3A_813 = arith.constant 0 : i32
        %gather3A_814 = arith.constant 0 : i32
        %gather3A_815 = tpu.memref_slice %arg9[%gather3A_812, %gather3A_813, %gather3A_814] : memref<2x128x32xf32, #tpu.memory_space<vmem>> -> memref<1x128x32xf32, #tpu.memory_space<vmem>>
        %gather3A_816 = tpu.memref_squeeze %gather3A_815 : memref<1x128x32xf32, #tpu.memory_space<vmem>> -> memref<128x32xf32, #tpu.memory_space<vmem>>
        %gather3A_817 = tpu.vector_load_idx %gather3A_816[%add3A_198, %and3A_805] : memref<128x32xf32, #tpu.memory_space<vmem>>[vector<16xi32>, vector<16xi32>], vector<16xf32>,
        %gather3A_818 = arith.constant 0 : i32
        %gather3A_819 = arith.constant 0 : i32
        %gather3A_820 = arith.constant 0 : i32
        %gather3A_821 = tpu.memref_slice %arg10[%gather3A_818, %gather3A_819, %gather3A_820] : memref<2x128x32xf32, #tpu.memory_space<vmem>> -> memref<1x128x32xf32, #tpu.memory_space<vmem>>
        %gather3A_822 = tpu.memref_squeeze %gather3A_821 : memref<1x128x32xf32, #tpu.memory_space<vmem>> -> memref<128x32xf32, #tpu.memory_space<vmem>>
        %gather3A_823 = tpu.vector_load_idx %gather3A_822[%add3A_198, %and3A_805] : memref<128x32xf32, #tpu.memory_space<vmem>>[vector<16xi32>, vector<16xi32>], vector<16xf32>,
        %sub3A_824 = arith.subf %gather3A_811, %gather3A_817 : vector<16xf32>
        %sub3A_825 = arith.subf %gather3A_811, %gather3A_823 : vector<16xf32>
        %mul3A_826 = arith.mulf %sub3A_824, %sub3A_824 : vector<16xf32>
        %add3A_827 = arith.addf %add3A_797, %mul3A_826 : vector<16xf32>
        %mul3A_828 = arith.mulf %sub3A_825, %sub3A_825 : vector<16xf32>
        %add3A_829 = arith.addf %add3A_799, %mul3A_828 : vector<16xf32>
        %add3A_830 = arith.constant 21 : i32
        %add3A_831 = vector.broadcast %add3A_830 : i32 to vector<16xi32>
        %add3A_832 = arith.addi %iota3A, %add3A_831 : vector<16xi32>
        %and3A_833 = arith.constant 31 : i32
        %and3A_834 = vector.broadcast %and3A_833 : i32 to vector<16xi32>
        %and3A_835 = arith.andi %add3A_832, %and3A_834 : vector<16xi32>
        %gather3A_836 = arith.constant 0 : i32
        %gather3A_837 = arith.constant 0 : i32
        %gather3A_838 = arith.constant 0 : i32
        %gather3A_839 = tpu.memref_slice %arg8[%gather3A_836, %gather3A_837, %gather3A_838] : memref<2x128x32xf32, #tpu.memory_space<vmem>> -> memref<1x128x32xf32, #tpu.memory_space<vmem>>
        %gather3A_840 = tpu.memref_squeeze %gather3A_839 : memref<1x128x32xf32, #tpu.memory_space<vmem>> -> memref<128x32xf32, #tpu.memory_space<vmem>>
        %gather3A_841 = tpu.vector_load_idx %gather3A_840[%add3A_198, %and3A_835] : memref<128x32xf32, #tpu.memory_space<vmem>>[vector<16xi32>, vector<16xi32>], vector<16xf32>,
        %gather3A_842 = arith.constant 0 : i32
        %gather3A_843 = arith.constant 0 : i32
        %gather3A_844 = arith.constant 0 : i32
        %gather3A_845 = tpu.memref_slice %arg9[%gather3A_842, %gather3A_843, %gather3A_844] : memref<2x128x32xf32, #tpu.memory_space<vmem>> -> memref<1x128x32xf32, #tpu.memory_space<vmem>>
        %gather3A_846 = tpu.memref_squeeze %gather3A_845 : memref<1x128x32xf32, #tpu.memory_space<vmem>> -> memref<128x32xf32, #tpu.memory_space<vmem>>
        %gather3A_847 = tpu.vector_load_idx %gather3A_846[%add3A_198, %and3A_835] : memref<128x32xf32, #tpu.memory_space<vmem>>[vector<16xi32>, vector<16xi32>], vector<16xf32>,
        %gather3A_848 = arith.constant 0 : i32
        %gather3A_849 = arith.constant 0 : i32
        %gather3A_850 = arith.constant 0 : i32
        %gather3A_851 = tpu.memref_slice %arg10[%gather3A_848, %gather3A_849, %gather3A_850] : memref<2x128x32xf32, #tpu.memory_space<vmem>> -> memref<1x128x32xf32, #tpu.memory_space<vmem>>
        %gather3A_852 = tpu.memref_squeeze %gather3A_851 : memref<1x128x32xf32, #tpu.memory_space<vmem>> -> memref<128x32xf32, #tpu.memory_space<vmem>>
        %gather3A_853 = tpu.vector_load_idx %gather3A_852[%add3A_198, %and3A_835] : memref<128x32xf32, #tpu.memory_space<vmem>>[vector<16xi32>, vector<16xi32>], vector<16xf32>,
        %sub3A_854 = arith.subf %gather3A_841, %gather3A_847 : vector<16xf32>
        %sub3A_855 = arith.subf %gather3A_841, %gather3A_853 : vector<16xf32>
        %mul3A_856 = arith.mulf %sub3A_854, %sub3A_854 : vector<16xf32>
        %add3A_857 = arith.addf %add3A_827, %mul3A_856 : vector<16xf32>
        %mul3A_858 = arith.mulf %sub3A_855, %sub3A_855 : vector<16xf32>
        %add3A_859 = arith.addf %add3A_829, %mul3A_858 : vector<16xf32>
        %add3A_860 = arith.constant 22 : i32
        %add3A_861 = vector.broadcast %add3A_860 : i32 to vector<16xi32>
        %add3A_862 = arith.addi %iota3A, %add3A_861 : vector<16xi32>
        %and3A_863 = arith.constant 31 : i32
        %and3A_864 = vector.broadcast %and3A_863 : i32 to vector<16xi32>
        %and3A_865 = arith.andi %add3A_862, %and3A_864 : vector<16xi32>
        %gather3A_866 = arith.constant 0 : i32
        %gather3A_867 = arith.constant 0 : i32
        %gather3A_868 = arith.constant 0 : i32
        %gather3A_869 = tpu.memref_slice %arg8[%gather3A_866, %gather3A_867, %gather3A_868] : memref<2x128x32xf32, #tpu.memory_space<vmem>> -> memref<1x128x32xf32, #tpu.memory_space<vmem>>
        %gather3A_870 = tpu.memref_squeeze %gather3A_869 : memref<1x128x32xf32, #tpu.memory_space<vmem>> -> memref<128x32xf32, #tpu.memory_space<vmem>>
        %gather3A_871 = tpu.vector_load_idx %gather3A_870[%add3A_198, %and3A_865] : memref<128x32xf32, #tpu.memory_space<vmem>>[vector<16xi32>, vector<16xi32>], vector<16xf32>,
        %gather3A_872 = arith.constant 0 : i32
        %gather3A_873 = arith.constant 0 : i32
        %gather3A_874 = arith.constant 0 : i32
        %gather3A_875 = tpu.memref_slice %arg9[%gather3A_872, %gather3A_873, %gather3A_874] : memref<2x128x32xf32, #tpu.memory_space<vmem>> -> memref<1x128x32xf32, #tpu.memory_space<vmem>>
        %gather3A_876 = tpu.memref_squeeze %gather3A_875 : memref<1x128x32xf32, #tpu.memory_space<vmem>> -> memref<128x32xf32, #tpu.memory_space<vmem>>
        %gather3A_877 = tpu.vector_load_idx %gather3A_876[%add3A_198, %and3A_865] : memref<128x32xf32, #tpu.memory_space<vmem>>[vector<16xi32>, vector<16xi32>], vector<16xf32>,
        %gather3A_878 = arith.constant 0 : i32
        %gather3A_879 = arith.constant 0 : i32
        %gather3A_880 = arith.constant 0 : i32
        %gather3A_881 = tpu.memref_slice %arg10[%gather3A_878, %gather3A_879, %gather3A_880] : memref<2x128x32xf32, #tpu.memory_space<vmem>> -> memref<1x128x32xf32, #tpu.memory_space<vmem>>
        %gather3A_882 = tpu.memref_squeeze %gather3A_881 : memref<1x128x32xf32, #tpu.memory_space<vmem>> -> memref<128x32xf32, #tpu.memory_space<vmem>>
        %gather3A_883 = tpu.vector_load_idx %gather3A_882[%add3A_198, %and3A_865] : memref<128x32xf32, #tpu.memory_space<vmem>>[vector<16xi32>, vector<16xi32>], vector<16xf32>,
        %sub3A_884 = arith.subf %gather3A_871, %gather3A_877 : vector<16xf32>
        %sub3A_885 = arith.subf %gather3A_871, %gather3A_883 : vector<16xf32>
        %mul3A_886 = arith.mulf %sub3A_884, %sub3A_884 : vector<16xf32>
        %add3A_887 = arith.addf %add3A_857, %mul3A_886 : vector<16xf32>
        %mul3A_888 = arith.mulf %sub3A_885, %sub3A_885 : vector<16xf32>
        %add3A_889 = arith.addf %add3A_859, %mul3A_888 : vector<16xf32>
        %add3A_890 = arith.constant 23 : i32
        %add3A_891 = vector.broadcast %add3A_890 : i32 to vector<16xi32>
        %add3A_892 = arith.addi %iota3A, %add3A_891 : vector<16xi32>
        %and3A_893 = arith.constant 31 : i32
        %and3A_894 = vector.broadcast %and3A_893 : i32 to vector<16xi32>
        %and3A_895 = arith.andi %add3A_892, %and3A_894 : vector<16xi32>
        %gather3A_896 = arith.constant 0 : i32
        %gather3A_897 = arith.constant 0 : i32
        %gather3A_898 = arith.constant 0 : i32
        %gather3A_899 = tpu.memref_slice %arg8[%gather3A_896, %gather3A_897, %gather3A_898] : memref<2x128x32xf32, #tpu.memory_space<vmem>> -> memref<1x128x32xf32, #tpu.memory_space<vmem>>
        %gather3A_900 = tpu.memref_squeeze %gather3A_899 : memref<1x128x32xf32, #tpu.memory_space<vmem>> -> memref<128x32xf32, #tpu.memory_space<vmem>>
        %gather3A_901 = tpu.vector_load_idx %gather3A_900[%add3A_198, %and3A_895] : memref<128x32xf32, #tpu.memory_space<vmem>>[vector<16xi32>, vector<16xi32>], vector<16xf32>,
        %gather3A_902 = arith.constant 0 : i32
        %gather3A_903 = arith.constant 0 : i32
        %gather3A_904 = arith.constant 0 : i32
        %gather3A_905 = tpu.memref_slice %arg9[%gather3A_902, %gather3A_903, %gather3A_904] : memref<2x128x32xf32, #tpu.memory_space<vmem>> -> memref<1x128x32xf32, #tpu.memory_space<vmem>>
        %gather3A_906 = tpu.memref_squeeze %gather3A_905 : memref<1x128x32xf32, #tpu.memory_space<vmem>> -> memref<128x32xf32, #tpu.memory_space<vmem>>
        %gather3A_907 = tpu.vector_load_idx %gather3A_906[%add3A_198, %and3A_895] : memref<128x32xf32, #tpu.memory_space<vmem>>[vector<16xi32>, vector<16xi32>], vector<16xf32>,
        %gather3A_908 = arith.constant 0 : i32
        %gather3A_909 = arith.constant 0 : i32
        %gather3A_910 = arith.constant 0 : i32
        %gather3A_911 = tpu.memref_slice %arg10[%gather3A_908, %gather3A_909, %gather3A_910] : memref<2x128x32xf32, #tpu.memory_space<vmem>> -> memref<1x128x32xf32, #tpu.memory_space<vmem>>
        %gather3A_912 = tpu.memref_squeeze %gather3A_911 : memref<1x128x32xf32, #tpu.memory_space<vmem>> -> memref<128x32xf32, #tpu.memory_space<vmem>>
        %gather3A_913 = tpu.vector_load_idx %gather3A_912[%add3A_198, %and3A_895] : memref<128x32xf32, #tpu.memory_space<vmem>>[vector<16xi32>, vector<16xi32>], vector<16xf32>,
        %sub3A_914 = arith.subf %gather3A_901, %gather3A_907 : vector<16xf32>
        %sub3A_915 = arith.subf %gather3A_901, %gather3A_913 : vector<16xf32>
        %mul3A_916 = arith.mulf %sub3A_914, %sub3A_914 : vector<16xf32>
        %add3A_917 = arith.addf %add3A_887, %mul3A_916 : vector<16xf32>
        %mul3A_918 = arith.mulf %sub3A_915, %sub3A_915 : vector<16xf32>
        %add3A_919 = arith.addf %add3A_889, %mul3A_918 : vector<16xf32>
        %add3A_920 = arith.constant 24 : i32
        %add3A_921 = vector.broadcast %add3A_920 : i32 to vector<16xi32>
        %add3A_922 = arith.addi %iota3A, %add3A_921 : vector<16xi32>
        %and3A_923 = arith.constant 31 : i32
        %and3A_924 = vector.broadcast %and3A_923 : i32 to vector<16xi32>
        %and3A_925 = arith.andi %add3A_922, %and3A_924 : vector<16xi32>
        %gather3A_926 = arith.constant 0 : i32
        %gather3A_927 = arith.constant 0 : i32
        %gather3A_928 = arith.constant 0 : i32
        %gather3A_929 = tpu.memref_slice %arg8[%gather3A_926, %gather3A_927, %gather3A_928] : memref<2x128x32xf32, #tpu.memory_space<vmem>> -> memref<1x128x32xf32, #tpu.memory_space<vmem>>
        %gather3A_930 = tpu.memref_squeeze %gather3A_929 : memref<1x128x32xf32, #tpu.memory_space<vmem>> -> memref<128x32xf32, #tpu.memory_space<vmem>>
        %gather3A_931 = tpu.vector_load_idx %gather3A_930[%add3A_198, %and3A_925] : memref<128x32xf32, #tpu.memory_space<vmem>>[vector<16xi32>, vector<16xi32>], vector<16xf32>,
        %gather3A_932 = arith.constant 0 : i32
        %gather3A_933 = arith.constant 0 : i32
        %gather3A_934 = arith.constant 0 : i32
        %gather3A_935 = tpu.memref_slice %arg9[%gather3A_932, %gather3A_933, %gather3A_934] : memref<2x128x32xf32, #tpu.memory_space<vmem>> -> memref<1x128x32xf32, #tpu.memory_space<vmem>>
        %gather3A_936 = tpu.memref_squeeze %gather3A_935 : memref<1x128x32xf32, #tpu.memory_space<vmem>> -> memref<128x32xf32, #tpu.memory_space<vmem>>
        %gather3A_937 = tpu.vector_load_idx %gather3A_936[%add3A_198, %and3A_925] : memref<128x32xf32, #tpu.memory_space<vmem>>[vector<16xi32>, vector<16xi32>], vector<16xf32>,
        %gather3A_938 = arith.constant 0 : i32
        %gather3A_939 = arith.constant 0 : i32
        %gather3A_940 = arith.constant 0 : i32
        %gather3A_941 = tpu.memref_slice %arg10[%gather3A_938, %gather3A_939, %gather3A_940] : memref<2x128x32xf32, #tpu.memory_space<vmem>> -> memref<1x128x32xf32, #tpu.memory_space<vmem>>
        %gather3A_942 = tpu.memref_squeeze %gather3A_941 : memref<1x128x32xf32, #tpu.memory_space<vmem>> -> memref<128x32xf32, #tpu.memory_space<vmem>>
        %gather3A_943 = tpu.vector_load_idx %gather3A_942[%add3A_198, %and3A_925] : memref<128x32xf32, #tpu.memory_space<vmem>>[vector<16xi32>, vector<16xi32>], vector<16xf32>,
        %sub3A_944 = arith.subf %gather3A_931, %gather3A_937 : vector<16xf32>
        %sub3A_945 = arith.subf %gather3A_931, %gather3A_943 : vector<16xf32>
        %mul3A_946 = arith.mulf %sub3A_944, %sub3A_944 : vector<16xf32>
        %add3A_947 = arith.addf %add3A_917, %mul3A_946 : vector<16xf32>
        %mul3A_948 = arith.mulf %sub3A_945, %sub3A_945 : vector<16xf32>
        %add3A_949 = arith.addf %add3A_919, %mul3A_948 : vector<16xf32>
        %add3A_950 = arith.constant 25 : i32
        %add3A_951 = vector.broadcast %add3A_950 : i32 to vector<16xi32>
        %add3A_952 = arith.addi %iota3A, %add3A_951 : vector<16xi32>
        %and3A_953 = arith.constant 31 : i32
        %and3A_954 = vector.broadcast %and3A_953 : i32 to vector<16xi32>
        %and3A_955 = arith.andi %add3A_952, %and3A_954 : vector<16xi32>
        %gather3A_956 = arith.constant 0 : i32
        %gather3A_957 = arith.constant 0 : i32
        %gather3A_958 = arith.constant 0 : i32
        %gather3A_959 = tpu.memref_slice %arg8[%gather3A_956, %gather3A_957, %gather3A_958] : memref<2x128x32xf32, #tpu.memory_space<vmem>> -> memref<1x128x32xf32, #tpu.memory_space<vmem>>
        %gather3A_960 = tpu.memref_squeeze %gather3A_959 : memref<1x128x32xf32, #tpu.memory_space<vmem>> -> memref<128x32xf32, #tpu.memory_space<vmem>>
        %gather3A_961 = tpu.vector_load_idx %gather3A_960[%add3A_198, %and3A_955] : memref<128x32xf32, #tpu.memory_space<vmem>>[vector<16xi32>, vector<16xi32>], vector<16xf32>,
        %gather3A_962 = arith.constant 0 : i32
        %gather3A_963 = arith.constant 0 : i32
        %gather3A_964 = arith.constant 0 : i32
        %gather3A_965 = tpu.memref_slice %arg9[%gather3A_962, %gather3A_963, %gather3A_964] : memref<2x128x32xf32, #tpu.memory_space<vmem>> -> memref<1x128x32xf32, #tpu.memory_space<vmem>>
        %gather3A_966 = tpu.memref_squeeze %gather3A_965 : memref<1x128x32xf32, #tpu.memory_space<vmem>> -> memref<128x32xf32, #tpu.memory_space<vmem>>
        %gather3A_967 = tpu.vector_load_idx %gather3A_966[%add3A_198, %and3A_955] : memref<128x32xf32, #tpu.memory_space<vmem>>[vector<16xi32>, vector<16xi32>], vector<16xf32>,
        %gather3A_968 = arith.constant 0 : i32
        %gather3A_969 = arith.constant 0 : i32
        %gather3A_970 = arith.constant 0 : i32
        %gather3A_971 = tpu.memref_slice %arg10[%gather3A_968, %gather3A_969, %gather3A_970] : memref<2x128x32xf32, #tpu.memory_space<vmem>> -> memref<1x128x32xf32, #tpu.memory_space<vmem>>
        %gather3A_972 = tpu.memref_squeeze %gather3A_971 : memref<1x128x32xf32, #tpu.memory_space<vmem>> -> memref<128x32xf32, #tpu.memory_space<vmem>>
        %gather3A_973 = tpu.vector_load_idx %gather3A_972[%add3A_198, %and3A_955] : memref<128x32xf32, #tpu.memory_space<vmem>>[vector<16xi32>, vector<16xi32>], vector<16xf32>,
        %sub3A_974 = arith.subf %gather3A_961, %gather3A_967 : vector<16xf32>
        %sub3A_975 = arith.subf %gather3A_961, %gather3A_973 : vector<16xf32>
        %mul3A_976 = arith.mulf %sub3A_974, %sub3A_974 : vector<16xf32>
        %add3A_977 = arith.addf %add3A_947, %mul3A_976 : vector<16xf32>
        %mul3A_978 = arith.mulf %sub3A_975, %sub3A_975 : vector<16xf32>
        %add3A_979 = arith.addf %add3A_949, %mul3A_978 : vector<16xf32>
        %add3A_980 = arith.constant 26 : i32
        %add3A_981 = vector.broadcast %add3A_980 : i32 to vector<16xi32>
        %add3A_982 = arith.addi %iota3A, %add3A_981 : vector<16xi32>
        %and3A_983 = arith.constant 31 : i32
        %and3A_984 = vector.broadcast %and3A_983 : i32 to vector<16xi32>
        %and3A_985 = arith.andi %add3A_982, %and3A_984 : vector<16xi32>
        %gather3A_986 = arith.constant 0 : i32
        %gather3A_987 = arith.constant 0 : i32
        %gather3A_988 = arith.constant 0 : i32
        %gather3A_989 = tpu.memref_slice %arg8[%gather3A_986, %gather3A_987, %gather3A_988] : memref<2x128x32xf32, #tpu.memory_space<vmem>> -> memref<1x128x32xf32, #tpu.memory_space<vmem>>
        %gather3A_990 = tpu.memref_squeeze %gather3A_989 : memref<1x128x32xf32, #tpu.memory_space<vmem>> -> memref<128x32xf32, #tpu.memory_space<vmem>>
        %gather3A_991 = tpu.vector_load_idx %gather3A_990[%add3A_198, %and3A_985] : memref<128x32xf32, #tpu.memory_space<vmem>>[vector<16xi32>, vector<16xi32>], vector<16xf32>,
        %gather3A_992 = arith.constant 0 : i32
        %gather3A_993 = arith.constant 0 : i32
        %gather3A_994 = arith.constant 0 : i32
        %gather3A_995 = tpu.memref_slice %arg9[%gather3A_992, %gather3A_993, %gather3A_994] : memref<2x128x32xf32, #tpu.memory_space<vmem>> -> memref<1x128x32xf32, #tpu.memory_space<vmem>>
        %gather3A_996 = tpu.memref_squeeze %gather3A_995 : memref<1x128x32xf32, #tpu.memory_space<vmem>> -> memref<128x32xf32, #tpu.memory_space<vmem>>
        %gather3A_997 = tpu.vector_load_idx %gather3A_996[%add3A_198, %and3A_985] : memref<128x32xf32, #tpu.memory_space<vmem>>[vector<16xi32>, vector<16xi32>], vector<16xf32>,
        %gather3A_998 = arith.constant 0 : i32
        %gather3A_999 = arith.constant 0 : i32
        %gather3A_1000 = arith.constant 0 : i32
        %gather3A_1001 = tpu.memref_slice %arg10[%gather3A_998, %gather3A_999, %gather3A_1000] : memref<2x128x32xf32, #tpu.memory_space<vmem>> -> memref<1x128x32xf32, #tpu.memory_space<vmem>>
        %gather3A_1002 = tpu.memref_squeeze %gather3A_1001 : memref<1x128x32xf32, #tpu.memory_space<vmem>> -> memref<128x32xf32, #tpu.memory_space<vmem>>
        %gather3A_1003 = tpu.vector_load_idx %gather3A_1002[%add3A_198, %and3A_985] : memref<128x32xf32, #tpu.memory_space<vmem>>[vector<16xi32>, vector<16xi32>], vector<16xf32>,
        %sub3A_1004 = arith.subf %gather3A_991, %gather3A_997 : vector<16xf32>
        %sub3A_1005 = arith.subf %gather3A_991, %gather3A_1003 : vector<16xf32>
        %mul3A_1006 = arith.mulf %sub3A_1004, %sub3A_1004 : vector<16xf32>
        %add3A_1007 = arith.addf %add3A_977, %mul3A_1006 : vector<16xf32>
        %mul3A_1008 = arith.mulf %sub3A_1005, %sub3A_1005 : vector<16xf32>
        %add3A_1009 = arith.addf %add3A_979, %mul3A_1008 : vector<16xf32>
        %add3A_1010 = arith.constant 27 : i32
        %add3A_1011 = vector.broadcast %add3A_1010 : i32 to vector<16xi32>
        %add3A_1012 = arith.addi %iota3A, %add3A_1011 : vector<16xi32>
        %and3A_1013 = arith.constant 31 : i32
        %and3A_1014 = vector.broadcast %and3A_1013 : i32 to vector<16xi32>
        %and3A_1015 = arith.andi %add3A_1012, %and3A_1014 : vector<16xi32>
        %gather3A_1016 = arith.constant 0 : i32
        %gather3A_1017 = arith.constant 0 : i32
        %gather3A_1018 = arith.constant 0 : i32
        %gather3A_1019 = tpu.memref_slice %arg8[%gather3A_1016, %gather3A_1017, %gather3A_1018] : memref<2x128x32xf32, #tpu.memory_space<vmem>> -> memref<1x128x32xf32, #tpu.memory_space<vmem>>
        %gather3A_1020 = tpu.memref_squeeze %gather3A_1019 : memref<1x128x32xf32, #tpu.memory_space<vmem>> -> memref<128x32xf32, #tpu.memory_space<vmem>>
        %gather3A_1021 = tpu.vector_load_idx %gather3A_1020[%add3A_198, %and3A_1015] : memref<128x32xf32, #tpu.memory_space<vmem>>[vector<16xi32>, vector<16xi32>], vector<16xf32>,
        %gather3A_1022 = arith.constant 0 : i32
        %gather3A_1023 = arith.constant 0 : i32
        %gather3A_1024 = arith.constant 0 : i32
        %gather3A_1025 = tpu.memref_slice %arg9[%gather3A_1022, %gather3A_1023, %gather3A_1024] : memref<2x128x32xf32, #tpu.memory_space<vmem>> -> memref<1x128x32xf32, #tpu.memory_space<vmem>>
        %gather3A_1026 = tpu.memref_squeeze %gather3A_1025 : memref<1x128x32xf32, #tpu.memory_space<vmem>> -> memref<128x32xf32, #tpu.memory_space<vmem>>
        %gather3A_1027 = tpu.vector_load_idx %gather3A_1026[%add3A_198, %and3A_1015] : memref<128x32xf32, #tpu.memory_space<vmem>>[vector<16xi32>, vector<16xi32>], vector<16xf32>,
        %gather3A_1028 = arith.constant 0 : i32
        %gather3A_1029 = arith.constant 0 : i32
        %gather3A_1030 = arith.constant 0 : i32
        %gather3A_1031 = tpu.memref_slice %arg10[%gather3A_1028, %gather3A_1029, %gather3A_1030] : memref<2x128x32xf32, #tpu.memory_space<vmem>> -> memref<1x128x32xf32, #tpu.memory_space<vmem>>
        %gather3A_1032 = tpu.memref_squeeze %gather3A_1031 : memref<1x128x32xf32, #tpu.memory_space<vmem>> -> memref<128x32xf32, #tpu.memory_space<vmem>>
        %gather3A_1033 = tpu.vector_load_idx %gather3A_1032[%add3A_198, %and3A_1015] : memref<128x32xf32, #tpu.memory_space<vmem>>[vector<16xi32>, vector<16xi32>], vector<16xf32>,
        %sub3A_1034 = arith.subf %gather3A_1021, %gather3A_1027 : vector<16xf32>
        %sub3A_1035 = arith.subf %gather3A_1021, %gather3A_1033 : vector<16xf32>
        %mul3A_1036 = arith.mulf %sub3A_1034, %sub3A_1034 : vector<16xf32>
        %add3A_1037 = arith.addf %add3A_1007, %mul3A_1036 : vector<16xf32>
        %mul3A_1038 = arith.mulf %sub3A_1035, %sub3A_1035 : vector<16xf32>
        %add3A_1039 = arith.addf %add3A_1009, %mul3A_1038 : vector<16xf32>
        %add3A_1040 = arith.constant 28 : i32
        %add3A_1041 = vector.broadcast %add3A_1040 : i32 to vector<16xi32>
        %add3A_1042 = arith.addi %iota3A, %add3A_1041 : vector<16xi32>
        %and3A_1043 = arith.constant 31 : i32
        %and3A_1044 = vector.broadcast %and3A_1043 : i32 to vector<16xi32>
        %and3A_1045 = arith.andi %add3A_1042, %and3A_1044 : vector<16xi32>
        %gather3A_1046 = arith.constant 0 : i32
        %gather3A_1047 = arith.constant 0 : i32
        %gather3A_1048 = arith.constant 0 : i32
        %gather3A_1049 = tpu.memref_slice %arg8[%gather3A_1046, %gather3A_1047, %gather3A_1048] : memref<2x128x32xf32, #tpu.memory_space<vmem>> -> memref<1x128x32xf32, #tpu.memory_space<vmem>>
        %gather3A_1050 = tpu.memref_squeeze %gather3A_1049 : memref<1x128x32xf32, #tpu.memory_space<vmem>> -> memref<128x32xf32, #tpu.memory_space<vmem>>
        %gather3A_1051 = tpu.vector_load_idx %gather3A_1050[%add3A_198, %and3A_1045] : memref<128x32xf32, #tpu.memory_space<vmem>>[vector<16xi32>, vector<16xi32>], vector<16xf32>,
        %gather3A_1052 = arith.constant 0 : i32
        %gather3A_1053 = arith.constant 0 : i32
        %gather3A_1054 = arith.constant 0 : i32
        %gather3A_1055 = tpu.memref_slice %arg9[%gather3A_1052, %gather3A_1053, %gather3A_1054] : memref<2x128x32xf32, #tpu.memory_space<vmem>> -> memref<1x128x32xf32, #tpu.memory_space<vmem>>
        %gather3A_1056 = tpu.memref_squeeze %gather3A_1055 : memref<1x128x32xf32, #tpu.memory_space<vmem>> -> memref<128x32xf32, #tpu.memory_space<vmem>>
        %gather3A_1057 = tpu.vector_load_idx %gather3A_1056[%add3A_198, %and3A_1045] : memref<128x32xf32, #tpu.memory_space<vmem>>[vector<16xi32>, vector<16xi32>], vector<16xf32>,
        %gather3A_1058 = arith.constant 0 : i32
        %gather3A_1059 = arith.constant 0 : i32
        %gather3A_1060 = arith.constant 0 : i32
        %gather3A_1061 = tpu.memref_slice %arg10[%gather3A_1058, %gather3A_1059, %gather3A_1060] : memref<2x128x32xf32, #tpu.memory_space<vmem>> -> memref<1x128x32xf32, #tpu.memory_space<vmem>>
        %gather3A_1062 = tpu.memref_squeeze %gather3A_1061 : memref<1x128x32xf32, #tpu.memory_space<vmem>> -> memref<128x32xf32, #tpu.memory_space<vmem>>
        %gather3A_1063 = tpu.vector_load_idx %gather3A_1062[%add3A_198, %and3A_1045] : memref<128x32xf32, #tpu.memory_space<vmem>>[vector<16xi32>, vector<16xi32>], vector<16xf32>,
        %sub3A_1064 = arith.subf %gather3A_1051, %gather3A_1057 : vector<16xf32>
        %sub3A_1065 = arith.subf %gather3A_1051, %gather3A_1063 : vector<16xf32>
        %mul3A_1066 = arith.mulf %sub3A_1064, %sub3A_1064 : vector<16xf32>
        %add3A_1067 = arith.addf %add3A_1037, %mul3A_1066 : vector<16xf32>
        %mul3A_1068 = arith.mulf %sub3A_1065, %sub3A_1065 : vector<16xf32>
        %add3A_1069 = arith.addf %add3A_1039, %mul3A_1068 : vector<16xf32>
        %add3A_1070 = arith.constant 29 : i32
        %add3A_1071 = vector.broadcast %add3A_1070 : i32 to vector<16xi32>
        %add3A_1072 = arith.addi %iota3A, %add3A_1071 : vector<16xi32>
        %and3A_1073 = arith.constant 31 : i32
        %and3A_1074 = vector.broadcast %and3A_1073 : i32 to vector<16xi32>
        %and3A_1075 = arith.andi %add3A_1072, %and3A_1074 : vector<16xi32>
        %gather3A_1076 = arith.constant 0 : i32
        %gather3A_1077 = arith.constant 0 : i32
        %gather3A_1078 = arith.constant 0 : i32
        %gather3A_1079 = tpu.memref_slice %arg8[%gather3A_1076, %gather3A_1077, %gather3A_1078] : memref<2x128x32xf32, #tpu.memory_space<vmem>> -> memref<1x128x32xf32, #tpu.memory_space<vmem>>
        %gather3A_1080 = tpu.memref_squeeze %gather3A_1079 : memref<1x128x32xf32, #tpu.memory_space<vmem>> -> memref<128x32xf32, #tpu.memory_space<vmem>>
        %gather3A_1081 = tpu.vector_load_idx %gather3A_1080[%add3A_198, %and3A_1075] : memref<128x32xf32, #tpu.memory_space<vmem>>[vector<16xi32>, vector<16xi32>], vector<16xf32>,
        %gather3A_1082 = arith.constant 0 : i32
        %gather3A_1083 = arith.constant 0 : i32
        %gather3A_1084 = arith.constant 0 : i32
        %gather3A_1085 = tpu.memref_slice %arg9[%gather3A_1082, %gather3A_1083, %gather3A_1084] : memref<2x128x32xf32, #tpu.memory_space<vmem>> -> memref<1x128x32xf32, #tpu.memory_space<vmem>>
        %gather3A_1086 = tpu.memref_squeeze %gather3A_1085 : memref<1x128x32xf32, #tpu.memory_space<vmem>> -> memref<128x32xf32, #tpu.memory_space<vmem>>
        %gather3A_1087 = tpu.vector_load_idx %gather3A_1086[%add3A_198, %and3A_1075] : memref<128x32xf32, #tpu.memory_space<vmem>>[vector<16xi32>, vector<16xi32>], vector<16xf32>,
        %gather3A_1088 = arith.constant 0 : i32
        %gather3A_1089 = arith.constant 0 : i32
        %gather3A_1090 = arith.constant 0 : i32
        %gather3A_1091 = tpu.memref_slice %arg10[%gather3A_1088, %gather3A_1089, %gather3A_1090] : memref<2x128x32xf32, #tpu.memory_space<vmem>> -> memref<1x128x32xf32, #tpu.memory_space<vmem>>
        %gather3A_1092 = tpu.memref_squeeze %gather3A_1091 : memref<1x128x32xf32, #tpu.memory_space<vmem>> -> memref<128x32xf32, #tpu.memory_space<vmem>>
        %gather3A_1093 = tpu.vector_load_idx %gather3A_1092[%add3A_198, %and3A_1075] : memref<128x32xf32, #tpu.memory_space<vmem>>[vector<16xi32>, vector<16xi32>], vector<16xf32>,
        %sub3A_1094 = arith.subf %gather3A_1081, %gather3A_1087 : vector<16xf32>
        %sub3A_1095 = arith.subf %gather3A_1081, %gather3A_1093 : vector<16xf32>
        %mul3A_1096 = arith.mulf %sub3A_1094, %sub3A_1094 : vector<16xf32>
        %add3A_1097 = arith.addf %add3A_1067, %mul3A_1096 : vector<16xf32>
        %mul3A_1098 = arith.mulf %sub3A_1095, %sub3A_1095 : vector<16xf32>
        %add3A_1099 = arith.addf %add3A_1069, %mul3A_1098 : vector<16xf32>
        %add3A_1100 = arith.constant 30 : i32
        %add3A_1101 = vector.broadcast %add3A_1100 : i32 to vector<16xi32>
        %add3A_1102 = arith.addi %iota3A, %add3A_1101 : vector<16xi32>
        %and3A_1103 = arith.constant 31 : i32
        %and3A_1104 = vector.broadcast %and3A_1103 : i32 to vector<16xi32>
        %and3A_1105 = arith.andi %add3A_1102, %and3A_1104 : vector<16xi32>
        %gather3A_1106 = arith.constant 0 : i32
        %gather3A_1107 = arith.constant 0 : i32
        %gather3A_1108 = arith.constant 0 : i32
        %gather3A_1109 = tpu.memref_slice %arg8[%gather3A_1106, %gather3A_1107, %gather3A_1108] : memref<2x128x32xf32, #tpu.memory_space<vmem>> -> memref<1x128x32xf32, #tpu.memory_space<vmem>>
        %gather3A_1110 = tpu.memref_squeeze %gather3A_1109 : memref<1x128x32xf32, #tpu.memory_space<vmem>> -> memref<128x32xf32, #tpu.memory_space<vmem>>
        %gather3A_1111 = tpu.vector_load_idx %gather3A_1110[%add3A_198, %and3A_1105] : memref<128x32xf32, #tpu.memory_space<vmem>>[vector<16xi32>, vector<16xi32>], vector<16xf32>,
        %gather3A_1112 = arith.constant 0 : i32
        %gather3A_1113 = arith.constant 0 : i32
        %gather3A_1114 = arith.constant 0 : i32
        %gather3A_1115 = tpu.memref_slice %arg9[%gather3A_1112, %gather3A_1113, %gather3A_1114] : memref<2x128x32xf32, #tpu.memory_space<vmem>> -> memref<1x128x32xf32, #tpu.memory_space<vmem>>
        %gather3A_1116 = tpu.memref_squeeze %gather3A_1115 : memref<1x128x32xf32, #tpu.memory_space<vmem>> -> memref<128x32xf32, #tpu.memory_space<vmem>>
        %gather3A_1117 = tpu.vector_load_idx %gather3A_1116[%add3A_198, %and3A_1105] : memref<128x32xf32, #tpu.memory_space<vmem>>[vector<16xi32>, vector<16xi32>], vector<16xf32>,
        %gather3A_1118 = arith.constant 0 : i32
        %gather3A_1119 = arith.constant 0 : i32
        %gather3A_1120 = arith.constant 0 : i32
        %gather3A_1121 = tpu.memref_slice %arg10[%gather3A_1118, %gather3A_1119, %gather3A_1120] : memref<2x128x32xf32, #tpu.memory_space<vmem>> -> memref<1x128x32xf32, #tpu.memory_space<vmem>>
        %gather3A_1122 = tpu.memref_squeeze %gather3A_1121 : memref<1x128x32xf32, #tpu.memory_space<vmem>> -> memref<128x32xf32, #tpu.memory_space<vmem>>
        %gather3A_1123 = tpu.vector_load_idx %gather3A_1122[%add3A_198, %and3A_1105] : memref<128x32xf32, #tpu.memory_space<vmem>>[vector<16xi32>, vector<16xi32>], vector<16xf32>,
        %sub3A_1124 = arith.subf %gather3A_1111, %gather3A_1117 : vector<16xf32>
        %sub3A_1125 = arith.subf %gather3A_1111, %gather3A_1123 : vector<16xf32>
        %mul3A_1126 = arith.mulf %sub3A_1124, %sub3A_1124 : vector<16xf32>
        %add3A_1127 = arith.addf %add3A_1097, %mul3A_1126 : vector<16xf32>
        %mul3A_1128 = arith.mulf %sub3A_1125, %sub3A_1125 : vector<16xf32>
        %add3A_1129 = arith.addf %add3A_1099, %mul3A_1128 : vector<16xf32>
        %add3A_1130 = arith.constant 31 : i32
        %add3A_1131 = vector.broadcast %add3A_1130 : i32 to vector<16xi32>
        %add3A_1132 = arith.addi %iota3A, %add3A_1131 : vector<16xi32>
        %and3A_1133 = arith.constant 31 : i32
        %and3A_1134 = vector.broadcast %and3A_1133 : i32 to vector<16xi32>
        %and3A_1135 = arith.andi %add3A_1132, %and3A_1134 : vector<16xi32>
        %gather3A_1136 = arith.constant 0 : i32
        %gather3A_1137 = arith.constant 0 : i32
        %gather3A_1138 = arith.constant 0 : i32
        %gather3A_1139 = tpu.memref_slice %arg8[%gather3A_1136, %gather3A_1137, %gather3A_1138] : memref<2x128x32xf32, #tpu.memory_space<vmem>> -> memref<1x128x32xf32, #tpu.memory_space<vmem>>
        %gather3A_1140 = tpu.memref_squeeze %gather3A_1139 : memref<1x128x32xf32, #tpu.memory_space<vmem>> -> memref<128x32xf32, #tpu.memory_space<vmem>>
        %gather3A_1141 = tpu.vector_load_idx %gather3A_1140[%add3A_198, %and3A_1135] : memref<128x32xf32, #tpu.memory_space<vmem>>[vector<16xi32>, vector<16xi32>], vector<16xf32>,
        %gather3A_1142 = arith.constant 0 : i32
        %gather3A_1143 = arith.constant 0 : i32
        %gather3A_1144 = arith.constant 0 : i32
        %gather3A_1145 = tpu.memref_slice %arg9[%gather3A_1142, %gather3A_1143, %gather3A_1144] : memref<2x128x32xf32, #tpu.memory_space<vmem>> -> memref<1x128x32xf32, #tpu.memory_space<vmem>>
        %gather3A_1146 = tpu.memref_squeeze %gather3A_1145 : memref<1x128x32xf32, #tpu.memory_space<vmem>> -> memref<128x32xf32, #tpu.memory_space<vmem>>
        %gather3A_1147 = tpu.vector_load_idx %gather3A_1146[%add3A_198, %and3A_1135] : memref<128x32xf32, #tpu.memory_space<vmem>>[vector<16xi32>, vector<16xi32>], vector<16xf32>,
        %gather3A_1148 = arith.constant 0 : i32
        %gather3A_1149 = arith.constant 0 : i32
        %gather3A_1150 = arith.constant 0 : i32
        %gather3A_1151 = tpu.memref_slice %arg10[%gather3A_1148, %gather3A_1149, %gather3A_1150] : memref<2x128x32xf32, #tpu.memory_space<vmem>> -> memref<1x128x32xf32, #tpu.memory_space<vmem>>
        %gather3A_1152 = tpu.memref_squeeze %gather3A_1151 : memref<1x128x32xf32, #tpu.memory_space<vmem>> -> memref<128x32xf32, #tpu.memory_space<vmem>>
        %gather3A_1153 = tpu.vector_load_idx %gather3A_1152[%add3A_198, %and3A_1135] : memref<128x32xf32, #tpu.memory_space<vmem>>[vector<16xi32>, vector<16xi32>], vector<16xf32>,
        %sub3A_1154 = arith.subf %gather3A_1141, %gather3A_1147 : vector<16xf32>
        %sub3A_1155 = arith.subf %gather3A_1141, %gather3A_1153 : vector<16xf32>
        %mul3A_1156 = arith.mulf %sub3A_1154, %sub3A_1154 : vector<16xf32>
        %add3A_1157 = arith.addf %add3A_1127, %mul3A_1156 : vector<16xf32>
        %mul3A_1158 = arith.mulf %sub3A_1155, %sub3A_1155 : vector<16xf32>
        %add3A_1159 = arith.addf %add3A_1129, %mul3A_1158 : vector<16xf32>
        %max3A = arith.constant 1.000000e-30 : f32
        %max3A_1160 = vector.broadcast %max3A : f32 to vector<16xf32>
        %max3A_1161 = arith.maximumf %add3A_1157, %max3A_1160 : vector<16xf32>
        %bitcast_convert_type3A = tpu.bitcast %max3A_1161 : vector<16xf32> -> vector<16xi32>
        %shift_right_logical3A = arith.constant 1 : i32
        %shift_right_logical3A_1162 = vector.broadcast %shift_right_logical3A : i32 to vector<16xi32>
        %shift_right_logical3A_1163 = arith.shrui %bitcast_convert_type3A, %shift_right_logical3A_1162 : vector<16xi32>
        %add3A_1164 = arith.constant 532487669 : i32
        %add3A_1165 = vector.broadcast %add3A_1164 : i32 to vector<16xi32>
        %add3A_1166 = arith.addi %add3A_1165, %shift_right_logical3A_1163 : vector<16xi32>
        %bitcast_convert_type3A_1167 = tpu.bitcast %add3A_1166 : vector<16xi32> -> vector<16xf32>
        %div3A = arith.divf %max3A_1161, %bitcast_convert_type3A_1167 : vector<16xf32>
        %add3A_1168 = arith.addf %bitcast_convert_type3A_1167, %div3A : vector<16xf32>
        %mul3A_1169 = arith.constant 5.000000e-01 : f32
        %mul3A_1170 = vector.broadcast %mul3A_1169 : f32 to vector<16xf32>
        %mul3A_1171 = arith.mulf %mul3A_1170, %add3A_1168 : vector<16xf32>
        %div3A_1172 = arith.divf %max3A_1161, %mul3A_1171 : vector<16xf32>
        %add3A_1173 = arith.addf %mul3A_1171, %div3A_1172 : vector<16xf32>
        %mul3A_1174 = arith.constant 5.000000e-01 : f32
        %mul3A_1175 = vector.broadcast %mul3A_1174 : f32 to vector<16xf32>
        %mul3A_1176 = arith.mulf %mul3A_1175, %add3A_1173 : vector<16xf32>
        %div3A_1177 = arith.divf %max3A_1161, %mul3A_1176 : vector<16xf32>
        %add3A_1178 = arith.addf %mul3A_1176, %div3A_1177 : vector<16xf32>
        %mul3A_1179 = arith.constant 5.000000e-01 : f32
        %mul3A_1180 = vector.broadcast %mul3A_1179 : f32 to vector<16xf32>
        %mul3A_1181 = arith.mulf %mul3A_1180, %add3A_1178 : vector<16xf32>
        %max3A_1182 = arith.constant 1.000000e-30 : f32
        %max3A_1183 = vector.broadcast %max3A_1182 : f32 to vector<16xf32>
        %max3A_1184 = arith.maximumf %add3A_1159, %max3A_1183 : vector<16xf32>
        %bitcast_convert_type3A_1185 = tpu.bitcast %max3A_1184 : vector<16xf32> -> vector<16xi32>
        %shift_right_logical3A_1186 = arith.constant 1 : i32
        %shift_right_logical3A_1187 = vector.broadcast %shift_right_logical3A_1186 : i32 to vector<16xi32>
        %shift_right_logical3A_1188 = arith.shrui %bitcast_convert_type3A_1185, %shift_right_logical3A_1187 : vector<16xi32>
        %add3A_1189 = arith.constant 532487669 : i32
        %add3A_1190 = vector.broadcast %add3A_1189 : i32 to vector<16xi32>
        %add3A_1191 = arith.addi %add3A_1190, %shift_right_logical3A_1188 : vector<16xi32>
        %bitcast_convert_type3A_1192 = tpu.bitcast %add3A_1191 : vector<16xi32> -> vector<16xf32>
        %div3A_1193 = arith.divf %max3A_1184, %bitcast_convert_type3A_1192 : vector<16xf32>
        %add3A_1194 = arith.addf %bitcast_convert_type3A_1192, %div3A_1193 : vector<16xf32>
        %mul3A_1195 = arith.constant 5.000000e-01 : f32
        %mul3A_1196 = vector.broadcast %mul3A_1195 : f32 to vector<16xf32>
        %mul3A_1197 = arith.mulf %mul3A_1196, %add3A_1194 : vector<16xf32>
        %div3A_1198 = arith.divf %max3A_1184, %mul3A_1197 : vector<16xf32>
        %add3A_1199 = arith.addf %mul3A_1197, %div3A_1198 : vector<16xf32>
        %mul3A_1200 = arith.constant 5.000000e-01 : f32
        %mul3A_1201 = vector.broadcast %mul3A_1200 : f32 to vector<16xf32>
        %mul3A_1202 = arith.mulf %mul3A_1201, %add3A_1199 : vector<16xf32>
        %div3A_1203 = arith.divf %max3A_1184, %mul3A_1202 : vector<16xf32>
        %add3A_1204 = arith.addf %mul3A_1202, %div3A_1203 : vector<16xf32>
        %mul3A_1205 = arith.constant 5.000000e-01 : f32
        %mul3A_1206 = vector.broadcast %mul3A_1205 : f32 to vector<16xf32>
        %mul3A_1207 = arith.mulf %mul3A_1206, %add3A_1204 : vector<16xf32>
        %sub3A_1208 = arith.subf %mul3A_1181, %mul3A_1207 : vector<16xf32>
        %add3A_1209 = arith.constant 2.000000e-01 : f32
        %add3A_1210 = vector.broadcast %add3A_1209 : f32 to vector<16xf32>
        %add3A_1211 = arith.addf %sub3A_1208, %add3A_1210 : vector<16xf32>
        %max3A_1212 = arith.constant 0.000000e+00 : f32
        %max3A_1213 = vector.broadcast %max3A_1212 : f32 to vector<16xf32>
        %max3A_1214 = arith.maximumf %add3A_1211, %max3A_1213 : vector<16xf32>
        %add3A_1215 = arith.addf %scan3A_192, %max3A_1214 : vector<16xf32>
        %add3A_1216 = arith.addf %scan3A_193, %mul3A_1181 : vector<16xf32>
        %add3A_1217 = arith.addf %scan3A_194, %mul3A_1207 : vector<16xf32>
        scf.yield %add3A_1215, %add3A_1216, %add3A_1217 : vector<16xf32>, vector<16xf32>, vector<16xf32>
      }
      %scan3A_136 = arith.constant 8 : i32
      %add3A_137 = arith.constant 2 : i32
      %add3A_138 = arith.addi %add3A_98, %add3A_137 : i32
      %lt3A = arith.constant 16 : i32
      %lt3A_139 = arith.cmpi slt, %add3A_138, %lt3A : i32
      %convert_element_type3A = arith.extui %lt3A_139 : i1 to i32
      %cond3A = arith.constant 0 : i32
      %cond3A_140 = arith.cmpi ne, %convert_element_type3A, %cond3A : i32
      scf.if %cond3A_140 {
        %add3A_191 = arith.constant 2 : i32
        %add3A_192 = arith.addi %add3A_98, %add3A_191 : i32
        %dma_start3A_193 = arith.constant 0 : i32
        %dma_start3A_194 = arith.constant 0 : i32
        %dma_start3A_195 = arith.constant 0 : i32
        %dma_start3A_196 = tpu.memref_slice %arg8[%dma_start3A_193, %dma_start3A_194, %dma_start3A_195] : memref<2x128x32xf32, #tpu.memory_space<vmem>> -> memref<1x128x32xf32, #tpu.memory_space<vmem>>
        %dma_start3A_197 = tpu.memref_squeeze %dma_start3A_196 : memref<1x128x32xf32, #tpu.memory_space<vmem>> -> memref<128x32xf32, #tpu.memory_space<vmem>>
        %dma_start3A_198 = arith.constant 0 : i32
        %dma_start3A_199 = tpu.memref_slice %arg5[%add3A_192, %dma_start3A_198] : memref<16x128xi32, #tpu.memory_space<vmem>> -> memref<1x128xi32, #tpu.memory_space<vmem>>
        %dma_start3A_200 = tpu.memref_squeeze %dma_start3A_199 : memref<1x128xi32, #tpu.memory_space<vmem>> -> memref<128xi32, #tpu.memory_space<vmem>>
        %dma_start3A_201 = arith.constant 0 : i32
        %dma_start3A_202 = arith.constant 0 : i32
        %dma_start3A_203 = tpu.memref_slice %arg2[%dma_start3A_201, %dma_start3A_202] : memref<16384x32xf32, #tpu.memory_space<hbm>> -> memref<16384x32xf32, #tpu.memory_space<hbm>>
        tpu.enqueue_indirect_dma source(%dma_start3A_203 : memref<16384x32xf32, #tpu.memory_space<hbm>>) target(%dma_start3A_197 : memref<128x32xf32, #tpu.memory_space<vmem>>) offsets(%dma_start3A_200 : memref<128xi32, #tpu.memory_space<vmem>>) semaphore(%arg12 : memref<!tpu.dma_semaphore, #tpu.memory_space<semaphore_mem>>)
        %dma_start3A_204 = arith.constant 0 : i32
        %dma_start3A_205 = arith.constant 0 : i32
        %dma_start3A_206 = arith.constant 0 : i32
        %dma_start3A_207 = tpu.memref_slice %arg9[%dma_start3A_204, %dma_start3A_205, %dma_start3A_206] : memref<2x128x32xf32, #tpu.memory_space<vmem>> -> memref<1x128x32xf32, #tpu.memory_space<vmem>>
        %dma_start3A_208 = tpu.memref_squeeze %dma_start3A_207 : memref<1x128x32xf32, #tpu.memory_space<vmem>> -> memref<128x32xf32, #tpu.memory_space<vmem>>
        %dma_start3A_209 = arith.constant 0 : i32
        %dma_start3A_210 = tpu.memref_slice %arg6[%add3A_192, %dma_start3A_209] : memref<16x128xi32, #tpu.memory_space<vmem>> -> memref<1x128xi32, #tpu.memory_space<vmem>>
        %dma_start3A_211 = tpu.memref_squeeze %dma_start3A_210 : memref<1x128xi32, #tpu.memory_space<vmem>> -> memref<128xi32, #tpu.memory_space<vmem>>
        %dma_start3A_212 = arith.constant 0 : i32
        %dma_start3A_213 = arith.constant 0 : i32
        %dma_start3A_214 = tpu.memref_slice %arg2[%dma_start3A_212, %dma_start3A_213] : memref<16384x32xf32, #tpu.memory_space<hbm>> -> memref<16384x32xf32, #tpu.memory_space<hbm>>
        tpu.enqueue_indirect_dma source(%dma_start3A_214 : memref<16384x32xf32, #tpu.memory_space<hbm>>) target(%dma_start3A_208 : memref<128x32xf32, #tpu.memory_space<vmem>>) offsets(%dma_start3A_211 : memref<128xi32, #tpu.memory_space<vmem>>) semaphore(%arg12 : memref<!tpu.dma_semaphore, #tpu.memory_space<semaphore_mem>>)
        %dma_start3A_215 = arith.constant 0 : i32
        %dma_start3A_216 = arith.constant 0 : i32
        %dma_start3A_217 = arith.constant 0 : i32
        %dma_start3A_218 = tpu.memref_slice %arg10[%dma_start3A_215, %dma_start3A_216, %dma_start3A_217] : memref<2x128x32xf32, #tpu.memory_space<vmem>> -> memref<1x128x32xf32, #tpu.memory_space<vmem>>
        %dma_start3A_219 = tpu.memref_squeeze %dma_start3A_218 : memref<1x128x32xf32, #tpu.memory_space<vmem>> -> memref<128x32xf32, #tpu.memory_space<vmem>>
        %dma_start3A_220 = arith.constant 0 : i32
        %dma_start3A_221 = tpu.memref_slice %arg7[%add3A_192, %dma_start3A_220] : memref<16x128xi32, #tpu.memory_space<vmem>> -> memref<1x128xi32, #tpu.memory_space<vmem>>
        %dma_start3A_222 = tpu.memref_squeeze %dma_start3A_221 : memref<1x128xi32, #tpu.memory_space<vmem>> -> memref<128xi32, #tpu.memory_space<vmem>>
        %dma_start3A_223 = arith.constant 0 : i32
        %dma_start3A_224 = arith.constant 0 : i32
        %dma_start3A_225 = tpu.memref_slice %arg2[%dma_start3A_223, %dma_start3A_224] : memref<16384x32xf32, #tpu.memory_space<hbm>> -> memref<16384x32xf32, #tpu.memory_space<hbm>>
        tpu.enqueue_indirect_dma source(%dma_start3A_225 : memref<16384x32xf32, #tpu.memory_space<hbm>>) target(%dma_start3A_219 : memref<128x32xf32, #tpu.memory_space<vmem>>) offsets(%dma_start3A_222 : memref<128xi32, #tpu.memory_space<vmem>>) semaphore(%arg12 : memref<!tpu.dma_semaphore, #tpu.memory_space<semaphore_mem>>)
      } else {
      }
      %mul3A_141 = arith.constant 2 : i32
      %mul3A_142 = arith.muli %mul3A_141, %scan3A_91 : i32
      %add3A_143 = arith.constant 1 : i32
      %add3A_144 = arith.addi %mul3A_142, %add3A_143 : i32
      %dma_wait3A_145 = arith.constant 1 : i32
      %dma_wait3A_146 = arith.constant 0 : i32
      %dma_wait3A_147 = arith.constant 0 : i32
      %dma_wait3A_148 = tpu.memref_slice %arg8[%dma_wait3A_145, %dma_wait3A_146, %dma_wait3A_147] : memref<2x128x32xf32, #tpu.memory_space<vmem>> -> memref<1x128x32xf32, #tpu.memory_space<vmem>>
      %dma_wait3A_149 = tpu.memref_squeeze %dma_wait3A_148 : memref<1x128x32xf32, #tpu.memory_space<vmem>> -> memref<128x32xf32, #tpu.memory_space<vmem>>
      %dma_wait3A_150 = arith.constant 0 : i32
      %dma_wait3A_151 = tpu.memref_slice %arg5[%add3A_144, %dma_wait3A_150] : memref<16x128xi32, #tpu.memory_space<vmem>> -> memref<1x128xi32, #tpu.memory_space<vmem>>
      %dma_wait3A_152 = tpu.memref_squeeze %dma_wait3A_151 : memref<1x128xi32, #tpu.memory_space<vmem>> -> memref<128xi32, #tpu.memory_space<vmem>>
      %dma_wait3A_153 = arith.constant 0 : i32
      %dma_wait3A_154 = arith.constant 0 : i32
      %dma_wait3A_155 = tpu.memref_slice %arg2[%dma_wait3A_153, %dma_wait3A_154] : memref<16384x32xf32, #tpu.memory_space<hbm>> -> memref<16384x32xf32, #tpu.memory_space<hbm>>
      tpu.wait_indirect_dma semaphore(%arg13 : memref<!tpu.dma_semaphore, #tpu.memory_space<semaphore_mem>>) src(%dma_wait3A_155 : memref<16384x32xf32, #tpu.memory_space<hbm>>) dst(%dma_wait3A_149 : memref<128x32xf32, #tpu.memory_space<vmem>>)
      %dma_wait3A_156 = arith.constant 1 : i32
      %dma_wait3A_157 = arith.constant 0 : i32
      %dma_wait3A_158 = arith.constant 0 : i32
      %dma_wait3A_159 = tpu.memref_slice %arg9[%dma_wait3A_156, %dma_wait3A_157, %dma_wait3A_158] : memref<2x128x32xf32, #tpu.memory_space<vmem>> -> memref<1x128x32xf32, #tpu.memory_space<vmem>>
      %dma_wait3A_160 = tpu.memref_squeeze %dma_wait3A_159 : memref<1x128x32xf32, #tpu.memory_space<vmem>> -> memref<128x32xf32, #tpu.memory_space<vmem>>
      %dma_wait3A_161 = arith.constant 0 : i32
      %dma_wait3A_162 = tpu.memref_slice %arg6[%add3A_144, %dma_wait3A_161] : memref<16x128xi32, #tpu.memory_space<vmem>> -> memref<1x128xi32, #tpu.memory_space<vmem>>
      %dma_wait3A_163 = tpu.memref_squeeze %dma_wait3A_162 : memref<1x128xi32, #tpu.memory_space<vmem>> -> memref<128xi32, #tpu.memory_space<vmem>>
      %dma_wait3A_164 = arith.constant 0 : i32
      %dma_wait3A_165 = arith.constant 0 : i32
      %dma_wait3A_166 = tpu.memref_slice %arg2[%dma_wait3A_164, %dma_wait3A_165] : memref<16384x32xf32, #tpu.memory_space<hbm>> -> memref<16384x32xf32, #tpu.memory_space<hbm>>
      tpu.wait_indirect_dma semaphore(%arg13 : memref<!tpu.dma_semaphore, #tpu.memory_space<semaphore_mem>>) src(%dma_wait3A_166 : memref<16384x32xf32, #tpu.memory_space<hbm>>) dst(%dma_wait3A_160 : memref<128x32xf32, #tpu.memory_space<vmem>>)
      %dma_wait3A_167 = arith.constant 1 : i32
      %dma_wait3A_168 = arith.constant 0 : i32
      %dma_wait3A_169 = arith.constant 0 : i32
      %dma_wait3A_170 = tpu.memref_slice %arg10[%dma_wait3A_167, %dma_wait3A_168, %dma_wait3A_169] : memref<2x128x32xf32, #tpu.memory_space<vmem>> -> memref<1x128x32xf32, #tpu.memory_space<vmem>>
      %dma_wait3A_171 = tpu.memref_squeeze %dma_wait3A_170 : memref<1x128x32xf32, #tpu.memory_space<vmem>> -> memref<128x32xf32, #tpu.memory_space<vmem>>
      %dma_wait3A_172 = arith.constant 0 : i32
      %dma_wait3A_173 = tpu.memref_slice %arg7[%add3A_144, %dma_wait3A_172] : memref<16x128xi32, #tpu.memory_space<vmem>> -> memref<1x128xi32, #tpu.memory_space<vmem>>
      %dma_wait3A_174 = tpu.memref_squeeze %dma_wait3A_173 : memref<1x128xi32, #tpu.memory_space<vmem>> -> memref<128xi32, #tpu.memory_space<vmem>>
      %dma_wait3A_175 = arith.constant 0 : i32
      %dma_wait3A_176 = arith.constant 0 : i32
      %dma_wait3A_177 = tpu.memref_slice %arg2[%dma_wait3A_175, %dma_wait3A_176] : memref<16384x32xf32, #tpu.memory_space<hbm>> -> memref<16384x32xf32, #tpu.memory_space<hbm>>
      tpu.wait_indirect_dma semaphore(%arg13 : memref<!tpu.dma_semaphore, #tpu.memory_space<semaphore_mem>>) src(%dma_wait3A_177 : memref<16384x32xf32, #tpu.memory_space<hbm>>) dst(%dma_wait3A_171 : memref<128x32xf32, #tpu.memory_space<vmem>>)
      %scan3A_178 = arith.constant 0 : i32
      %scan3A_179 = arith.constant 8 : i32
      %scan3A_180 = arith.addi %scan3A_178, %scan3A_179 : i32
      %scan3A_181 = arith.constant 1 : i32
      %scan3A_182:3 = scf.for %scan3A_191 = %scan3A_178 to %scan3A_180 step %scan3A_181 iter_args(%scan3A_192 = %scan3A_135#0, %scan3A_193 = %scan3A_135#1, %scan3A_194 = %scan3A_135#2) -> (vector<16xf32>, vector<16xf32>, vector<16xf32>)  : i32 {
        %mul3A_195 = arith.constant 16 : i32
        %mul3A_196 = arith.muli %scan3A_191, %mul3A_195 : i32
        %add3A_197 = vector.broadcast %mul3A_196 : i32 to vector<16xi32>
        %add3A_198 = arith.addi %add3A_197, %iota3A : vector<16xi32>
        %broadcast_in_dim3A_199 = arith.constant 0.000000e+00 : f32
        %broadcast_in_dim3A_200 = vector.broadcast %broadcast_in_dim3A_199 : f32 to vector<16xf32>
        %broadcast_in_dim3A_201 = arith.constant 0.000000e+00 : f32
        %broadcast_in_dim3A_202 = vector.broadcast %broadcast_in_dim3A_201 : f32 to vector<16xf32>
        %add3A_203 = arith.constant 0 : i32
        %add3A_204 = vector.broadcast %add3A_203 : i32 to vector<16xi32>
        %add3A_205 = arith.addi %iota3A, %add3A_204 : vector<16xi32>
        %and3A = arith.constant 31 : i32
        %and3A_206 = vector.broadcast %and3A : i32 to vector<16xi32>
        %and3A_207 = arith.andi %add3A_205, %and3A_206 : vector<16xi32>
        %gather3A = arith.constant 1 : i32
        %gather3A_208 = arith.constant 0 : i32
        %gather3A_209 = arith.constant 0 : i32
        %gather3A_210 = tpu.memref_slice %arg8[%gather3A, %gather3A_208, %gather3A_209] : memref<2x128x32xf32, #tpu.memory_space<vmem>> -> memref<1x128x32xf32, #tpu.memory_space<vmem>>
        %gather3A_211 = tpu.memref_squeeze %gather3A_210 : memref<1x128x32xf32, #tpu.memory_space<vmem>> -> memref<128x32xf32, #tpu.memory_space<vmem>>
        %gather3A_212 = tpu.vector_load_idx %gather3A_211[%add3A_198, %and3A_207] : memref<128x32xf32, #tpu.memory_space<vmem>>[vector<16xi32>, vector<16xi32>], vector<16xf32>,
        %gather3A_213 = arith.constant 1 : i32
        %gather3A_214 = arith.constant 0 : i32
        %gather3A_215 = arith.constant 0 : i32
        %gather3A_216 = tpu.memref_slice %arg9[%gather3A_213, %gather3A_214, %gather3A_215] : memref<2x128x32xf32, #tpu.memory_space<vmem>> -> memref<1x128x32xf32, #tpu.memory_space<vmem>>
        %gather3A_217 = tpu.memref_squeeze %gather3A_216 : memref<1x128x32xf32, #tpu.memory_space<vmem>> -> memref<128x32xf32, #tpu.memory_space<vmem>>
        %gather3A_218 = tpu.vector_load_idx %gather3A_217[%add3A_198, %and3A_207] : memref<128x32xf32, #tpu.memory_space<vmem>>[vector<16xi32>, vector<16xi32>], vector<16xf32>,
        %gather3A_219 = arith.constant 1 : i32
        %gather3A_220 = arith.constant 0 : i32
        %gather3A_221 = arith.constant 0 : i32
        %gather3A_222 = tpu.memref_slice %arg10[%gather3A_219, %gather3A_220, %gather3A_221] : memref<2x128x32xf32, #tpu.memory_space<vmem>> -> memref<1x128x32xf32, #tpu.memory_space<vmem>>
        %gather3A_223 = tpu.memref_squeeze %gather3A_222 : memref<1x128x32xf32, #tpu.memory_space<vmem>> -> memref<128x32xf32, #tpu.memory_space<vmem>>
        %gather3A_224 = tpu.vector_load_idx %gather3A_223[%add3A_198, %and3A_207] : memref<128x32xf32, #tpu.memory_space<vmem>>[vector<16xi32>, vector<16xi32>], vector<16xf32>,
        %sub3A = arith.subf %gather3A_212, %gather3A_218 : vector<16xf32>
        %sub3A_225 = arith.subf %gather3A_212, %gather3A_224 : vector<16xf32>
        %mul3A_226 = arith.mulf %sub3A, %sub3A : vector<16xf32>
        %add3A_227 = arith.addf %broadcast_in_dim3A_200, %mul3A_226 : vector<16xf32>
        %mul3A_228 = arith.mulf %sub3A_225, %sub3A_225 : vector<16xf32>
        %add3A_229 = arith.addf %broadcast_in_dim3A_202, %mul3A_228 : vector<16xf32>
        %add3A_230 = arith.constant 1 : i32
        %add3A_231 = vector.broadcast %add3A_230 : i32 to vector<16xi32>
        %add3A_232 = arith.addi %iota3A, %add3A_231 : vector<16xi32>
        %and3A_233 = arith.constant 31 : i32
        %and3A_234 = vector.broadcast %and3A_233 : i32 to vector<16xi32>
        %and3A_235 = arith.andi %add3A_232, %and3A_234 : vector<16xi32>
        %gather3A_236 = arith.constant 1 : i32
        %gather3A_237 = arith.constant 0 : i32
        %gather3A_238 = arith.constant 0 : i32
        %gather3A_239 = tpu.memref_slice %arg8[%gather3A_236, %gather3A_237, %gather3A_238] : memref<2x128x32xf32, #tpu.memory_space<vmem>> -> memref<1x128x32xf32, #tpu.memory_space<vmem>>
        %gather3A_240 = tpu.memref_squeeze %gather3A_239 : memref<1x128x32xf32, #tpu.memory_space<vmem>> -> memref<128x32xf32, #tpu.memory_space<vmem>>
        %gather3A_241 = tpu.vector_load_idx %gather3A_240[%add3A_198, %and3A_235] : memref<128x32xf32, #tpu.memory_space<vmem>>[vector<16xi32>, vector<16xi32>], vector<16xf32>,
        %gather3A_242 = arith.constant 1 : i32
        %gather3A_243 = arith.constant 0 : i32
        %gather3A_244 = arith.constant 0 : i32
        %gather3A_245 = tpu.memref_slice %arg9[%gather3A_242, %gather3A_243, %gather3A_244] : memref<2x128x32xf32, #tpu.memory_space<vmem>> -> memref<1x128x32xf32, #tpu.memory_space<vmem>>
        %gather3A_246 = tpu.memref_squeeze %gather3A_245 : memref<1x128x32xf32, #tpu.memory_space<vmem>> -> memref<128x32xf32, #tpu.memory_space<vmem>>
        %gather3A_247 = tpu.vector_load_idx %gather3A_246[%add3A_198, %and3A_235] : memref<128x32xf32, #tpu.memory_space<vmem>>[vector<16xi32>, vector<16xi32>], vector<16xf32>,
        %gather3A_248 = arith.constant 1 : i32
        %gather3A_249 = arith.constant 0 : i32
        %gather3A_250 = arith.constant 0 : i32
        %gather3A_251 = tpu.memref_slice %arg10[%gather3A_248, %gather3A_249, %gather3A_250] : memref<2x128x32xf32, #tpu.memory_space<vmem>> -> memref<1x128x32xf32, #tpu.memory_space<vmem>>
        %gather3A_252 = tpu.memref_squeeze %gather3A_251 : memref<1x128x32xf32, #tpu.memory_space<vmem>> -> memref<128x32xf32, #tpu.memory_space<vmem>>
        %gather3A_253 = tpu.vector_load_idx %gather3A_252[%add3A_198, %and3A_235] : memref<128x32xf32, #tpu.memory_space<vmem>>[vector<16xi32>, vector<16xi32>], vector<16xf32>,
        %sub3A_254 = arith.subf %gather3A_241, %gather3A_247 : vector<16xf32>
        %sub3A_255 = arith.subf %gather3A_241, %gather3A_253 : vector<16xf32>
        %mul3A_256 = arith.mulf %sub3A_254, %sub3A_254 : vector<16xf32>
        %add3A_257 = arith.addf %add3A_227, %mul3A_256 : vector<16xf32>
        %mul3A_258 = arith.mulf %sub3A_255, %sub3A_255 : vector<16xf32>
        %add3A_259 = arith.addf %add3A_229, %mul3A_258 : vector<16xf32>
        %add3A_260 = arith.constant 2 : i32
        %add3A_261 = vector.broadcast %add3A_260 : i32 to vector<16xi32>
        %add3A_262 = arith.addi %iota3A, %add3A_261 : vector<16xi32>
        %and3A_263 = arith.constant 31 : i32
        %and3A_264 = vector.broadcast %and3A_263 : i32 to vector<16xi32>
        %and3A_265 = arith.andi %add3A_262, %and3A_264 : vector<16xi32>
        %gather3A_266 = arith.constant 1 : i32
        %gather3A_267 = arith.constant 0 : i32
        %gather3A_268 = arith.constant 0 : i32
        %gather3A_269 = tpu.memref_slice %arg8[%gather3A_266, %gather3A_267, %gather3A_268] : memref<2x128x32xf32, #tpu.memory_space<vmem>> -> memref<1x128x32xf32, #tpu.memory_space<vmem>>
        %gather3A_270 = tpu.memref_squeeze %gather3A_269 : memref<1x128x32xf32, #tpu.memory_space<vmem>> -> memref<128x32xf32, #tpu.memory_space<vmem>>
        %gather3A_271 = tpu.vector_load_idx %gather3A_270[%add3A_198, %and3A_265] : memref<128x32xf32, #tpu.memory_space<vmem>>[vector<16xi32>, vector<16xi32>], vector<16xf32>,
        %gather3A_272 = arith.constant 1 : i32
        %gather3A_273 = arith.constant 0 : i32
        %gather3A_274 = arith.constant 0 : i32
        %gather3A_275 = tpu.memref_slice %arg9[%gather3A_272, %gather3A_273, %gather3A_274] : memref<2x128x32xf32, #tpu.memory_space<vmem>> -> memref<1x128x32xf32, #tpu.memory_space<vmem>>
        %gather3A_276 = tpu.memref_squeeze %gather3A_275 : memref<1x128x32xf32, #tpu.memory_space<vmem>> -> memref<128x32xf32, #tpu.memory_space<vmem>>
        %gather3A_277 = tpu.vector_load_idx %gather3A_276[%add3A_198, %and3A_265] : memref<128x32xf32, #tpu.memory_space<vmem>>[vector<16xi32>, vector<16xi32>], vector<16xf32>,
        %gather3A_278 = arith.constant 1 : i32
        %gather3A_279 = arith.constant 0 : i32
        %gather3A_280 = arith.constant 0 : i32
        %gather3A_281 = tpu.memref_slice %arg10[%gather3A_278, %gather3A_279, %gather3A_280] : memref<2x128x32xf32, #tpu.memory_space<vmem>> -> memref<1x128x32xf32, #tpu.memory_space<vmem>>
        %gather3A_282 = tpu.memref_squeeze %gather3A_281 : memref<1x128x32xf32, #tpu.memory_space<vmem>> -> memref<128x32xf32, #tpu.memory_space<vmem>>
        %gather3A_283 = tpu.vector_load_idx %gather3A_282[%add3A_198, %and3A_265] : memref<128x32xf32, #tpu.memory_space<vmem>>[vector<16xi32>, vector<16xi32>], vector<16xf32>,
        %sub3A_284 = arith.subf %gather3A_271, %gather3A_277 : vector<16xf32>
        %sub3A_285 = arith.subf %gather3A_271, %gather3A_283 : vector<16xf32>
        %mul3A_286 = arith.mulf %sub3A_284, %sub3A_284 : vector<16xf32>
        %add3A_287 = arith.addf %add3A_257, %mul3A_286 : vector<16xf32>
        %mul3A_288 = arith.mulf %sub3A_285, %sub3A_285 : vector<16xf32>
        %add3A_289 = arith.addf %add3A_259, %mul3A_288 : vector<16xf32>
        %add3A_290 = arith.constant 3 : i32
        %add3A_291 = vector.broadcast %add3A_290 : i32 to vector<16xi32>
        %add3A_292 = arith.addi %iota3A, %add3A_291 : vector<16xi32>
        %and3A_293 = arith.constant 31 : i32
        %and3A_294 = vector.broadcast %and3A_293 : i32 to vector<16xi32>
        %and3A_295 = arith.andi %add3A_292, %and3A_294 : vector<16xi32>
        %gather3A_296 = arith.constant 1 : i32
        %gather3A_297 = arith.constant 0 : i32
        %gather3A_298 = arith.constant 0 : i32
        %gather3A_299 = tpu.memref_slice %arg8[%gather3A_296, %gather3A_297, %gather3A_298] : memref<2x128x32xf32, #tpu.memory_space<vmem>> -> memref<1x128x32xf32, #tpu.memory_space<vmem>>
        %gather3A_300 = tpu.memref_squeeze %gather3A_299 : memref<1x128x32xf32, #tpu.memory_space<vmem>> -> memref<128x32xf32, #tpu.memory_space<vmem>>
        %gather3A_301 = tpu.vector_load_idx %gather3A_300[%add3A_198, %and3A_295] : memref<128x32xf32, #tpu.memory_space<vmem>>[vector<16xi32>, vector<16xi32>], vector<16xf32>,
        %gather3A_302 = arith.constant 1 : i32
        %gather3A_303 = arith.constant 0 : i32
        %gather3A_304 = arith.constant 0 : i32
        %gather3A_305 = tpu.memref_slice %arg9[%gather3A_302, %gather3A_303, %gather3A_304] : memref<2x128x32xf32, #tpu.memory_space<vmem>> -> memref<1x128x32xf32, #tpu.memory_space<vmem>>
        %gather3A_306 = tpu.memref_squeeze %gather3A_305 : memref<1x128x32xf32, #tpu.memory_space<vmem>> -> memref<128x32xf32, #tpu.memory_space<vmem>>
        %gather3A_307 = tpu.vector_load_idx %gather3A_306[%add3A_198, %and3A_295] : memref<128x32xf32, #tpu.memory_space<vmem>>[vector<16xi32>, vector<16xi32>], vector<16xf32>,
        %gather3A_308 = arith.constant 1 : i32
        %gather3A_309 = arith.constant 0 : i32
        %gather3A_310 = arith.constant 0 : i32
        %gather3A_311 = tpu.memref_slice %arg10[%gather3A_308, %gather3A_309, %gather3A_310] : memref<2x128x32xf32, #tpu.memory_space<vmem>> -> memref<1x128x32xf32, #tpu.memory_space<vmem>>
        %gather3A_312 = tpu.memref_squeeze %gather3A_311 : memref<1x128x32xf32, #tpu.memory_space<vmem>> -> memref<128x32xf32, #tpu.memory_space<vmem>>
        %gather3A_313 = tpu.vector_load_idx %gather3A_312[%add3A_198, %and3A_295] : memref<128x32xf32, #tpu.memory_space<vmem>>[vector<16xi32>, vector<16xi32>], vector<16xf32>,
        %sub3A_314 = arith.subf %gather3A_301, %gather3A_307 : vector<16xf32>
        %sub3A_315 = arith.subf %gather3A_301, %gather3A_313 : vector<16xf32>
        %mul3A_316 = arith.mulf %sub3A_314, %sub3A_314 : vector<16xf32>
        %add3A_317 = arith.addf %add3A_287, %mul3A_316 : vector<16xf32>
        %mul3A_318 = arith.mulf %sub3A_315, %sub3A_315 : vector<16xf32>
        %add3A_319 = arith.addf %add3A_289, %mul3A_318 : vector<16xf32>
        %add3A_320 = arith.constant 4 : i32
        %add3A_321 = vector.broadcast %add3A_320 : i32 to vector<16xi32>
        %add3A_322 = arith.addi %iota3A, %add3A_321 : vector<16xi32>
        %and3A_323 = arith.constant 31 : i32
        %and3A_324 = vector.broadcast %and3A_323 : i32 to vector<16xi32>
        %and3A_325 = arith.andi %add3A_322, %and3A_324 : vector<16xi32>
        %gather3A_326 = arith.constant 1 : i32
        %gather3A_327 = arith.constant 0 : i32
        %gather3A_328 = arith.constant 0 : i32
        %gather3A_329 = tpu.memref_slice %arg8[%gather3A_326, %gather3A_327, %gather3A_328] : memref<2x128x32xf32, #tpu.memory_space<vmem>> -> memref<1x128x32xf32, #tpu.memory_space<vmem>>
        %gather3A_330 = tpu.memref_squeeze %gather3A_329 : memref<1x128x32xf32, #tpu.memory_space<vmem>> -> memref<128x32xf32, #tpu.memory_space<vmem>>
        %gather3A_331 = tpu.vector_load_idx %gather3A_330[%add3A_198, %and3A_325] : memref<128x32xf32, #tpu.memory_space<vmem>>[vector<16xi32>, vector<16xi32>], vector<16xf32>,
        %gather3A_332 = arith.constant 1 : i32
        %gather3A_333 = arith.constant 0 : i32
        %gather3A_334 = arith.constant 0 : i32
        %gather3A_335 = tpu.memref_slice %arg9[%gather3A_332, %gather3A_333, %gather3A_334] : memref<2x128x32xf32, #tpu.memory_space<vmem>> -> memref<1x128x32xf32, #tpu.memory_space<vmem>>
        %gather3A_336 = tpu.memref_squeeze %gather3A_335 : memref<1x128x32xf32, #tpu.memory_space<vmem>> -> memref<128x32xf32, #tpu.memory_space<vmem>>
        %gather3A_337 = tpu.vector_load_idx %gather3A_336[%add3A_198, %and3A_325] : memref<128x32xf32, #tpu.memory_space<vmem>>[vector<16xi32>, vector<16xi32>], vector<16xf32>,
        %gather3A_338 = arith.constant 1 : i32
        %gather3A_339 = arith.constant 0 : i32
        %gather3A_340 = arith.constant 0 : i32
        %gather3A_341 = tpu.memref_slice %arg10[%gather3A_338, %gather3A_339, %gather3A_340] : memref<2x128x32xf32, #tpu.memory_space<vmem>> -> memref<1x128x32xf32, #tpu.memory_space<vmem>>
        %gather3A_342 = tpu.memref_squeeze %gather3A_341 : memref<1x128x32xf32, #tpu.memory_space<vmem>> -> memref<128x32xf32, #tpu.memory_space<vmem>>
        %gather3A_343 = tpu.vector_load_idx %gather3A_342[%add3A_198, %and3A_325] : memref<128x32xf32, #tpu.memory_space<vmem>>[vector<16xi32>, vector<16xi32>], vector<16xf32>,
        %sub3A_344 = arith.subf %gather3A_331, %gather3A_337 : vector<16xf32>
        %sub3A_345 = arith.subf %gather3A_331, %gather3A_343 : vector<16xf32>
        %mul3A_346 = arith.mulf %sub3A_344, %sub3A_344 : vector<16xf32>
        %add3A_347 = arith.addf %add3A_317, %mul3A_346 : vector<16xf32>
        %mul3A_348 = arith.mulf %sub3A_345, %sub3A_345 : vector<16xf32>
        %add3A_349 = arith.addf %add3A_319, %mul3A_348 : vector<16xf32>
        %add3A_350 = arith.constant 5 : i32
        %add3A_351 = vector.broadcast %add3A_350 : i32 to vector<16xi32>
        %add3A_352 = arith.addi %iota3A, %add3A_351 : vector<16xi32>
        %and3A_353 = arith.constant 31 : i32
        %and3A_354 = vector.broadcast %and3A_353 : i32 to vector<16xi32>
        %and3A_355 = arith.andi %add3A_352, %and3A_354 : vector<16xi32>
        %gather3A_356 = arith.constant 1 : i32
        %gather3A_357 = arith.constant 0 : i32
        %gather3A_358 = arith.constant 0 : i32
        %gather3A_359 = tpu.memref_slice %arg8[%gather3A_356, %gather3A_357, %gather3A_358] : memref<2x128x32xf32, #tpu.memory_space<vmem>> -> memref<1x128x32xf32, #tpu.memory_space<vmem>>
        %gather3A_360 = tpu.memref_squeeze %gather3A_359 : memref<1x128x32xf32, #tpu.memory_space<vmem>> -> memref<128x32xf32, #tpu.memory_space<vmem>>
        %gather3A_361 = tpu.vector_load_idx %gather3A_360[%add3A_198, %and3A_355] : memref<128x32xf32, #tpu.memory_space<vmem>>[vector<16xi32>, vector<16xi32>], vector<16xf32>,
        %gather3A_362 = arith.constant 1 : i32
        %gather3A_363 = arith.constant 0 : i32
        %gather3A_364 = arith.constant 0 : i32
        %gather3A_365 = tpu.memref_slice %arg9[%gather3A_362, %gather3A_363, %gather3A_364] : memref<2x128x32xf32, #tpu.memory_space<vmem>> -> memref<1x128x32xf32, #tpu.memory_space<vmem>>
        %gather3A_366 = tpu.memref_squeeze %gather3A_365 : memref<1x128x32xf32, #tpu.memory_space<vmem>> -> memref<128x32xf32, #tpu.memory_space<vmem>>
        %gather3A_367 = tpu.vector_load_idx %gather3A_366[%add3A_198, %and3A_355] : memref<128x32xf32, #tpu.memory_space<vmem>>[vector<16xi32>, vector<16xi32>], vector<16xf32>,
        %gather3A_368 = arith.constant 1 : i32
        %gather3A_369 = arith.constant 0 : i32
        %gather3A_370 = arith.constant 0 : i32
        %gather3A_371 = tpu.memref_slice %arg10[%gather3A_368, %gather3A_369, %gather3A_370] : memref<2x128x32xf32, #tpu.memory_space<vmem>> -> memref<1x128x32xf32, #tpu.memory_space<vmem>>
        %gather3A_372 = tpu.memref_squeeze %gather3A_371 : memref<1x128x32xf32, #tpu.memory_space<vmem>> -> memref<128x32xf32, #tpu.memory_space<vmem>>
        %gather3A_373 = tpu.vector_load_idx %gather3A_372[%add3A_198, %and3A_355] : memref<128x32xf32, #tpu.memory_space<vmem>>[vector<16xi32>, vector<16xi32>], vector<16xf32>,
        %sub3A_374 = arith.subf %gather3A_361, %gather3A_367 : vector<16xf32>
        %sub3A_375 = arith.subf %gather3A_361, %gather3A_373 : vector<16xf32>
        %mul3A_376 = arith.mulf %sub3A_374, %sub3A_374 : vector<16xf32>
        %add3A_377 = arith.addf %add3A_347, %mul3A_376 : vector<16xf32>
        %mul3A_378 = arith.mulf %sub3A_375, %sub3A_375 : vector<16xf32>
        %add3A_379 = arith.addf %add3A_349, %mul3A_378 : vector<16xf32>
        %add3A_380 = arith.constant 6 : i32
        %add3A_381 = vector.broadcast %add3A_380 : i32 to vector<16xi32>
        %add3A_382 = arith.addi %iota3A, %add3A_381 : vector<16xi32>
        %and3A_383 = arith.constant 31 : i32
        %and3A_384 = vector.broadcast %and3A_383 : i32 to vector<16xi32>
        %and3A_385 = arith.andi %add3A_382, %and3A_384 : vector<16xi32>
        %gather3A_386 = arith.constant 1 : i32
        %gather3A_387 = arith.constant 0 : i32
        %gather3A_388 = arith.constant 0 : i32
        %gather3A_389 = tpu.memref_slice %arg8[%gather3A_386, %gather3A_387, %gather3A_388] : memref<2x128x32xf32, #tpu.memory_space<vmem>> -> memref<1x128x32xf32, #tpu.memory_space<vmem>>
        %gather3A_390 = tpu.memref_squeeze %gather3A_389 : memref<1x128x32xf32, #tpu.memory_space<vmem>> -> memref<128x32xf32, #tpu.memory_space<vmem>>
        %gather3A_391 = tpu.vector_load_idx %gather3A_390[%add3A_198, %and3A_385] : memref<128x32xf32, #tpu.memory_space<vmem>>[vector<16xi32>, vector<16xi32>], vector<16xf32>,
        %gather3A_392 = arith.constant 1 : i32
        %gather3A_393 = arith.constant 0 : i32
        %gather3A_394 = arith.constant 0 : i32
        %gather3A_395 = tpu.memref_slice %arg9[%gather3A_392, %gather3A_393, %gather3A_394] : memref<2x128x32xf32, #tpu.memory_space<vmem>> -> memref<1x128x32xf32, #tpu.memory_space<vmem>>
        %gather3A_396 = tpu.memref_squeeze %gather3A_395 : memref<1x128x32xf32, #tpu.memory_space<vmem>> -> memref<128x32xf32, #tpu.memory_space<vmem>>
        %gather3A_397 = tpu.vector_load_idx %gather3A_396[%add3A_198, %and3A_385] : memref<128x32xf32, #tpu.memory_space<vmem>>[vector<16xi32>, vector<16xi32>], vector<16xf32>,
        %gather3A_398 = arith.constant 1 : i32
        %gather3A_399 = arith.constant 0 : i32
        %gather3A_400 = arith.constant 0 : i32
        %gather3A_401 = tpu.memref_slice %arg10[%gather3A_398, %gather3A_399, %gather3A_400] : memref<2x128x32xf32, #tpu.memory_space<vmem>> -> memref<1x128x32xf32, #tpu.memory_space<vmem>>
        %gather3A_402 = tpu.memref_squeeze %gather3A_401 : memref<1x128x32xf32, #tpu.memory_space<vmem>> -> memref<128x32xf32, #tpu.memory_space<vmem>>
        %gather3A_403 = tpu.vector_load_idx %gather3A_402[%add3A_198, %and3A_385] : memref<128x32xf32, #tpu.memory_space<vmem>>[vector<16xi32>, vector<16xi32>], vector<16xf32>,
        %sub3A_404 = arith.subf %gather3A_391, %gather3A_397 : vector<16xf32>
        %sub3A_405 = arith.subf %gather3A_391, %gather3A_403 : vector<16xf32>
        %mul3A_406 = arith.mulf %sub3A_404, %sub3A_404 : vector<16xf32>
        %add3A_407 = arith.addf %add3A_377, %mul3A_406 : vector<16xf32>
        %mul3A_408 = arith.mulf %sub3A_405, %sub3A_405 : vector<16xf32>
        %add3A_409 = arith.addf %add3A_379, %mul3A_408 : vector<16xf32>
        %add3A_410 = arith.constant 7 : i32
        %add3A_411 = vector.broadcast %add3A_410 : i32 to vector<16xi32>
        %add3A_412 = arith.addi %iota3A, %add3A_411 : vector<16xi32>
        %and3A_413 = arith.constant 31 : i32
        %and3A_414 = vector.broadcast %and3A_413 : i32 to vector<16xi32>
        %and3A_415 = arith.andi %add3A_412, %and3A_414 : vector<16xi32>
        %gather3A_416 = arith.constant 1 : i32
        %gather3A_417 = arith.constant 0 : i32
        %gather3A_418 = arith.constant 0 : i32
        %gather3A_419 = tpu.memref_slice %arg8[%gather3A_416, %gather3A_417, %gather3A_418] : memref<2x128x32xf32, #tpu.memory_space<vmem>> -> memref<1x128x32xf32, #tpu.memory_space<vmem>>
        %gather3A_420 = tpu.memref_squeeze %gather3A_419 : memref<1x128x32xf32, #tpu.memory_space<vmem>> -> memref<128x32xf32, #tpu.memory_space<vmem>>
        %gather3A_421 = tpu.vector_load_idx %gather3A_420[%add3A_198, %and3A_415] : memref<128x32xf32, #tpu.memory_space<vmem>>[vector<16xi32>, vector<16xi32>], vector<16xf32>,
        %gather3A_422 = arith.constant 1 : i32
        %gather3A_423 = arith.constant 0 : i32
        %gather3A_424 = arith.constant 0 : i32
        %gather3A_425 = tpu.memref_slice %arg9[%gather3A_422, %gather3A_423, %gather3A_424] : memref<2x128x32xf32, #tpu.memory_space<vmem>> -> memref<1x128x32xf32, #tpu.memory_space<vmem>>
        %gather3A_426 = tpu.memref_squeeze %gather3A_425 : memref<1x128x32xf32, #tpu.memory_space<vmem>> -> memref<128x32xf32, #tpu.memory_space<vmem>>
        %gather3A_427 = tpu.vector_load_idx %gather3A_426[%add3A_198, %and3A_415] : memref<128x32xf32, #tpu.memory_space<vmem>>[vector<16xi32>, vector<16xi32>], vector<16xf32>,
        %gather3A_428 = arith.constant 1 : i32
        %gather3A_429 = arith.constant 0 : i32
        %gather3A_430 = arith.constant 0 : i32
        %gather3A_431 = tpu.memref_slice %arg10[%gather3A_428, %gather3A_429, %gather3A_430] : memref<2x128x32xf32, #tpu.memory_space<vmem>> -> memref<1x128x32xf32, #tpu.memory_space<vmem>>
        %gather3A_432 = tpu.memref_squeeze %gather3A_431 : memref<1x128x32xf32, #tpu.memory_space<vmem>> -> memref<128x32xf32, #tpu.memory_space<vmem>>
        %gather3A_433 = tpu.vector_load_idx %gather3A_432[%add3A_198, %and3A_415] : memref<128x32xf32, #tpu.memory_space<vmem>>[vector<16xi32>, vector<16xi32>], vector<16xf32>,
        %sub3A_434 = arith.subf %gather3A_421, %gather3A_427 : vector<16xf32>
        %sub3A_435 = arith.subf %gather3A_421, %gather3A_433 : vector<16xf32>
        %mul3A_436 = arith.mulf %sub3A_434, %sub3A_434 : vector<16xf32>
        %add3A_437 = arith.addf %add3A_407, %mul3A_436 : vector<16xf32>
        %mul3A_438 = arith.mulf %sub3A_435, %sub3A_435 : vector<16xf32>
        %add3A_439 = arith.addf %add3A_409, %mul3A_438 : vector<16xf32>
        %add3A_440 = arith.constant 8 : i32
        %add3A_441 = vector.broadcast %add3A_440 : i32 to vector<16xi32>
        %add3A_442 = arith.addi %iota3A, %add3A_441 : vector<16xi32>
        %and3A_443 = arith.constant 31 : i32
        %and3A_444 = vector.broadcast %and3A_443 : i32 to vector<16xi32>
        %and3A_445 = arith.andi %add3A_442, %and3A_444 : vector<16xi32>
        %gather3A_446 = arith.constant 1 : i32
        %gather3A_447 = arith.constant 0 : i32
        %gather3A_448 = arith.constant 0 : i32
        %gather3A_449 = tpu.memref_slice %arg8[%gather3A_446, %gather3A_447, %gather3A_448] : memref<2x128x32xf32, #tpu.memory_space<vmem>> -> memref<1x128x32xf32, #tpu.memory_space<vmem>>
        %gather3A_450 = tpu.memref_squeeze %gather3A_449 : memref<1x128x32xf32, #tpu.memory_space<vmem>> -> memref<128x32xf32, #tpu.memory_space<vmem>>
        %gather3A_451 = tpu.vector_load_idx %gather3A_450[%add3A_198, %and3A_445] : memref<128x32xf32, #tpu.memory_space<vmem>>[vector<16xi32>, vector<16xi32>], vector<16xf32>,
        %gather3A_452 = arith.constant 1 : i32
        %gather3A_453 = arith.constant 0 : i32
        %gather3A_454 = arith.constant 0 : i32
        %gather3A_455 = tpu.memref_slice %arg9[%gather3A_452, %gather3A_453, %gather3A_454] : memref<2x128x32xf32, #tpu.memory_space<vmem>> -> memref<1x128x32xf32, #tpu.memory_space<vmem>>
        %gather3A_456 = tpu.memref_squeeze %gather3A_455 : memref<1x128x32xf32, #tpu.memory_space<vmem>> -> memref<128x32xf32, #tpu.memory_space<vmem>>
        %gather3A_457 = tpu.vector_load_idx %gather3A_456[%add3A_198, %and3A_445] : memref<128x32xf32, #tpu.memory_space<vmem>>[vector<16xi32>, vector<16xi32>], vector<16xf32>,
        %gather3A_458 = arith.constant 1 : i32
        %gather3A_459 = arith.constant 0 : i32
        %gather3A_460 = arith.constant 0 : i32
        %gather3A_461 = tpu.memref_slice %arg10[%gather3A_458, %gather3A_459, %gather3A_460] : memref<2x128x32xf32, #tpu.memory_space<vmem>> -> memref<1x128x32xf32, #tpu.memory_space<vmem>>
        %gather3A_462 = tpu.memref_squeeze %gather3A_461 : memref<1x128x32xf32, #tpu.memory_space<vmem>> -> memref<128x32xf32, #tpu.memory_space<vmem>>
        %gather3A_463 = tpu.vector_load_idx %gather3A_462[%add3A_198, %and3A_445] : memref<128x32xf32, #tpu.memory_space<vmem>>[vector<16xi32>, vector<16xi32>], vector<16xf32>,
        %sub3A_464 = arith.subf %gather3A_451, %gather3A_457 : vector<16xf32>
        %sub3A_465 = arith.subf %gather3A_451, %gather3A_463 : vector<16xf32>
        %mul3A_466 = arith.mulf %sub3A_464, %sub3A_464 : vector<16xf32>
        %add3A_467 = arith.addf %add3A_437, %mul3A_466 : vector<16xf32>
        %mul3A_468 = arith.mulf %sub3A_465, %sub3A_465 : vector<16xf32>
        %add3A_469 = arith.addf %add3A_439, %mul3A_468 : vector<16xf32>
        %add3A_470 = arith.constant 9 : i32
        %add3A_471 = vector.broadcast %add3A_470 : i32 to vector<16xi32>
        %add3A_472 = arith.addi %iota3A, %add3A_471 : vector<16xi32>
        %and3A_473 = arith.constant 31 : i32
        %and3A_474 = vector.broadcast %and3A_473 : i32 to vector<16xi32>
        %and3A_475 = arith.andi %add3A_472, %and3A_474 : vector<16xi32>
        %gather3A_476 = arith.constant 1 : i32
        %gather3A_477 = arith.constant 0 : i32
        %gather3A_478 = arith.constant 0 : i32
        %gather3A_479 = tpu.memref_slice %arg8[%gather3A_476, %gather3A_477, %gather3A_478] : memref<2x128x32xf32, #tpu.memory_space<vmem>> -> memref<1x128x32xf32, #tpu.memory_space<vmem>>
        %gather3A_480 = tpu.memref_squeeze %gather3A_479 : memref<1x128x32xf32, #tpu.memory_space<vmem>> -> memref<128x32xf32, #tpu.memory_space<vmem>>
        %gather3A_481 = tpu.vector_load_idx %gather3A_480[%add3A_198, %and3A_475] : memref<128x32xf32, #tpu.memory_space<vmem>>[vector<16xi32>, vector<16xi32>], vector<16xf32>,
        %gather3A_482 = arith.constant 1 : i32
        %gather3A_483 = arith.constant 0 : i32
        %gather3A_484 = arith.constant 0 : i32
        %gather3A_485 = tpu.memref_slice %arg9[%gather3A_482, %gather3A_483, %gather3A_484] : memref<2x128x32xf32, #tpu.memory_space<vmem>> -> memref<1x128x32xf32, #tpu.memory_space<vmem>>
        %gather3A_486 = tpu.memref_squeeze %gather3A_485 : memref<1x128x32xf32, #tpu.memory_space<vmem>> -> memref<128x32xf32, #tpu.memory_space<vmem>>
        %gather3A_487 = tpu.vector_load_idx %gather3A_486[%add3A_198, %and3A_475] : memref<128x32xf32, #tpu.memory_space<vmem>>[vector<16xi32>, vector<16xi32>], vector<16xf32>,
        %gather3A_488 = arith.constant 1 : i32
        %gather3A_489 = arith.constant 0 : i32
        %gather3A_490 = arith.constant 0 : i32
        %gather3A_491 = tpu.memref_slice %arg10[%gather3A_488, %gather3A_489, %gather3A_490] : memref<2x128x32xf32, #tpu.memory_space<vmem>> -> memref<1x128x32xf32, #tpu.memory_space<vmem>>
        %gather3A_492 = tpu.memref_squeeze %gather3A_491 : memref<1x128x32xf32, #tpu.memory_space<vmem>> -> memref<128x32xf32, #tpu.memory_space<vmem>>
        %gather3A_493 = tpu.vector_load_idx %gather3A_492[%add3A_198, %and3A_475] : memref<128x32xf32, #tpu.memory_space<vmem>>[vector<16xi32>, vector<16xi32>], vector<16xf32>,
        %sub3A_494 = arith.subf %gather3A_481, %gather3A_487 : vector<16xf32>
        %sub3A_495 = arith.subf %gather3A_481, %gather3A_493 : vector<16xf32>
        %mul3A_496 = arith.mulf %sub3A_494, %sub3A_494 : vector<16xf32>
        %add3A_497 = arith.addf %add3A_467, %mul3A_496 : vector<16xf32>
        %mul3A_498 = arith.mulf %sub3A_495, %sub3A_495 : vector<16xf32>
        %add3A_499 = arith.addf %add3A_469, %mul3A_498 : vector<16xf32>
        %add3A_500 = arith.constant 10 : i32
        %add3A_501 = vector.broadcast %add3A_500 : i32 to vector<16xi32>
        %add3A_502 = arith.addi %iota3A, %add3A_501 : vector<16xi32>
        %and3A_503 = arith.constant 31 : i32
        %and3A_504 = vector.broadcast %and3A_503 : i32 to vector<16xi32>
        %and3A_505 = arith.andi %add3A_502, %and3A_504 : vector<16xi32>
        %gather3A_506 = arith.constant 1 : i32
        %gather3A_507 = arith.constant 0 : i32
        %gather3A_508 = arith.constant 0 : i32
        %gather3A_509 = tpu.memref_slice %arg8[%gather3A_506, %gather3A_507, %gather3A_508] : memref<2x128x32xf32, #tpu.memory_space<vmem>> -> memref<1x128x32xf32, #tpu.memory_space<vmem>>
        %gather3A_510 = tpu.memref_squeeze %gather3A_509 : memref<1x128x32xf32, #tpu.memory_space<vmem>> -> memref<128x32xf32, #tpu.memory_space<vmem>>
        %gather3A_511 = tpu.vector_load_idx %gather3A_510[%add3A_198, %and3A_505] : memref<128x32xf32, #tpu.memory_space<vmem>>[vector<16xi32>, vector<16xi32>], vector<16xf32>,
        %gather3A_512 = arith.constant 1 : i32
        %gather3A_513 = arith.constant 0 : i32
        %gather3A_514 = arith.constant 0 : i32
        %gather3A_515 = tpu.memref_slice %arg9[%gather3A_512, %gather3A_513, %gather3A_514] : memref<2x128x32xf32, #tpu.memory_space<vmem>> -> memref<1x128x32xf32, #tpu.memory_space<vmem>>
        %gather3A_516 = tpu.memref_squeeze %gather3A_515 : memref<1x128x32xf32, #tpu.memory_space<vmem>> -> memref<128x32xf32, #tpu.memory_space<vmem>>
        %gather3A_517 = tpu.vector_load_idx %gather3A_516[%add3A_198, %and3A_505] : memref<128x32xf32, #tpu.memory_space<vmem>>[vector<16xi32>, vector<16xi32>], vector<16xf32>,
        %gather3A_518 = arith.constant 1 : i32
        %gather3A_519 = arith.constant 0 : i32
        %gather3A_520 = arith.constant 0 : i32
        %gather3A_521 = tpu.memref_slice %arg10[%gather3A_518, %gather3A_519, %gather3A_520] : memref<2x128x32xf32, #tpu.memory_space<vmem>> -> memref<1x128x32xf32, #tpu.memory_space<vmem>>
        %gather3A_522 = tpu.memref_squeeze %gather3A_521 : memref<1x128x32xf32, #tpu.memory_space<vmem>> -> memref<128x32xf32, #tpu.memory_space<vmem>>
        %gather3A_523 = tpu.vector_load_idx %gather3A_522[%add3A_198, %and3A_505] : memref<128x32xf32, #tpu.memory_space<vmem>>[vector<16xi32>, vector<16xi32>], vector<16xf32>,
        %sub3A_524 = arith.subf %gather3A_511, %gather3A_517 : vector<16xf32>
        %sub3A_525 = arith.subf %gather3A_511, %gather3A_523 : vector<16xf32>
        %mul3A_526 = arith.mulf %sub3A_524, %sub3A_524 : vector<16xf32>
        %add3A_527 = arith.addf %add3A_497, %mul3A_526 : vector<16xf32>
        %mul3A_528 = arith.mulf %sub3A_525, %sub3A_525 : vector<16xf32>
        %add3A_529 = arith.addf %add3A_499, %mul3A_528 : vector<16xf32>
        %add3A_530 = arith.constant 11 : i32
        %add3A_531 = vector.broadcast %add3A_530 : i32 to vector<16xi32>
        %add3A_532 = arith.addi %iota3A, %add3A_531 : vector<16xi32>
        %and3A_533 = arith.constant 31 : i32
        %and3A_534 = vector.broadcast %and3A_533 : i32 to vector<16xi32>
        %and3A_535 = arith.andi %add3A_532, %and3A_534 : vector<16xi32>
        %gather3A_536 = arith.constant 1 : i32
        %gather3A_537 = arith.constant 0 : i32
        %gather3A_538 = arith.constant 0 : i32
        %gather3A_539 = tpu.memref_slice %arg8[%gather3A_536, %gather3A_537, %gather3A_538] : memref<2x128x32xf32, #tpu.memory_space<vmem>> -> memref<1x128x32xf32, #tpu.memory_space<vmem>>
        %gather3A_540 = tpu.memref_squeeze %gather3A_539 : memref<1x128x32xf32, #tpu.memory_space<vmem>> -> memref<128x32xf32, #tpu.memory_space<vmem>>
        %gather3A_541 = tpu.vector_load_idx %gather3A_540[%add3A_198, %and3A_535] : memref<128x32xf32, #tpu.memory_space<vmem>>[vector<16xi32>, vector<16xi32>], vector<16xf32>,
        %gather3A_542 = arith.constant 1 : i32
        %gather3A_543 = arith.constant 0 : i32
        %gather3A_544 = arith.constant 0 : i32
        %gather3A_545 = tpu.memref_slice %arg9[%gather3A_542, %gather3A_543, %gather3A_544] : memref<2x128x32xf32, #tpu.memory_space<vmem>> -> memref<1x128x32xf32, #tpu.memory_space<vmem>>
        %gather3A_546 = tpu.memref_squeeze %gather3A_545 : memref<1x128x32xf32, #tpu.memory_space<vmem>> -> memref<128x32xf32, #tpu.memory_space<vmem>>
        %gather3A_547 = tpu.vector_load_idx %gather3A_546[%add3A_198, %and3A_535] : memref<128x32xf32, #tpu.memory_space<vmem>>[vector<16xi32>, vector<16xi32>], vector<16xf32>,
        %gather3A_548 = arith.constant 1 : i32
        %gather3A_549 = arith.constant 0 : i32
        %gather3A_550 = arith.constant 0 : i32
        %gather3A_551 = tpu.memref_slice %arg10[%gather3A_548, %gather3A_549, %gather3A_550] : memref<2x128x32xf32, #tpu.memory_space<vmem>> -> memref<1x128x32xf32, #tpu.memory_space<vmem>>
        %gather3A_552 = tpu.memref_squeeze %gather3A_551 : memref<1x128x32xf32, #tpu.memory_space<vmem>> -> memref<128x32xf32, #tpu.memory_space<vmem>>
        %gather3A_553 = tpu.vector_load_idx %gather3A_552[%add3A_198, %and3A_535] : memref<128x32xf32, #tpu.memory_space<vmem>>[vector<16xi32>, vector<16xi32>], vector<16xf32>,
        %sub3A_554 = arith.subf %gather3A_541, %gather3A_547 : vector<16xf32>
        %sub3A_555 = arith.subf %gather3A_541, %gather3A_553 : vector<16xf32>
        %mul3A_556 = arith.mulf %sub3A_554, %sub3A_554 : vector<16xf32>
        %add3A_557 = arith.addf %add3A_527, %mul3A_556 : vector<16xf32>
        %mul3A_558 = arith.mulf %sub3A_555, %sub3A_555 : vector<16xf32>
        %add3A_559 = arith.addf %add3A_529, %mul3A_558 : vector<16xf32>
        %add3A_560 = arith.constant 12 : i32
        %add3A_561 = vector.broadcast %add3A_560 : i32 to vector<16xi32>
        %add3A_562 = arith.addi %iota3A, %add3A_561 : vector<16xi32>
        %and3A_563 = arith.constant 31 : i32
        %and3A_564 = vector.broadcast %and3A_563 : i32 to vector<16xi32>
        %and3A_565 = arith.andi %add3A_562, %and3A_564 : vector<16xi32>
        %gather3A_566 = arith.constant 1 : i32
        %gather3A_567 = arith.constant 0 : i32
        %gather3A_568 = arith.constant 0 : i32
        %gather3A_569 = tpu.memref_slice %arg8[%gather3A_566, %gather3A_567, %gather3A_568] : memref<2x128x32xf32, #tpu.memory_space<vmem>> -> memref<1x128x32xf32, #tpu.memory_space<vmem>>
        %gather3A_570 = tpu.memref_squeeze %gather3A_569 : memref<1x128x32xf32, #tpu.memory_space<vmem>> -> memref<128x32xf32, #tpu.memory_space<vmem>>
        %gather3A_571 = tpu.vector_load_idx %gather3A_570[%add3A_198, %and3A_565] : memref<128x32xf32, #tpu.memory_space<vmem>>[vector<16xi32>, vector<16xi32>], vector<16xf32>,
        %gather3A_572 = arith.constant 1 : i32
        %gather3A_573 = arith.constant 0 : i32
        %gather3A_574 = arith.constant 0 : i32
        %gather3A_575 = tpu.memref_slice %arg9[%gather3A_572, %gather3A_573, %gather3A_574] : memref<2x128x32xf32, #tpu.memory_space<vmem>> -> memref<1x128x32xf32, #tpu.memory_space<vmem>>
        %gather3A_576 = tpu.memref_squeeze %gather3A_575 : memref<1x128x32xf32, #tpu.memory_space<vmem>> -> memref<128x32xf32, #tpu.memory_space<vmem>>
        %gather3A_577 = tpu.vector_load_idx %gather3A_576[%add3A_198, %and3A_565] : memref<128x32xf32, #tpu.memory_space<vmem>>[vector<16xi32>, vector<16xi32>], vector<16xf32>,
        %gather3A_578 = arith.constant 1 : i32
        %gather3A_579 = arith.constant 0 : i32
        %gather3A_580 = arith.constant 0 : i32
        %gather3A_581 = tpu.memref_slice %arg10[%gather3A_578, %gather3A_579, %gather3A_580] : memref<2x128x32xf32, #tpu.memory_space<vmem>> -> memref<1x128x32xf32, #tpu.memory_space<vmem>>
        %gather3A_582 = tpu.memref_squeeze %gather3A_581 : memref<1x128x32xf32, #tpu.memory_space<vmem>> -> memref<128x32xf32, #tpu.memory_space<vmem>>
        %gather3A_583 = tpu.vector_load_idx %gather3A_582[%add3A_198, %and3A_565] : memref<128x32xf32, #tpu.memory_space<vmem>>[vector<16xi32>, vector<16xi32>], vector<16xf32>,
        %sub3A_584 = arith.subf %gather3A_571, %gather3A_577 : vector<16xf32>
        %sub3A_585 = arith.subf %gather3A_571, %gather3A_583 : vector<16xf32>
        %mul3A_586 = arith.mulf %sub3A_584, %sub3A_584 : vector<16xf32>
        %add3A_587 = arith.addf %add3A_557, %mul3A_586 : vector<16xf32>
        %mul3A_588 = arith.mulf %sub3A_585, %sub3A_585 : vector<16xf32>
        %add3A_589 = arith.addf %add3A_559, %mul3A_588 : vector<16xf32>
        %add3A_590 = arith.constant 13 : i32
        %add3A_591 = vector.broadcast %add3A_590 : i32 to vector<16xi32>
        %add3A_592 = arith.addi %iota3A, %add3A_591 : vector<16xi32>
        %and3A_593 = arith.constant 31 : i32
        %and3A_594 = vector.broadcast %and3A_593 : i32 to vector<16xi32>
        %and3A_595 = arith.andi %add3A_592, %and3A_594 : vector<16xi32>
        %gather3A_596 = arith.constant 1 : i32
        %gather3A_597 = arith.constant 0 : i32
        %gather3A_598 = arith.constant 0 : i32
        %gather3A_599 = tpu.memref_slice %arg8[%gather3A_596, %gather3A_597, %gather3A_598] : memref<2x128x32xf32, #tpu.memory_space<vmem>> -> memref<1x128x32xf32, #tpu.memory_space<vmem>>
        %gather3A_600 = tpu.memref_squeeze %gather3A_599 : memref<1x128x32xf32, #tpu.memory_space<vmem>> -> memref<128x32xf32, #tpu.memory_space<vmem>>
        %gather3A_601 = tpu.vector_load_idx %gather3A_600[%add3A_198, %and3A_595] : memref<128x32xf32, #tpu.memory_space<vmem>>[vector<16xi32>, vector<16xi32>], vector<16xf32>,
        %gather3A_602 = arith.constant 1 : i32
        %gather3A_603 = arith.constant 0 : i32
        %gather3A_604 = arith.constant 0 : i32
        %gather3A_605 = tpu.memref_slice %arg9[%gather3A_602, %gather3A_603, %gather3A_604] : memref<2x128x32xf32, #tpu.memory_space<vmem>> -> memref<1x128x32xf32, #tpu.memory_space<vmem>>
        %gather3A_606 = tpu.memref_squeeze %gather3A_605 : memref<1x128x32xf32, #tpu.memory_space<vmem>> -> memref<128x32xf32, #tpu.memory_space<vmem>>
        %gather3A_607 = tpu.vector_load_idx %gather3A_606[%add3A_198, %and3A_595] : memref<128x32xf32, #tpu.memory_space<vmem>>[vector<16xi32>, vector<16xi32>], vector<16xf32>,
        %gather3A_608 = arith.constant 1 : i32
        %gather3A_609 = arith.constant 0 : i32
        %gather3A_610 = arith.constant 0 : i32
        %gather3A_611 = tpu.memref_slice %arg10[%gather3A_608, %gather3A_609, %gather3A_610] : memref<2x128x32xf32, #tpu.memory_space<vmem>> -> memref<1x128x32xf32, #tpu.memory_space<vmem>>
        %gather3A_612 = tpu.memref_squeeze %gather3A_611 : memref<1x128x32xf32, #tpu.memory_space<vmem>> -> memref<128x32xf32, #tpu.memory_space<vmem>>
        %gather3A_613 = tpu.vector_load_idx %gather3A_612[%add3A_198, %and3A_595] : memref<128x32xf32, #tpu.memory_space<vmem>>[vector<16xi32>, vector<16xi32>], vector<16xf32>,
        %sub3A_614 = arith.subf %gather3A_601, %gather3A_607 : vector<16xf32>
        %sub3A_615 = arith.subf %gather3A_601, %gather3A_613 : vector<16xf32>
        %mul3A_616 = arith.mulf %sub3A_614, %sub3A_614 : vector<16xf32>
        %add3A_617 = arith.addf %add3A_587, %mul3A_616 : vector<16xf32>
        %mul3A_618 = arith.mulf %sub3A_615, %sub3A_615 : vector<16xf32>
        %add3A_619 = arith.addf %add3A_589, %mul3A_618 : vector<16xf32>
        %add3A_620 = arith.constant 14 : i32
        %add3A_621 = vector.broadcast %add3A_620 : i32 to vector<16xi32>
        %add3A_622 = arith.addi %iota3A, %add3A_621 : vector<16xi32>
        %and3A_623 = arith.constant 31 : i32
        %and3A_624 = vector.broadcast %and3A_623 : i32 to vector<16xi32>
        %and3A_625 = arith.andi %add3A_622, %and3A_624 : vector<16xi32>
        %gather3A_626 = arith.constant 1 : i32
        %gather3A_627 = arith.constant 0 : i32
        %gather3A_628 = arith.constant 0 : i32
        %gather3A_629 = tpu.memref_slice %arg8[%gather3A_626, %gather3A_627, %gather3A_628] : memref<2x128x32xf32, #tpu.memory_space<vmem>> -> memref<1x128x32xf32, #tpu.memory_space<vmem>>
        %gather3A_630 = tpu.memref_squeeze %gather3A_629 : memref<1x128x32xf32, #tpu.memory_space<vmem>> -> memref<128x32xf32, #tpu.memory_space<vmem>>
        %gather3A_631 = tpu.vector_load_idx %gather3A_630[%add3A_198, %and3A_625] : memref<128x32xf32, #tpu.memory_space<vmem>>[vector<16xi32>, vector<16xi32>], vector<16xf32>,
        %gather3A_632 = arith.constant 1 : i32
        %gather3A_633 = arith.constant 0 : i32
        %gather3A_634 = arith.constant 0 : i32
        %gather3A_635 = tpu.memref_slice %arg9[%gather3A_632, %gather3A_633, %gather3A_634] : memref<2x128x32xf32, #tpu.memory_space<vmem>> -> memref<1x128x32xf32, #tpu.memory_space<vmem>>
        %gather3A_636 = tpu.memref_squeeze %gather3A_635 : memref<1x128x32xf32, #tpu.memory_space<vmem>> -> memref<128x32xf32, #tpu.memory_space<vmem>>
        %gather3A_637 = tpu.vector_load_idx %gather3A_636[%add3A_198, %and3A_625] : memref<128x32xf32, #tpu.memory_space<vmem>>[vector<16xi32>, vector<16xi32>], vector<16xf32>,
        %gather3A_638 = arith.constant 1 : i32
        %gather3A_639 = arith.constant 0 : i32
        %gather3A_640 = arith.constant 0 : i32
        %gather3A_641 = tpu.memref_slice %arg10[%gather3A_638, %gather3A_639, %gather3A_640] : memref<2x128x32xf32, #tpu.memory_space<vmem>> -> memref<1x128x32xf32, #tpu.memory_space<vmem>>
        %gather3A_642 = tpu.memref_squeeze %gather3A_641 : memref<1x128x32xf32, #tpu.memory_space<vmem>> -> memref<128x32xf32, #tpu.memory_space<vmem>>
        %gather3A_643 = tpu.vector_load_idx %gather3A_642[%add3A_198, %and3A_625] : memref<128x32xf32, #tpu.memory_space<vmem>>[vector<16xi32>, vector<16xi32>], vector<16xf32>,
        %sub3A_644 = arith.subf %gather3A_631, %gather3A_637 : vector<16xf32>
        %sub3A_645 = arith.subf %gather3A_631, %gather3A_643 : vector<16xf32>
        %mul3A_646 = arith.mulf %sub3A_644, %sub3A_644 : vector<16xf32>
        %add3A_647 = arith.addf %add3A_617, %mul3A_646 : vector<16xf32>
        %mul3A_648 = arith.mulf %sub3A_645, %sub3A_645 : vector<16xf32>
        %add3A_649 = arith.addf %add3A_619, %mul3A_648 : vector<16xf32>
        %add3A_650 = arith.constant 15 : i32
        %add3A_651 = vector.broadcast %add3A_650 : i32 to vector<16xi32>
        %add3A_652 = arith.addi %iota3A, %add3A_651 : vector<16xi32>
        %and3A_653 = arith.constant 31 : i32
        %and3A_654 = vector.broadcast %and3A_653 : i32 to vector<16xi32>
        %and3A_655 = arith.andi %add3A_652, %and3A_654 : vector<16xi32>
        %gather3A_656 = arith.constant 1 : i32
        %gather3A_657 = arith.constant 0 : i32
        %gather3A_658 = arith.constant 0 : i32
        %gather3A_659 = tpu.memref_slice %arg8[%gather3A_656, %gather3A_657, %gather3A_658] : memref<2x128x32xf32, #tpu.memory_space<vmem>> -> memref<1x128x32xf32, #tpu.memory_space<vmem>>
        %gather3A_660 = tpu.memref_squeeze %gather3A_659 : memref<1x128x32xf32, #tpu.memory_space<vmem>> -> memref<128x32xf32, #tpu.memory_space<vmem>>
        %gather3A_661 = tpu.vector_load_idx %gather3A_660[%add3A_198, %and3A_655] : memref<128x32xf32, #tpu.memory_space<vmem>>[vector<16xi32>, vector<16xi32>], vector<16xf32>,
        %gather3A_662 = arith.constant 1 : i32
        %gather3A_663 = arith.constant 0 : i32
        %gather3A_664 = arith.constant 0 : i32
        %gather3A_665 = tpu.memref_slice %arg9[%gather3A_662, %gather3A_663, %gather3A_664] : memref<2x128x32xf32, #tpu.memory_space<vmem>> -> memref<1x128x32xf32, #tpu.memory_space<vmem>>
        %gather3A_666 = tpu.memref_squeeze %gather3A_665 : memref<1x128x32xf32, #tpu.memory_space<vmem>> -> memref<128x32xf32, #tpu.memory_space<vmem>>
        %gather3A_667 = tpu.vector_load_idx %gather3A_666[%add3A_198, %and3A_655] : memref<128x32xf32, #tpu.memory_space<vmem>>[vector<16xi32>, vector<16xi32>], vector<16xf32>,
        %gather3A_668 = arith.constant 1 : i32
        %gather3A_669 = arith.constant 0 : i32
        %gather3A_670 = arith.constant 0 : i32
        %gather3A_671 = tpu.memref_slice %arg10[%gather3A_668, %gather3A_669, %gather3A_670] : memref<2x128x32xf32, #tpu.memory_space<vmem>> -> memref<1x128x32xf32, #tpu.memory_space<vmem>>
        %gather3A_672 = tpu.memref_squeeze %gather3A_671 : memref<1x128x32xf32, #tpu.memory_space<vmem>> -> memref<128x32xf32, #tpu.memory_space<vmem>>
        %gather3A_673 = tpu.vector_load_idx %gather3A_672[%add3A_198, %and3A_655] : memref<128x32xf32, #tpu.memory_space<vmem>>[vector<16xi32>, vector<16xi32>], vector<16xf32>,
        %sub3A_674 = arith.subf %gather3A_661, %gather3A_667 : vector<16xf32>
        %sub3A_675 = arith.subf %gather3A_661, %gather3A_673 : vector<16xf32>
        %mul3A_676 = arith.mulf %sub3A_674, %sub3A_674 : vector<16xf32>
        %add3A_677 = arith.addf %add3A_647, %mul3A_676 : vector<16xf32>
        %mul3A_678 = arith.mulf %sub3A_675, %sub3A_675 : vector<16xf32>
        %add3A_679 = arith.addf %add3A_649, %mul3A_678 : vector<16xf32>
        %add3A_680 = arith.constant 16 : i32
        %add3A_681 = vector.broadcast %add3A_680 : i32 to vector<16xi32>
        %add3A_682 = arith.addi %iota3A, %add3A_681 : vector<16xi32>
        %and3A_683 = arith.constant 31 : i32
        %and3A_684 = vector.broadcast %and3A_683 : i32 to vector<16xi32>
        %and3A_685 = arith.andi %add3A_682, %and3A_684 : vector<16xi32>
        %gather3A_686 = arith.constant 1 : i32
        %gather3A_687 = arith.constant 0 : i32
        %gather3A_688 = arith.constant 0 : i32
        %gather3A_689 = tpu.memref_slice %arg8[%gather3A_686, %gather3A_687, %gather3A_688] : memref<2x128x32xf32, #tpu.memory_space<vmem>> -> memref<1x128x32xf32, #tpu.memory_space<vmem>>
        %gather3A_690 = tpu.memref_squeeze %gather3A_689 : memref<1x128x32xf32, #tpu.memory_space<vmem>> -> memref<128x32xf32, #tpu.memory_space<vmem>>
        %gather3A_691 = tpu.vector_load_idx %gather3A_690[%add3A_198, %and3A_685] : memref<128x32xf32, #tpu.memory_space<vmem>>[vector<16xi32>, vector<16xi32>], vector<16xf32>,
        %gather3A_692 = arith.constant 1 : i32
        %gather3A_693 = arith.constant 0 : i32
        %gather3A_694 = arith.constant 0 : i32
        %gather3A_695 = tpu.memref_slice %arg9[%gather3A_692, %gather3A_693, %gather3A_694] : memref<2x128x32xf32, #tpu.memory_space<vmem>> -> memref<1x128x32xf32, #tpu.memory_space<vmem>>
        %gather3A_696 = tpu.memref_squeeze %gather3A_695 : memref<1x128x32xf32, #tpu.memory_space<vmem>> -> memref<128x32xf32, #tpu.memory_space<vmem>>
        %gather3A_697 = tpu.vector_load_idx %gather3A_696[%add3A_198, %and3A_685] : memref<128x32xf32, #tpu.memory_space<vmem>>[vector<16xi32>, vector<16xi32>], vector<16xf32>,
        %gather3A_698 = arith.constant 1 : i32
        %gather3A_699 = arith.constant 0 : i32
        %gather3A_700 = arith.constant 0 : i32
        %gather3A_701 = tpu.memref_slice %arg10[%gather3A_698, %gather3A_699, %gather3A_700] : memref<2x128x32xf32, #tpu.memory_space<vmem>> -> memref<1x128x32xf32, #tpu.memory_space<vmem>>
        %gather3A_702 = tpu.memref_squeeze %gather3A_701 : memref<1x128x32xf32, #tpu.memory_space<vmem>> -> memref<128x32xf32, #tpu.memory_space<vmem>>
        %gather3A_703 = tpu.vector_load_idx %gather3A_702[%add3A_198, %and3A_685] : memref<128x32xf32, #tpu.memory_space<vmem>>[vector<16xi32>, vector<16xi32>], vector<16xf32>,
        %sub3A_704 = arith.subf %gather3A_691, %gather3A_697 : vector<16xf32>
        %sub3A_705 = arith.subf %gather3A_691, %gather3A_703 : vector<16xf32>
        %mul3A_706 = arith.mulf %sub3A_704, %sub3A_704 : vector<16xf32>
        %add3A_707 = arith.addf %add3A_677, %mul3A_706 : vector<16xf32>
        %mul3A_708 = arith.mulf %sub3A_705, %sub3A_705 : vector<16xf32>
        %add3A_709 = arith.addf %add3A_679, %mul3A_708 : vector<16xf32>
        %add3A_710 = arith.constant 17 : i32
        %add3A_711 = vector.broadcast %add3A_710 : i32 to vector<16xi32>
        %add3A_712 = arith.addi %iota3A, %add3A_711 : vector<16xi32>
        %and3A_713 = arith.constant 31 : i32
        %and3A_714 = vector.broadcast %and3A_713 : i32 to vector<16xi32>
        %and3A_715 = arith.andi %add3A_712, %and3A_714 : vector<16xi32>
        %gather3A_716 = arith.constant 1 : i32
        %gather3A_717 = arith.constant 0 : i32
        %gather3A_718 = arith.constant 0 : i32
        %gather3A_719 = tpu.memref_slice %arg8[%gather3A_716, %gather3A_717, %gather3A_718] : memref<2x128x32xf32, #tpu.memory_space<vmem>> -> memref<1x128x32xf32, #tpu.memory_space<vmem>>
        %gather3A_720 = tpu.memref_squeeze %gather3A_719 : memref<1x128x32xf32, #tpu.memory_space<vmem>> -> memref<128x32xf32, #tpu.memory_space<vmem>>
        %gather3A_721 = tpu.vector_load_idx %gather3A_720[%add3A_198, %and3A_715] : memref<128x32xf32, #tpu.memory_space<vmem>>[vector<16xi32>, vector<16xi32>], vector<16xf32>,
        %gather3A_722 = arith.constant 1 : i32
        %gather3A_723 = arith.constant 0 : i32
        %gather3A_724 = arith.constant 0 : i32
        %gather3A_725 = tpu.memref_slice %arg9[%gather3A_722, %gather3A_723, %gather3A_724] : memref<2x128x32xf32, #tpu.memory_space<vmem>> -> memref<1x128x32xf32, #tpu.memory_space<vmem>>
        %gather3A_726 = tpu.memref_squeeze %gather3A_725 : memref<1x128x32xf32, #tpu.memory_space<vmem>> -> memref<128x32xf32, #tpu.memory_space<vmem>>
        %gather3A_727 = tpu.vector_load_idx %gather3A_726[%add3A_198, %and3A_715] : memref<128x32xf32, #tpu.memory_space<vmem>>[vector<16xi32>, vector<16xi32>], vector<16xf32>,
        %gather3A_728 = arith.constant 1 : i32
        %gather3A_729 = arith.constant 0 : i32
        %gather3A_730 = arith.constant 0 : i32
        %gather3A_731 = tpu.memref_slice %arg10[%gather3A_728, %gather3A_729, %gather3A_730] : memref<2x128x32xf32, #tpu.memory_space<vmem>> -> memref<1x128x32xf32, #tpu.memory_space<vmem>>
        %gather3A_732 = tpu.memref_squeeze %gather3A_731 : memref<1x128x32xf32, #tpu.memory_space<vmem>> -> memref<128x32xf32, #tpu.memory_space<vmem>>
        %gather3A_733 = tpu.vector_load_idx %gather3A_732[%add3A_198, %and3A_715] : memref<128x32xf32, #tpu.memory_space<vmem>>[vector<16xi32>, vector<16xi32>], vector<16xf32>,
        %sub3A_734 = arith.subf %gather3A_721, %gather3A_727 : vector<16xf32>
        %sub3A_735 = arith.subf %gather3A_721, %gather3A_733 : vector<16xf32>
        %mul3A_736 = arith.mulf %sub3A_734, %sub3A_734 : vector<16xf32>
        %add3A_737 = arith.addf %add3A_707, %mul3A_736 : vector<16xf32>
        %mul3A_738 = arith.mulf %sub3A_735, %sub3A_735 : vector<16xf32>
        %add3A_739 = arith.addf %add3A_709, %mul3A_738 : vector<16xf32>
        %add3A_740 = arith.constant 18 : i32
        %add3A_741 = vector.broadcast %add3A_740 : i32 to vector<16xi32>
        %add3A_742 = arith.addi %iota3A, %add3A_741 : vector<16xi32>
        %and3A_743 = arith.constant 31 : i32
        %and3A_744 = vector.broadcast %and3A_743 : i32 to vector<16xi32>
        %and3A_745 = arith.andi %add3A_742, %and3A_744 : vector<16xi32>
        %gather3A_746 = arith.constant 1 : i32
        %gather3A_747 = arith.constant 0 : i32
        %gather3A_748 = arith.constant 0 : i32
        %gather3A_749 = tpu.memref_slice %arg8[%gather3A_746, %gather3A_747, %gather3A_748] : memref<2x128x32xf32, #tpu.memory_space<vmem>> -> memref<1x128x32xf32, #tpu.memory_space<vmem>>
        %gather3A_750 = tpu.memref_squeeze %gather3A_749 : memref<1x128x32xf32, #tpu.memory_space<vmem>> -> memref<128x32xf32, #tpu.memory_space<vmem>>
        %gather3A_751 = tpu.vector_load_idx %gather3A_750[%add3A_198, %and3A_745] : memref<128x32xf32, #tpu.memory_space<vmem>>[vector<16xi32>, vector<16xi32>], vector<16xf32>,
        %gather3A_752 = arith.constant 1 : i32
        %gather3A_753 = arith.constant 0 : i32
        %gather3A_754 = arith.constant 0 : i32
        %gather3A_755 = tpu.memref_slice %arg9[%gather3A_752, %gather3A_753, %gather3A_754] : memref<2x128x32xf32, #tpu.memory_space<vmem>> -> memref<1x128x32xf32, #tpu.memory_space<vmem>>
        %gather3A_756 = tpu.memref_squeeze %gather3A_755 : memref<1x128x32xf32, #tpu.memory_space<vmem>> -> memref<128x32xf32, #tpu.memory_space<vmem>>
        %gather3A_757 = tpu.vector_load_idx %gather3A_756[%add3A_198, %and3A_745] : memref<128x32xf32, #tpu.memory_space<vmem>>[vector<16xi32>, vector<16xi32>], vector<16xf32>,
        %gather3A_758 = arith.constant 1 : i32
        %gather3A_759 = arith.constant 0 : i32
        %gather3A_760 = arith.constant 0 : i32
        %gather3A_761 = tpu.memref_slice %arg10[%gather3A_758, %gather3A_759, %gather3A_760] : memref<2x128x32xf32, #tpu.memory_space<vmem>> -> memref<1x128x32xf32, #tpu.memory_space<vmem>>
        %gather3A_762 = tpu.memref_squeeze %gather3A_761 : memref<1x128x32xf32, #tpu.memory_space<vmem>> -> memref<128x32xf32, #tpu.memory_space<vmem>>
        %gather3A_763 = tpu.vector_load_idx %gather3A_762[%add3A_198, %and3A_745] : memref<128x32xf32, #tpu.memory_space<vmem>>[vector<16xi32>, vector<16xi32>], vector<16xf32>,
        %sub3A_764 = arith.subf %gather3A_751, %gather3A_757 : vector<16xf32>
        %sub3A_765 = arith.subf %gather3A_751, %gather3A_763 : vector<16xf32>
        %mul3A_766 = arith.mulf %sub3A_764, %sub3A_764 : vector<16xf32>
        %add3A_767 = arith.addf %add3A_737, %mul3A_766 : vector<16xf32>
        %mul3A_768 = arith.mulf %sub3A_765, %sub3A_765 : vector<16xf32>
        %add3A_769 = arith.addf %add3A_739, %mul3A_768 : vector<16xf32>
        %add3A_770 = arith.constant 19 : i32
        %add3A_771 = vector.broadcast %add3A_770 : i32 to vector<16xi32>
        %add3A_772 = arith.addi %iota3A, %add3A_771 : vector<16xi32>
        %and3A_773 = arith.constant 31 : i32
        %and3A_774 = vector.broadcast %and3A_773 : i32 to vector<16xi32>
        %and3A_775 = arith.andi %add3A_772, %and3A_774 : vector<16xi32>
        %gather3A_776 = arith.constant 1 : i32
        %gather3A_777 = arith.constant 0 : i32
        %gather3A_778 = arith.constant 0 : i32
        %gather3A_779 = tpu.memref_slice %arg8[%gather3A_776, %gather3A_777, %gather3A_778] : memref<2x128x32xf32, #tpu.memory_space<vmem>> -> memref<1x128x32xf32, #tpu.memory_space<vmem>>
        %gather3A_780 = tpu.memref_squeeze %gather3A_779 : memref<1x128x32xf32, #tpu.memory_space<vmem>> -> memref<128x32xf32, #tpu.memory_space<vmem>>
        %gather3A_781 = tpu.vector_load_idx %gather3A_780[%add3A_198, %and3A_775] : memref<128x32xf32, #tpu.memory_space<vmem>>[vector<16xi32>, vector<16xi32>], vector<16xf32>,
        %gather3A_782 = arith.constant 1 : i32
        %gather3A_783 = arith.constant 0 : i32
        %gather3A_784 = arith.constant 0 : i32
        %gather3A_785 = tpu.memref_slice %arg9[%gather3A_782, %gather3A_783, %gather3A_784] : memref<2x128x32xf32, #tpu.memory_space<vmem>> -> memref<1x128x32xf32, #tpu.memory_space<vmem>>
        %gather3A_786 = tpu.memref_squeeze %gather3A_785 : memref<1x128x32xf32, #tpu.memory_space<vmem>> -> memref<128x32xf32, #tpu.memory_space<vmem>>
        %gather3A_787 = tpu.vector_load_idx %gather3A_786[%add3A_198, %and3A_775] : memref<128x32xf32, #tpu.memory_space<vmem>>[vector<16xi32>, vector<16xi32>], vector<16xf32>,
        %gather3A_788 = arith.constant 1 : i32
        %gather3A_789 = arith.constant 0 : i32
        %gather3A_790 = arith.constant 0 : i32
        %gather3A_791 = tpu.memref_slice %arg10[%gather3A_788, %gather3A_789, %gather3A_790] : memref<2x128x32xf32, #tpu.memory_space<vmem>> -> memref<1x128x32xf32, #tpu.memory_space<vmem>>
        %gather3A_792 = tpu.memref_squeeze %gather3A_791 : memref<1x128x32xf32, #tpu.memory_space<vmem>> -> memref<128x32xf32, #tpu.memory_space<vmem>>
        %gather3A_793 = tpu.vector_load_idx %gather3A_792[%add3A_198, %and3A_775] : memref<128x32xf32, #tpu.memory_space<vmem>>[vector<16xi32>, vector<16xi32>], vector<16xf32>,
        %sub3A_794 = arith.subf %gather3A_781, %gather3A_787 : vector<16xf32>
        %sub3A_795 = arith.subf %gather3A_781, %gather3A_793 : vector<16xf32>
        %mul3A_796 = arith.mulf %sub3A_794, %sub3A_794 : vector<16xf32>
        %add3A_797 = arith.addf %add3A_767, %mul3A_796 : vector<16xf32>
        %mul3A_798 = arith.mulf %sub3A_795, %sub3A_795 : vector<16xf32>
        %add3A_799 = arith.addf %add3A_769, %mul3A_798 : vector<16xf32>
        %add3A_800 = arith.constant 20 : i32
        %add3A_801 = vector.broadcast %add3A_800 : i32 to vector<16xi32>
        %add3A_802 = arith.addi %iota3A, %add3A_801 : vector<16xi32>
        %and3A_803 = arith.constant 31 : i32
        %and3A_804 = vector.broadcast %and3A_803 : i32 to vector<16xi32>
        %and3A_805 = arith.andi %add3A_802, %and3A_804 : vector<16xi32>
        %gather3A_806 = arith.constant 1 : i32
        %gather3A_807 = arith.constant 0 : i32
        %gather3A_808 = arith.constant 0 : i32
        %gather3A_809 = tpu.memref_slice %arg8[%gather3A_806, %gather3A_807, %gather3A_808] : memref<2x128x32xf32, #tpu.memory_space<vmem>> -> memref<1x128x32xf32, #tpu.memory_space<vmem>>
        %gather3A_810 = tpu.memref_squeeze %gather3A_809 : memref<1x128x32xf32, #tpu.memory_space<vmem>> -> memref<128x32xf32, #tpu.memory_space<vmem>>
        %gather3A_811 = tpu.vector_load_idx %gather3A_810[%add3A_198, %and3A_805] : memref<128x32xf32, #tpu.memory_space<vmem>>[vector<16xi32>, vector<16xi32>], vector<16xf32>,
        %gather3A_812 = arith.constant 1 : i32
        %gather3A_813 = arith.constant 0 : i32
        %gather3A_814 = arith.constant 0 : i32
        %gather3A_815 = tpu.memref_slice %arg9[%gather3A_812, %gather3A_813, %gather3A_814] : memref<2x128x32xf32, #tpu.memory_space<vmem>> -> memref<1x128x32xf32, #tpu.memory_space<vmem>>
        %gather3A_816 = tpu.memref_squeeze %gather3A_815 : memref<1x128x32xf32, #tpu.memory_space<vmem>> -> memref<128x32xf32, #tpu.memory_space<vmem>>
        %gather3A_817 = tpu.vector_load_idx %gather3A_816[%add3A_198, %and3A_805] : memref<128x32xf32, #tpu.memory_space<vmem>>[vector<16xi32>, vector<16xi32>], vector<16xf32>,
        %gather3A_818 = arith.constant 1 : i32
        %gather3A_819 = arith.constant 0 : i32
        %gather3A_820 = arith.constant 0 : i32
        %gather3A_821 = tpu.memref_slice %arg10[%gather3A_818, %gather3A_819, %gather3A_820] : memref<2x128x32xf32, #tpu.memory_space<vmem>> -> memref<1x128x32xf32, #tpu.memory_space<vmem>>
        %gather3A_822 = tpu.memref_squeeze %gather3A_821 : memref<1x128x32xf32, #tpu.memory_space<vmem>> -> memref<128x32xf32, #tpu.memory_space<vmem>>
        %gather3A_823 = tpu.vector_load_idx %gather3A_822[%add3A_198, %and3A_805] : memref<128x32xf32, #tpu.memory_space<vmem>>[vector<16xi32>, vector<16xi32>], vector<16xf32>,
        %sub3A_824 = arith.subf %gather3A_811, %gather3A_817 : vector<16xf32>
        %sub3A_825 = arith.subf %gather3A_811, %gather3A_823 : vector<16xf32>
        %mul3A_826 = arith.mulf %sub3A_824, %sub3A_824 : vector<16xf32>
        %add3A_827 = arith.addf %add3A_797, %mul3A_826 : vector<16xf32>
        %mul3A_828 = arith.mulf %sub3A_825, %sub3A_825 : vector<16xf32>
        %add3A_829 = arith.addf %add3A_799, %mul3A_828 : vector<16xf32>
        %add3A_830 = arith.constant 21 : i32
        %add3A_831 = vector.broadcast %add3A_830 : i32 to vector<16xi32>
        %add3A_832 = arith.addi %iota3A, %add3A_831 : vector<16xi32>
        %and3A_833 = arith.constant 31 : i32
        %and3A_834 = vector.broadcast %and3A_833 : i32 to vector<16xi32>
        %and3A_835 = arith.andi %add3A_832, %and3A_834 : vector<16xi32>
        %gather3A_836 = arith.constant 1 : i32
        %gather3A_837 = arith.constant 0 : i32
        %gather3A_838 = arith.constant 0 : i32
        %gather3A_839 = tpu.memref_slice %arg8[%gather3A_836, %gather3A_837, %gather3A_838] : memref<2x128x32xf32, #tpu.memory_space<vmem>> -> memref<1x128x32xf32, #tpu.memory_space<vmem>>
        %gather3A_840 = tpu.memref_squeeze %gather3A_839 : memref<1x128x32xf32, #tpu.memory_space<vmem>> -> memref<128x32xf32, #tpu.memory_space<vmem>>
        %gather3A_841 = tpu.vector_load_idx %gather3A_840[%add3A_198, %and3A_835] : memref<128x32xf32, #tpu.memory_space<vmem>>[vector<16xi32>, vector<16xi32>], vector<16xf32>,
        %gather3A_842 = arith.constant 1 : i32
        %gather3A_843 = arith.constant 0 : i32
        %gather3A_844 = arith.constant 0 : i32
        %gather3A_845 = tpu.memref_slice %arg9[%gather3A_842, %gather3A_843, %gather3A_844] : memref<2x128x32xf32, #tpu.memory_space<vmem>> -> memref<1x128x32xf32, #tpu.memory_space<vmem>>
        %gather3A_846 = tpu.memref_squeeze %gather3A_845 : memref<1x128x32xf32, #tpu.memory_space<vmem>> -> memref<128x32xf32, #tpu.memory_space<vmem>>
        %gather3A_847 = tpu.vector_load_idx %gather3A_846[%add3A_198, %and3A_835] : memref<128x32xf32, #tpu.memory_space<vmem>>[vector<16xi32>, vector<16xi32>], vector<16xf32>,
        %gather3A_848 = arith.constant 1 : i32
        %gather3A_849 = arith.constant 0 : i32
        %gather3A_850 = arith.constant 0 : i32
        %gather3A_851 = tpu.memref_slice %arg10[%gather3A_848, %gather3A_849, %gather3A_850] : memref<2x128x32xf32, #tpu.memory_space<vmem>> -> memref<1x128x32xf32, #tpu.memory_space<vmem>>
        %gather3A_852 = tpu.memref_squeeze %gather3A_851 : memref<1x128x32xf32, #tpu.memory_space<vmem>> -> memref<128x32xf32, #tpu.memory_space<vmem>>
        %gather3A_853 = tpu.vector_load_idx %gather3A_852[%add3A_198, %and3A_835] : memref<128x32xf32, #tpu.memory_space<vmem>>[vector<16xi32>, vector<16xi32>], vector<16xf32>,
        %sub3A_854 = arith.subf %gather3A_841, %gather3A_847 : vector<16xf32>
        %sub3A_855 = arith.subf %gather3A_841, %gather3A_853 : vector<16xf32>
        %mul3A_856 = arith.mulf %sub3A_854, %sub3A_854 : vector<16xf32>
        %add3A_857 = arith.addf %add3A_827, %mul3A_856 : vector<16xf32>
        %mul3A_858 = arith.mulf %sub3A_855, %sub3A_855 : vector<16xf32>
        %add3A_859 = arith.addf %add3A_829, %mul3A_858 : vector<16xf32>
        %add3A_860 = arith.constant 22 : i32
        %add3A_861 = vector.broadcast %add3A_860 : i32 to vector<16xi32>
        %add3A_862 = arith.addi %iota3A, %add3A_861 : vector<16xi32>
        %and3A_863 = arith.constant 31 : i32
        %and3A_864 = vector.broadcast %and3A_863 : i32 to vector<16xi32>
        %and3A_865 = arith.andi %add3A_862, %and3A_864 : vector<16xi32>
        %gather3A_866 = arith.constant 1 : i32
        %gather3A_867 = arith.constant 0 : i32
        %gather3A_868 = arith.constant 0 : i32
        %gather3A_869 = tpu.memref_slice %arg8[%gather3A_866, %gather3A_867, %gather3A_868] : memref<2x128x32xf32, #tpu.memory_space<vmem>> -> memref<1x128x32xf32, #tpu.memory_space<vmem>>
        %gather3A_870 = tpu.memref_squeeze %gather3A_869 : memref<1x128x32xf32, #tpu.memory_space<vmem>> -> memref<128x32xf32, #tpu.memory_space<vmem>>
        %gather3A_871 = tpu.vector_load_idx %gather3A_870[%add3A_198, %and3A_865] : memref<128x32xf32, #tpu.memory_space<vmem>>[vector<16xi32>, vector<16xi32>], vector<16xf32>,
        %gather3A_872 = arith.constant 1 : i32
        %gather3A_873 = arith.constant 0 : i32
        %gather3A_874 = arith.constant 0 : i32
        %gather3A_875 = tpu.memref_slice %arg9[%gather3A_872, %gather3A_873, %gather3A_874] : memref<2x128x32xf32, #tpu.memory_space<vmem>> -> memref<1x128x32xf32, #tpu.memory_space<vmem>>
        %gather3A_876 = tpu.memref_squeeze %gather3A_875 : memref<1x128x32xf32, #tpu.memory_space<vmem>> -> memref<128x32xf32, #tpu.memory_space<vmem>>
        %gather3A_877 = tpu.vector_load_idx %gather3A_876[%add3A_198, %and3A_865] : memref<128x32xf32, #tpu.memory_space<vmem>>[vector<16xi32>, vector<16xi32>], vector<16xf32>,
        %gather3A_878 = arith.constant 1 : i32
        %gather3A_879 = arith.constant 0 : i32
        %gather3A_880 = arith.constant 0 : i32
        %gather3A_881 = tpu.memref_slice %arg10[%gather3A_878, %gather3A_879, %gather3A_880] : memref<2x128x32xf32, #tpu.memory_space<vmem>> -> memref<1x128x32xf32, #tpu.memory_space<vmem>>
        %gather3A_882 = tpu.memref_squeeze %gather3A_881 : memref<1x128x32xf32, #tpu.memory_space<vmem>> -> memref<128x32xf32, #tpu.memory_space<vmem>>
        %gather3A_883 = tpu.vector_load_idx %gather3A_882[%add3A_198, %and3A_865] : memref<128x32xf32, #tpu.memory_space<vmem>>[vector<16xi32>, vector<16xi32>], vector<16xf32>,
        %sub3A_884 = arith.subf %gather3A_871, %gather3A_877 : vector<16xf32>
        %sub3A_885 = arith.subf %gather3A_871, %gather3A_883 : vector<16xf32>
        %mul3A_886 = arith.mulf %sub3A_884, %sub3A_884 : vector<16xf32>
        %add3A_887 = arith.addf %add3A_857, %mul3A_886 : vector<16xf32>
        %mul3A_888 = arith.mulf %sub3A_885, %sub3A_885 : vector<16xf32>
        %add3A_889 = arith.addf %add3A_859, %mul3A_888 : vector<16xf32>
        %add3A_890 = arith.constant 23 : i32
        %add3A_891 = vector.broadcast %add3A_890 : i32 to vector<16xi32>
        %add3A_892 = arith.addi %iota3A, %add3A_891 : vector<16xi32>
        %and3A_893 = arith.constant 31 : i32
        %and3A_894 = vector.broadcast %and3A_893 : i32 to vector<16xi32>
        %and3A_895 = arith.andi %add3A_892, %and3A_894 : vector<16xi32>
        %gather3A_896 = arith.constant 1 : i32
        %gather3A_897 = arith.constant 0 : i32
        %gather3A_898 = arith.constant 0 : i32
        %gather3A_899 = tpu.memref_slice %arg8[%gather3A_896, %gather3A_897, %gather3A_898] : memref<2x128x32xf32, #tpu.memory_space<vmem>> -> memref<1x128x32xf32, #tpu.memory_space<vmem>>
        %gather3A_900 = tpu.memref_squeeze %gather3A_899 : memref<1x128x32xf32, #tpu.memory_space<vmem>> -> memref<128x32xf32, #tpu.memory_space<vmem>>
        %gather3A_901 = tpu.vector_load_idx %gather3A_900[%add3A_198, %and3A_895] : memref<128x32xf32, #tpu.memory_space<vmem>>[vector<16xi32>, vector<16xi32>], vector<16xf32>,
        %gather3A_902 = arith.constant 1 : i32
        %gather3A_903 = arith.constant 0 : i32
        %gather3A_904 = arith.constant 0 : i32
        %gather3A_905 = tpu.memref_slice %arg9[%gather3A_902, %gather3A_903, %gather3A_904] : memref<2x128x32xf32, #tpu.memory_space<vmem>> -> memref<1x128x32xf32, #tpu.memory_space<vmem>>
        %gather3A_906 = tpu.memref_squeeze %gather3A_905 : memref<1x128x32xf32, #tpu.memory_space<vmem>> -> memref<128x32xf32, #tpu.memory_space<vmem>>
        %gather3A_907 = tpu.vector_load_idx %gather3A_906[%add3A_198, %and3A_895] : memref<128x32xf32, #tpu.memory_space<vmem>>[vector<16xi32>, vector<16xi32>], vector<16xf32>,
        %gather3A_908 = arith.constant 1 : i32
        %gather3A_909 = arith.constant 0 : i32
        %gather3A_910 = arith.constant 0 : i32
        %gather3A_911 = tpu.memref_slice %arg10[%gather3A_908, %gather3A_909, %gather3A_910] : memref<2x128x32xf32, #tpu.memory_space<vmem>> -> memref<1x128x32xf32, #tpu.memory_space<vmem>>
        %gather3A_912 = tpu.memref_squeeze %gather3A_911 : memref<1x128x32xf32, #tpu.memory_space<vmem>> -> memref<128x32xf32, #tpu.memory_space<vmem>>
        %gather3A_913 = tpu.vector_load_idx %gather3A_912[%add3A_198, %and3A_895] : memref<128x32xf32, #tpu.memory_space<vmem>>[vector<16xi32>, vector<16xi32>], vector<16xf32>,
        %sub3A_914 = arith.subf %gather3A_901, %gather3A_907 : vector<16xf32>
        %sub3A_915 = arith.subf %gather3A_901, %gather3A_913 : vector<16xf32>
        %mul3A_916 = arith.mulf %sub3A_914, %sub3A_914 : vector<16xf32>
        %add3A_917 = arith.addf %add3A_887, %mul3A_916 : vector<16xf32>
        %mul3A_918 = arith.mulf %sub3A_915, %sub3A_915 : vector<16xf32>
        %add3A_919 = arith.addf %add3A_889, %mul3A_918 : vector<16xf32>
        %add3A_920 = arith.constant 24 : i32
        %add3A_921 = vector.broadcast %add3A_920 : i32 to vector<16xi32>
        %add3A_922 = arith.addi %iota3A, %add3A_921 : vector<16xi32>
        %and3A_923 = arith.constant 31 : i32
        %and3A_924 = vector.broadcast %and3A_923 : i32 to vector<16xi32>
        %and3A_925 = arith.andi %add3A_922, %and3A_924 : vector<16xi32>
        %gather3A_926 = arith.constant 1 : i32
        %gather3A_927 = arith.constant 0 : i32
        %gather3A_928 = arith.constant 0 : i32
        %gather3A_929 = tpu.memref_slice %arg8[%gather3A_926, %gather3A_927, %gather3A_928] : memref<2x128x32xf32, #tpu.memory_space<vmem>> -> memref<1x128x32xf32, #tpu.memory_space<vmem>>
        %gather3A_930 = tpu.memref_squeeze %gather3A_929 : memref<1x128x32xf32, #tpu.memory_space<vmem>> -> memref<128x32xf32, #tpu.memory_space<vmem>>
        %gather3A_931 = tpu.vector_load_idx %gather3A_930[%add3A_198, %and3A_925] : memref<128x32xf32, #tpu.memory_space<vmem>>[vector<16xi32>, vector<16xi32>], vector<16xf32>,
        %gather3A_932 = arith.constant 1 : i32
        %gather3A_933 = arith.constant 0 : i32
        %gather3A_934 = arith.constant 0 : i32
        %gather3A_935 = tpu.memref_slice %arg9[%gather3A_932, %gather3A_933, %gather3A_934] : memref<2x128x32xf32, #tpu.memory_space<vmem>> -> memref<1x128x32xf32, #tpu.memory_space<vmem>>
        %gather3A_936 = tpu.memref_squeeze %gather3A_935 : memref<1x128x32xf32, #tpu.memory_space<vmem>> -> memref<128x32xf32, #tpu.memory_space<vmem>>
        %gather3A_937 = tpu.vector_load_idx %gather3A_936[%add3A_198, %and3A_925] : memref<128x32xf32, #tpu.memory_space<vmem>>[vector<16xi32>, vector<16xi32>], vector<16xf32>,
        %gather3A_938 = arith.constant 1 : i32
        %gather3A_939 = arith.constant 0 : i32
        %gather3A_940 = arith.constant 0 : i32
        %gather3A_941 = tpu.memref_slice %arg10[%gather3A_938, %gather3A_939, %gather3A_940] : memref<2x128x32xf32, #tpu.memory_space<vmem>> -> memref<1x128x32xf32, #tpu.memory_space<vmem>>
        %gather3A_942 = tpu.memref_squeeze %gather3A_941 : memref<1x128x32xf32, #tpu.memory_space<vmem>> -> memref<128x32xf32, #tpu.memory_space<vmem>>
        %gather3A_943 = tpu.vector_load_idx %gather3A_942[%add3A_198, %and3A_925] : memref<128x32xf32, #tpu.memory_space<vmem>>[vector<16xi32>, vector<16xi32>], vector<16xf32>,
        %sub3A_944 = arith.subf %gather3A_931, %gather3A_937 : vector<16xf32>
        %sub3A_945 = arith.subf %gather3A_931, %gather3A_943 : vector<16xf32>
        %mul3A_946 = arith.mulf %sub3A_944, %sub3A_944 : vector<16xf32>
        %add3A_947 = arith.addf %add3A_917, %mul3A_946 : vector<16xf32>
        %mul3A_948 = arith.mulf %sub3A_945, %sub3A_945 : vector<16xf32>
        %add3A_949 = arith.addf %add3A_919, %mul3A_948 : vector<16xf32>
        %add3A_950 = arith.constant 25 : i32
        %add3A_951 = vector.broadcast %add3A_950 : i32 to vector<16xi32>
        %add3A_952 = arith.addi %iota3A, %add3A_951 : vector<16xi32>
        %and3A_953 = arith.constant 31 : i32
        %and3A_954 = vector.broadcast %and3A_953 : i32 to vector<16xi32>
        %and3A_955 = arith.andi %add3A_952, %and3A_954 : vector<16xi32>
        %gather3A_956 = arith.constant 1 : i32
        %gather3A_957 = arith.constant 0 : i32
        %gather3A_958 = arith.constant 0 : i32
        %gather3A_959 = tpu.memref_slice %arg8[%gather3A_956, %gather3A_957, %gather3A_958] : memref<2x128x32xf32, #tpu.memory_space<vmem>> -> memref<1x128x32xf32, #tpu.memory_space<vmem>>
        %gather3A_960 = tpu.memref_squeeze %gather3A_959 : memref<1x128x32xf32, #tpu.memory_space<vmem>> -> memref<128x32xf32, #tpu.memory_space<vmem>>
        %gather3A_961 = tpu.vector_load_idx %gather3A_960[%add3A_198, %and3A_955] : memref<128x32xf32, #tpu.memory_space<vmem>>[vector<16xi32>, vector<16xi32>], vector<16xf32>,
        %gather3A_962 = arith.constant 1 : i32
        %gather3A_963 = arith.constant 0 : i32
        %gather3A_964 = arith.constant 0 : i32
        %gather3A_965 = tpu.memref_slice %arg9[%gather3A_962, %gather3A_963, %gather3A_964] : memref<2x128x32xf32, #tpu.memory_space<vmem>> -> memref<1x128x32xf32, #tpu.memory_space<vmem>>
        %gather3A_966 = tpu.memref_squeeze %gather3A_965 : memref<1x128x32xf32, #tpu.memory_space<vmem>> -> memref<128x32xf32, #tpu.memory_space<vmem>>
        %gather3A_967 = tpu.vector_load_idx %gather3A_966[%add3A_198, %and3A_955] : memref<128x32xf32, #tpu.memory_space<vmem>>[vector<16xi32>, vector<16xi32>], vector<16xf32>,
        %gather3A_968 = arith.constant 1 : i32
        %gather3A_969 = arith.constant 0 : i32
        %gather3A_970 = arith.constant 0 : i32
        %gather3A_971 = tpu.memref_slice %arg10[%gather3A_968, %gather3A_969, %gather3A_970] : memref<2x128x32xf32, #tpu.memory_space<vmem>> -> memref<1x128x32xf32, #tpu.memory_space<vmem>>
        %gather3A_972 = tpu.memref_squeeze %gather3A_971 : memref<1x128x32xf32, #tpu.memory_space<vmem>> -> memref<128x32xf32, #tpu.memory_space<vmem>>
        %gather3A_973 = tpu.vector_load_idx %gather3A_972[%add3A_198, %and3A_955] : memref<128x32xf32, #tpu.memory_space<vmem>>[vector<16xi32>, vector<16xi32>], vector<16xf32>,
        %sub3A_974 = arith.subf %gather3A_961, %gather3A_967 : vector<16xf32>
        %sub3A_975 = arith.subf %gather3A_961, %gather3A_973 : vector<16xf32>
        %mul3A_976 = arith.mulf %sub3A_974, %sub3A_974 : vector<16xf32>
        %add3A_977 = arith.addf %add3A_947, %mul3A_976 : vector<16xf32>
        %mul3A_978 = arith.mulf %sub3A_975, %sub3A_975 : vector<16xf32>
        %add3A_979 = arith.addf %add3A_949, %mul3A_978 : vector<16xf32>
        %add3A_980 = arith.constant 26 : i32
        %add3A_981 = vector.broadcast %add3A_980 : i32 to vector<16xi32>
        %add3A_982 = arith.addi %iota3A, %add3A_981 : vector<16xi32>
        %and3A_983 = arith.constant 31 : i32
        %and3A_984 = vector.broadcast %and3A_983 : i32 to vector<16xi32>
        %and3A_985 = arith.andi %add3A_982, %and3A_984 : vector<16xi32>
        %gather3A_986 = arith.constant 1 : i32
        %gather3A_987 = arith.constant 0 : i32
        %gather3A_988 = arith.constant 0 : i32
        %gather3A_989 = tpu.memref_slice %arg8[%gather3A_986, %gather3A_987, %gather3A_988] : memref<2x128x32xf32, #tpu.memory_space<vmem>> -> memref<1x128x32xf32, #tpu.memory_space<vmem>>
        %gather3A_990 = tpu.memref_squeeze %gather3A_989 : memref<1x128x32xf32, #tpu.memory_space<vmem>> -> memref<128x32xf32, #tpu.memory_space<vmem>>
        %gather3A_991 = tpu.vector_load_idx %gather3A_990[%add3A_198, %and3A_985] : memref<128x32xf32, #tpu.memory_space<vmem>>[vector<16xi32>, vector<16xi32>], vector<16xf32>,
        %gather3A_992 = arith.constant 1 : i32
        %gather3A_993 = arith.constant 0 : i32
        %gather3A_994 = arith.constant 0 : i32
        %gather3A_995 = tpu.memref_slice %arg9[%gather3A_992, %gather3A_993, %gather3A_994] : memref<2x128x32xf32, #tpu.memory_space<vmem>> -> memref<1x128x32xf32, #tpu.memory_space<vmem>>
        %gather3A_996 = tpu.memref_squeeze %gather3A_995 : memref<1x128x32xf32, #tpu.memory_space<vmem>> -> memref<128x32xf32, #tpu.memory_space<vmem>>
        %gather3A_997 = tpu.vector_load_idx %gather3A_996[%add3A_198, %and3A_985] : memref<128x32xf32, #tpu.memory_space<vmem>>[vector<16xi32>, vector<16xi32>], vector<16xf32>,
        %gather3A_998 = arith.constant 1 : i32
        %gather3A_999 = arith.constant 0 : i32
        %gather3A_1000 = arith.constant 0 : i32
        %gather3A_1001 = tpu.memref_slice %arg10[%gather3A_998, %gather3A_999, %gather3A_1000] : memref<2x128x32xf32, #tpu.memory_space<vmem>> -> memref<1x128x32xf32, #tpu.memory_space<vmem>>
        %gather3A_1002 = tpu.memref_squeeze %gather3A_1001 : memref<1x128x32xf32, #tpu.memory_space<vmem>> -> memref<128x32xf32, #tpu.memory_space<vmem>>
        %gather3A_1003 = tpu.vector_load_idx %gather3A_1002[%add3A_198, %and3A_985] : memref<128x32xf32, #tpu.memory_space<vmem>>[vector<16xi32>, vector<16xi32>], vector<16xf32>,
        %sub3A_1004 = arith.subf %gather3A_991, %gather3A_997 : vector<16xf32>
        %sub3A_1005 = arith.subf %gather3A_991, %gather3A_1003 : vector<16xf32>
        %mul3A_1006 = arith.mulf %sub3A_1004, %sub3A_1004 : vector<16xf32>
        %add3A_1007 = arith.addf %add3A_977, %mul3A_1006 : vector<16xf32>
        %mul3A_1008 = arith.mulf %sub3A_1005, %sub3A_1005 : vector<16xf32>
        %add3A_1009 = arith.addf %add3A_979, %mul3A_1008 : vector<16xf32>
        %add3A_1010 = arith.constant 27 : i32
        %add3A_1011 = vector.broadcast %add3A_1010 : i32 to vector<16xi32>
        %add3A_1012 = arith.addi %iota3A, %add3A_1011 : vector<16xi32>
        %and3A_1013 = arith.constant 31 : i32
        %and3A_1014 = vector.broadcast %and3A_1013 : i32 to vector<16xi32>
        %and3A_1015 = arith.andi %add3A_1012, %and3A_1014 : vector<16xi32>
        %gather3A_1016 = arith.constant 1 : i32
        %gather3A_1017 = arith.constant 0 : i32
        %gather3A_1018 = arith.constant 0 : i32
        %gather3A_1019 = tpu.memref_slice %arg8[%gather3A_1016, %gather3A_1017, %gather3A_1018] : memref<2x128x32xf32, #tpu.memory_space<vmem>> -> memref<1x128x32xf32, #tpu.memory_space<vmem>>
        %gather3A_1020 = tpu.memref_squeeze %gather3A_1019 : memref<1x128x32xf32, #tpu.memory_space<vmem>> -> memref<128x32xf32, #tpu.memory_space<vmem>>
        %gather3A_1021 = tpu.vector_load_idx %gather3A_1020[%add3A_198, %and3A_1015] : memref<128x32xf32, #tpu.memory_space<vmem>>[vector<16xi32>, vector<16xi32>], vector<16xf32>,
        %gather3A_1022 = arith.constant 1 : i32
        %gather3A_1023 = arith.constant 0 : i32
        %gather3A_1024 = arith.constant 0 : i32
        %gather3A_1025 = tpu.memref_slice %arg9[%gather3A_1022, %gather3A_1023, %gather3A_1024] : memref<2x128x32xf32, #tpu.memory_space<vmem>> -> memref<1x128x32xf32, #tpu.memory_space<vmem>>
        %gather3A_1026 = tpu.memref_squeeze %gather3A_1025 : memref<1x128x32xf32, #tpu.memory_space<vmem>> -> memref<128x32xf32, #tpu.memory_space<vmem>>
        %gather3A_1027 = tpu.vector_load_idx %gather3A_1026[%add3A_198, %and3A_1015] : memref<128x32xf32, #tpu.memory_space<vmem>>[vector<16xi32>, vector<16xi32>], vector<16xf32>,
        %gather3A_1028 = arith.constant 1 : i32
        %gather3A_1029 = arith.constant 0 : i32
        %gather3A_1030 = arith.constant 0 : i32
        %gather3A_1031 = tpu.memref_slice %arg10[%gather3A_1028, %gather3A_1029, %gather3A_1030] : memref<2x128x32xf32, #tpu.memory_space<vmem>> -> memref<1x128x32xf32, #tpu.memory_space<vmem>>
        %gather3A_1032 = tpu.memref_squeeze %gather3A_1031 : memref<1x128x32xf32, #tpu.memory_space<vmem>> -> memref<128x32xf32, #tpu.memory_space<vmem>>
        %gather3A_1033 = tpu.vector_load_idx %gather3A_1032[%add3A_198, %and3A_1015] : memref<128x32xf32, #tpu.memory_space<vmem>>[vector<16xi32>, vector<16xi32>], vector<16xf32>,
        %sub3A_1034 = arith.subf %gather3A_1021, %gather3A_1027 : vector<16xf32>
        %sub3A_1035 = arith.subf %gather3A_1021, %gather3A_1033 : vector<16xf32>
        %mul3A_1036 = arith.mulf %sub3A_1034, %sub3A_1034 : vector<16xf32>
        %add3A_1037 = arith.addf %add3A_1007, %mul3A_1036 : vector<16xf32>
        %mul3A_1038 = arith.mulf %sub3A_1035, %sub3A_1035 : vector<16xf32>
        %add3A_1039 = arith.addf %add3A_1009, %mul3A_1038 : vector<16xf32>
        %add3A_1040 = arith.constant 28 : i32
        %add3A_1041 = vector.broadcast %add3A_1040 : i32 to vector<16xi32>
        %add3A_1042 = arith.addi %iota3A, %add3A_1041 : vector<16xi32>
        %and3A_1043 = arith.constant 31 : i32
        %and3A_1044 = vector.broadcast %and3A_1043 : i32 to vector<16xi32>
        %and3A_1045 = arith.andi %add3A_1042, %and3A_1044 : vector<16xi32>
        %gather3A_1046 = arith.constant 1 : i32
        %gather3A_1047 = arith.constant 0 : i32
        %gather3A_1048 = arith.constant 0 : i32
        %gather3A_1049 = tpu.memref_slice %arg8[%gather3A_1046, %gather3A_1047, %gather3A_1048] : memref<2x128x32xf32, #tpu.memory_space<vmem>> -> memref<1x128x32xf32, #tpu.memory_space<vmem>>
        %gather3A_1050 = tpu.memref_squeeze %gather3A_1049 : memref<1x128x32xf32, #tpu.memory_space<vmem>> -> memref<128x32xf32, #tpu.memory_space<vmem>>
        %gather3A_1051 = tpu.vector_load_idx %gather3A_1050[%add3A_198, %and3A_1045] : memref<128x32xf32, #tpu.memory_space<vmem>>[vector<16xi32>, vector<16xi32>], vector<16xf32>,
        %gather3A_1052 = arith.constant 1 : i32
        %gather3A_1053 = arith.constant 0 : i32
        %gather3A_1054 = arith.constant 0 : i32
        %gather3A_1055 = tpu.memref_slice %arg9[%gather3A_1052, %gather3A_1053, %gather3A_1054] : memref<2x128x32xf32, #tpu.memory_space<vmem>> -> memref<1x128x32xf32, #tpu.memory_space<vmem>>
        %gather3A_1056 = tpu.memref_squeeze %gather3A_1055 : memref<1x128x32xf32, #tpu.memory_space<vmem>> -> memref<128x32xf32, #tpu.memory_space<vmem>>
        %gather3A_1057 = tpu.vector_load_idx %gather3A_1056[%add3A_198, %and3A_1045] : memref<128x32xf32, #tpu.memory_space<vmem>>[vector<16xi32>, vector<16xi32>], vector<16xf32>,
        %gather3A_1058 = arith.constant 1 : i32
        %gather3A_1059 = arith.constant 0 : i32
        %gather3A_1060 = arith.constant 0 : i32
        %gather3A_1061 = tpu.memref_slice %arg10[%gather3A_1058, %gather3A_1059, %gather3A_1060] : memref<2x128x32xf32, #tpu.memory_space<vmem>> -> memref<1x128x32xf32, #tpu.memory_space<vmem>>
        %gather3A_1062 = tpu.memref_squeeze %gather3A_1061 : memref<1x128x32xf32, #tpu.memory_space<vmem>> -> memref<128x32xf32, #tpu.memory_space<vmem>>
        %gather3A_1063 = tpu.vector_load_idx %gather3A_1062[%add3A_198, %and3A_1045] : memref<128x32xf32, #tpu.memory_space<vmem>>[vector<16xi32>, vector<16xi32>], vector<16xf32>,
        %sub3A_1064 = arith.subf %gather3A_1051, %gather3A_1057 : vector<16xf32>
        %sub3A_1065 = arith.subf %gather3A_1051, %gather3A_1063 : vector<16xf32>
        %mul3A_1066 = arith.mulf %sub3A_1064, %sub3A_1064 : vector<16xf32>
        %add3A_1067 = arith.addf %add3A_1037, %mul3A_1066 : vector<16xf32>
        %mul3A_1068 = arith.mulf %sub3A_1065, %sub3A_1065 : vector<16xf32>
        %add3A_1069 = arith.addf %add3A_1039, %mul3A_1068 : vector<16xf32>
        %add3A_1070 = arith.constant 29 : i32
        %add3A_1071 = vector.broadcast %add3A_1070 : i32 to vector<16xi32>
        %add3A_1072 = arith.addi %iota3A, %add3A_1071 : vector<16xi32>
        %and3A_1073 = arith.constant 31 : i32
        %and3A_1074 = vector.broadcast %and3A_1073 : i32 to vector<16xi32>
        %and3A_1075 = arith.andi %add3A_1072, %and3A_1074 : vector<16xi32>
        %gather3A_1076 = arith.constant 1 : i32
        %gather3A_1077 = arith.constant 0 : i32
        %gather3A_1078 = arith.constant 0 : i32
        %gather3A_1079 = tpu.memref_slice %arg8[%gather3A_1076, %gather3A_1077, %gather3A_1078] : memref<2x128x32xf32, #tpu.memory_space<vmem>> -> memref<1x128x32xf32, #tpu.memory_space<vmem>>
        %gather3A_1080 = tpu.memref_squeeze %gather3A_1079 : memref<1x128x32xf32, #tpu.memory_space<vmem>> -> memref<128x32xf32, #tpu.memory_space<vmem>>
        %gather3A_1081 = tpu.vector_load_idx %gather3A_1080[%add3A_198, %and3A_1075] : memref<128x32xf32, #tpu.memory_space<vmem>>[vector<16xi32>, vector<16xi32>], vector<16xf32>,
        %gather3A_1082 = arith.constant 1 : i32
        %gather3A_1083 = arith.constant 0 : i32
        %gather3A_1084 = arith.constant 0 : i32
        %gather3A_1085 = tpu.memref_slice %arg9[%gather3A_1082, %gather3A_1083, %gather3A_1084] : memref<2x128x32xf32, #tpu.memory_space<vmem>> -> memref<1x128x32xf32, #tpu.memory_space<vmem>>
        %gather3A_1086 = tpu.memref_squeeze %gather3A_1085 : memref<1x128x32xf32, #tpu.memory_space<vmem>> -> memref<128x32xf32, #tpu.memory_space<vmem>>
        %gather3A_1087 = tpu.vector_load_idx %gather3A_1086[%add3A_198, %and3A_1075] : memref<128x32xf32, #tpu.memory_space<vmem>>[vector<16xi32>, vector<16xi32>], vector<16xf32>,
        %gather3A_1088 = arith.constant 1 : i32
        %gather3A_1089 = arith.constant 0 : i32
        %gather3A_1090 = arith.constant 0 : i32
        %gather3A_1091 = tpu.memref_slice %arg10[%gather3A_1088, %gather3A_1089, %gather3A_1090] : memref<2x128x32xf32, #tpu.memory_space<vmem>> -> memref<1x128x32xf32, #tpu.memory_space<vmem>>
        %gather3A_1092 = tpu.memref_squeeze %gather3A_1091 : memref<1x128x32xf32, #tpu.memory_space<vmem>> -> memref<128x32xf32, #tpu.memory_space<vmem>>
        %gather3A_1093 = tpu.vector_load_idx %gather3A_1092[%add3A_198, %and3A_1075] : memref<128x32xf32, #tpu.memory_space<vmem>>[vector<16xi32>, vector<16xi32>], vector<16xf32>,
        %sub3A_1094 = arith.subf %gather3A_1081, %gather3A_1087 : vector<16xf32>
        %sub3A_1095 = arith.subf %gather3A_1081, %gather3A_1093 : vector<16xf32>
        %mul3A_1096 = arith.mulf %sub3A_1094, %sub3A_1094 : vector<16xf32>
        %add3A_1097 = arith.addf %add3A_1067, %mul3A_1096 : vector<16xf32>
        %mul3A_1098 = arith.mulf %sub3A_1095, %sub3A_1095 : vector<16xf32>
        %add3A_1099 = arith.addf %add3A_1069, %mul3A_1098 : vector<16xf32>
        %add3A_1100 = arith.constant 30 : i32
        %add3A_1101 = vector.broadcast %add3A_1100 : i32 to vector<16xi32>
        %add3A_1102 = arith.addi %iota3A, %add3A_1101 : vector<16xi32>
        %and3A_1103 = arith.constant 31 : i32
        %and3A_1104 = vector.broadcast %and3A_1103 : i32 to vector<16xi32>
        %and3A_1105 = arith.andi %add3A_1102, %and3A_1104 : vector<16xi32>
        %gather3A_1106 = arith.constant 1 : i32
        %gather3A_1107 = arith.constant 0 : i32
        %gather3A_1108 = arith.constant 0 : i32
        %gather3A_1109 = tpu.memref_slice %arg8[%gather3A_1106, %gather3A_1107, %gather3A_1108] : memref<2x128x32xf32, #tpu.memory_space<vmem>> -> memref<1x128x32xf32, #tpu.memory_space<vmem>>
        %gather3A_1110 = tpu.memref_squeeze %gather3A_1109 : memref<1x128x32xf32, #tpu.memory_space<vmem>> -> memref<128x32xf32, #tpu.memory_space<vmem>>
        %gather3A_1111 = tpu.vector_load_idx %gather3A_1110[%add3A_198, %and3A_1105] : memref<128x32xf32, #tpu.memory_space<vmem>>[vector<16xi32>, vector<16xi32>], vector<16xf32>,
        %gather3A_1112 = arith.constant 1 : i32
        %gather3A_1113 = arith.constant 0 : i32
        %gather3A_1114 = arith.constant 0 : i32
        %gather3A_1115 = tpu.memref_slice %arg9[%gather3A_1112, %gather3A_1113, %gather3A_1114] : memref<2x128x32xf32, #tpu.memory_space<vmem>> -> memref<1x128x32xf32, #tpu.memory_space<vmem>>
        %gather3A_1116 = tpu.memref_squeeze %gather3A_1115 : memref<1x128x32xf32, #tpu.memory_space<vmem>> -> memref<128x32xf32, #tpu.memory_space<vmem>>
        %gather3A_1117 = tpu.vector_load_idx %gather3A_1116[%add3A_198, %and3A_1105] : memref<128x32xf32, #tpu.memory_space<vmem>>[vector<16xi32>, vector<16xi32>], vector<16xf32>,
        %gather3A_1118 = arith.constant 1 : i32
        %gather3A_1119 = arith.constant 0 : i32
        %gather3A_1120 = arith.constant 0 : i32
        %gather3A_1121 = tpu.memref_slice %arg10[%gather3A_1118, %gather3A_1119, %gather3A_1120] : memref<2x128x32xf32, #tpu.memory_space<vmem>> -> memref<1x128x32xf32, #tpu.memory_space<vmem>>
        %gather3A_1122 = tpu.memref_squeeze %gather3A_1121 : memref<1x128x32xf32, #tpu.memory_space<vmem>> -> memref<128x32xf32, #tpu.memory_space<vmem>>
        %gather3A_1123 = tpu.vector_load_idx %gather3A_1122[%add3A_198, %and3A_1105] : memref<128x32xf32, #tpu.memory_space<vmem>>[vector<16xi32>, vector<16xi32>], vector<16xf32>,
        %sub3A_1124 = arith.subf %gather3A_1111, %gather3A_1117 : vector<16xf32>
        %sub3A_1125 = arith.subf %gather3A_1111, %gather3A_1123 : vector<16xf32>
        %mul3A_1126 = arith.mulf %sub3A_1124, %sub3A_1124 : vector<16xf32>
        %add3A_1127 = arith.addf %add3A_1097, %mul3A_1126 : vector<16xf32>
        %mul3A_1128 = arith.mulf %sub3A_1125, %sub3A_1125 : vector<16xf32>
        %add3A_1129 = arith.addf %add3A_1099, %mul3A_1128 : vector<16xf32>
        %add3A_1130 = arith.constant 31 : i32
        %add3A_1131 = vector.broadcast %add3A_1130 : i32 to vector<16xi32>
        %add3A_1132 = arith.addi %iota3A, %add3A_1131 : vector<16xi32>
        %and3A_1133 = arith.constant 31 : i32
        %and3A_1134 = vector.broadcast %and3A_1133 : i32 to vector<16xi32>
        %and3A_1135 = arith.andi %add3A_1132, %and3A_1134 : vector<16xi32>
        %gather3A_1136 = arith.constant 1 : i32
        %gather3A_1137 = arith.constant 0 : i32
        %gather3A_1138 = arith.constant 0 : i32
        %gather3A_1139 = tpu.memref_slice %arg8[%gather3A_1136, %gather3A_1137, %gather3A_1138] : memref<2x128x32xf32, #tpu.memory_space<vmem>> -> memref<1x128x32xf32, #tpu.memory_space<vmem>>
        %gather3A_1140 = tpu.memref_squeeze %gather3A_1139 : memref<1x128x32xf32, #tpu.memory_space<vmem>> -> memref<128x32xf32, #tpu.memory_space<vmem>>
        %gather3A_1141 = tpu.vector_load_idx %gather3A_1140[%add3A_198, %and3A_1135] : memref<128x32xf32, #tpu.memory_space<vmem>>[vector<16xi32>, vector<16xi32>], vector<16xf32>,
        %gather3A_1142 = arith.constant 1 : i32
        %gather3A_1143 = arith.constant 0 : i32
        %gather3A_1144 = arith.constant 0 : i32
        %gather3A_1145 = tpu.memref_slice %arg9[%gather3A_1142, %gather3A_1143, %gather3A_1144] : memref<2x128x32xf32, #tpu.memory_space<vmem>> -> memref<1x128x32xf32, #tpu.memory_space<vmem>>
        %gather3A_1146 = tpu.memref_squeeze %gather3A_1145 : memref<1x128x32xf32, #tpu.memory_space<vmem>> -> memref<128x32xf32, #tpu.memory_space<vmem>>
        %gather3A_1147 = tpu.vector_load_idx %gather3A_1146[%add3A_198, %and3A_1135] : memref<128x32xf32, #tpu.memory_space<vmem>>[vector<16xi32>, vector<16xi32>], vector<16xf32>,
        %gather3A_1148 = arith.constant 1 : i32
        %gather3A_1149 = arith.constant 0 : i32
        %gather3A_1150 = arith.constant 0 : i32
        %gather3A_1151 = tpu.memref_slice %arg10[%gather3A_1148, %gather3A_1149, %gather3A_1150] : memref<2x128x32xf32, #tpu.memory_space<vmem>> -> memref<1x128x32xf32, #tpu.memory_space<vmem>>
        %gather3A_1152 = tpu.memref_squeeze %gather3A_1151 : memref<1x128x32xf32, #tpu.memory_space<vmem>> -> memref<128x32xf32, #tpu.memory_space<vmem>>
        %gather3A_1153 = tpu.vector_load_idx %gather3A_1152[%add3A_198, %and3A_1135] : memref<128x32xf32, #tpu.memory_space<vmem>>[vector<16xi32>, vector<16xi32>], vector<16xf32>,
        %sub3A_1154 = arith.subf %gather3A_1141, %gather3A_1147 : vector<16xf32>
        %sub3A_1155 = arith.subf %gather3A_1141, %gather3A_1153 : vector<16xf32>
        %mul3A_1156 = arith.mulf %sub3A_1154, %sub3A_1154 : vector<16xf32>
        %add3A_1157 = arith.addf %add3A_1127, %mul3A_1156 : vector<16xf32>
        %mul3A_1158 = arith.mulf %sub3A_1155, %sub3A_1155 : vector<16xf32>
        %add3A_1159 = arith.addf %add3A_1129, %mul3A_1158 : vector<16xf32>
        %max3A = arith.constant 1.000000e-30 : f32
        %max3A_1160 = vector.broadcast %max3A : f32 to vector<16xf32>
        %max3A_1161 = arith.maximumf %add3A_1157, %max3A_1160 : vector<16xf32>
        %bitcast_convert_type3A = tpu.bitcast %max3A_1161 : vector<16xf32> -> vector<16xi32>
        %shift_right_logical3A = arith.constant 1 : i32
        %shift_right_logical3A_1162 = vector.broadcast %shift_right_logical3A : i32 to vector<16xi32>
        %shift_right_logical3A_1163 = arith.shrui %bitcast_convert_type3A, %shift_right_logical3A_1162 : vector<16xi32>
        %add3A_1164 = arith.constant 532487669 : i32
        %add3A_1165 = vector.broadcast %add3A_1164 : i32 to vector<16xi32>
        %add3A_1166 = arith.addi %add3A_1165, %shift_right_logical3A_1163 : vector<16xi32>
        %bitcast_convert_type3A_1167 = tpu.bitcast %add3A_1166 : vector<16xi32> -> vector<16xf32>
        %div3A = arith.divf %max3A_1161, %bitcast_convert_type3A_1167 : vector<16xf32>
        %add3A_1168 = arith.addf %bitcast_convert_type3A_1167, %div3A : vector<16xf32>
        %mul3A_1169 = arith.constant 5.000000e-01 : f32
        %mul3A_1170 = vector.broadcast %mul3A_1169 : f32 to vector<16xf32>
        %mul3A_1171 = arith.mulf %mul3A_1170, %add3A_1168 : vector<16xf32>
        %div3A_1172 = arith.divf %max3A_1161, %mul3A_1171 : vector<16xf32>
        %add3A_1173 = arith.addf %mul3A_1171, %div3A_1172 : vector<16xf32>
        %mul3A_1174 = arith.constant 5.000000e-01 : f32
        %mul3A_1175 = vector.broadcast %mul3A_1174 : f32 to vector<16xf32>
        %mul3A_1176 = arith.mulf %mul3A_1175, %add3A_1173 : vector<16xf32>
        %div3A_1177 = arith.divf %max3A_1161, %mul3A_1176 : vector<16xf32>
        %add3A_1178 = arith.addf %mul3A_1176, %div3A_1177 : vector<16xf32>
        %mul3A_1179 = arith.constant 5.000000e-01 : f32
        %mul3A_1180 = vector.broadcast %mul3A_1179 : f32 to vector<16xf32>
        %mul3A_1181 = arith.mulf %mul3A_1180, %add3A_1178 : vector<16xf32>
        %max3A_1182 = arith.constant 1.000000e-30 : f32
        %max3A_1183 = vector.broadcast %max3A_1182 : f32 to vector<16xf32>
        %max3A_1184 = arith.maximumf %add3A_1159, %max3A_1183 : vector<16xf32>
        %bitcast_convert_type3A_1185 = tpu.bitcast %max3A_1184 : vector<16xf32> -> vector<16xi32>
        %shift_right_logical3A_1186 = arith.constant 1 : i32
        %shift_right_logical3A_1187 = vector.broadcast %shift_right_logical3A_1186 : i32 to vector<16xi32>
        %shift_right_logical3A_1188 = arith.shrui %bitcast_convert_type3A_1185, %shift_right_logical3A_1187 : vector<16xi32>
        %add3A_1189 = arith.constant 532487669 : i32
        %add3A_1190 = vector.broadcast %add3A_1189 : i32 to vector<16xi32>
        %add3A_1191 = arith.addi %add3A_1190, %shift_right_logical3A_1188 : vector<16xi32>
        %bitcast_convert_type3A_1192 = tpu.bitcast %add3A_1191 : vector<16xi32> -> vector<16xf32>
        %div3A_1193 = arith.divf %max3A_1184, %bitcast_convert_type3A_1192 : vector<16xf32>
        %add3A_1194 = arith.addf %bitcast_convert_type3A_1192, %div3A_1193 : vector<16xf32>
        %mul3A_1195 = arith.constant 5.000000e-01 : f32
        %mul3A_1196 = vector.broadcast %mul3A_1195 : f32 to vector<16xf32>
        %mul3A_1197 = arith.mulf %mul3A_1196, %add3A_1194 : vector<16xf32>
        %div3A_1198 = arith.divf %max3A_1184, %mul3A_1197 : vector<16xf32>
        %add3A_1199 = arith.addf %mul3A_1197, %div3A_1198 : vector<16xf32>
        %mul3A_1200 = arith.constant 5.000000e-01 : f32
        %mul3A_1201 = vector.broadcast %mul3A_1200 : f32 to vector<16xf32>
        %mul3A_1202 = arith.mulf %mul3A_1201, %add3A_1199 : vector<16xf32>
        %div3A_1203 = arith.divf %max3A_1184, %mul3A_1202 : vector<16xf32>
        %add3A_1204 = arith.addf %mul3A_1202, %div3A_1203 : vector<16xf32>
        %mul3A_1205 = arith.constant 5.000000e-01 : f32
        %mul3A_1206 = vector.broadcast %mul3A_1205 : f32 to vector<16xf32>
        %mul3A_1207 = arith.mulf %mul3A_1206, %add3A_1204 : vector<16xf32>
        %sub3A_1208 = arith.subf %mul3A_1181, %mul3A_1207 : vector<16xf32>
        %add3A_1209 = arith.constant 2.000000e-01 : f32
        %add3A_1210 = vector.broadcast %add3A_1209 : f32 to vector<16xf32>
        %add3A_1211 = arith.addf %sub3A_1208, %add3A_1210 : vector<16xf32>
        %max3A_1212 = arith.constant 0.000000e+00 : f32
        %max3A_1213 = vector.broadcast %max3A_1212 : f32 to vector<16xf32>
        %max3A_1214 = arith.maximumf %add3A_1211, %max3A_1213 : vector<16xf32>
        %add3A_1215 = arith.addf %scan3A_192, %max3A_1214 : vector<16xf32>
        %add3A_1216 = arith.addf %scan3A_193, %mul3A_1181 : vector<16xf32>
        %add3A_1217 = arith.addf %scan3A_194, %mul3A_1207 : vector<16xf32>
        scf.yield %add3A_1215, %add3A_1216, %add3A_1217 : vector<16xf32>, vector<16xf32>, vector<16xf32>
      }
      %scan3A_183 = arith.constant 8 : i32
      %add3A_184 = arith.constant 2 : i32
      %add3A_185 = arith.addi %add3A_144, %add3A_184 : i32
      %lt3A_186 = arith.constant 16 : i32
      %lt3A_187 = arith.cmpi slt, %add3A_185, %lt3A_186 : i32
      %convert_element_type3A_188 = arith.extui %lt3A_187 : i1 to i32
      %cond3A_189 = arith.constant 0 : i32
      %cond3A_190 = arith.cmpi ne, %convert_element_type3A_188, %cond3A_189 : i32
      scf.if %cond3A_190 {
        %add3A_191 = arith.constant 2 : i32
        %add3A_192 = arith.addi %add3A_144, %add3A_191 : i32
        %dma_start3A_193 = arith.constant 1 : i32
        %dma_start3A_194 = arith.constant 0 : i32
        %dma_start3A_195 = arith.constant 0 : i32
        %dma_start3A_196 = tpu.memref_slice %arg8[%dma_start3A_193, %dma_start3A_194, %dma_start3A_195] : memref<2x128x32xf32, #tpu.memory_space<vmem>> -> memref<1x128x32xf32, #tpu.memory_space<vmem>>
        %dma_start3A_197 = tpu.memref_squeeze %dma_start3A_196 : memref<1x128x32xf32, #tpu.memory_space<vmem>> -> memref<128x32xf32, #tpu.memory_space<vmem>>
        %dma_start3A_198 = arith.constant 0 : i32
        %dma_start3A_199 = tpu.memref_slice %arg5[%add3A_192, %dma_start3A_198] : memref<16x128xi32, #tpu.memory_space<vmem>> -> memref<1x128xi32, #tpu.memory_space<vmem>>
        %dma_start3A_200 = tpu.memref_squeeze %dma_start3A_199 : memref<1x128xi32, #tpu.memory_space<vmem>> -> memref<128xi32, #tpu.memory_space<vmem>>
        %dma_start3A_201 = arith.constant 0 : i32
        %dma_start3A_202 = arith.constant 0 : i32
        %dma_start3A_203 = tpu.memref_slice %arg2[%dma_start3A_201, %dma_start3A_202] : memref<16384x32xf32, #tpu.memory_space<hbm>> -> memref<16384x32xf32, #tpu.memory_space<hbm>>
        tpu.enqueue_indirect_dma source(%dma_start3A_203 : memref<16384x32xf32, #tpu.memory_space<hbm>>) target(%dma_start3A_197 : memref<128x32xf32, #tpu.memory_space<vmem>>) offsets(%dma_start3A_200 : memref<128xi32, #tpu.memory_space<vmem>>) semaphore(%arg13 : memref<!tpu.dma_semaphore, #tpu.memory_space<semaphore_mem>>)
        %dma_start3A_204 = arith.constant 1 : i32
        %dma_start3A_205 = arith.constant 0 : i32
        %dma_start3A_206 = arith.constant 0 : i32
        %dma_start3A_207 = tpu.memref_slice %arg9[%dma_start3A_204, %dma_start3A_205, %dma_start3A_206] : memref<2x128x32xf32, #tpu.memory_space<vmem>> -> memref<1x128x32xf32, #tpu.memory_space<vmem>>
        %dma_start3A_208 = tpu.memref_squeeze %dma_start3A_207 : memref<1x128x32xf32, #tpu.memory_space<vmem>> -> memref<128x32xf32, #tpu.memory_space<vmem>>
        %dma_start3A_209 = arith.constant 0 : i32
        %dma_start3A_210 = tpu.memref_slice %arg6[%add3A_192, %dma_start3A_209] : memref<16x128xi32, #tpu.memory_space<vmem>> -> memref<1x128xi32, #tpu.memory_space<vmem>>
        %dma_start3A_211 = tpu.memref_squeeze %dma_start3A_210 : memref<1x128xi32, #tpu.memory_space<vmem>> -> memref<128xi32, #tpu.memory_space<vmem>>
        %dma_start3A_212 = arith.constant 0 : i32
        %dma_start3A_213 = arith.constant 0 : i32
        %dma_start3A_214 = tpu.memref_slice %arg2[%dma_start3A_212, %dma_start3A_213] : memref<16384x32xf32, #tpu.memory_space<hbm>> -> memref<16384x32xf32, #tpu.memory_space<hbm>>
        tpu.enqueue_indirect_dma source(%dma_start3A_214 : memref<16384x32xf32, #tpu.memory_space<hbm>>) target(%dma_start3A_208 : memref<128x32xf32, #tpu.memory_space<vmem>>) offsets(%dma_start3A_211 : memref<128xi32, #tpu.memory_space<vmem>>) semaphore(%arg13 : memref<!tpu.dma_semaphore, #tpu.memory_space<semaphore_mem>>)
        %dma_start3A_215 = arith.constant 1 : i32
        %dma_start3A_216 = arith.constant 0 : i32
        %dma_start3A_217 = arith.constant 0 : i32
        %dma_start3A_218 = tpu.memref_slice %arg10[%dma_start3A_215, %dma_start3A_216, %dma_start3A_217] : memref<2x128x32xf32, #tpu.memory_space<vmem>> -> memref<1x128x32xf32, #tpu.memory_space<vmem>>
        %dma_start3A_219 = tpu.memref_squeeze %dma_start3A_218 : memref<1x128x32xf32, #tpu.memory_space<vmem>> -> memref<128x32xf32, #tpu.memory_space<vmem>>
        %dma_start3A_220 = arith.constant 0 : i32
        %dma_start3A_221 = tpu.memref_slice %arg7[%add3A_192, %dma_start3A_220] : memref<16x128xi32, #tpu.memory_space<vmem>> -> memref<1x128xi32, #tpu.memory_space<vmem>>
        %dma_start3A_222 = tpu.memref_squeeze %dma_start3A_221 : memref<1x128xi32, #tpu.memory_space<vmem>> -> memref<128xi32, #tpu.memory_space<vmem>>
        %dma_start3A_223 = arith.constant 0 : i32
        %dma_start3A_224 = arith.constant 0 : i32
        %dma_start3A_225 = tpu.memref_slice %arg2[%dma_start3A_223, %dma_start3A_224] : memref<16384x32xf32, #tpu.memory_space<hbm>> -> memref<16384x32xf32, #tpu.memory_space<hbm>>
        tpu.enqueue_indirect_dma source(%dma_start3A_225 : memref<16384x32xf32, #tpu.memory_space<hbm>>) target(%dma_start3A_219 : memref<128x32xf32, #tpu.memory_space<vmem>>) offsets(%dma_start3A_222 : memref<128xi32, #tpu.memory_space<vmem>>) semaphore(%arg13 : memref<!tpu.dma_semaphore, #tpu.memory_space<semaphore_mem>>)
      } else {
      }
      scf.yield %scan3A_182#0, %scan3A_182#1, %scan3A_182#2 : vector<16xf32>, vector<16xf32>, vector<16xf32>
    }
    %scan3A_79 = arith.constant 8 : i32
    %swap3A = arith.constant 0 : i32
    %swap3A_80 = arith.index_cast %swap3A : i32 to index
    %swap3A_81 = arith.constant 0 : index
    %swap3A_82 = tpu.vector_load %arg11[%swap3A_80, %swap3A_81] {strides = array<i32>} : memref<3x16xf32, #tpu.memory_space<vmem>>, vector<16xf32>,
    tpu.vector_store %arg11[%swap3A_80, %swap3A_81], %scan3A_78#0 {strides = array<i32>} : memref<3x16xf32, #tpu.memory_space<vmem>>, vector<16xf32>,
    %swap3A_83 = arith.constant 1 : i32
    %swap3A_84 = arith.index_cast %swap3A_83 : i32 to index
    %swap3A_85 = arith.constant 0 : index
    %swap3A_86 = tpu.vector_load %arg11[%swap3A_84, %swap3A_85] {strides = array<i32>} : memref<3x16xf32, #tpu.memory_space<vmem>>, vector<16xf32>,
    tpu.vector_store %arg11[%swap3A_84, %swap3A_85], %scan3A_78#1 {strides = array<i32>} : memref<3x16xf32, #tpu.memory_space<vmem>>, vector<16xf32>,
    %swap3A_87 = arith.constant 2 : i32
    %swap3A_88 = arith.index_cast %swap3A_87 : i32 to index
    %swap3A_89 = arith.constant 0 : index
    %swap3A_90 = tpu.vector_load %arg11[%swap3A_88, %swap3A_89] {strides = array<i32>} : memref<3x16xf32, #tpu.memory_space<vmem>>, vector<16xf32>,
    tpu.vector_store %arg11[%swap3A_88, %swap3A_89], %scan3A_78#2 {strides = array<i32>} : memref<3x16xf32, #tpu.memory_space<vmem>>, vector<16xf32>,
    "tpu.region"() ({
      %run_scoped3A_91 = tpu.sem_alloc : memref<!tpu.dma_semaphore, #tpu.memory_space<semaphore_mem>>
      %dma_start3A_92 = arith.constant 0 : i32
      %dma_start3A_93 = arith.constant 0 : i32
      %dma_start3A_94 = tpu.memref_slice %arg4[%add3A, %dma_start3A_92, %dma_start3A_93] : memref<32x3x16xf32, #tpu.memory_space<hbm>> -> memref<1x3x16xf32, #tpu.memory_space<hbm>>
      %dma_start3A_95 = tpu.memref_squeeze %dma_start3A_94 : memref<1x3x16xf32, #tpu.memory_space<hbm>> -> memref<3x16xf32, #tpu.memory_space<hbm>>
      %dma_start3A_96 = arith.constant 0 : i32
      %dma_start3A_97 = arith.constant 0 : i32
      %dma_start3A_98 = tpu.memref_slice %arg4[%add3A, %dma_start3A_96, %dma_start3A_97] : memref<32x3x16xf32, #tpu.memory_space<hbm>> -> memref<1x3x16xf32, #tpu.memory_space<hbm>>
      %dma_start3A_99 = tpu.memref_squeeze %dma_start3A_98 : memref<1x3x16xf32, #tpu.memory_space<hbm>> -> memref<3x16xf32, #tpu.memory_space<hbm>>
      tpu.enqueue_dma source(%arg11 : memref<3x16xf32, #tpu.memory_space<vmem>>) target(%dma_start3A_99 : memref<3x16xf32, #tpu.memory_space<hbm>>) target_semaphore(%run_scoped3A_91 : memref<!tpu.dma_semaphore, #tpu.memory_space<semaphore_mem>>)
      %dma_wait3A = arith.constant 0 : i32
      %dma_wait3A_100 = arith.constant 0 : i32
      %dma_wait3A_101 = tpu.memref_slice %arg4[%add3A, %dma_wait3A, %dma_wait3A_100] : memref<32x3x16xf32, #tpu.memory_space<hbm>> -> memref<1x3x16xf32, #tpu.memory_space<hbm>>
      %dma_wait3A_102 = tpu.memref_squeeze %dma_wait3A_101 : memref<1x3x16xf32, #tpu.memory_space<hbm>> -> memref<3x16xf32, #tpu.memory_space<hbm>>
      %dma_wait3A_103 = arith.constant 0 : i32
      %dma_wait3A_104 = arith.constant 0 : i32
      %dma_wait3A_105 = tpu.memref_slice %arg4[%add3A, %dma_wait3A_103, %dma_wait3A_104] : memref<32x3x16xf32, #tpu.memory_space<hbm>> -> memref<1x3x16xf32, #tpu.memory_space<hbm>>
      %dma_wait3A_106 = tpu.memref_squeeze %dma_wait3A_105 : memref<1x3x16xf32, #tpu.memory_space<hbm>> -> memref<3x16xf32, #tpu.memory_space<hbm>>
      tpu.wait_dma2 semaphore(%run_scoped3A_91 : memref<!tpu.dma_semaphore, #tpu.memory_space<semaphore_mem>>) src(%arg11 : memref<3x16xf32, #tpu.memory_space<vmem>>) dst(%dma_wait3A_106 : memref<3x16xf32, #tpu.memory_space<hbm>>)
      tpu.yield
    }) : () -> ()
    return
  }
}

</mosaic_0001>

<sc_bundles>
// kernel: kernel.3.cloned.1.call-start
scs
__scs_entry_jumppad:
0x0: {  	(pc) =	sbr.rel $0x88, $3  }
0x1: {  	(tag) =	ssettag $0x0;
	lr =	simm.s32 $0x1  }
0x2: {  	[smem:$0x3F9F] =	sst lr;
	_ =	strace $0xD0000000  }
0x3: {  	_ = 	snop  }
0x4: {  	_ = 	snop  }
0x5: {  	_ = 	snop  }
0x6: {  	_ = 	snop  }
0x7: {  	_ = 	snop  }
__scs_overlays_trampoline_lowered:
0x8: {  	[smem:$0x3FAE] =	sst s0  }
0x9: {  	[smem:$0x3FAF] =	sst s1  }
0xa: {  	[smem:$0x3FB0] =	sst s2  }
0xb: {  	[smem:$0x3FB1] =	sst s3  }
0xc: {  	[smem:$0x3FB2] =	sst s4  }
0xd: {  	[smem:$0x3FB3] =	sst s5  }
0xe: {  	[smem:$0x3FB4] =	sst s6  }
0xf: {  	[smem:$0x3FB5] =	sst s7  }
0x10: {  	[smem:$0x3FB6] =	sst s8  }
0x11: {  	[smem:$0x3FB7] =	sst s9;
	s0 =	simm.s32 @!p0 $0x0  }
0x12: {  	s1 =	sld [smem:$0x3F9D];
	s0 =	simm.s32 @p0 $0x1  }
0x13: {  	[smem:$0x3FB8] =	sst s0;
	s0 =	simm.s32 @!p1 $0x0  }
0x14: {  	s2 =	sld [smem:$0x3F9C];
	s0 =	simm.s32 @p1 $0x1  }
0x15: {  	[smem:$0x3FB9] =	sst s0;
	s0 =	simm.s32 @!p2 $0x0  }
0x16: {  	s3 =	sld [smem:$0x3FDB];
	s0 =	simm.s32 @p2 $0x1  }
0x17: {  	s4 =	simm.s32 $0x1BF5;
	[smem:$0x3FBB] =	sst s0  }
0x18: {  	s0 =	sld [smem:$0x3F9E];
	_ =	swait.ge [sflag:s4], $0x0  }
0x19: {  	s7 =	sld [smem:$0x3F9F]  }
0x1a: {  	s8 =	sadd.s32 $0xFFFFE003, lr  }
0x1b: {  	s9 =	sadd.s32 $0xFFFFFEF7, lr;
	s5 =	simm.s32 $0xFFFFFFFF;
	p2 =	slt.u32 s8, $0xFFFFF086  }
0x1c: {  	p1 =	slt.u32 s9, $0xF7A;
	s5 =	simm.s32 @!p2 $0x0  }
0x1d: {  	s5 =	simm.s32 @p1 $0x1;
	p0 =	seq.s32 s7, s2  }
0x1e: {  	s7 =	smul.u32 @!p0 $0xF7A, s2;
	p2 =	seq.s32 @!p0 s5, $0x0  }
0x1f: {  	s9 =	smul.u32 $0xF7A, s1;
	s8 =	simm.s32 @!p0 $0x1BF5;
	p2 =	por !p2, p0  }
0x20: {  	[sflag:s8] =	ssyncset.s32 @!p0 $0xFFFFF086;
	s6 =	sadd.s32 @!p0 s3, s7;
	s7 =	simm.s32 @!p0 $0x108  }
0x21: {  	s3 =	sadd.s32 s3, s9;
	s6 =	sadd.s32 @!p0 $0x88, s6;
	s7 =	simm.s32 @p2 $0x1082  }
0x22: {  	[simem:s7], [sflag:s8] =	dma.local @!p0 [hbm:s6], $0xF7A  }
0x23: {  	s9 =	sor.u32 $0xD0000000, s2;
	s6 =	simm.s32 $0x108;
	_ =	swait.ge @!p0 [sflag:s8], $0x0  }
0x24: {  	s3 =	sadd.s32 $0x88, s3;
	s6 =	simm.s32 @!p1 $0x1082;
	[sflag:s4] =	ssyncset.s32 $0xFFFFF086  }
0x25: {  	[simem:s6], [sflag:s4] =	dma.local [hbm:s3], $0xF7A  }
0x26: {  	[smem:$0x3F9F] =	sst s1;
	(tag) =	ssettag s2;
	_ =	strace s9  }
0x27: {  	s1 =	sld [smem:$0x3FAF]  }
0x28: {  	s2 =	sld [smem:$0x3FB0]  }
0x29: {  	s4 =	sld [smem:$0x3FB2]  }
0x2a: {  	p0 =	seq.s32 s5, $0x0;
	s5 =	sld [smem:$0x3FB3]  }
0x2b: {  	s6 =	sld [smem:$0x3FB4]  }
0x2c: {  	s7 =	sld [smem:$0x3FB5]  }
0x2d: {  	s3 =	simm.s32 $0x108;
	s8 =	sld [smem:$0x3FB6]  }
0x2e: {  	s3 =	simm.s32 @!p0 $0x1082;
	s9 =	sld [smem:$0x3FB7]  }
0x2f: {  	lr =	sadd.s32 s0, s3;
	s0 =	sld [smem:$0x3FAE]  }
0x30: {  	s3 =	sld [smem:$0x3FB1]  }
0x31: {  	[smem:$0x3FBA] =	sst s10  }
0x32: {  	s10 =	sld [smem:$0x3FB8];
	_ =	sdelay $0x3  }
0x33: {  	p0 =	seq.s32 s10, $0x1;
	s10 =	sld [smem:$0x3FBA];
	_ =	sdelay $0x3  }
0x34: {  	[smem:$0x3FBA] =	sst s10  }
0x35: {  	s10 =	sld [smem:$0x3FB9];
	_ =	sdelay $0x3  }
0x36: {  	p1 =	seq.s32 s10, $0x1;
	s10 =	sld [smem:$0x3FBA];
	_ =	sdelay $0x3  }
0x37: {  	[smem:$0x3FBA] =	sst s10  }
0x38: {  	s10 =	sld [smem:$0x3FBB]  }
0x39: {  	_ = 	snop;
	(pc) =	sbr.ind lr, $3  }
0x3a: {  	_ = 	snop  }
0x3b: {  	_ = 	snop  }
0x3c: {  	p2 =	seq.s32 s10, $0x1;
	s10 =	sld [smem:$0x3FBA]  }
0x3d: {  	_ =	shalt  }
0x3e: {  	_ =	shalt  }
0x3f: {  	_ =	shalt  }
0x40: {  	_ =	shalt  }
0x41: {  	_ =	shalt  }
0x42: {  	_ =	shalt  }
0x43: {  	_ =	shalt  }
0x44: {  	_ =	shalt  }
0x45: {  	_ =	shalt  }
0x46: {  	_ =	shalt  }
0x47: {  	_ =	shalt  }
0x48: {  	_ =	shalt  }
0x49: {  	_ =	shalt  }
0x4a: {  	_ =	shalt  }
0x4b: {  	_ =	shalt  }
0x4c: {  	_ =	shalt  }
0x4d: {  	_ =	shalt  }
0x4e: {  	_ =	shalt  }
0x4f: {  	_ =	shalt  }
0x50: {  	_ =	shalt  }
0x51: {  	_ =	shalt  }
0x52: {  	_ =	shalt  }
0x53: {  	_ =	shalt  }
0x54: {  	_ =	shalt  }
0x55: {  	_ =	shalt  }
0x56: {  	_ =	shalt  }
0x57: {  	_ =	shalt  }
0x58: {  	_ =	shalt  }
0x59: {  	_ =	shalt  }
0x5a: {  	_ =	shalt  }
0x5b: {  	_ =	shalt  }
0x5c: {  	_ =	shalt  }
0x5d: {  	_ =	shalt  }
0x5e: {  	_ =	shalt  }
0x5f: {  	_ =	shalt  }
0x60: {  	_ =	shalt  }
0x61: {  	_ =	shalt  }
0x62: {  	_ =	shalt  }
0x63: {  	_ =	shalt  }
0x64: {  	_ =	shalt  }
0x65: {  	_ =	shalt  }
0x66: {  	_ =	shalt  }
0x67: {  	_ =	shalt  }
0x68: {  	_ =	shalt  }
0x69: {  	_ =	shalt  }
0x6a: {  	_ =	shalt  }
0x6b: {  	_ =	shalt  }
0x6c: {  	_ =	shalt  }
0x6d: {  	_ =	shalt  }
0x6e: {  	_ =	shalt  }
0x6f: {  	_ =	shalt  }
0x70: {  	_ =	shalt  }
0x71: {  	_ =	shalt  }
0x72: {  	_ =	shalt  }
0x73: {  	_ =	shalt  }
0x74: {  	_ =	shalt  }
0x75: {  	_ =	shalt  }
0x76: {  	_ =	shalt  }
0x77: {  	_ =	shalt  }
0x78: {  	_ =	shalt  }
0x79: {  	_ =	shalt  }
0x7a: {  	_ =	shalt  }
0x7b: {  	_ =	shalt  }
0x7c: {  	_ =	shalt  }
0x7d: {  	_ =	shalt  }
0x7e: {  	_ =	shalt  }
0x7f: {  	_ =	shalt  }
0x80: {  	_ =	shalt  }
0x81: {  	_ =	shalt  }
0x82: {  	_ =	shalt  }
0x83: {  	_ =	shalt  }
0x84: {  	_ =	shalt  }
0x85: {  	_ =	shalt  }
0x86: {  	_ =	shalt  }
0x87: {  	_ =	shalt  }
.Lfunc_end0:
.L_simem_size_0:
called_computation_lowered:
.L_overlay_start_0:
0x88: {  	s2 =	sld [smem:$0x3FD9]  }
0x89: {  	s3 =	sld [smem:$0x3FFE];
	_ =	sdelay $0x1  }
0x8a: {  	s1 =	srdreg.scid  }
0x8b: {  	s0 =	sand.u32 $0x1, s1  }
0x8c: {  	s16 =	sshll.u32 s0, $0xA;
	s2 =	sadd.s32 s3, s2  }
0x8d: {  	s2 =	sadd.s32 s2, s16  }
0x8e: {  	[smem:$0x3FC6] =	sst s2  }
0x8f: {  	_ = 	snop  }
0x90: {  	(tm) =	ssettm $0x1  }
0x91: {  	s17 =	sld [smem:$0x3FFB];
	_ =	sdelay $0x3  }
0x92: {  	_ =	strace s17  }
0x93: {  	s2 =	sld [smem:$0x3FFC];
	_ =	sdelay $0x3  }
0x94: {  	_ =	strace s2  }
0x95: {  	s2 =	sld [smem:$0x3FFD];
	_ =	sdelay $0x3  }
0x96: {  	_ =	strace s2  }
0x97: {  	_ =	strace $0x8FFFFFFF  }
0x98: {  	s18 =	sld [smem:$0x3FDB];
	_ =	sdelay $0x1  }
0x99: {  	s19 =	simm.s32 $_scs_section_size  }
0x9a: {  	s4 =	simm.s32 $_size__tile_overlayer_lowered;
	s5 =	simm.s32 $_tile_overlayer_lowered  }
0x9b: {  	s22 =	simm.s32 $0x1BFF;
	s21 =	sshll.u32 s5, $0x1;
	s2 =	sadd.s32 s19, s18  }
0x9c: {  	s6 =	simm.s32 $0x0;
	s20 =	sshll.u32 s4, $0x1;
	s4 =	sadd.s32 s21, s2  }
0x9d: {  	[timem:s6], [sflag:s22] =	dma.local [hbm:s4], s20  }
0x9e: {  	_ =	swait.ge [sflag:s22], s20  }
0x9f: {  	s3 =	ssub.s32 $0x0, s20;
	[sflag:s22] =	ssyncset.done $0x0  }
0xa0: {  	[sflag:s22] =	ssyncadd.s32 s3;
	_ =	sdelay $0x1  }
0xa1: {  	s23 =	simm.s32 $0x1B8B  }
0xa2: {  	_ =	swait.ge [sflag:s23], $0x1  }
0xa3: {  	[sflag:s23] =	ssyncset.done $0x0  }
0xa4: {  	s25 =	simm.s32 $0x1B8E;
	s24 =	sld [smem:$0x3FFE];
	[sflag:s23] =	ssyncadd.s32 $0xFFFFFFFF  }
0xa5: {  	s26 =	simm.s32 $execute0_lowered;
	[smem:$0x3FD2] =	sst s25  }
0xa6: {  	s4 =	sshll.u32 s26, $0x1;
	_ =	strace $0x80000046;
	[dreg:$0x1] =	wrdreg $0xFFFFFFFF  }
0xa7: {  	s28 =	simm.s32 $_size_execute0_lowered;
	s2 =	sadd.s32 s2, s4;
	[dreg:$0x0] =	wrdreg $0x0  }
0xa8: {  	s4 =	sshll.u32 s28, $0x1;
	[dreg:$0x2] =	wrdreg s2  }
0xa9: {  	[dreg:$0x3] =	wrdreg s4  }
0xaa: {  	[dreg:$0x4] =	wrdreg $0xC0  }
0xab: {  	_ =	task [dreg:s6], $0x5FFFF  }
0xac: {  	[dreg:$0x1] =	wrdreg $0xFFFFFFFF  }
0xad: {  	[dreg:$0x0] =	wrdreg $0x60  }
0xae: {  	[dreg:$0x2] =	wrdreg s24  }
0xaf: {  	[dreg:$0x3] =	wrdreg $0x9  }
0xb0: {  	_ =	task.clear_ibuf [dreg:s6], $0x4FFFF;
	_ =	strace $0x90000046  }
0xb1: {  	s29 =	simm.s32 $0x9;
	_ =	strace $0x80000048  }
0xb2: {  	_ =	swait.ge [sflag:s29], $0x1  }
0xb3: {  	[sflag:s29] =	ssyncadd.s32 $0xFFFFFFFF  }
0xb4: {  	_ =	strace $0x90000048  }
0xb5: {  	_ =	sfence  }
0xb6: {  	s30 =	sld [smem:$0x0];
	_ =	sdelay $0x2  }
0xb7: {  	s31 =	sshll.u32 s1, $0xD;
	s1 =	sshrl.u32 s1, $0x2  }
0xb8: {  	s3 =	sand.u32 $0x4000, s31;
	s1 =	sadd.s32 s1, s30  }
0xb9: {  	s0 =	sor.u32 s3, s0;
	s1 =	sshll.u32 s1, $0x11  }
0xba: {  	s0 =	sor.u32 s1, s0  }
0xbb: {  	s0 =	sadd.s32 $0x8F2B, s0  }
0xbc: {  	[sflag:s0] =	ssyncadd.remote.s32 $0x1  }
0xbd: {  	_ =	sfence.sel $0xFFFF  }
0xbe: {  	[dreg:$0x0] =	wrdreg $0xFFFFFFFF;
	(pc) =	sbr.abs _section_cstart, $3  }
0xbf: {  	[dreg:$0x1] =	wrdreg $0xFFFFFFFF  }
0xc0: {  	_ =	task.clear_ibuf [dreg:s6], $0x2FFFF;
	_ =	strace $0x9FFFFFFF  }
0xc1: {  	(tm) =	ssettm $0x7FFFFFFF  }
tec
execute0_lowered:
.L_overlay_start_1:
0x0: {  	(tag) =	ssettag $0x1  }
0x1: {  	v17 =	vlaneseq.u32;
	v1 =	vimm.s32 $0x18171615;
	v2 =	vimm.s32 $0x1C1B1A19  }
0x2: {  	v3 =	vimm.s32 $0x1F1E1D;
	v4 =	vimm.s32 $0x15141312;
	v5 =	vimm.s32 $0x19181716  }
0x3: {  	vm0 =	vcmask $0x1F10;
	v7 =	vimm.s32 $0x1D1C1B1A;
	v57 =	vimm.s32 $0x1001F1E  }
0x4: {  	v8 =	vimm.s32 $0x16151413;
	v9 =	vimm.s32 $0x1A191817;
	v10 =	vimm.s32 $0x1E1D1C1B  }
0x5: {  	v11 =	vimm.s32 $0x201001F;
	v12 =	vimm.s32 $0x3020100;
	v13 =	vimm.s32 $0x1F1E1D1C  }
0x6: {  	v18 =	vimm.s32 $0x17161514;
	v19 =	vimm.s32 $0x1B1A1918;
	v0 =	vadd.s32 $0xE, v17  }
0x7: {  	v1 =	vunpack.c.0.s8.s32 v1;
	v2 =	vunpack.c.0.s8.s32 v2;
	v3 =	vunpack.c.0.s8.s32 v3  }
0x8: {  	v4 =	vunpack.c.0.s8.s32 v4;
	v5 =	vunpack.c.0.s8.s32 v5;
	[tilespmem:$0x1FE00] =	vst v0;
	v0 =	vadd.s32 $0xF, v17  }
0x9: {  	v12 =	vunpack.c.0.s8.s32 v12;
	v13 =	vunpack.c.0.s8.s32 v13;
	[tilespmem:$0x1FE10] =	vst v0;
	v0 =	vimm.s32 $0x14131211  }
0xa: {  	v18 =	vunpack.c.0.s8.s32 v18;
	v24 =	vunpack.c.0.s8.s32 v19;
	v0 =	vunpack.c.0.s8.s32 v0  }
0xb: {  	v8 =	vunpack.c.0.s8.s32 v8;
	v9 =	vunpack.c.0.s8.s32 v9;
	v6 =	vsel vm0, v3, v2  }
0xc: {  	v12 =	vsel vm0, v12, v13;
	v18 =	vsel vm0, v24, v18;
	v0 =	vsel vm0, v1, v0  }
0xd: {  	v19 =	vimm.s32 $0x4030201;
	v12 =	vcombine.low v18, v12;
	v34 =	vcombine.low v0, v6  }
0xe: {  	v0 =	vsel vm0, v5, v4;
	v4 =	vunpack.c.0.s8.s32 v7;
	v7 =	vunpack.c.0.s8.s32 v57  }
0xf: {  	v10 =	vunpack.c.0.s8.s32 v10;
	v11 =	vunpack.c.0.s8.s32 v11;
	[tilespmem:$0x1FE20] =	vst v12;
	v12 =	vunpack.c.0.s8.s32 v19  }
0x10: {  	v8 =	vsel vm0, v9, v8;
	v19 =	vimm.s32 $0x5040302;
	v26 =	vsel vm0, v7, v4  }
0x11: {  	v1 =	vsel vm0, v2, v1;
	v58 =	vsel vm0, v12, v3;
	v0 =	vcombine.low v0, v26  }
0x12: {  	v27 =	vsel vm0, v11, v10;
	v2 =	vunpack.c.0.s8.s32 v19;
	v1 =	vcombine.low v1, v58  }
0x13: {  	[tilespmem:$0x1FE30] =	vst v0;
	v0 =	vcombine.low v8, v27  }
0x14: {  	v21 =	vimm.s32 $0x6050403;
	v2 =	vsel vm0, v2, v7;
	v4 =	vsel vm0, v4, v5;
	[tilespmem:$0x1FE50] =	vst v1  }
0x15: {  	v1 =	vcombine.low v4, v2;
	v2 =	vimm.s32 $0x76543210;
	[tilespmem:$0x1FE40] =	vst v0;
	v0 =	vunpack.c.0.s8.s32 v21  }
0x16: {  	v4 =	vimm.s32 $0x87654321;
	v2 =	vunpack.c.l.s4.s8 v2  }
0x17: {  	v4 =	vunpack.c.l.s4.s8 v4;
	[tilespmem:$0x1FE60] =	vst v1;
	v1 =	vsel vm0, v10, v9;
	v0 =	vsel vm0, v0, v11  }
0x18: {  	v0 =	vcombine.low v1, v0  }
0x19: {  	v2 =	vunpack.c.0.s8.s32 v2;
	v4 =	vunpack.c.0.s8.s32 v4  }
0x1a: {  	[tilespmem:$0x1FE70] =	vst v0;
	v0 =	vsel vm0, v13, v24  }
0x1b: {  	v24 =	vcombine.low v0, v2;
	v0 =	vand.u32 $0xF, v4  }
0x1c: {  	v0 =	vcombine.low v6, v0  }
0x1d: {  	s4 =	rddreg [dreg:$0x0];
	s2 =	simm.s32 $0x0  }
0x1e: {  	v20 =	vmul.u32 $0x20, v17;
	[smem:$0x7FF] =	sst s2;
	v63 =	vor.u32 $0x10, v17;
	[tilespmem:$0x1FE80] =	vst v0  }
0x1f: {  	s0 =	rddreg [dreg:$0x1];
	_ =	strace $0x80000047;
	[tilespmem:$0x1FE90] =	vst v63  }
0x20: {  	v22 =	vadd.s32 $0x2, v17;
	[tilespmem:$0x1FEE0] =	vst v20  }
0x21: {  	v59 =	vimm.s32 $0x32107654;
	v23 =	vadd.s32 $0x3, v17;
	[tilespmem:$0x1FEF0] =	vst v22  }
0x22: {  	vm15 =	vcmask $0x2F10;
	v60 =	vimm.s32 $0xB0A0908;
	v33 =	vadd.s32 $0xD, v17;
	[tilespmem:$0x1FF00] =	vst v23  }
0x23: {  	vm1 =	vcmask $0x3F30;
	v61 =	vimm.s32 $0xD0C0B0A;
	v5 =	vimm.s32 $0x98765432;
	[tilespmem:$0x1FF10] =	vst v33  }
0x24: {  	v62 =	vimm.s32 $0xE0D0C0B;
	v14 =	vadd.s32 $0x1, v17;
	v1 =	vunpack.c.l.s4.s8 v5;
	[tilespmem:$0x1FF20] =	vst v34  }
0x25: {  	v37 =	vadd.s32 $0x4, v17;
	v25 =	vadd.s32 $0x5, v17;
	v28 =	vadd.s32 $0x6, v17;
	[tilespmem:$0x1FF30] =	vst v24  }
0x26: {  	v15 =	vadd.s32 $0x8, v17;
	v16 =	vadd.s32 $0x9, v17;
	v1 =	vunpack.c.0.s8.s32 v1;
	[tilespmem:$0x1FF60] =	vst v14  }
0x27: {  	v30 =	vadd.s32 $0xA, v17;
	v5 =	vimm.s32 $0xA9876543;
	v2 =	vunpack.c.l.s4.s8 v59;
	[tilespmem:$0x1FF70] =	vst v15  }
0x28: {  	v31 =	vadd.s32 $0xB, v17;
	v5 =	vunpack.c.l.s4.s8 v5;
	v0 =	vand.u32 $0xF, v1;
	[tilespmem:$0x1FF80] =	vst v16  }
0x29: {  	v26 =	vcombine.low v26, v0;
	v0 =	vunpack.c.0.s8.s32 v2;
	v2 =	vimm.s32 $0x43218765;
	[tilespmem:$0x1FF90] =	vst v30  }
0x2a: {  	s3 =	srdreg.scid;
	s1 =	stileid.u32;
	v32 =	vadd.s32 $0xC, v17;
	v4 =	vimm.s32 $0x54329876;
	[tilespmem:$0x1FFA0] =	vst v31;
	v2 =	vunpack.c.l.s4.s8 v2  }
0x2b: {  	s11 =	simm.s32 $0x1000;
	s12 =	simm.s32 $0x1800;
	s14 =	simm.s32 $0x3800;
	v29 =	vadd.s32 $0x7, v17;
	v4 =	vunpack.c.l.s4.s8 v4;
	v1 =	vunpack.c.0.s8.s32 v5;
	[tilespmem:$0x1FFB0] =	vst v32  }
0x2c: {  	s13 =	simm.s32 $0x80;
	s15 =	simm.s32 $0x5800;
	s16 =	simm.s32 $0x2800;
	v6 =	vunpack.c.0.s8.s32 v60;
	v5 =	vimm.s32 $0x6543A987;
	[tilespmem:$0x1FFC0] =	vst v37;
	v2 =	vunpack.c.0.s8.s32 v2  }
0x2d: {  	s17 =	simm.s32 $0x880;
	s18 =	simm.s32 $0x4800;
	s19 =	simm.s32 $0x1080;
	v4 =	vunpack.c.0.s8.s32 v4;
	v5 =	vunpack.c.l.s4.s8 v5;
	[tilespmem:$0x1FFD0] =	vst v25;
	v1 =	vand.u32 $0xF, v1  }
0x2e: {  	s20 =	simm.s32 $0x6800;
	s3 =	sand.u32 $0x1, s3;
	s5 =	sshll.u32 s1, $0x1;
	[tilespmem:$0x1FFE0] =	vst v28;
	v0 =	vand.u32 $0xF, v0;
	v27 =	vcombine.low v27, v1;
	v2 =	vand.u32 $0xF, v2  }
0x2f: {  	s21 =	simm.s32 $0x1;
	s22 =	simm.s32 $0x2;
	s5 =	sor.u32 s3, s5;
	[tilespmem:$0x1FFF0] =	vst v29;
	v2 =	vsel vm15, v2, v3;
	v3 =	vand.u32 $0xF, v4;
	v4 =	vimm.s32 $0xC0B0A09  }
0x30: {  	s23 =	simm.s32 $0x7800;
	s24 =	simm.s32 $0x0;
	s6 =	smul.u32 $0x6, s5;
	v5 =	vunpack.c.0.s8.s32 v5;
	[tilespmem:$0x1FF40] =	vst v26;
	v0 =	vsel vm15, v0, v13;
	v4 =	vunpack.c.0.s8.s32 v4  }
.Ltmp0:
0x31: {  	s7 =	ssub.s32 $0x2, s3;
	s5 =	sshll.u32 s5, $0x8;
	v0 =	vsel vm1, v6, v0;
	[tilespmem:$0x1FF50] =	vst v27;
	v3 =	vsel vm15, v3, v7;
	v7 =	vunpack.c.0.s8.s32 v61;
	(pc) =	sbr.rel .LBB2_1-.Ltmp0, $4  }
0x32: {  	s3 =	sadd.s32 $0x400, s4;
	s8 =	sshrl.u32 s7, $0x1;
	s9 =	sadd.s32 s5, s4;
	v8 =	vunpack.c.0.s8.s32 v62;
	v5 =	vand.u32 $0xF, v5;
	[tilespmem:$0x1FEA0] =	vst v0;
	v0 =	vsel vm1, v4, v2  }
0x33: {  	s8 =	ssub.s32 s7, s8;
	s10 =	sadd.s32 s6, s4;
	s4 =	sadd.s32 $0x10400, s9;
	v5 =	vsel vm15, v5, v11;
	[tilespmem:$0x1FEB0] =	vst v0;
	v0 =	vsel vm1, v7, v3  }
0x34: {  	s5 =	sadd.s32 $0x12400, s9;
	s6 =	sadd.s32 $0x14400, s9;
	s8 =	smax.u32 s8, $0x1;
	[tilespmem:$0x1FEC0] =	vst v0;
	v0 =	vsel vm1, v8, v5  }
0x35: {  	s9 =	simm.s32 $0x800;
	s7 =	sadd.s32 $0x16400, s10;
	s10 =	simm.s32 $0x3;
	v1 =	vmov v33;
	v3 =	vmov v34;
	[tilespmem:$0x1FED0] =	vst v0  }
.LBB2_8:
0x36: {  	[tilespmem:$0x7800] =	vst v35  }
0x37: {  	[tilespmem:$0x7810] =	vst v34  }
0x38: {  	[tilespmem:$0x7820] =	vst v33  }
0x39: {  	[hbm4b:s7+s2] =	stream.linear.scatter [tilespmem:s23], [sflag:$0x3], $0x30, $0x38;
	[tilespmem:$0x7830] =	vst v63  }
0x3a: {  	_ =	swait.ge [sflag:s10], $0x30  }
0x3b: {  	v20 =	vld [tilespmem:$0x1FEE0]  }
0x3c: {  	s24 =	sadd.s32 $0x1, s24;
	v22 =	vld [tilespmem:$0x1FEF0]  }
0x3d: {  	p0 =	sne.s32 s24, s8;
	v23 =	vld [tilespmem:$0x1FF00]  }
.Ltmp1:
0x3e: {  	v1 =	vld [tilespmem:$0x1FF10];
	(pc) =	sbr.rel @!p0 .LBB2_9-.Ltmp1, $4  }
0x3f: {  	v3 =	vld [tilespmem:$0x1FF20]  }
0x40: {  	v16 =	vmov v24;
	v24 =	vld [tilespmem:$0x1FF30]  }
0x41: {  	v17 =	vlaneseq.u32;
	v14 =	vmovc v18;
	v37 =	vmovc v19;
	v25 =	vmov v30;
	v30 =	vmov v26;
	[sflag:s10] =	ssyncset.done $0x0;
	v26 =	vld [tilespmem:$0x1FF40]  }
0x42: {  	v28 =	vmovc v31;
	v29 =	vmovc v32;
	v15 =	vmov v21;
	v31 =	vmov v27;
	v32 =	vmov v56;
	v27 =	vld [tilespmem:$0x1FF50];
	[sflag:s10] =	ssyncadd.s32 $0xFFFFFFD0  }
.LBB2_1:
0x43: {  	[tilespmem:s2], [sflag:$0x3] =	stream.linear.gather [hbm4b:s4+s2], $0x800, $0x38;
	[tilespmem:$0x7830] =	vst v63  }
0x44: {  	_ =	swait.ge [sflag:s10], $0x800  }
0x45: {  	[sflag:s10] =	ssyncset.done $0x0  }
0x46: {  	[sflag:s10] =	ssyncadd.s32 $0xFFFFF800  }
0x47: {  	[tilespmem:s9], [sflag:$0x3] =	stream.linear.gather [hbm4b:s5+s2], $0x800, $0x38;
	[tilespmem:$0x7830] =	vst v63  }
0x48: {  	_ =	swait.ge [sflag:s10], $0x800  }
0x49: {  	[sflag:s10] =	ssyncset.done $0x0  }
0x4a: {  	[sflag:s10] =	ssyncadd.s32 $0xFFFFF800  }
0x4b: {  	[tilespmem:s11], [sflag:$0x3] =	stream.linear.gather [hbm4b:s6+s2], $0x800, $0x38;
	[tilespmem:$0x7830] =	vst v63  }
0x4c: {  	_ =	swait.ge [sflag:s10], $0x800  }
0x4d: {  	[sflag:s10] =	ssyncset.done $0x0  }
0x4e: {  	[sflag:s10] =	ssyncadd.s32 $0xFFFFF800  }
0x4f: {  	[tilespmem:s12], [sflag:$0x1] =	stream.indirect.gather [hbm4b:s3+s13], $0x20, s2, s13, $0xb8;
	[tilespmem:$0x7830] =	vst v63  }
0x50: {  	_ = 	snop  }
0x51: {  	[tilespmem:s14], [sflag:$0x1] =	stream.indirect.gather [hbm4b:s3+s13], $0x20, s9, s13, $0xb8;
	[tilespmem:$0x7830] =	vst v63  }
0x52: {  	_ = 	snop  }
0x53: {  	[tilespmem:s15], [sflag:$0x1] =	stream.indirect.gather [hbm4b:s3+s13], $0x20, s11, s13, $0xb8;
	[tilespmem:$0x7830] =	vst v63  }
0x54: {  	_ = 	snop  }
0x55: {  	[tilespmem:s16], [sflag:$0x2] =	stream.indirect.gather [hbm4b:s3+s13], $0x20, s13, s13, $0xb8;
	[tilespmem:$0x7830] =	vst v63  }
0x56: {  	_ = 	snop  }
0x57: {  	[tilespmem:s18], [sflag:$0x2] =	stream.indirect.gather [hbm4b:s3+s13], $0x20, s17, s13, $0xb8;
	[tilespmem:$0x7830] =	vst v63  }
0x58: {  	s25 =	simm.s32 $0x0  }
0x59: {  	v33 =	vimm.f32 $0.0e+00;
	v34 =	vimm.f32 $0.0e+00;
	v35 =	vimm.f32 $0.0e+00;
	[tilespmem:s20], [sflag:$0x2] =	stream.indirect.gather [hbm4b:s3+s13], $0x20, s19, s13, $0xb8;
	[tilespmem:$0x7830] =	vst v63  }
.LBB2_2:
0x5a: {  	_ =	swait.ge [sflag:s21], $0x1000;
	s26 =	simm.s32 $0x0  }
0x5b: {  	[sflag:s21] =	ssyncset.done $0x0;
	v0 =	vmov s26  }
0x5c: {  	[sflag:s21] =	ssyncadd.s32 $0xFFFFF000;
	v0 =	vshll.u32 v0, $0x5  }
0x5d: {  	_ =	swait.ge [sflag:s21], $0x1000;
	v36 =	vor.u32 v20, v0  }
0x5e: {  	[sflag:s21] =	ssyncset.done $0x0;
	v9 =	vor.u32 v17, v36  }
0x5f: {  	[sflag:s21] =	ssyncadd.s32 $0xFFFFF000  }
0x60: {  	v19 =	vld [tilespmem:$0x1FE10];
	v13 =	vor.u32 v22, v36;
	_ =	swait.ge [sflag:s21], $0x1000  }
0x61: {  	v7 =	vor.u32 v23, v36;
	v21 =	vld [tilespmem:$0x1FE30];
	[sflag:s21] =	ssyncset.done $0x0  }
0x62: {  	v18 =	vld [tilespmem:$0x1FE00];
	[sflag:s21] =	ssyncadd.s32 $0xFFFFF000  }
0x63: {  	v0 =	vld.idx.msk [tilespmem:v9+s14+$0x0], $0xffff  }
0x64: {  	v37 =	vor.u32 v37, v36;
	v38 =	vld.idx.msk [tilespmem:v9+s12+$0x0], $0xffff  }
0x65: {  	v6 =	vor.u32 v19, v36;
	v45 =	vld.idx.msk [tilespmem:v13+s12+$0x0], $0xffff  }
0x66: {  	v39 =	vld.idx.msk [tilespmem:v7+s15+$0x0], $0xffff  }
0x67: {  	v40 =	vld.idx.msk [tilespmem:v7+s14+$0x0], $0xffff  }
0x68: {  	v41 =	vor.u32 v25, v36;
	v7 =	vld.idx.msk [tilespmem:v7+s12+$0x0], $0xffff  }
0x69: {  	v44 =	vor.u32 v28, v36;
	v42 =	vld.idx.msk [tilespmem:v37+s15+$0x0], $0xffff  }
0x6a: {  	v8 =	vor.u32 v21, v36;
	[tilespmem:$0x1FD30] =	vst v0;
	v0 =	vld.idx.msk [tilespmem:v6+s14+$0x0], $0xffff  }
0x6b: {  	v43 =	vld.idx.msk [tilespmem:v37+s14+$0x0], $0xffff  }
0x6c: {  	v37 =	vld.idx.msk [tilespmem:v37+s12+$0x0], $0xffff  }
0x6d: {  	v46 =	vor.u32 v29, v36;
	v47 =	vld.idx.msk [tilespmem:v41+s12+$0x0], $0xffff  }
0x6e: {  	v49 =	vld.idx.msk [tilespmem:v44+s12+$0x0], $0xffff  }
0x6f: {  	[tilespmem:$0x1FD70] =	vst v0;
	v0 =	vld.idx.msk [tilespmem:v8+s14+$0x0], $0xffff  }
0x70: {  	v50 =	vld.idx.msk [tilespmem:v44+s14+$0x0], $0xffff  }
0x71: {  	v62 =	vor.u32 v32, v36;
	v44 =	vld.idx.msk [tilespmem:v44+s15+$0x0], $0xffff  }
0x72: {  	v52 =	vld.idx.msk [tilespmem:v46+s12+$0x0], $0xffff  }
0x73: {  	v53 =	vld.idx.msk [tilespmem:v46+s14+$0x0], $0xffff  }
0x74: {  	[tilespmem:$0x1FD90] =	vst v0;
	v0 =	vld.idx.msk [tilespmem:v8+s15+$0x0], $0xffff  }
0x75: {  	v51 =	vor.u32 v15, v36;
	v46 =	vld.idx.msk [tilespmem:v46+s15+$0x0], $0xffff  }
0x76: {  	v2 =	vld.idx.msk [tilespmem:v62+s12+$0x0], $0xffff  }
0x77: {  	v11 =	vld.idx.msk [tilespmem:v62+s14+$0x0], $0xffff  }
0x78: {  	v54 =	vor.u32 v16, v36;
	v62 =	vld.idx.msk [tilespmem:v62+s15+$0x0], $0xffff  }
0x79: {  	v5 =	vor.u32 v18, v36;
	[tilespmem:$0x1FD80] =	vst v0;
	v0 =	vld.idx.msk [tilespmem:v6+s15+$0x0], $0xffff  }
0x7a: {  	v55 =	vld.idx.msk [tilespmem:v51+s12+$0x0], $0xffff  }
0x7b: {  	v57 =	vld.idx.msk [tilespmem:v51+s14+$0x0], $0xffff  }
0x7c: {  	v51 =	vld.idx.msk [tilespmem:v51+s15+$0x0], $0xffff  }
0x7d: {  	v58 =	vld.idx.msk [tilespmem:v54+s12+$0x0], $0xffff;
	v11 =	vsub.f32 v2, v11;
	v2 =	vsub.f32 v2, v62  }
0x7e: {  	[tilespmem:$0x1FD60] =	vst v0;
	v0 =	vld.idx.msk [tilespmem:v5+s15+$0x0], $0xffff  }
0x7f: {  	[tilespmem:$0x1FDB0] =	vst v2;
	v2 =	vld [tilespmem:$0x1FE90]  }
0x80: {  	v60 =	vld.idx.msk [tilespmem:v54+s14+$0x0], $0xffff  }
0x81: {  	v56 =	vor.u32 v30, v36;
	v48 =	vld.idx.msk [tilespmem:v5+s14+$0x0], $0xffff  }
0x82: {  	v5 =	vld.idx.msk [tilespmem:v5+s12+$0x0], $0xffff  }
0x83: {  	[tilespmem:$0x1FD50] =	vst v0;
	v0 =	vld.idx.msk [tilespmem:v13+s15+$0x0], $0xffff  }
0x84: {  	v62 =	vor.u32 v2, v36;
	v2 =	vld [tilespmem:$0x1FD50]  }
0x85: {  	v54 =	vld.idx.msk [tilespmem:v54+s15+$0x0], $0xffff  }
0x86: {  	v61 =	vld.idx.msk [tilespmem:v56+s12+$0x0], $0xffff  }
0x87: {  	v63 =	vld.idx.msk [tilespmem:v56+s14+$0x0], $0xffff  }
0x88: {  	v59 =	vor.u32 v31, v36;
	v40 =	vsub.f32 v7, v40;
	[tilespmem:$0x1FD40] =	vst v0;
	v0 =	vld.idx.msk [tilespmem:v41+s15+$0x0], $0xffff  }
0x89: {  	v39 =	vsub.f32 v7, v39;
	v7 =	vld [tilespmem:$0x1FE60];
	v2 =	vsub.f32 v5, v2  }
0x8a: {  	v6 =	vld.idx.msk [tilespmem:v6+s12+$0x0], $0xffff  }
0x8b: {  	[tilespmem:$0x1FDD0] =	vst v2;
	v2 =	vld [tilespmem:$0x1FD60]  }
0x8c: {  	v56 =	vld.idx.msk [tilespmem:v56+s15+$0x0], $0xffff  }
0x8d: {  	v4 =	vld.idx.msk [tilespmem:v59+s12+$0x0], $0xffff;
	[tilespmem:$0x1FDA0] =	vst v0;
	v0 =	vor.u32 v1, v36  }
0x8e: {  	v10 =	vld.idx.msk [tilespmem:v59+s14+$0x0], $0xffff  }
0x8f: {  	v59 =	vld.idx.msk [tilespmem:v59+s15+$0x0], $0xffff;
	v43 =	vsub.f32 v37, v43;
	v37 =	vsub.f32 v37, v42;
	v42 =	vor.u32 v7, v36  }
0x90: {  	v7 =	vor.u32 v14, v36;
	v1 =	vor.u32 v3, v36;
	v14 =	vsub.f32 v6, v2;
	v2 =	vld [tilespmem:$0x1FD70]  }
0x91: {  	v9 =	vld.idx.msk [tilespmem:v9+s15+$0x0], $0xffff  }
0x92: {  	v3 =	vld.idx.msk [tilespmem:v0+s12+$0x0], $0xffff  }
0x93: {  	v12 =	vld.idx.msk [tilespmem:v0+s14+$0x0], $0xffff  }
0x94: {  	v50 =	vsub.f32 v49, v50;
	v0 =	vld.idx.msk [tilespmem:v0+s15+$0x0], $0xffff  }
0x95: {  	v44 =	vsub.f32 v49, v44;
	v49 =	vld.idx.msk [tilespmem:v1+s12+$0x0], $0xffff;
	v2 =	vsub.f32 v6, v2  }
0x96: {  	v32 =	vld.idx.msk [tilespmem:v1+s14+$0x0], $0xffff  }
0x97: {  	v53 =	vsub.f32 v52, v53;
	v46 =	vsub.f32 v52, v46;
	[tilespmem:$0x1FDE0] =	vst v2;
	v2 =	vld [tilespmem:$0x1FE40]  }
0x98: {  	v52 =	vsub.f32 v55, v57;
	v57 =	vsub.f32 v58, v60;
	v1 =	vld.idx.msk [tilespmem:v1+s15+$0x0], $0xffff  }
0x99: {  	v54 =	vsub.f32 v58, v54;
	v8 =	vld.idx.msk [tilespmem:v8+s12+$0x0], $0xffff;
	v0 =	vsub.f32 v3, v0  }
0x9a: {  	v58 =	vsub.f32 v61, v63;
	v56 =	vsub.f32 v61, v56;
	v61 =	vld.idx.msk [tilespmem:v7+s12+$0x0], $0xffff  }
0x9b: {  	[tilespmem:$0x1FDC0] =	vst v0;
	v0 =	vld [tilespmem:$0x1FD30]  }
0x9c: {  	v10 =	vsub.f32 v4, v10;
	v4 =	vsub.f32 v4, v59;
	v59 =	vor.u32 v2, v36;
	v2 =	vld [tilespmem:$0x1FD80]  }
0x9d: {  	v13 =	vld.idx.msk [tilespmem:v13+s14+$0x0], $0xffff;
	v1 =	vsub.f32 v49, v1  }
0x9e: {  	v16 =	vsub.f32 v3, v12;
	v3 =	vld.idx.msk [tilespmem:v7+s14+$0x0], $0xffff  }
0x9f: {  	[tilespmem:$0x1FDF0] =	vst v1;
	v1 =	vld [tilespmem:$0x1FE50]  }
0xa0: {  	v12 =	vsub.f32 v38, v0;
	v0 =	vld [tilespmem:$0x1FD40]  }
0xa1: {  	v31 =	vsub.f32 v8, v2;
	v2 =	vld [tilespmem:$0x1FD90]  }
0xa2: {  	v60 =	vld.idx.msk [tilespmem:v42+s12+$0x0], $0xffff  }
0xa3: {  	v41 =	vld.idx.msk [tilespmem:v41+s14+$0x0], $0xffff  }
0xa4: {  	v32 =	vsub.f32 v49, v32;
	v3 =	vsub.f32 v61, v3;
	v49 =	vor.u32 v1, v36;
	v1 =	vld [tilespmem:$0x1FDA0]  }
0xa5: {  	v13 =	vsub.f32 v45, v13;
	v63 =	vsub.f32 v45, v0;
	v0 =	vld.idx.msk [tilespmem:v7+s15+$0x0], $0xffff  }
0xa6: {  	v3 =	vmul.f32 v3, v3;
	v12 =	vmul.f32 v12, v12;
	v30 =	vsub.f32 v8, v2;
	v2 =	vld [tilespmem:$0x1FE20]  }
0xa7: {  	v15 =	vsub.f32 v5, v48;
	v5 =	vld.idx.msk [tilespmem:v42+s15+$0x0], $0xffff  }
0xa8: {  	v9 =	vsub.f32 v38, v9;
	v13 =	vmul.f32 v13, v13;
	v38 =	vld.idx.msk [tilespmem:v62+s12+$0x0], $0xffff;
	v3 =	vadd.f32 v3, v12  }
0xa9: {  	v51 =	vsub.f32 v55, v51;
	v12 =	vld.idx.msk [tilespmem:v59+s14+$0x0], $0xffff  }
0xaa: {  	v40 =	vmul.f32 v40, v40;
	v45 =	vld.idx.msk [tilespmem:v59+s12+$0x0], $0xffff;
	v3 =	vadd.f32 v13, v3;
	v0 =	vsub.f32 v61, v0  }
0xab: {  	v9 =	vmul.f32 v9, v9;
	v55 =	vsub.f32 v47, v1;
	v1 =	vld [tilespmem:$0x1FE70];
	v61 =	vor.u32 v2, v36  }
0xac: {  	v43 =	vmul.f32 v43, v43;
	v8 =	vld.idx.msk [tilespmem:v62+s14+$0x0], $0xffff;
	v3 =	vadd.f32 v40, v3;
	v0 =	vmul.f32 v0, v0  }
0xad: {  	v62 =	vld.idx.msk [tilespmem:v62+s15+$0x0], $0xffff  }
0xae: {  	v3 =	vadd.f32 v43, v3;
	v43 =	vld.idx.msk [tilespmem:v49+s14+$0x0], $0xffff;
	v0 =	vadd.f32 v0, v9;
	v9 =	vmul.f32 v63, v63  }
0xaf: {  	v2 =	vld [tilespmem:$0x1FE80]  }
0xb0: {  	v39 =	vmul.f32 v39, v39;
	v0 =	vadd.f32 v9, v0;
	v13 =	vld.idx.msk [tilespmem:v61+s12+$0x0], $0xffff  }
0xb1: {  	v48 =	vor.u32 v1, v36;
	v9 =	vld.idx.msk [tilespmem:v61+s14+$0x0], $0xffff  }
0xb2: {  	v37 =	vmul.f32 v37, v37;
	v41 =	vsub.f32 v47, v41;
	v40 =	vld.idx.msk [tilespmem:v61+s15+$0x0], $0xffff;
	v0 =	vadd.f32 v39, v0  }
0xb3: {  	v44 =	vmul.f32 v44, v44;
	v47 =	vmul.f32 v55, v55;
	v39 =	vld.idx.msk [tilespmem:v49+s12+$0x0], $0xffff;
	v61 =	vor.u32 v24, v36  }
0xb4: {  	v49 =	vld.idx.msk [tilespmem:v49+s15+$0x0], $0xffff;
	v0 =	vadd.f32 v37, v0;
	v37 =	vsub.f32 v38, v8;
	v8 =	vmul.f32 v41, v41  }
0xb5: {  	v50 =	vmul.f32 v50, v50;
	v63 =	vmul.f32 v52, v52;
	v52 =	vld.idx.msk [tilespmem:v42+s14+$0x0], $0xffff  }
0xb6: {  	v46 =	vmul.f32 v46, v46;
	v55 =	vld.idx.msk [tilespmem:v48+s14+$0x0], $0xffff;
	v3 =	vadd.f32 v8, v3;
	v0 =	vadd.f32 v47, v0  }
0xb7: {  	v1 =	vmul.f32 v51, v51;
	v51 =	vld.idx.msk [tilespmem:v48+s15+$0x0], $0xffff;
	v42 =	vsub.f32 v13, v9;
	v41 =	vsub.f32 v13, v40  }
0xb8: {  	v40 =	vld.idx.msk [tilespmem:v48+s12+$0x0], $0xffff;
	v9 =	vor.u32 v2, v36;
	v47 =	vsub.f32 v39, v43;
	v0 =	vadd.f32 v44, v0  }
0xb9: {  	v53 =	vmul.f32 v53, v53;
	v48 =	vsub.f32 v39, v49;
	v39 =	vld.idx.msk [tilespmem:v61+s14+$0x0], $0xffff;
	v3 =	vadd.f32 v50, v3  }
0xba: {  	v50 =	vld.idx.msk [tilespmem:v61+s12+$0x0], $0xffff;
	v0 =	vadd.f32 v46, v0  }
0xbb: {  	v49 =	vor.u32 v26, v36;
	v3 =	vadd.f32 v53, v3;
	v53 =	vmul.f32 v56, v56;
	v56 =	vld.idx.msk [tilespmem:v61+s15+$0x0], $0xffff  }
0xbc: {  	v0 =	vadd.f32 v1, v0;
	v1 =	vld [tilespmem:$0x1FDB0]  }
0xbd: {  	v6 =	vsub.f32 v60, v5;
	v5 =	vld.idx.msk [tilespmem:v9+s12+$0x0], $0xffff  }
0xbe: {  	v3 =	vadd.f32 v63, v3;
	v63 =	vld.idx.msk [tilespmem:v9+s14+$0x0], $0xffff  }
0xbf: {  	v7 =	vld.idx.msk [tilespmem:v9+s15+$0x0], $0xffff  }
0xc0: {  	v8 =	vsub.f32 v38, v62;
	v38 =	vmul.f32 v57, v57;
	v57 =	vmul.f32 v54, v54;
	v54 =	vld.idx.msk [tilespmem:v49+s12+$0x0], $0xffff  }
0xc1: {  	v61 =	vmul.f32 v4, v4;
	v4 =	vmul.f32 v1, v1;
	v1 =	vld [tilespmem:$0x1FDC0]  }
0xc2: {  	v2 =	vmul.f32 v11, v11;
	v11 =	vld.idx.msk [tilespmem:v49+s14+$0x0], $0xffff;
	v0 =	vadd.f32 v57, v0  }
0xc3: {  	v52 =	vsub.f32 v60, v52;
	v57 =	vld.idx.msk [tilespmem:v49+s15+$0x0], $0xffff  }
0xc4: {  	v60 =	vsub.f32 v50, v39;
	v49 =	vmul.f32 v14, v14;
	v14 =	vld [tilespmem:$0x1FEB0];
	v0 =	vadd.f32 v53, v0  }
0xc5: {  	v39 =	vmul.f32 v6, v6;
	v6 =	vsub.f32 v5, v63;
	v5 =	vsub.f32 v5, v7;
	v7 =	vld [tilespmem:$0x1FED0]  }
0xc6: {  	v58 =	vmul.f32 v58, v58;
	v13 =	vmul.f32 v1, v1;
	v1 =	vadd.f32 v38, v3;
	v3 =	vld [tilespmem:$0x1FEA0]  }
0xc7: {  	v62 =	vmul.f32 v10, v10;
	v10 =	vor.u32 v27, v36;
	v61 =	vadd.f32 v61, v0  }
0xc8: {  	v38 =	vadd.f32 v58, v1;
	v1 =	vld [tilespmem:$0x1FDD0]  }
0xc9: {  	v59 =	vld.idx.msk [tilespmem:v59+s15+$0x0], $0xffff;
	v58 =	vsub.f32 v50, v56;
	v50 =	vmul.f32 v32, v32;
	v32 =	vadd.f32 v4, v61  }
0xca: {  	v61 =	vor.u32 v7, v36;
	v7 =	vld [tilespmem:$0x1FEC0];
	v53 =	vadd.f32 v62, v38;
	v62 =	vor.u32 v14, v36  }
0xcb: {  	v9 =	vsub.f32 v45, v12;
	v0 =	vld [tilespmem:$0x1FDF0];
	v12 =	vor.u32 v3, v36  }
0xcc: {  	v38 =	vld.idx.msk [tilespmem:v10+s15+$0x0], $0xffff  }
0xcd: {  	v43 =	vmul.f32 v1, v1;
	v1 =	vld [tilespmem:$0x1FDE0]  }
0xce: {  	v3 =	vld.idx.msk [tilespmem:v10+s14+$0x0], $0xffff  }
0xcf: {  	v63 =	vor.u32 v7, v36;
	v7 =	vsub.f32 v54, v11;
	v11 =	vld.idx.msk [tilespmem:v62+s14+$0x0], $0xffff  }
0xd0: {  	v46 =	vmul.f32 v0, v0;
	v0 =	vld.idx.msk [tilespmem:v12+s12+$0x0], $0xffff  }
0xd1: {  	v59 =	vsub.f32 v45, v59;
	v4 =	vld.idx.msk [tilespmem:v12+s14+$0x0], $0xffff  }
0xd2: {  	v44 =	vmul.f32 v1, v1;
	v1 =	vld.idx.msk [tilespmem:v10+s12+$0x0], $0xffff;
	v10 =	vadd.f32 v2, v53;
	v53 =	vmul.f32 v16, v16  }
0xd3: {  	v45 =	vmul.f32 v31, v31;
	v12 =	vld.idx.msk [tilespmem:v12+s15+$0x0], $0xffff;
	v2 =	vsub.f32 v40, v55;
	v55 =	vadd.f32 v13, v32  }
0xd4: {  	s26 =	simm.s32 $0x10;
	v13 =	vmul.f32 v30, v30;
	v36 =	vadd.f32 v53, v10;
	v53 =	vmul.f32 v15, v15;
	v10 =	vld.idx.msk [tilespmem:v62+s12+$0x0], $0xffff  }
.LBB2_3:
0xd5: {  	v56 =	vmov s26  }
0xd6: {  	v53 =	vadd.f32 v53, v36;
	v56 =	vshll.u32 v56, $0x5  }
0xd7: {  	v62 =	vld.idx.msk [tilespmem:v62+s15+$0x0], $0xffff;
	v36 =	vor.u32 v20, v56  }
0xd8: {  	v53 =	vadd.f32 v44, v53;
	v44 =	vor.u32 v17, v36;
	v17 =	vld [tilespmem:$0x1FE90]  }
0xd9: {  	v15 =	vld.idx.msk [tilespmem:v63+s12+$0x0], $0xffff  }
0xda: {  	v14 =	vsub.f32 v1, v38;
	v38 =	vadd.f32 v43, v55;
	v55 =	vor.u32 v19, v36;
	v19 =	vld [tilespmem:$0x1FF20]  }
0xdb: {  	v32 =	vmul.f32 v37, v37;
	v16 =	vld.idx.msk [tilespmem:v63+s14+$0x0], $0xffff  }
0xdc: {  	v8 =	vmul.f32 v8, v8;
	v20 =	vld [tilespmem:$0x1FF60];
	v49 =	vadd.f32 v49, v38  }
0xdd: {  	v63 =	vld.idx.msk [tilespmem:v63+s15+$0x0], $0xffff;
	v37 =	vor.u32 v17, v36;
	v17 =	vadd.f32 v32, v53  }
0xde: {  	v56 =	vor.u32 v18, v36;
	v18 =	vld.idx.msk [tilespmem:v61+s12+$0x0], $0xffff;
	v8 =	vadd.f32 v8, v49  }
0xdf: {  	v43 =	vor.u32 v19, v36;
	v19 =	vld.idx.msk [tilespmem:v61+s14+$0x0], $0xffff;
	v17 =	vadd.f32 v50, v17  }
0xe0: {  	v9 =	vmul.f32 v9, v9;
	v59 =	vmul.f32 v59, v59;
	v32 =	vld.idx.msk [tilespmem:v61+s15+$0x0], $0xffff;
	v8 =	vadd.f32 v46, v8  }
0xe1: {  	v11 =	vsub.f32 v10, v11;
	v38 =	vor.u32 v20, v36;
	v20 =	vld.idx.msk [tilespmem:v44+s14+$0x0], $0xffff;
	v13 =	vadd.f32 v13, v17  }
0xe2: {  	v53 =	vor.u32 v21, v36;
	v49 =	vld.idx.msk [tilespmem:v55+s14+$0x0], $0xffff;
	v8 =	vadd.f32 v45, v8;
	v17 =	vsub.f32 v40, v51  }
0xe3: {  	v40 =	vor.u32 v22, v36;
	v22 =	vld [tilespmem:$0x1FFC0];
	v9 =	vadd.f32 v9, v13;
	v13 =	vmul.f32 v42, v42  }
0xe4: {  	v62 =	vsub.f32 v10, v62;
	v10 =	vmul.f32 v41, v41;
	v45 =	vld.idx.msk [tilespmem:v44+s12+$0x0], $0xffff;
	v8 =	vadd.f32 v59, v8  }
0xe5: {  	v21 =	vor.u32 v23, v36;
	v50 =	vld.idx.msk [tilespmem:v55+s15+$0x0], $0xffff;
	v9 =	vadd.f32 v13, v9;
	v13 =	vmul.f32 v47, v47  }
0xe6: {  	v60 =	vmul.f32 v60, v60;
	v1 =	vsub.f32 v1, v3;
	v59 =	vld.idx.msk [tilespmem:v56+s15+$0x0], $0xffff;
	v8 =	vadd.f32 v10, v8  }
0xe7: {  	v46 =	vld.idx.msk [tilespmem:v53+s14+$0x0], $0xffff;
	v47 =	vmul.f32 v48, v48;
	v9 =	vadd.f32 v13, v9;
	v13 =	vmul.f32 v52, v52  }
0xe8: {  	v48 =	vsub.f32 v18, v32;
	v18 =	vsub.f32 v18, v19;
	v19 =	vld.idx.msk [tilespmem:v40+s15+$0x0], $0xffff;
	v32 =	vor.u32 v22, v36  }
0xe9: {  	v2 =	vmul.f32 v2, v2;
	v16 =	vsub.f32 v15, v16;
	v41 =	vld.idx.msk [tilespmem:v40+s12+$0x0], $0xffff;
	v3 =	vadd.f32 v13, v9  }
0xea: {  	v6 =	vmul.f32 v6, v6;
	v51 =	vsub.f32 v45, v20;
	v20 =	vld.idx.msk [tilespmem:v21+s14+$0x0], $0xffff;
	v9 =	vadd.f32 v47, v8  }
0xeb: {  	v13 =	vsub.f32 v15, v63;
	v15 =	vld.idx.msk [tilespmem:v21+s15+$0x0], $0xffff;
	v8 =	vor.u32 v25, v36;
	v2 =	vadd.f32 v2, v3  }
0xec: {  	v12 =	vsub.f32 v0, v12;
	v10 =	vmul.f32 v17, v17;
	v3 =	vld.idx.msk [tilespmem:v21+s12+$0x0], $0xffff;
	v9 =	vadd.f32 v39, v9  }
0xed: {  	v0 =	vsub.f32 v0, v4;
	v61 =	vor.u32 v28, v36;
	v4 =	vld.idx.msk [tilespmem:v32+s15+$0x0], $0xffff;
	v2 =	vadd.f32 v60, v2  }
0xee: {  	v21 =	vmul.f32 v58, v58;
	v19 =	vsub.f32 v41, v19;
	v63 =	vld.idx.msk [tilespmem:v32+s12+$0x0], $0xffff;
	v10 =	vadd.f32 v10, v9  }
0xef: {  	v5 =	vmul.f32 v5, v5;
	v60 =	vld.idx.msk [tilespmem:v32+s14+$0x0], $0xffff;
	v2 =	vadd.f32 v6, v2;
	v6 =	vmul.f32 v7, v7  }
0xf0: {  	v39 =	vmul.f32 v19, v19;
	v19 =	vor.u32 v29, v36;
	v9 =	vld.idx.msk [tilespmem:v8+s12+$0x0], $0xffff;
	v7 =	vadd.f32 v21, v10  }
0xf1: {  	v1 =	vmul.f32 v1, v1;
	v47 =	vsub.f32 v3, v20;
	v20 =	vld [tilespmem:$0x1FF80];
	v2 =	vadd.f32 v6, v2  }
0xf2: {  	v0 =	vmul.f32 v0, v0;
	v17 =	vsub.f32 v54, v57;
	v6 =	vld.idx.msk [tilespmem:v8+s15+$0x0], $0xffff;
	v5 =	vadd.f32 v5, v7  }
0xf3: {  	v7 =	vmul.f32 v48, v48;
	v48 =	vsub.f32 v3, v15;
	v3 =	vld.idx.msk [tilespmem:v61+s12+$0x0], $0xffff;
	v1 =	vadd.f32 v1, v2  }
0xf4: {  	v17 =	vmul.f32 v17, v17;
	v15 =	vld [tilespmem:$0x1FF70]  }
0xf5: {  	v54 =	vsub.f32 v63, v4;
	v4 =	vld.idx.msk [tilespmem:v19+s12+$0x0], $0xffff;
	v0 =	vadd.f32 v0, v1;
	v1 =	vmul.f32 v11, v11  }
0xf6: {  	v14 =	vmul.f32 v14, v14;
	v2 =	vld.idx.msk [tilespmem:v61+s14+$0x0], $0xffff;
	v5 =	vadd.f32 v17, v5  }
0xf7: {  	v17 =	vld.idx.msk [tilespmem:v61+s15+$0x0], $0xffff;
	v0 =	vadd.f32 v1, v0;
	v1 =	vmul.f32 v16, v16  }
0xf8: {  	v5 =	vadd.f32 v14, v5;
	v14 =	vld.idx.msk [tilespmem:v19+s14+$0x0], $0xffff  }
0xf9: {  	v15 =	vor.u32 v15, v36;
	v16 =	vld.idx.msk [tilespmem:v19+s15+$0x0], $0xffff;
	v0 =	vadd.f32 v1, v0;
	v1 =	vmul.f32 v18, v18  }
0xfa: {  	v19 =	vld [tilespmem:$0x1FF90]  }
0xfb: {  	v0 =	vadd.f32 v1, v0;
	v1 =	vld [tilespmem:$0x1FFA0]  }
0xfc: {  	v12 =	vmul.f32 v12, v12;
	v24 =	vld.idx.msk [tilespmem:v37+s12+$0x0], $0xffff  }
0xfd: {  	v42 =	vld.idx.msk [tilespmem:v53+s15+$0x0], $0xffff;
	v20 =	vor.u32 v20, v36;
	v6 =	vsub.f32 v9, v6  }
0xfe: {  	v11 =	vmul.f32 v62, v62;
	v5 =	vadd.f32 v12, v5;
	v12 =	vmul.f32 v13, v13;
	v13 =	vld.idx.msk [tilespmem:v15+s12+$0x0], $0xffff  }
0xff: {  	v58 =	vmul.f32 v6, v6;
	v2 =	vsub.f32 v3, v2;
	v3 =	vsub.f32 v3, v17;
	v6 =	vld.idx.msk [tilespmem:v15+s14+$0x0], $0xffff  }
0x100: {  	v52 =	vsub.f32 v63, v60;
	v19 =	vor.u32 v19, v36;
	v17 =	vor.u32 v1, v36;
	v1 =	vld [tilespmem:$0x1FFB0]  }
0x101: {  	v5 =	vadd.f32 v11, v5;
	v60 =	vmul.f32 v3, v3;
	v3 =	vsub.f32 v4, v14;
	v11 =	vld.idx.msk [tilespmem:v15+s15+$0x0], $0xffff  }
0x102: {  	v15 =	vld.idx.msk [tilespmem:v20+s12+$0x0], $0xffff;
	v57 =	vmax.f32 v0, $1.000000000e-30;
	v0 =	vsub.f32 v4, v16  }
0x103: {  	v63 =	vmul.f32 v3, v3;
	v3 =	vld [tilespmem:$0x1FF10]  }
0x104: {  	v4 =	vld.idx.msk [tilespmem:v20+s15+$0x0], $0xffff;
	v61 =	vmul.f32 v0, v0  }
0x105: {  	v0 =	vsub.f32 v13, v6;
	v6 =	vld.idx.msk [tilespmem:v19+s14+$0x0], $0xffff;
	v18 =	vor.u32 v1, v36;
	v1 =	vadd.f32 v12, v5  }
0x106: {  	v5 =	vld.idx.msk [tilespmem:v20+s14+$0x0], $0xffff  }
0x107: {  	v14 =	vld.idx.msk [tilespmem:v17+s12+$0x0], $0xffff;
	v1 =	vadd.f32 v7, v1  }
0x108: {  	v12 =	vor.u32 v3, v36;
	v7 =	vld.idx.msk [tilespmem:v19+s12+$0x0], $0xffff  }
0x109: {  	v3 =	vshrl.u32 v57, $0x1;
	v62 =	vmax.f32 v1, $1.000000000e-30;
	v1 =	vsub.f32 v13, v11;
	v11 =	vld.idx.msk [tilespmem:v19+s15+$0x0], $0xffff  }
0x10a: {  	v13 =	vadd.s32 $0x1FBD1DF5, v3;
	v19 =	vld.idx.msk [tilespmem:v17+s14+$0x0], $0xffff;
	v3 =	vshrl.u32 v62, $0x1  }
0x10b: {  	v20 =	vld.idx.msk [tilespmem:v18+s14+$0x0], $0xffff;
	v16 =	vadd.s32 $0x1FBD1DF5, v3;
	v3 =	vsub.f32 v15, v5  }
0x10c: {  	v4 =	vsub.f32 v15, v4;
	v15 =	vld.idx.msk [tilespmem:v17+s15+$0x0], $0xffff  }
0x10d: {  	(erf) = vrcp.f32 v13;
	v17 =	vld.idx.msk [tilespmem:v18+s12+$0x0], $0xffff;
	v5 =	vmul.f32 v3, v3  }
0x10e: {  	v3 =	vmul.f32 v4, v4;
	v4 =	vsub.f32 v7, v6;
	v7 =	vsub.f32 v7, v11;
	v11 =	vld.idx.msk [tilespmem:v18+s15+$0x0], $0xffff  }
0x10f: {  	(erf) = vrcp.f32 v16;
	v18 =	vld.idx.msk [tilespmem:v12+s12+$0x0], $0xffff  }
0x110: {  	v6 =	vmul.f32 v4, v4;
	v4 =	vmul.f32 v7, v7;
	v7 =	vsub.f32 v14, v19;
	v19 =	vld.idx.msk [tilespmem:v12+s14+$0x0], $0xffff  }
0x111: {  	v14 =	vsub.f32 v14, v15;
	v15 =	vld.idx.msk [tilespmem:v12+s15+$0x0], $0xffff  }
0x112: {  	v12 =	vld [tilespmem:$0x1FE60]  }
0x113: {  	v30 =	vmov v25;
	v25 =	vld [tilespmem:$0x1FE50]  }
0x114: {  	v10 =	vld.idx.msk [tilespmem:v56+s14+$0x0], $0xffff  }
0x115: {  	v21 =	vld.idx.msk [tilespmem:v56+s12+$0x0], $0xffff  }
0x116: {  	v8 =	vld.idx.msk [tilespmem:v8+s14+$0x0], $0xffff  }
0x117: {  	v56 =	vmul.f32 v14, v14;
	v14 =	vsub.f32 v17, v20;
	v20 =	vld.idx.msk [tilespmem:v55+s12+$0x0], $0xffff;
	v22 =	vor.u32 v12, v36;
	v12 =	vpop (erf)  }
0x118: {  	v11 =	vsub.f32 v17, v11;
	v17 =	vld.idx.msk [tilespmem:v43+s12+$0x0], $0xffff;
	v12 =	vmul.f32 v12, v57;
	v32 =	vpop (erf)  }
0x119: {  	v55 =	vmul.f32 v14, v14;
	v14 =	vld.idx.msk [tilespmem:v53+s12+$0x0], $0xffff;
	v23 =	vmul.f32 v32, v62  }
0x11a: {  	v15 =	vsub.f32 v18, v15;
	v32 =	vld.idx.msk [tilespmem:v43+s15+$0x0], $0xffff;
	v13 =	vadd.f32 v13, v12  }
0x11b: {  	v53 =	vmul.f32 v11, v11;
	v12 =	vsub.f32 v18, v19;
	v19 =	vld.idx.msk [tilespmem:v43+s14+$0x0], $0xffff;
	v11 =	vadd.f32 v16, v23  }
0x11c: {  	v10 =	vsub.f32 v21, v10;
	v16 =	vld.idx.msk [tilespmem:v44+s15+$0x0], $0xffff;
	v18 =	vmul.f32 $5.000000000e-01, v13;
	v13 =	vsub.f32 v21, v59  }
0x11d: {  	v21 =	vld.idx.msk [tilespmem:v22+s12+$0x0], $0xffff;
	v23 =	vmul.f32 $5.000000000e-01, v11;
	v11 =	vmul.f32 v15, v15;
	v15 =	vsub.f32 v20, v50  }
0x11e: {  	v59 =	vld.idx.msk [tilespmem:v38+s12+$0x0], $0xffff;
	(erf) = vrcp.f32 v18  }
0x11f: {  	v43 =	vmul.f32 v13, v13;
	v13 =	vsub.f32 v20, v49;
	v49 =	vmul.f32 v15, v15;
	v15 =	vld [tilespmem:$0x1FE40]  }
0x120: {  	v20 =	vld.idx.msk [tilespmem:v22+s15+$0x0], $0xffff;
	v19 =	vsub.f32 v17, v19;
	v17 =	vsub.f32 v17, v32  }
0x121: {  	(erf) = vrcp.f32 v23;
	v16 =	vsub.f32 v45, v16;
	v45 =	vld.idx.msk [tilespmem:v38+s14+$0x0], $0xffff  }
0x122: {  	v44 =	vmul.f32 v13, v13;
	v13 =	vsub.f32 v14, v46;
	v46 =	vmul.f32 v17, v17;
	v17 =	vld [tilespmem:$0x1FE20]  }
0x123: {  	v42 =	vsub.f32 v14, v42;
	v14 =	vld.idx.msk [tilespmem:v38+s15+$0x0], $0xffff  }
0x124: {  	v8 =	vsub.f32 v9, v8;
	v9 =	vld.idx.msk [tilespmem:v37+s14+$0x0], $0xffff;
	v15 =	vor.u32 v15, v36  }
0x125: {  	v38 =	vld.idx.msk [tilespmem:v40+s14+$0x0], $0xffff  }
0x126: {  	v40 =	vmul.f32 v51, v51;
	v51 =	vld.idx.msk [tilespmem:v37+s15+$0x0], $0xffff  }
0x127: {  	v50 =	vmul.f32 v19, v19;
	v19 =	vsub.f32 v21, v20;
	v20 =	vld [tilespmem:$0x1FF30];
	v17 =	vor.u32 v17, v36;
	v32 =	vpop (erf)  }
0x128: {  	v26 =	vsub.f32 v59, v45;
	v14 =	vsub.f32 v59, v14;
	v37 =	vmul.f32 v32, v57;
	v32 =	vmovc v29;
	v29 =	vld [tilespmem:$0x1FE70]  }
0x129: {  	v31 =	vmov v28;
	v16 =	vmul.f32 v16, v16;
	v27 =	vld.idx.msk [tilespmem:v15+s12+$0x0], $0xffff  }
0x12a: {  	v25 =	vor.u32 v25, v36;
	v26 =	vmul.f32 v26, v26;
	v14 =	vmul.f32 v14, v14;
	v28 =	vld.idx.msk [tilespmem:v15+s14+$0x0], $0xffff  }
0x12b: {  	v45 =	vmul.f32 v42, v42;
	v38 =	vsub.f32 v41, v38;
	v59 =	vmul.f32 v48, v48;
	v42 =	vpop (erf);
	v15 =	vld.idx.msk [tilespmem:v15+s15+$0x0], $0xffff  }
0x12c: {  	v42 =	vmul.f32 v42, v62;
	v26 =	vadd.f32 v26, v40;
	v14 =	vadd.f32 v14, v16;
	v41 =	vld.idx.msk [tilespmem:v17+s12+$0x0], $0xffff  }
0x12d: {  	v38 =	vmul.f32 v38, v38;
	v18 =	vadd.f32 v37, v18;
	v37 =	vsub.f32 v24, v9;
	v40 =	vld.idx.msk [tilespmem:v17+s14+$0x0], $0xffff  }
0x12e: {  	v20 =	vor.u32 v20, v36;
	v23 =	vadd.f32 v42, v23;
	v9 =	vld.idx.msk [tilespmem:v17+s15+$0x0], $0xffff;
	v14 =	vadd.f32 v39, v14  }
0x12f: {  	v17 =	vadd.f32 v38, v26;
	v39 =	vmul.f32 v19, v19;
	v19 =	vmul.f32 v54, v54  }
0x130: {  	v26 =	vld.idx.msk [tilespmem:v25+s12+$0x0], $0xffff;
	v16 =	vmul.f32 $5.000000000e-01, v23;
	v23 =	vmul.f32 v47, v47;
	v14 =	vadd.f32 v59, v14  }
0x131: {  	v29 =	vor.u32 v29, v36;
	v47 =	vld.idx.msk [tilespmem:v25+s14+$0x0], $0xffff;
	v59 =	vsub.f32 v27, v15  }
0x132: {  	v18 =	vmul.f32 $5.000000000e-01, v18;
	v15 =	vld.idx.msk [tilespmem:v22+s14+$0x0], $0xffff;
	v17 =	vadd.f32 v23, v17;
	v14 =	vadd.f32 v19, v14  }
0x133: {  	v23 =	vmul.f32 v52, v52;
	v42 =	vsub.f32 v41, v40;
	v41 =	vsub.f32 v41, v9;
	v9 =	vld [tilespmem:$0x1FE80]  }
0x134: {  	v25 =	vld.idx.msk [tilespmem:v25+s15+$0x0], $0xffff;
	(erf) = vrcp.f32 v18  }
0x135: {  	v17 =	vadd.f32 v23, v17;
	v14 =	vadd.f32 v58, v14;
	v23 =	vld.idx.msk [tilespmem:v20+s14+$0x0], $0xffff  }
0x136: {  	v8 =	vmul.f32 v8, v8;
	v40 =	vld.idx.msk [tilespmem:v29+s12+$0x0], $0xffff  }
0x137: {  	v2 =	vmul.f32 v2, v2;
	v19 =	vld.idx.msk [tilespmem:v29+s14+$0x0], $0xffff;
	v14 =	vadd.f32 v60, v14  }
0x138: {  	v52 =	vsub.f32 v21, v15;
	v15 =	vld.idx.msk [tilespmem:v20+s15+$0x0], $0xffff;
	v22 =	vor.u32 v9, v36;
	v9 =	vadd.f32 v8, v17  }
0x139: {  	v8 =	vsub.f32 v24, v51;
	v51 =	vld.idx.msk [tilespmem:v29+s15+$0x0], $0xffff  }
0x13a: {  	v1 =	vmul.f32 v1, v1;
	v14 =	vadd.f32 v61, v14;
	v2 =	vadd.f32 v2, v9;
	v9 =	vld [tilespmem:$0x1FF40]  }
0x13b: {  	v17 =	vld.idx.msk [tilespmem:v20+s12+$0x0], $0xffff  }
0x13c: {  	v47 =	vsub.f32 v26, v47;
	v1 =	vadd.f32 v1, v14;
	v14 =	vld [tilespmem:$0x1FEA0]  }
0x13d: {  	v0 =	vmul.f32 v0, v0;
	v48 =	vsub.f32 v26, v25;
	v21 =	vpop (erf);
	v63 =	vadd.f32 v63, v2;
	v26 =	vld.idx.msk [tilespmem:v22+s12+$0x0], $0xffff  }
0x13e: {  	(erf) = vrcp.f32 v16;
	v21 =	vmul.f32 v21, v57;
	v2 =	vsub.f32 v40, v19;
	v19 =	vld.idx.msk [tilespmem:v22+s14+$0x0], $0xffff  }
0x13f: {  	v22 =	vld.idx.msk [tilespmem:v22+s15+$0x0], $0xffff;
	v0 =	vadd.f32 v0, v63;
	v24 =	vor.u32 v9, v36  }
0x140: {  	v18 =	vadd.f32 v21, v18;
	v9 =	vld [tilespmem:$0x1FF50]  }
0x141: {  	v60 =	vsub.f32 v17, v23;
	v23 =	vld [tilespmem:$0x1FF00];
	v0 =	vadd.f32 v5, v0  }
0x142: {  	v14 =	vor.u32 v14, v36;
	v5 =	vmul.f32 $5.000000000e-01, v18;
	v18 =	vld [tilespmem:$0x1FE00]  }
0x143: {  	v0 =	vadd.f32 v6, v0;
	v6 =	vld [tilespmem:$0x1FEB0]  }
0x144: {  	v54 =	vld.idx.msk [tilespmem:v24+s12+$0x0], $0xffff  }
0x145: {  	v3 =	vadd.f32 v3, v1;
	v20 =	vor.u32 v9, v36;
	v21 =	vld.idx.msk [tilespmem:v24+s14+$0x0], $0xffff  }
0x146: {  	v7 =	vmul.f32 v7, v7;
	v58 =	vsub.f32 v17, v15;
	v57 =	vld.idx.msk [tilespmem:v24+s15+$0x0], $0xffff  }
0x147: {  	v17 =	vmul.f32 v12, v12;
	v4 =	vadd.f32 v4, v3;
	v9 =	vsub.f32 v27, v28;
	v27 =	vpop (erf);
	v12 =	vld.idx.msk [tilespmem:v14+s15+$0x0], $0xffff  }
0x148: {  	v27 =	vmul.f32 v27, v62;
	v62 =	vor.u32 v6, v36;
	v6 =	vadd.f32 v7, v0;
	v0 =	vld [tilespmem:$0x1FED0]  }
0x149: {  	v7 =	vadd.f32 v56, v4;
	v4 =	vld [tilespmem:$0x1FEC0]  }
0x14a: {  	v16 =	vadd.f32 v27, v16;
	v1 =	vld.idx.msk [tilespmem:v20+s12+$0x0], $0xffff  }
0x14b: {  	v3 =	vld.idx.msk [tilespmem:v20+s14+$0x0], $0xffff  }
0x14c: {  	v34 =	vadd.f32 v5, v34;
	v15 =	vmul.f32 $5.000000000e-01, v16;
	v38 =	vld.idx.msk [tilespmem:v20+s15+$0x0], $0xffff  }
0x14d: {  	v20 =	vld [tilespmem:$0x1FEE0];
	v16 =	vadd.f32 v55, v6;
	v7 =	vadd.f32 v53, v7  }
0x14e: {  	v6 =	vsub.f32 v26, v19;
	v19 =	vld [tilespmem:$0x1FE10];
	v5 =	vsub.f32 v5, v15  }
0x14f: {  	p0 =	sne.s32 s26, $0x70;
	v55 =	vadd.f32 v11, v7;
	v7 =	vsub.f32 v54, v21;
	v21 =	vld [tilespmem:$0x1FE30]  }
.Ltmp2:
0x150: {  	v61 =	vor.u32 v0, v36;
	v0 =	vld.idx.msk [tilespmem:v14+s12+$0x0], $0xffff;
	(pc) =	sbr.rel @p0 .LBB2_3-.Ltmp2, $4  }
0x151: {  	v33 =	vadd.f32 v15, v33;
	v63 =	vor.u32 v4, v36;
	v4 =	vld.idx.msk [tilespmem:v14+s14+$0x0], $0xffff;
	v15 =	vadd.f32 $2.000000030e-01, v5  }
0x152: {  	v53 =	vmul.f32 v10, v10;
	v10 =	vld.idx.msk [tilespmem:v62+s12+$0x0], $0xffff  }
0x153: {  	v13 =	vmul.f32 v13, v13;
	v25 =	vmovc v30;
	v36 =	vadd.f32 v17, v16;
	v11 =	vld.idx.msk [tilespmem:v62+s14+$0x0], $0xffff;
	v14 =	vmax.f32 v15, $0.0e+00  }
0x154: {  	s26 =	sadd.s32 $0x10, s26;
	v29 =	vmovc v32;
	v28 =	vmovc v31;
	v17 =	vlaneseq.u32;
	v5 =	vsub.f32 v26, v22;
	v22 =	vld [tilespmem:$0x1FEF0];
	v35 =	vadd.f32 v14, v35  }
0x155: {  	v14 =	vadd.f32 v53, v36  }
0x156: {  	v15 =	vadd.f32 v43, v55  }
0x157: {  	v16 =	vmul.f32 v37, v37;
	v14 =	vadd.f32 v44, v14  }
0x158: {  	v8 =	vmul.f32 v8, v8;
	v15 =	vadd.f32 v49, v15  }
0x159: {  	v14 =	vadd.f32 v16, v14  }
0x15a: {  	v8 =	vadd.f32 v8, v15  }
0x15b: {  	v14 =	vadd.f32 v50, v14  }
0x15c: {  	v8 =	vadd.f32 v46, v8  }
0x15d: {  	v9 =	vmul.f32 v9, v9;
	v13 =	vadd.f32 v13, v14  }
0x15e: {  	v14 =	vmul.f32 v59, v59;
	v8 =	vadd.f32 v45, v8  }
0x15f: {  	v9 =	vadd.f32 v9, v13;
	v13 =	vmul.f32 v42, v42  }
0x160: {  	v15 =	vmul.f32 v41, v41;
	v8 =	vadd.f32 v14, v8  }
0x161: {  	v9 =	vadd.f32 v13, v9;
	v13 =	vmul.f32 v47, v47  }
0x162: {  	v14 =	vmul.f32 v48, v48;
	v8 =	vadd.f32 v15, v8  }
0x163: {  	v9 =	vadd.f32 v13, v9;
	v13 =	vmul.f32 v52, v52  }
0x164: {  	v15 =	vsub.f32 v40, v51;
	v8 =	vadd.f32 v14, v8  }
0x165: {  	v2 =	vmul.f32 v2, v2;
	v9 =	vadd.f32 v13, v9  }
0x166: {  	v13 =	vmul.f32 v15, v15;
	v8 =	vadd.f32 v39, v8  }
0x167: {  	v14 =	vmul.f32 v60, v60;
	v2 =	vadd.f32 v2, v9  }
0x168: {  	v9 =	vmul.f32 v58, v58;
	v8 =	vadd.f32 v13, v8  }
0x169: {  	v6 =	vmul.f32 v6, v6;
	v13 =	vld.idx.msk [tilespmem:v62+s15+$0x0], $0xffff;
	v2 =	vadd.f32 v14, v2  }
0x16a: {  	v5 =	vmul.f32 v5, v5;
	v15 =	vsub.f32 v54, v57;
	v14 =	vld.idx.msk [tilespmem:v63+s12+$0x0], $0xffff;
	v8 =	vadd.f32 v9, v8  }
0x16b: {  	v3 =	vsub.f32 v1, v3;
	v9 =	vld.idx.msk [tilespmem:v63+s14+$0x0], $0xffff;
	v2 =	vadd.f32 v6, v2;
	v6 =	vmul.f32 v7, v7  }
0x16c: {  	v1 =	vsub.f32 v1, v38;
	v15 =	vmul.f32 v15, v15;
	v7 =	vld.idx.msk [tilespmem:v63+s15+$0x0], $0xffff;
	v5 =	vadd.f32 v5, v8  }
0x16d: {  	v4 =	vsub.f32 v0, v4;
	v3 =	vmul.f32 v3, v3;
	v8 =	vld.idx.msk [tilespmem:v61+s12+$0x0], $0xffff;
	v2 =	vadd.f32 v6, v2  }
0x16e: {  	v0 =	vsub.f32 v0, v12;
	v1 =	vmul.f32 v1, v1;
	v6 =	vld.idx.msk [tilespmem:v61+s14+$0x0], $0xffff;
	v5 =	vadd.f32 v15, v5  }
0x16f: {  	v12 =	vld.idx.msk [tilespmem:v61+s15+$0x0], $0xffff;
	v11 =	vsub.f32 v10, v11;
	v2 =	vadd.f32 v3, v2;
	v3 =	vmul.f32 v4, v4  }
0x170: {  	v0 =	vmul.f32 v0, v0;
	v4 =	vsub.f32 v10, v13;
	v1 =	vadd.f32 v1, v5  }
0x171: {  	v5 =	vsub.f32 v14, v9;
	v2 =	vadd.f32 v3, v2;
	v3 =	vmul.f32 v11, v11  }
0x172: {  	v7 =	vsub.f32 v14, v7;
	v4 =	vmul.f32 v4, v4;
	v0 =	vadd.f32 v0, v1  }
0x173: {  	v1 =	vsub.f32 v8, v6;
	v2 =	vadd.f32 v3, v2;
	v3 =	vmul.f32 v5, v5  }
0x174: {  	v6 =	vmul.f32 v7, v7;
	v5 =	vsub.f32 v8, v12;
	v0 =	vadd.f32 v4, v0  }
0x175: {  	v1 =	vmul.f32 v1, v1;
	v2 =	vadd.f32 v3, v2  }
0x176: {  	v3 =	vmul.f32 v5, v5;
	v0 =	vadd.f32 v6, v0  }
0x177: {  	v1 =	vadd.f32 v1, v2  }
0x178: {  	v0 =	vadd.f32 v3, v0  }
0x179: {  	v1 =	vmax.f32 v1, $1.000000000e-30  }
0x17a: {  	v0 =	vmax.f32 v0, $1.000000000e-30;
	v2 =	vshrl.u32 v1, $0x1  }
0x17b: {  	v3 =	vshrl.u32 v0, $0x1;
	v2 =	vadd.s32 $0x1FBD1DF5, v2  }
0x17c: {  	v3 =	vadd.s32 $0x1FBD1DF5, v3;
	(erf) = vrcp.f32 v2  }
0x17d: {  	(erf) = vrcp.f32 v3;
	_ =	sdelay $0x7  }
0x17e: {  	v4 =	vpop (erf)  }
0x17f: {  	v4 =	vmul.f32 v4, v1;
	v5 =	vpop (erf)  }
0x180: {  	v5 =	vmul.f32 v5, v0  }
0x181: {  	v2 =	vadd.f32 v2, v4  }
0x182: {  	v3 =	vadd.f32 v3, v5  }
0x183: {  	v2 =	vmul.f32 $5.000000000e-01, v2  }
0x184: {  	v3 =	vmul.f32 $5.000000000e-01, v3  }
0x185: {  	(erf) = vrcp.f32 v2  }
0x186: {  	(erf) = vrcp.f32 v3;
	_ =	sdelay $0x7  }
0x187: {  	v4 =	vpop (erf)  }
0x188: {  	v4 =	vmul.f32 v4, v1;
	v5 =	vpop (erf)  }
0x189: {  	v5 =	vmul.f32 v5, v0  }
0x18a: {  	v2 =	vadd.f32 v4, v2  }
0x18b: {  	v3 =	vadd.f32 v5, v3  }
0x18c: {  	v2 =	vmul.f32 $5.000000000e-01, v2  }
0x18d: {  	v3 =	vmul.f32 $5.000000000e-01, v3  }
0x18e: {  	(erf) = vrcp.f32 v2  }
0x18f: {  	(erf) = vrcp.f32 v3;
	_ =	sdelay $0x2  }
0x190: {  	s26 =	sshll.u32 s25, $0x8;
	p0 =	seq.s32 s25, $0x7  }
0x191: {  	s28 =	sadd.s32 @!p0 $0x100, s26;
	s29 =	simm.s32 @!p0 $0x80;
	s30 =	simm.s32 @!p0 $0x1800  }
0x192: {  	[tilespmem:s30], [sflag:$0x1] =	stream.indirect.gather @!p0 [hbm4b:s3+s29], $0x20, s28, s29, $0xb8;
	[tilespmem:$0x7830] =	vst v63  }
0x193: {  	s28 =	sadd.s32 @!p0 $0x900, s26;
	s30 =	simm.s32 @!p0 $0x3800  }
0x194: {  	[tilespmem:s30], [sflag:$0x1] =	stream.indirect.gather @!p0 [hbm4b:s3+s29], $0x20, s28, s29, $0xb8;
	[tilespmem:$0x7830] =	vst v63  }
0x195: {  	s28 =	sadd.s32 @!p0 $0x1100, s26;
	s30 =	simm.s32 @!p0 $0x5800;
	v4 =	vpop (erf)  }
0x196: {  	[tilespmem:s30], [sflag:$0x1] =	stream.indirect.gather @!p0 [hbm4b:s3+s29], $0x20, s28, s29, $0xb8;
	v5 =	vpop (erf);
	[tilespmem:$0x7830] =	vst v63  }
0x197: {  	_ =	swait.ge [sflag:s22], $0x1000  }
0x198: {  	[sflag:s22] =	ssyncset.done $0x0  }
0x199: {  	[sflag:s22] =	ssyncadd.s32 $0xFFFFF000  }
0x19a: {  	_ =	swait.ge [sflag:s22], $0x1000  }
0x19b: {  	[sflag:s22] =	ssyncset.done $0x0  }
0x19c: {  	s28 =	simm.s32 $0x0;
	[sflag:s22] =	ssyncadd.s32 $0xFFFFF000  }
0x19d: {  	v6 =	vmov s28;
	_ =	swait.ge [sflag:s22], $0x1000  }
0x19e: {  	v6 =	vshll.u32 v6, $0x5;
	v59 =	vld [tilespmem:$0x1FFC0]  }
0x19f: {  	v36 =	vor.u32 v20, v6;
	v60 =	vld [tilespmem:$0x1FF70]  }
0x1a0: {  	v6 =	vor.u32 v17, v36;
	v61 =	vld [tilespmem:$0x1FF80]  }
0x1a1: {  	v7 =	vor.u32 v19, v36;
	v62 =	vld [tilespmem:$0x1FF90]  }
0x1a2: {  	v8 =	vor.u32 v21, v36;
	v57 =	vld [tilespmem:$0x1FFA0]  }
0x1a3: {  	v0 =	vmul.f32 v5, v0;
	[sflag:s22] =	ssyncset.done $0x0;
	v5 =	vld [tilespmem:$0x1FFB0]  }
0x1a4: {  	v56 =	vld [tilespmem:$0x1FF20];
	[sflag:s22] =	ssyncadd.s32 $0xFFFFF000  }
0x1a5: {  	v9 =	vld.idx.msk [tilespmem:v6+s18+$0x0], $0xffff  }
0x1a6: {  	v10 =	vor.u32 v18, v36;
	v11 =	vld.idx.msk [tilespmem:v7+s18+$0x0], $0xffff  }
0x1a7: {  	v12 =	vor.u32 v22, v36;
	v13 =	vld.idx.msk [tilespmem:v8+s18+$0x0], $0xffff  }
0x1a8: {  	v14 =	vld.idx.msk [tilespmem:v8+s20+$0x0], $0xffff  }
0x1a9: {  	v58 =	vor.u32 v23, v36;
	v15 =	vld.idx.msk [tilespmem:v6+s16+$0x0], $0xffff  }
0x1aa: {  	v17 =	vld.idx.msk [tilespmem:v7+s20+$0x0], $0xffff  }
0x1ab: {  	v18 =	vld.idx.msk [tilespmem:v10+s20+$0x0], $0xffff  }
0x1ac: {  	v24 =	vor.u32 v25, v36;
	v19 =	vld.idx.msk [tilespmem:v12+s20+$0x0], $0xffff  }
0x1ad: {  	v21 =	vld.idx.msk [tilespmem:v12+s16+$0x0], $0xffff  }
0x1ae: {  	v22 =	vld.idx.msk [tilespmem:v58+s20+$0x0], $0xffff  }
0x1af: {  	v27 =	vor.u32 v28, v36;
	v23 =	vld.idx.msk [tilespmem:v58+s18+$0x0], $0xffff  }
0x1b0: {  	v16 =	vld.idx.msk [tilespmem:v58+s16+$0x0], $0xffff  }
0x1b1: {  	v28 =	vld.idx.msk [tilespmem:v24+s16+$0x0], $0xffff  }
0x1b2: {  	v29 =	vor.u32 v29, v36;
	v37 =	vld.idx.msk [tilespmem:v10+s18+$0x0], $0xffff  }
0x1b3: {  	v38 =	vld.idx.msk [tilespmem:v24+s20+$0x0], $0xffff  }
0x1b4: {  	v39 =	vld.idx.msk [tilespmem:v27+s16+$0x0], $0xffff  }
0x1b5: {  	v40 =	vld.idx.msk [tilespmem:v27+s18+$0x0], $0xffff  }
0x1b6: {  	v27 =	vld.idx.msk [tilespmem:v27+s20+$0x0], $0xffff  }
0x1b7: {  	v42 =	vld.idx.msk [tilespmem:v29+s16+$0x0], $0xffff  }
0x1b8: {  	v43 =	vld.idx.msk [tilespmem:v29+s18+$0x0], $0xffff  }
0x1b9: {  	v29 =	vld.idx.msk [tilespmem:v29+s20+$0x0], $0xffff  }
0x1ba: {  	v58 =	vld [tilespmem:$0x1FF10]  }
0x1bb: {  	v10 =	vld.idx.msk [tilespmem:v10+s16+$0x0], $0xffff  }
0x1bc: {  	v8 =	vld.idx.msk [tilespmem:v8+s16+$0x0], $0xffff  }
0x1bd: {  	v6 =	vld.idx.msk [tilespmem:v6+s20+$0x0], $0xffff  }
0x1be: {  	v12 =	vld.idx.msk [tilespmem:v12+s18+$0x0], $0xffff;
	v20 =	vor.u32 v59, v36  }
0x1bf: {  	v24 =	vld.idx.msk [tilespmem:v24+s18+$0x0], $0xffff  }
0x1c0: {  	v44 =	vor.u32 v61, v36;
	v61 =	vld [tilespmem:$0x1FE60]  }
0x1c1: {  	v41 =	vor.u32 v60, v36;
	v46 =	vor.u32 v62, v36;
	v62 =	vld.idx.msk [tilespmem:v7+s16+$0x0], $0xffff  }
0x1c2: {  	v7 =	vld [tilespmem:$0x1FF60]  }
0x1c3: {  	v25 =	vld.idx.msk [tilespmem:v20+s20+$0x0], $0xffff  }
0x1c4: {  	v26 =	vld.idx.msk [tilespmem:v20+s18+$0x0], $0xffff  }
0x1c5: {  	v20 =	vld.idx.msk [tilespmem:v20+s16+$0x0], $0xffff  }
0x1c6: {  	v45 =	vld.idx.msk [tilespmem:v41+s16+$0x0], $0xffff  }
0x1c7: {  	v63 =	vld.idx.msk [tilespmem:v41+s18+$0x0], $0xffff  }
0x1c8: {  	v49 =	vor.u32 v57, v36;
	v41 =	vld.idx.msk [tilespmem:v41+s20+$0x0], $0xffff  }
0x1c9: {  	v1 =	vmul.f32 v4, v1;
	v48 =	vld.idx.msk [tilespmem:v44+s16+$0x0], $0xffff  }
0x1ca: {  	v4 =	vld.idx.msk [tilespmem:v46+s16+$0x0], $0xffff  }
0x1cb: {  	v1 =	vadd.f32 v1, v2;
	v0 =	vadd.f32 v0, v3;
	v5 =	vor.u32 v5, v36;
	v51 =	vld.idx.msk [tilespmem:v46+s18+$0x0], $0xffff  }
0x1cc: {  	v2 =	vld.idx.msk [tilespmem:v46+s20+$0x0], $0xffff  }
0x1cd: {  	v1 =	vmul.f32 $5.000000000e-01, v1;
	v0 =	vmul.f32 $5.000000000e-01, v0;
	v3 =	vld.idx.msk [tilespmem:v49+s16+$0x0], $0xffff  }
0x1ce: {  	v46 =	vor.u32 v58, v36;
	v52 =	vld.idx.msk [tilespmem:v49+s18+$0x0], $0xffff  }
0x1cf: {  	v59 =	vsub.f32 v1, v0;
	v49 =	vld.idx.msk [tilespmem:v49+s20+$0x0], $0xffff  }
0x1d0: {  	v54 =	vld.idx.msk [tilespmem:v5+s16+$0x0], $0xffff  }
0x1d1: {  	v34 =	vadd.f32 v1, v34;
	v53 =	vadd.f32 $2.000000030e-01, v59;
	v55 =	vld.idx.msk [tilespmem:v5+s18+$0x0], $0xffff  }
0x1d2: {  	v56 =	vor.u32 v56, v36;
	v17 =	vsub.f32 v62, v17;
	v11 =	vsub.f32 v62, v11;
	v62 =	vld [tilespmem:$0x1FE40]  }
0x1d3: {  	v33 =	vadd.f32 v0, v33;
	v27 =	vsub.f32 v39, v27;
	v1 =	vmax.f32 v53, $0.0e+00;
	v57 =	vld.idx.msk [tilespmem:v46+s16+$0x0], $0xffff  }
0x1d4: {  	v29 =	vsub.f32 v42, v29;
	v35 =	vadd.f32 v1, v35;
	v7 =	vor.u32 v7, v36;
	v60 =	vld.idx.msk [tilespmem:v46+s18+$0x0], $0xffff  }
0x1d5: {  	v1 =	vsub.f32 v16, v23;
	v16 =	vsub.f32 v16, v22;
	v0 =	vld.idx.msk [tilespmem:v46+s20+$0x0], $0xffff  }
0x1d6: {  	v46 =	vsub.f32 v4, v51;
	v2 =	vsub.f32 v4, v2;
	v4 =	vld [tilespmem:$0x1FE90]  }
0x1d7: {  	v22 =	vsub.f32 v20, v26;
	v26 =	vsub.f32 v39, v40;
	v39 =	vld.idx.msk [tilespmem:v56+s16+$0x0], $0xffff  }
0x1d8: {  	v40 =	vsub.f32 v42, v43;
	v42 =	vsub.f32 v45, v63;
	v63 =	vld.idx.msk [tilespmem:v56+s18+$0x0], $0xffff  }
0x1d9: {  	v58 =	vld.idx.msk [tilespmem:v7+s16+$0x0], $0xffff  }
0x1da: {  	v9 =	vsub.f32 v15, v9;
	v19 =	vsub.f32 v21, v19;
	v23 =	vor.u32 v61, v36;
	v61 =	vld.idx.msk [tilespmem:v7+s20+$0x0], $0xffff  }
0x1db: {  	v6 =	vsub.f32 v15, v6;
	v59 =	vor.u32 v4, v36;
	v4 =	vsub.f32 v57, v60;
	v60 =	vld.idx.msk [tilespmem:v7+s18+$0x0], $0xffff  }
0x1dc: {  	v12 =	vsub.f32 v21, v12;
	v50 =	vld.idx.msk [tilespmem:v44+s18+$0x0], $0xffff;
	v20 =	vsub.f32 v20, v25  }
0x1dd: {  	v47 =	vld.idx.msk [tilespmem:v56+s20+$0x0], $0xffff;
	v41 =	vsub.f32 v45, v41;
	v52 =	vsub.f32 v3, v52;
	v25 =	vor.u32 v62, v36  }
0x1de: {  	v44 =	vld.idx.msk [tilespmem:v44+s20+$0x0], $0xffff;
	v3 =	vsub.f32 v3, v49;
	v49 =	vsub.f32 v54, v55  }
0x1df: {  	v0 =	vsub.f32 v57, v0;
	v55 =	vsub.f32 v39, v63;
	v57 =	vld [tilespmem:$0x1FE20]  }
0x1e0: {  	v9 =	vmul.f32 v9, v9;
	v5 =	vld.idx.msk [tilespmem:v5+s20+$0x0], $0xffff;
	v56 =	vsub.f32 v58, v61;
	v63 =	vsub.f32 v58, v60  }
0x1e1: {  	v6 =	vmul.f32 v6, v6;
	v45 =	vsub.f32 v48, v50;
	v50 =	vld.idx.msk [tilespmem:v23+s16+$0x0], $0xffff;
	v7 =	vsub.f32 v10, v37  }
0x1e2: {  	v21 =	vsub.f32 v39, v47;
	v39 =	vld.idx.msk [tilespmem:v25+s16+$0x0], $0xffff;
	v43 =	vmul.f32 v56, v56;
	v37 =	vmul.f32 v63, v63  }
0x1e3: {  	v12 =	vmul.f32 v12, v12;
	v19 =	vmul.f32 v19, v19;
	v44 =	vsub.f32 v48, v44;
	v58 =	vld [tilespmem:$0x1FE50]  }
0x1e4: {  	v53 =	vld.idx.msk [tilespmem:v25+s18+$0x0], $0xffff;
	v6 =	vadd.f32 v43, v6;
	v48 =	vor.u32 v57, v36;
	v9 =	vadd.f32 v37, v9  }
0x1e5: {  	v14 =	vsub.f32 v8, v14;
	v13 =	vsub.f32 v8, v13;
	v1 =	vmul.f32 v1, v1;
	v15 =	vld.idx.msk [tilespmem:v59+s16+$0x0], $0xffff  }
0x1e6: {  	v16 =	vmul.f32 v16, v16;
	v8 =	vld.idx.msk [tilespmem:v59+s18+$0x0], $0xffff;
	v6 =	vadd.f32 v19, v6;
	v9 =	vadd.f32 v12, v9  }
0x1e7: {  	v20 =	vmul.f32 v20, v20;
	v51 =	vld.idx.msk [tilespmem:v59+s20+$0x0], $0xffff;
	v59 =	vsub.f32 v28, v38  }
0x1e8: {  	v6 =	vadd.f32 v16, v6;
	v47 =	vor.u32 v58, v36;
	v1 =	vadd.f32 v1, v9;
	v9 =	vld [tilespmem:$0x1FE70]  }
0x1e9: {  	v24 =	vsub.f32 v28, v24;
	v60 =	vld.idx.msk [tilespmem:v48+s18+$0x0], $0xffff  }
0x1ea: {  	v22 =	vmul.f32 v22, v22;
	v28 =	vmul.f32 v59, v59;
	v6 =	vadd.f32 v20, v6;
	v12 =	vld.idx.msk [tilespmem:v48+s16+$0x0], $0xffff  }
0x1eb: {  	v27 =	vmul.f32 v27, v27;
	v56 =	vld [tilespmem:$0x1FF30];
	v37 =	vsub.f32 v15, v8  }
0x1ec: {  	v61 =	vld.idx.msk [tilespmem:v48+s20+$0x0], $0xffff;
	v8 =	vmul.f32 v24, v24;
	v6 =	vadd.f32 v28, v6;
	v1 =	vadd.f32 v22, v1  }
0x1ed: {  	v29 =	vmul.f32 v29, v29;
	v26 =	vmul.f32 v26, v26;
	v62 =	vld.idx.msk [tilespmem:v47+s16+$0x0], $0xffff;
	v9 =	vor.u32 v9, v36  }
0x1ee: {  	v43 =	vmul.f32 v40, v40;
	v6 =	vadd.f32 v27, v6;
	v63 =	vld.idx.msk [tilespmem:v47+s18+$0x0], $0xffff;
	v1 =	vadd.f32 v8, v1  }
0x1ef: {  	v58 =	vmul.f32 v42, v42;
	v57 =	vld.idx.msk [tilespmem:v47+s20+$0x0], $0xffff;
	v42 =	vsub.f32 v12, v60;
	v60 =	vmul.f32 v45, v45  }
0x1f0: {  	v45 =	vmul.f32 v3, v3;
	v3 =	vadd.f32 v29, v6;
	v6 =	vld [tilespmem:$0x1FF50];
	v1 =	vadd.f32 v26, v1  }
0x1f1: {  	v8 =	vsub.f32 v15, v51;
	v15 =	vld [tilespmem:$0x1FE80]  }
0x1f2: {  	v1 =	vadd.f32 v43, v1;
	v40 =	vld.idx.msk [tilespmem:v9+s16+$0x0], $0xffff  }
0x1f3: {  	v59 =	vmul.f32 v41, v41;
	v20 =	vor.u32 v56, v36;
	v41 =	vsub.f32 v12, v61;
	v12 =	vld.idx.msk [tilespmem:v9+s18+$0x0], $0xffff  }
0x1f4: {  	v51 =	vld.idx.msk [tilespmem:v9+s20+$0x0], $0xffff;
	v1 =	vadd.f32 v58, v1  }
0x1f5: {  	v9 =	vld [tilespmem:$0x1FF40]  }
0x1f6: {  	v56 =	vmul.f32 v0, v0;
	v0 =	vadd.f32 v60, v1;
	v1 =	vld [tilespmem:$0x1FEA0]  }
0x1f7: {  	v10 =	vsub.f32 v10, v18;
	v18 =	vld.idx.msk [tilespmem:v23+s20+$0x0], $0xffff  }
0x1f8: {  	v2 =	vmul.f32 v2, v2;
	v28 =	vmul.f32 v44, v44;
	v22 =	vld.idx.msk [tilespmem:v20+s16+$0x0], $0xffff;
	v3 =	vadd.f32 v59, v3  }
0x1f9: {  	v47 =	vsub.f32 v62, v63;
	v48 =	vsub.f32 v62, v57;
	v62 =	vld.idx.msk [tilespmem:v20+s18+$0x0], $0xffff;
	v6 =	vor.u32 v6, v36  }
0x1fa: {  	v43 =	vmul.f32 v10, v10;
	v10 =	vld [tilespmem:$0x1FEB0];
	v15 =	vor.u32 v15, v36;
	v63 =	vor.u32 v9, v36  }
0x1fb: {  	v23 =	vld.idx.msk [tilespmem:v23+s18+$0x0], $0xffff;
	v9 =	vsub.f32 v39, v53;
	v53 =	vor.u32 v1, v36;
	v1 =	vadd.f32 v28, v3  }
0x1fc: {  	v5 =	vsub.f32 v54, v5;
	v25 =	vld.idx.msk [tilespmem:v25+s20+$0x0], $0xffff  }
0x1fd: {  	v61 =	vmul.f32 v46, v46;
	v20 =	vld.idx.msk [tilespmem:v20+s20+$0x0], $0xffff;
	v2 =	vadd.f32 v2, v1  }
0x1fe: {  	v5 =	vmul.f32 v5, v5;
	v27 =	vmul.f32 v52, v52;
	v60 =	vsub.f32 v22, v62;
	v38 =	vld.idx.msk [tilespmem:v6+s20+$0x0], $0xffff  }
0x1ff: {  	v62 =	vor.u32 v10, v36;
	v29 =	vld.idx.msk [tilespmem:v15+s16+$0x0], $0xffff;
	v0 =	vadd.f32 v61, v0;
	v10 =	vadd.f32 v45, v2  }
0x200: {  	v52 =	vsub.f32 v50, v23;
	v23 =	vld.idx.msk [tilespmem:v15+s18+$0x0], $0xffff  }
0x201: {  	v0 =	vadd.f32 v27, v0;
	v27 =	vadd.f32 v5, v10;
	v10 =	vld [tilespmem:$0x1FED0]  }
0x202: {  	v15 =	vld.idx.msk [tilespmem:v15+s20+$0x0], $0xffff  }
0x203: {  	v3 =	vld.idx.msk [tilespmem:v6+s18+$0x0], $0xffff  }
0x204: {  	v1 =	vld.idx.msk [tilespmem:v6+s16+$0x0], $0xffff  }
0x205: {  	v54 =	vld.idx.msk [tilespmem:v63+s16+$0x0], $0xffff  }
0x206: {  	v61 =	vor.u32 v10, v36;
	v10 =	vld [tilespmem:$0x1FEC0]  }
0x207: {  	v13 =	vmul.f32 v13, v13;
	v24 =	vmul.f32 v49, v49;
	v59 =	vsub.f32 v39, v25;
	v25 =	vld.idx.msk [tilespmem:v63+s18+$0x0], $0xffff  }
0x208: {  	v18 =	vsub.f32 v50, v18;
	v49 =	vmul.f32 v17, v17;
	v44 =	vmul.f32 v11, v11;
	v57 =	vld.idx.msk [tilespmem:v63+s20+$0x0], $0xffff  }
0x209: {  	v50 =	vmul.f32 v55, v55;
	v46 =	vmul.f32 v21, v21;
	v11 =	vadd.f32 v24, v0;
	v0 =	vld.idx.msk [tilespmem:v53+s16+$0x0], $0xffff  }
0x20a: {  	v58 =	vsub.f32 v22, v20;
	v45 =	vmul.f32 v14, v14;
	v14 =	vmul.f32 v4, v4;
	v4 =	vld.idx.msk [tilespmem:v53+s18+$0x0], $0xffff  }
0x20b: {  	v6 =	vsub.f32 v29, v23;
	v2 =	vsub.f32 v40, v12;
	v12 =	vld.idx.msk [tilespmem:v53+s20+$0x0], $0xffff;
	v63 =	vor.u32 v10, v36  }
0x20c: {  	v39 =	vmul.f32 v18, v18;
	v5 =	vsub.f32 v29, v15;
	v55 =	vadd.f32 v56, v27;
	v10 =	vld.idx.msk [tilespmem:v62+s16+$0x0], $0xffff  }
0x20d: {  	s28 =	simm.s32 $0x10;
	v53 =	vmul.f32 v7, v7;
	v7 =	vsub.f32 v54, v25;
	v36 =	vadd.f32 v14, v11;
	v11 =	vld.idx.msk [tilespmem:v62+s18+$0x0], $0xffff  }
.LBB2_5:
0x20e: {  	_ = 	snop  }
0x20f: {  	v17 =	vld.idx.msk [tilespmem:v62+s20+$0x0], $0xffff  }
0x210: {  	v20 =	vld.idx.msk [tilespmem:v63+s16+$0x0], $0xffff  }
0x211: {  	v21 =	vld [tilespmem:$0x1FEE0]  }
0x212: {  	v22 =	vld [tilespmem:$0x1FE10]  }
0x213: {  	v23 =	vld [tilespmem:$0x1FF60]  }
0x214: {  	v25 =	vld [tilespmem:$0x1FEF0]  }
0x215: {  	v26 =	vld [tilespmem:$0x1FF00]  }
0x216: {  	v27 =	vld [tilespmem:$0x1FFC0]  }
0x217: {  	v18 =	vadd.f32 v43, v55;
	v43 =	vld [tilespmem:$0x1FE90]  }
0x218: {  	v14 =	vmov s28;
	v15 =	vadd.f32 v53, v36;
	v53 =	vld [tilespmem:$0x1FE30]  }
0x219: {  	v19 =	vmul.f32 v37, v37;
	v14 =	vshll.u32 v14, $0x5;
	v18 =	vadd.f32 v49, v18;
	v49 =	vld [tilespmem:$0x1FF20]  }
0x21a: {  	v37 =	vlaneseq.u32;
	v16 =	vsub.f32 v1, v38;
	v38 =	vld [tilespmem:$0x1FE00];
	v36 =	vor.u32 v21, v14  }
0x21b: {  	v14 =	vadd.f32 v44, v15;
	v15 =	vld.idx.msk [tilespmem:v63+s18+$0x0], $0xffff;
	v44 =	vor.u32 v37, v36  }
0x21c: {  	v21 =	vld.idx.msk [tilespmem:v63+s20+$0x0], $0xffff;
	v55 =	vor.u32 v22, v36  }
0x21d: {  	v8 =	vmul.f32 v8, v8;
	v53 =	vor.u32 v53, v36;
	v22 =	vld.idx.msk [tilespmem:v61+s18+$0x0], $0xffff  }
0x21e: {  	v14 =	vadd.f32 v19, v14;
	v19 =	vld.idx.msk [tilespmem:v61+s16+$0x0], $0xffff  }
0x21f: {  	v12 =	vsub.f32 v0, v12;
	v8 =	vadd.f32 v8, v18;
	v61 =	vld.idx.msk [tilespmem:v61+s20+$0x0], $0xffff  }
0x220: {  	v0 =	vsub.f32 v0, v4;
	v37 =	vor.u32 v43, v36;
	v27 =	vor.u32 v27, v36;
	v24 =	vld.idx.msk [tilespmem:v44+s18+$0x0], $0xffff  }
0x221: {  	v8 =	vadd.f32 v46, v8;
	v43 =	vor.u32 v49, v36;
	v14 =	vadd.f32 v50, v14;
	v49 =	vld.idx.msk [tilespmem:v55+s18+$0x0], $0xffff  }
0x222: {  	v9 =	vmul.f32 v9, v9;
	v11 =	vsub.f32 v10, v11;
	v17 =	vsub.f32 v10, v17;
	v46 =	vld.idx.msk [tilespmem:v53+s18+$0x0], $0xffff  }
0x223: {  	v62 =	vmul.f32 v59, v59;
	v8 =	vadd.f32 v45, v8;
	v13 =	vadd.f32 v13, v14;
	v45 =	vld.idx.msk [tilespmem:v44+s16+$0x0], $0xffff  }
0x224: {  	v10 =	vmul.f32 v41, v41;
	v26 =	vor.u32 v26, v36;
	v14 =	vsub.f32 v40, v51;
	v50 =	vld.idx.msk [tilespmem:v55+s20+$0x0], $0xffff  }
0x225: {  	v40 =	vor.u32 v25, v36;
	v4 =	vld.idx.msk [tilespmem:v27+s20+$0x0], $0xffff;
	v9 =	vadd.f32 v9, v13;
	v13 =	vmul.f32 v42, v42  }
0x226: {  	v56 =	vor.u32 v38, v36;
	v38 =	vor.u32 v23, v36;
	v8 =	vadd.f32 v62, v8;
	v62 =	vld.idx.msk [tilespmem:v27+s16+$0x0], $0xffff  }
0x227: {  	v23 =	vsub.f32 v19, v61;
	v61 =	vld [tilespmem:$0x1FFE0];
	v9 =	vadd.f32 v13, v9;
	v13 =	vmul.f32 v47, v47  }
0x228: {  	v42 =	vld.idx.msk [tilespmem:v53+s20+$0x0], $0xffff;
	v8 =	vadd.f32 v10, v8;
	v10 =	vmul.f32 v14, v14  }
0x229: {  	v14 =	vsub.f32 v54, v57;
	v57 =	vld.idx.msk [tilespmem:v26+s18+$0x0], $0xffff;
	v9 =	vadd.f32 v13, v9;
	v13 =	vmul.f32 v52, v52  }
0x22a: {  	v63 =	vmul.f32 v48, v48;
	v47 =	vld.idx.msk [tilespmem:v40+s20+$0x0], $0xffff  }
0x22b: {  	v2 =	vmul.f32 v2, v2;
	v1 =	vsub.f32 v1, v3;
	v41 =	vld.idx.msk [tilespmem:v40+s16+$0x0], $0xffff;
	v3 =	vadd.f32 v13, v9  }
0x22c: {  	v15 =	vsub.f32 v20, v15;
	v9 =	vadd.f32 v63, v8;
	v8 =	vld [tilespmem:$0x1FFD0]  }
0x22d: {  	v60 =	vmul.f32 v60, v60;
	v19 =	vsub.f32 v19, v22;
	v2 =	vadd.f32 v2, v3;
	v3 =	vld.idx.msk [tilespmem:v26+s16+$0x0], $0xffff  }
0x22e: {  	v25 =	vor.u32 v61, v36;
	v13 =	vsub.f32 v20, v21;
	v20 =	vld.idx.msk [tilespmem:v26+s20+$0x0], $0xffff;
	v9 =	vadd.f32 v39, v9  }
0x22f: {  	v6 =	vmul.f32 v6, v6;
	v51 =	vsub.f32 v45, v24;
	v24 =	vld [tilespmem:$0x1FF70];
	v2 =	vadd.f32 v60, v2  }
0x230: {  	v58 =	vmul.f32 v58, v58;
	v59 =	vld.idx.msk [tilespmem:v56+s20+$0x0], $0xffff;
	v22 =	vsub.f32 v41, v47;
	v10 =	vadd.f32 v10, v9  }
0x231: {  	v60 =	vld.idx.msk [tilespmem:v27+s18+$0x0], $0xffff;
	v8 =	vor.u32 v8, v36;
	v2 =	vadd.f32 v6, v2;
	v6 =	vmul.f32 v7, v7  }
0x232: {  	v5 =	vmul.f32 v5, v5;
	v7 =	vadd.f32 v58, v10;
	v10 =	vld [tilespmem:$0x1FFF0];
	v47 =	vsub.f32 v3, v57  }
0x233: {  	v1 =	vmul.f32 v1, v1;
	v48 =	vsub.f32 v3, v20;
	v3 =	vld.idx.msk [tilespmem:v25+s16+$0x0], $0xffff;
	v2 =	vadd.f32 v6, v2  }
0x234: {  	v14 =	vmul.f32 v14, v14;
	v20 =	vor.u32 v24, v36;
	v24 =	vld [tilespmem:$0x1FF90];
	v5 =	vadd.f32 v5, v7  }
0x235: {  	v0 =	vmul.f32 v0, v0;
	v7 =	vmul.f32 v23, v23;
	v23 =	vld [tilespmem:$0x1FF80];
	v1 =	vadd.f32 v1, v2  }
0x236: {  	v16 =	vmul.f32 v16, v16;
	v9 =	vld.idx.msk [tilespmem:v8+s16+$0x0], $0xffff;
	v5 =	vadd.f32 v14, v5  }
0x237: {  	v6 =	vld.idx.msk [tilespmem:v8+s20+$0x0], $0xffff;
	v63 =	vor.u32 v10, v36;
	v0 =	vadd.f32 v0, v1;
	v1 =	vmul.f32 v11, v11  }
0x238: {  	v12 =	vmul.f32 v12, v12;
	v2 =	vld.idx.msk [tilespmem:v25+s18+$0x0], $0xffff;
	v5 =	vadd.f32 v16, v5  }
0x239: {  	v14 =	vld.idx.msk [tilespmem:v25+s20+$0x0], $0xffff;
	v0 =	vadd.f32 v1, v0;
	v1 =	vmul.f32 v15, v15  }
0x23a: {  	v8 =	vld.idx.msk [tilespmem:v8+s18+$0x0], $0xffff;
	v5 =	vadd.f32 v12, v5  }
0x23b: {  	v12 =	vmul.f32 v13, v13;
	v13 =	vld.idx.msk [tilespmem:v20+s16+$0x0], $0xffff;
	v0 =	vadd.f32 v1, v0;
	v1 =	vmul.f32 v19, v19  }
0x23c: {  	v54 =	vsub.f32 v62, v4;
	v4 =	vld.idx.msk [tilespmem:v63+s16+$0x0], $0xffff  }
0x23d: {  	v0 =	vadd.f32 v1, v0;
	v1 =	vld [tilespmem:$0x1FFA0]  }
0x23e: {  	v11 =	vmul.f32 v17, v17;
	v17 =	vor.u32 v23, v36;
	v27 =	vld.idx.msk [tilespmem:v63+s18+$0x0], $0xffff  }
0x23f: {  	v6 =	vsub.f32 v9, v6;
	v15 =	vld.idx.msk [tilespmem:v63+s20+$0x0], $0xffff  }
0x240: {  	v18 =	vor.u32 v24, v36;
	v5 =	vadd.f32 v11, v5;
	v11 =	vld.idx.msk [tilespmem:v20+s20+$0x0], $0xffff  }
0x241: {  	v2 =	vsub.f32 v3, v2;
	v3 =	vsub.f32 v3, v14;
	v58 =	vmul.f32 v6, v6;
	v6 =	vld.idx.msk [tilespmem:v20+s18+$0x0], $0xffff  }
0x242: {  	v25 =	vor.u32 v1, v36;
	v1 =	vld [tilespmem:$0x1FFB0]  }
0x243: {  	v52 =	vsub.f32 v62, v60;
	v60 =	vmul.f32 v3, v3;
	v14 =	vld.idx.msk [tilespmem:v17+s16+$0x0], $0xffff;
	v3 =	vsub.f32 v4, v27  }
0x244: {  	v57 =	vmax.f32 v0, $1.000000000e-30;
	v0 =	vsub.f32 v4, v15;
	v4 =	vld.idx.msk [tilespmem:v17+s20+$0x0], $0xffff  }
0x245: {  	v63 =	vmul.f32 v3, v3;
	v3 =	vld [tilespmem:$0x1FF10]  }
0x246: {  	v61 =	vmul.f32 v0, v0;
	v0 =	vsub.f32 v13, v6;
	v6 =	vld.idx.msk [tilespmem:v18+s18+$0x0], $0xffff  }
0x247: {  	v26 =	vor.u32 v1, v36;
	v1 =	vadd.f32 v12, v5;
	v5 =	vld.idx.msk [tilespmem:v17+s18+$0x0], $0xffff  }
0x248: {  	v15 =	vld.idx.msk [tilespmem:v25+s16+$0x0], $0xffff  }
0x249: {  	v27 =	vld.idx.msk [tilespmem:v25+s18+$0x0], $0xffff;
	v1 =	vadd.f32 v7, v1  }
0x24a: {  	v12 =	vor.u32 v3, v36;
	v7 =	vld.idx.msk [tilespmem:v18+s16+$0x0], $0xffff  }
0x24b: {  	v3 =	vshrl.u32 v57, $0x1;
	v62 =	vmax.f32 v1, $1.000000000e-30;
	v1 =	vsub.f32 v13, v11;
	v11 =	vld.idx.msk [tilespmem:v18+s20+$0x0], $0xffff  }
0x24c: {  	v13 =	vadd.s32 $0x1FBD1DF5, v3;
	v3 =	vshrl.u32 v62, $0x1;
	v18 =	vld.idx.msk [tilespmem:v26+s16+$0x0], $0xffff  }
0x24d: {  	v4 =	vsub.f32 v14, v4;
	v16 =	vadd.s32 $0x1FBD1DF5, v3;
	v3 =	vsub.f32 v14, v5;
	v14 =	vld.idx.msk [tilespmem:v25+s20+$0x0], $0xffff  }
0x24e: {  	(erf) = vrcp.f32 v13;
	v24 =	vld.idx.msk [tilespmem:v26+s18+$0x0], $0xffff  }
0x24f: {  	v25 =	vld.idx.msk [tilespmem:v12+s16+$0x0], $0xffff;
	v5 =	vmul.f32 v3, v3;
	v3 =	vmul.f32 v4, v4;
	v4 =	vsub.f32 v7, v6  }
0x250: {  	(erf) = vrcp.f32 v16;
	v7 =	vsub.f32 v7, v11;
	v11 =	vld.idx.msk [tilespmem:v26+s20+$0x0], $0xffff  }
0x251: {  	v26 =	vld.idx.msk [tilespmem:v12+s18+$0x0], $0xffff;
	v6 =	vmul.f32 v4, v4  }
0x252: {  	v4 =	vmul.f32 v7, v7;
	v7 =	vsub.f32 v15, v27;
	v14 =	vsub.f32 v15, v14;
	v15 =	vld.idx.msk [tilespmem:v12+s20+$0x0], $0xffff  }
0x253: {  	v12 =	vld [tilespmem:$0x1FE60]  }
0x254: {  	v28 =	vld.idx.msk [tilespmem:v40+s18+$0x0], $0xffff  }
0x255: {  	v40 =	vld [tilespmem:$0x1FF30]  }
0x256: {  	v10 =	vld.idx.msk [tilespmem:v56+s18+$0x0], $0xffff  }
0x257: {  	v39 =	vmul.f32 v22, v22;
	v8 =	vsub.f32 v9, v8;
	v9 =	vld.idx.msk [tilespmem:v37+s18+$0x0], $0xffff  }
0x258: {  	v27 =	vld.idx.msk [tilespmem:v56+s16+$0x0], $0xffff;
	v56 =	vmul.f32 v14, v14;
	v14 =	vsub.f32 v18, v24;
	v22 =	vor.u32 v12, v36;
	v12 =	vpop (erf)  }
0x259: {  	v19 =	vld.idx.msk [tilespmem:v55+s16+$0x0], $0xffff;
	v12 =	vmul.f32 v12, v57;
	v55 =	vpop (erf)  }
0x25a: {  	v23 =	vmul.f32 v55, v62;
	v55 =	vmul.f32 v14, v14;
	v14 =	vld.idx.msk [tilespmem:v53+s16+$0x0], $0xffff  }
0x25b: {  	v17 =	vld.idx.msk [tilespmem:v43+s18+$0x0], $0xffff;
	v11 =	vsub.f32 v18, v11;
	v13 =	vadd.f32 v13, v12  }
0x25c: {  	v24 =	vld.idx.msk [tilespmem:v43+s20+$0x0], $0xffff;
	v15 =	vsub.f32 v25, v15  }
0x25d: {  	v18 =	vld.idx.msk [tilespmem:v43+s16+$0x0], $0xffff;
	v53 =	vmul.f32 v11, v11;
	v11 =	vadd.f32 v16, v23;
	v20 =	vmul.f32 $5.000000000e-01, v13  }
0x25e: {  	v12 =	vsub.f32 v25, v26;
	v25 =	vld.idx.msk [tilespmem:v38+s16+$0x0], $0xffff;
	v13 =	vsub.f32 v27, v59  }
0x25f: {  	v23 =	vmul.f32 $5.000000000e-01, v11;
	(erf) = vrcp.f32 v20;
	v26 =	vsub.f32 v14, v42;
	v42 =	vld [tilespmem:$0x1FE20]  }
0x260: {  	v16 =	vld.idx.msk [tilespmem:v44+s20+$0x0], $0xffff;
	v11 =	vmul.f32 v15, v15;
	v15 =	vsub.f32 v19, v50  }
0x261: {  	v59 =	vld.idx.msk [tilespmem:v38+s18+$0x0], $0xffff;
	v43 =	vmul.f32 v13, v13;
	v13 =	vsub.f32 v19, v49;
	(erf) = vrcp.f32 v23  }
0x262: {  	v17 =	vsub.f32 v18, v17;
	v18 =	vsub.f32 v18, v24;
	v21 =	vld.idx.msk [tilespmem:v22+s16+$0x0], $0xffff  }
0x263: {  	v49 =	vmul.f32 v15, v15;
	v15 =	vld [tilespmem:$0x1FE40];
	v44 =	vmul.f32 v13, v13  }
0x264: {  	v19 =	vld.idx.msk [tilespmem:v22+s20+$0x0], $0xffff;
	v13 =	vsub.f32 v14, v46;
	v46 =	vmul.f32 v18, v18;
	v18 =	vor.u32 v42, v36  }
0x265: {  	v28 =	vsub.f32 v41, v28;
	v14 =	vld.idx.msk [tilespmem:v38+s20+$0x0], $0xffff  }
0x266: {  	v10 =	vsub.f32 v27, v10;
	v24 =	vld.idx.msk [tilespmem:v37+s16+$0x0], $0xffff;
	v27 =	vsub.f32 v25, v59  }
0x267: {  	v29 =	vmul.f32 v51, v51;
	v28 =	vmul.f32 v28, v28;
	v16 =	vsub.f32 v45, v16;
	v45 =	vld [tilespmem:$0x1FE50]  }
0x268: {  	v50 =	vmul.f32 v17, v17;
	v38 =	vld.idx.msk [tilespmem:v37+s20+$0x0], $0xffff;
	v27 =	vmul.f32 v27, v27;
	v15 =	vor.u32 v15, v36;
	v51 =	vpop (erf)  }
0x269: {  	v16 =	vmul.f32 v16, v16;
	v17 =	vsub.f32 v21, v19;
	v37 =	vmul.f32 v51, v57;
	v41 =	vld.idx.msk [tilespmem:v18+s16+$0x0], $0xffff  }
0x26a: {  	v19 =	vor.u32 v40, v36;
	v14 =	vsub.f32 v25, v14;
	v27 =	vadd.f32 v27, v29;
	v59 =	vpop (erf);
	v29 =	vld.idx.msk [tilespmem:v18+s18+$0x0], $0xffff  }
0x26b: {  	v42 =	vmul.f32 v59, v62;
	v20 =	vadd.f32 v37, v20;
	v37 =	vsub.f32 v24, v9;
	v9 =	vld.idx.msk [tilespmem:v18+s20+$0x0], $0xffff  }
0x26c: {  	v40 =	vor.u32 v45, v36;
	v45 =	vmul.f32 v26, v26;
	v14 =	vmul.f32 v14, v14;
	v51 =	vld [tilespmem:$0x1FE70]  }
0x26d: {  	v26 =	vld.idx.msk [tilespmem:v15+s16+$0x0], $0xffff;
	v59 =	vadd.f32 v28, v27;
	v23 =	vadd.f32 v42, v23;
	v42 =	vmul.f32 v47, v47  }
0x26e: {  	v25 =	vld.idx.msk [tilespmem:v15+s18+$0x0], $0xffff  }
0x26f: {  	v15 =	vld.idx.msk [tilespmem:v15+s20+$0x0], $0xffff;
	v14 =	vadd.f32 v14, v16;
	v18 =	vadd.f32 v42, v59  }
0x270: {  	v42 =	vsub.f32 v41, v29;
	v41 =	vsub.f32 v41, v9;
	v9 =	vld [tilespmem:$0x1FE80]  }
0x271: {  	v52 =	vmul.f32 v52, v52  }
0x272: {  	v28 =	vmul.f32 v48, v48;
	v27 =	vld.idx.msk [tilespmem:v40+s16+$0x0], $0xffff;
	v14 =	vadd.f32 v39, v14  }
0x273: {  	v8 =	vmul.f32 v8, v8;
	v48 =	vld.idx.msk [tilespmem:v40+s20+$0x0], $0xffff;
	v51 =	vor.u32 v51, v36;
	v18 =	vadd.f32 v52, v18  }
0x274: {  	v54 =	vmul.f32 v54, v54;
	v2 =	vmul.f32 v2, v2;
	v47 =	vld.idx.msk [tilespmem:v40+s18+$0x0], $0xffff;
	v14 =	vadd.f32 v28, v14  }
0x275: {  	v59 =	vsub.f32 v26, v15;
	v15 =	vld.idx.msk [tilespmem:v22+s18+$0x0], $0xffff;
	v22 =	vor.u32 v9, v36;
	v9 =	vadd.f32 v8, v18  }
0x276: {  	v16 =	vmul.f32 $5.000000000e-01, v23;
	v23 =	vld.idx.msk [tilespmem:v19+s18+$0x0], $0xffff;
	v14 =	vadd.f32 v54, v14  }
0x277: {  	v20 =	vmul.f32 $5.000000000e-01, v20;
	v2 =	vadd.f32 v2, v9;
	v9 =	vld [tilespmem:$0x1FF40]  }
0x278: {  	v0 =	vmul.f32 v0, v0;
	v14 =	vadd.f32 v58, v14;
	v40 =	vld.idx.msk [tilespmem:v51+s16+$0x0], $0xffff  }
0x279: {  	v39 =	vmul.f32 v17, v17;
	(erf) = vrcp.f32 v20;
	v17 =	vld.idx.msk [tilespmem:v51+s18+$0x0], $0xffff  }
0x27a: {  	(erf) = vrcp.f32 v16;
	v51 =	vld.idx.msk [tilespmem:v51+s20+$0x0], $0xffff;
	v14 =	vadd.f32 v60, v14;
	v60 =	vadd.f32 v63, v2  }
0x27b: {  	v1 =	vmul.f32 v1, v1;
	v52 =	vsub.f32 v21, v15;
	v15 =	vld.idx.msk [tilespmem:v19+s20+$0x0], $0xffff;
	v8 =	vsub.f32 v24, v38  }
0x27c: {  	v14 =	vadd.f32 v61, v14;
	v0 =	vadd.f32 v0, v60;
	v24 =	vor.u32 v9, v36;
	v9 =	vld [tilespmem:$0x1FF50]  }
0x27d: {  	v18 =	vld.idx.msk [tilespmem:v19+s16+$0x0], $0xffff  }
0x27e: {  	v1 =	vadd.f32 v1, v14;
	v14 =	vld [tilespmem:$0x1FEA0];
	v0 =	vadd.f32 v5, v0  }
0x27f: {  	v2 =	vsub.f32 v40, v17;
	v17 =	vld.idx.msk [tilespmem:v22+s18+$0x0], $0xffff  }
0x280: {  	v0 =	vadd.f32 v6, v0;
	v6 =	vld [tilespmem:$0x1FEB0]  }
0x281: {  	v38 =	vor.u32 v9, v36;
	v9 =	vsub.f32 v26, v25;
	v25 =	vld.idx.msk [tilespmem:v22+s16+$0x0], $0xffff  }
0x282: {  	v7 =	vmul.f32 v7, v7;
	v58 =	vpop (erf);
	v22 =	vld.idx.msk [tilespmem:v22+s20+$0x0], $0xffff  }
0x283: {  	v21 =	vmul.f32 v58, v57;
	v63 =	vpop (erf);
	v3 =	vadd.f32 v3, v1;
	v14 =	vor.u32 v14, v36;
	v54 =	vld.idx.msk [tilespmem:v24+s16+$0x0], $0xffff  }
0x284: {  	v48 =	vsub.f32 v27, v48;
	v47 =	vsub.f32 v27, v47;
	v26 =	vmul.f32 v63, v62;
	v27 =	vld.idx.msk [tilespmem:v24+s18+$0x0], $0xffff  }
0x285: {  	v20 =	vadd.f32 v21, v20;
	v4 =	vadd.f32 v4, v3;
	v57 =	vld.idx.msk [tilespmem:v24+s20+$0x0], $0xffff  }
0x286: {  	v16 =	vadd.f32 v26, v16;
	v62 =	vor.u32 v6, v36;
	v6 =	vadd.f32 v7, v0;
	v0 =	vld [tilespmem:$0x1FED0]  }
0x287: {  	v5 =	vmul.f32 $5.000000000e-01, v20;
	v7 =	vadd.f32 v56, v4;
	v4 =	vld [tilespmem:$0x1FEC0]  }
0x288: {  	v58 =	vsub.f32 v18, v15;
	v56 =	vmul.f32 v12, v12;
	v12 =	vld.idx.msk [tilespmem:v14+s20+$0x0], $0xffff;
	v15 =	vmul.f32 $5.000000000e-01, v16  }
0x289: {  	v60 =	vsub.f32 v18, v23;
	v34 =	vadd.f32 v5, v34;
	v1 =	vld.idx.msk [tilespmem:v38+s16+$0x0], $0xffff  }
0x28a: {  	p1 =	sne.s32 s28, $0x70;
	v3 =	vld.idx.msk [tilespmem:v38+s18+$0x0], $0xffff;
	v55 =	vadd.f32 v55, v6;
	v5 =	vsub.f32 v5, v15  }
.Ltmp3:
0x28b: {  	v38 =	vld.idx.msk [tilespmem:v38+s20+$0x0], $0xffff;
	v6 =	vsub.f32 v25, v17;
	v7 =	vadd.f32 v53, v7;
	(pc) =	sbr.rel @p1 .LBB2_5-.Ltmp3, $4  }
0x28c: {  	v33 =	vadd.f32 v15, v33;
	v61 =	vor.u32 v0, v36;
	v0 =	vld.idx.msk [tilespmem:v14+s16+$0x0], $0xffff;
	v15 =	vadd.f32 $2.000000030e-01, v5  }
0x28d: {  	v53 =	vmul.f32 v10, v10;
	v63 =	vor.u32 v4, v36;
	v4 =	vld.idx.msk [tilespmem:v14+s18+$0x0], $0xffff;
	v5 =	vsub.f32 v25, v22  }
0x28e: {  	v36 =	vadd.f32 v56, v55;
	v10 =	vld.idx.msk [tilespmem:v62+s16+$0x0], $0xffff;
	v55 =	vadd.f32 v11, v7;
	v14 =	vmax.f32 v15, $0.0e+00  }
0x28f: {  	s28 =	sadd.s32 $0x10, s28;
	v13 =	vmul.f32 v13, v13;
	v7 =	vsub.f32 v54, v27;
	v11 =	vld.idx.msk [tilespmem:v62+s18+$0x0], $0xffff;
	v35 =	vadd.f32 v14, v35  }
0x290: {  	v14 =	vadd.f32 v53, v36  }
0x291: {  	v15 =	vadd.f32 v43, v55  }
0x292: {  	v16 =	vmul.f32 v37, v37;
	v14 =	vadd.f32 v44, v14  }
0x293: {  	v8 =	vmul.f32 v8, v8;
	v15 =	vadd.f32 v49, v15  }
0x294: {  	v14 =	vadd.f32 v16, v14  }
0x295: {  	v8 =	vadd.f32 v8, v15  }
0x296: {  	v14 =	vadd.f32 v50, v14  }
0x297: {  	v8 =	vadd.f32 v46, v8  }
0x298: {  	v9 =	vmul.f32 v9, v9;
	v13 =	vadd.f32 v13, v14  }
0x299: {  	v44 =	vmul.f32 v59, v59;
	v8 =	vadd.f32 v45, v8  }
0x29a: {  	v45 =	vmul.f32 v42, v42;
	v9 =	vadd.f32 v9, v13  }
0x29b: {  	v46 =	vmul.f32 v41, v41;
	v8 =	vadd.f32 v44, v8  }
0x29c: {  	v47 =	vmul.f32 v47, v47;
	v9 =	vadd.f32 v45, v9  }
0x29d: {  	v49 =	vmul.f32 v48, v48;
	v8 =	vadd.f32 v46, v8  }
0x29e: {  	v50 =	vmul.f32 v52, v52;
	v9 =	vadd.f32 v47, v9  }
0x29f: {  	v52 =	vsub.f32 v40, v51;
	v8 =	vadd.f32 v49, v8  }
0x2a0: {  	v2 =	vmul.f32 v2, v2;
	v9 =	vadd.f32 v50, v9  }
0x2a1: {  	v53 =	vmul.f32 v52, v52;
	v8 =	vadd.f32 v39, v8  }
0x2a2: {  	v55 =	vmul.f32 v60, v60;
	v2 =	vadd.f32 v2, v9  }
0x2a3: {  	v58 =	vmul.f32 v58, v58;
	v8 =	vadd.f32 v53, v8  }
0x2a4: {  	v6 =	vmul.f32 v6, v6;
	v60 =	vld.idx.msk [tilespmem:v63+s16+$0x0], $0xffff;
	v2 =	vadd.f32 v55, v2  }
0x2a5: {  	v5 =	vmul.f32 v5, v5;
	v59 =	vld.idx.msk [tilespmem:v62+s20+$0x0], $0xffff;
	v62 =	vsub.f32 v54, v57;
	v8 =	vadd.f32 v58, v8  }
0x2a6: {  	v36 =	vld.idx.msk [tilespmem:v63+s18+$0x0], $0xffff;
	v3 =	vsub.f32 v1, v3;
	v37 =	vmul.f32 v7, v7;
	v2 =	vadd.f32 v6, v2  }
0x2a7: {  	v38 =	vsub.f32 v1, v38;
	v15 =	vmul.f32 v62, v62;
	v40 =	vld.idx.msk [tilespmem:v61+s16+$0x0], $0xffff;
	v5 =	vadd.f32 v5, v8  }
0x2a8: {  	v4 =	vsub.f32 v0, v4;
	v3 =	vmul.f32 v3, v3;
	v39 =	vld.idx.msk [tilespmem:v63+s20+$0x0], $0xffff;
	v2 =	vadd.f32 v37, v2  }
0x2a9: {  	v1 =	vmul.f32 v38, v38;
	v41 =	vld.idx.msk [tilespmem:v61+s18+$0x0], $0xffff;
	v42 =	vsub.f32 v0, v12;
	v5 =	vadd.f32 v15, v5  }
0x2aa: {  	v43 =	vld.idx.msk [tilespmem:v61+s20+$0x0], $0xffff;
	v11 =	vsub.f32 v10, v11;
	v44 =	vmul.f32 v4, v4;
	v2 =	vadd.f32 v3, v2  }
0x2ab: {  	v0 =	vmul.f32 v42, v42;
	v45 =	vsub.f32 v10, v59;
	v1 =	vadd.f32 v1, v5  }
0x2ac: {  	v46 =	vsub.f32 v60, v36;
	v47 =	vmul.f32 v11, v11;
	v2 =	vadd.f32 v44, v2  }
0x2ad: {  	v4 =	vmul.f32 v45, v45;
	v7 =	vsub.f32 v60, v39;
	v0 =	vadd.f32 v0, v1  }
0x2ae: {  	v48 =	vsub.f32 v40, v41;
	v49 =	vmul.f32 v46, v46;
	v2 =	vadd.f32 v47, v2  }
0x2af: {  	v50 =	vsub.f32 v40, v43;
	v51 =	vmul.f32 v7, v7;
	v0 =	vadd.f32 v4, v0  }
0x2b0: {  	v1 =	vmul.f32 v48, v48;
	v2 =	vadd.f32 v49, v2  }
0x2b1: {  	v52 =	vmul.f32 v50, v50;
	v0 =	vadd.f32 v51, v0  }
0x2b2: {  	v1 =	vadd.f32 v1, v2  }
0x2b3: {  	v0 =	vadd.f32 v52, v0  }
0x2b4: {  	v1 =	vmax.f32 v1, $1.000000000e-30  }
0x2b5: {  	v0 =	vmax.f32 v0, $1.000000000e-30;
	v53 =	vshrl.u32 v1, $0x1  }
0x2b6: {  	v54 =	vshrl.u32 v0, $0x1;
	v2 =	vadd.s32 $0x1FBD1DF5, v53  }
0x2b7: {  	v3 =	vadd.s32 $0x1FBD1DF5, v54;
	(erf) = vrcp.f32 v2  }
0x2b8: {  	(erf) = vrcp.f32 v3;
	_ =	sdelay $0x7  }
0x2b9: {  	v55 =	vpop (erf)  }
0x2ba: {  	v4 =	vmul.f32 v55, v1;
	v57 =	vpop (erf)  }
0x2bb: {  	v5 =	vmul.f32 v57, v0  }
0x2bc: {  	v2 =	vadd.f32 v2, v4  }
0x2bd: {  	v3 =	vadd.f32 v3, v5  }
0x2be: {  	v2 =	vmul.f32 $5.000000000e-01, v2  }
0x2bf: {  	v3 =	vmul.f32 $5.000000000e-01, v3  }
0x2c0: {  	(erf) = vrcp.f32 v2  }
0x2c1: {  	(erf) = vrcp.f32 v3;
	_ =	sdelay $0x7  }
0x2c2: {  	v58 =	vpop (erf)  }
0x2c3: {  	v4 =	vmul.f32 v58, v1;
	v59 =	vpop (erf)  }
0x2c4: {  	v5 =	vmul.f32 v59, v0  }
0x2c5: {  	v2 =	vadd.f32 v4, v2  }
0x2c6: {  	v3 =	vadd.f32 v5, v3  }
0x2c7: {  	v2 =	vmul.f32 $5.000000000e-01, v2  }
0x2c8: {  	v3 =	vmul.f32 $5.000000000e-01, v3  }
0x2c9: {  	(erf) = vrcp.f32 v2  }
0x2ca: {  	(erf) = vrcp.f32 v3;
	_ =	sdelay $0x7  }
0x2cb: {  	v60 =	vpop (erf)  }
0x2cc: {  	v61 =	vpop (erf)  }
0x2cd: {  	v1 =	vmul.f32 v60, v1;
	v0 =	vmul.f32 v61, v0;
	_ =	sdelay $0x1  }
0x2ce: {  	v1 =	vadd.f32 v1, v2;
	v0 =	vadd.f32 v0, v3;
	_ =	sdelay $0x1  }
0x2cf: {  	v1 =	vmul.f32 $5.000000000e-01, v1;
	v0 =	vmul.f32 $5.000000000e-01, v0;
	_ =	sdelay $0x1  }
0x2d0: {  	v56 =	vld [tilespmem:$0x1FFB0];
	v62 =	vsub.f32 v1, v0  }
0x2d1: {  	v27 =	vld [tilespmem:$0x1FFA0]  }
.Ltmp4:
0x2d2: {  	v26 =	vld [tilespmem:$0x1FF90];
	v2 =	vadd.f32 $2.000000030e-01, v62;
	(pc) =	sbr.rel @p0 .LBB2_8-.Ltmp4, $4  }
0x2d3: {  	v24 =	vld [tilespmem:$0x1FF80]  }
0x2d4: {  	v21 =	vld [tilespmem:$0x1FF70];
	v63 =	vmax.f32 v2, $0.0e+00  }
0x2d5: {  	v19 =	vld [tilespmem:$0x1FFC0];
	v35 =	vadd.f32 v63, v35  }
0x2d6: {  	v18 =	vld [tilespmem:$0x1FF60];
	v34 =	vadd.f32 v1, v34;
	v33 =	vadd.f32 v0, v33  }
0x2d7: {  	v20 =	vld [tilespmem:$0x1FEE0]  }
0x2d8: {  	s28 =	sadd.s32 $0x180, s26;
	v22 =	vld [tilespmem:$0x1FEF0]  }
0x2d9: {  	v23 =	vld [tilespmem:$0x1FF00];
	[tilespmem:s16], [sflag:$0x2] =	stream.indirect.gather [hbm4b:s3+s13], $0x20, s28, s13, $0xb8  }
.Ltmp5:
0x2da: {  	v1 =	vld [tilespmem:$0x1FF10];
	(pc) =	sbr.rel .LBB2_2-.Ltmp5, $4  }
0x2db: {  	s30 =	sadd.s32 $0x980, s26;
	v3 =	vld [tilespmem:$0x1FF20]  }
0x2dc: {  	v25 =	vmov v30;
	v30 =	vmov v26;
	v26 =	vld [tilespmem:$0x1FF40];
	[tilespmem:s18], [sflag:$0x2] =	stream.indirect.gather [hbm4b:s3+s13], $0x20, s30, s13, $0xb8  }
0x2dd: {  	s31 =	sadd.s32 $0x1180, s26;
	s25 =	sadd.s32 $0x1, s25;
	v17 =	vlaneseq.u32;
	v28 =	vmovc v31;
	v29 =	vmov v32;
	v31 =	vmov v27;
	v27 =	vld [tilespmem:$0x1FF50]  }
0x2de: {  	v32 =	vmovc v56;
	v16 =	vmovc v24;
	v24 =	vld [tilespmem:$0x1FF30];
	v15 =	vmov v21;
	v37 =	vmov v19;
	v14 =	vmov v18;
	[tilespmem:s20], [sflag:$0x2] =	stream.indirect.gather [hbm4b:s3+s13], $0x20, s31, s13, $0xb8  }
.LBB2_9:
0x2df: {  	_ =	sfence.sel $0x180000  }
0x2e0: {  	[bflag:$0x0] =	sbarrier.arrive $0xFFFF  }
0x2e1: {  	p0 =	sne.s32 s1, $0x0;
	_ =	strace $0x90000047  }
0x2e2: {  	s0 =	sadd.s32 @!p0 $0x100000, s0;
	[bflag:$0x2] =	sbarrier.arrive $0xFFFF  }
0x2e3: {  	[sflag:s0] =	ssyncadd.tile.s32 @!p0 $0x1;
	_ =	shalt  }
.Lfunc_end2:
_tile_overlayer_lowered:
.L_overlay_start_2:
0x2e4: {  	(tag) =	ssettag $0x2  }
0x2e5: {  	s0 =	rddreg [dreg:$0x0];
	s2 =	stileid.u32  }
0x2e6: {  	s1 =	rddreg [dreg:$0x1];
	p0 =	sne.s32 s2, $0x0  }
0x2e7: {  	s3 =	rddreg [dreg:$0x2];
	[bflag:$0x3] =	sbarrier.arrive $0xFFFF;
	s2 =	simm.s32 @!p0 $0x1C03  }
0x2e8: {  	[timem:s3], [sflag:s2] =	dma.local @!p0 [hbm:s0], s1  }
0x2e9: {  	s0 =	simm.s32 @!p0 $0x3  }
0x2ea: {  	_ =	swait.ge @!p0 [sflag:s0], s1  }
0x2eb: {  	s1 =	ssub.s32 @!p0 $0x0, s1;
	[sflag:s0] =	ssyncset.done @!p0 $0x0  }
0x2ec: {  	[sflag:s0] =	ssyncadd.s32 @!p0 s1  }
0x2ed: {  	[bflag:$0x3] =	sbarrier.arrive $0xFFFF  }
0x2ee: {  	_ =	shalt  }

</sc_bundles>
